<compile_context>
chip_gen: v7x
topology: tpu7x:2x2x1
jax: 0.10.2.dev20260603
libtpu: 0.0.44.dev20260713+nightly
codegen_flags: <defaults>
</compile_context>

<pallas_src>
import functools

import jax
import jax.numpy as jnp
from jax import lax
from jax.experimental import pallas as pl
from jax.experimental.pallas import tpu as pltpu
from jax.experimental.pallas import tpu_sc as plsc

N = 10000
NP = 10240
D = 128
E = 320000
NG = 16

NC = 2
NS = 16
W = 64
NW = 160
CH = 32
NCH = NW // CH
EPT = NW * W
ECAP = NC * NS * EPT
ROWS_PT = NP // NS

R = 1024
GRID = NP // R



def _make_sc_deg():
    mesh = plsc.VectorSubcoreMesh(core_axis_name="c", subcore_axis_name="s")
    ept = E // (NC * NS)

    @functools.partial(
        pl.kernel,
        out_type=jax.ShapeDtypeStruct((NC * NS, NP), jnp.float32),
        mesh=mesh,
        scratch_types=[
            pltpu.VMEM((ept,), jnp.int32),
            pltpu.VMEM((NP,), jnp.float32),
        ],
        compiler_params=pltpu.CompilerParams(needs_layout_passes=False),
    )
    def sc_deg(dst_hbm, zflat_hbm, out_hbm, dstv, deg):
        c = lax.axis_index("c")
        s = lax.axis_index("s")
        pltpu.sync_copy(dst_hbm.at[c, s], dstv)
        pltpu.sync_copy(zflat_hbm, deg)
        ones = jnp.ones((16,), jnp.float32)

        def body(i, carry):
            for u in range(5):
                idx = dstv[pl.ds(i * 80 + u * 16, 16)]
                plsc.addupdate_scatter(deg, [idx], ones)
            return carry

        lax.fori_loop(0, ept // 80, body, 0)
        pltpu.sync_copy(deg, out_hbm.at[c * NS + s])

    return sc_deg


_make_sc_deg = functools.cache(_make_sc_deg)



def _make_sc_scatter():
    mesh = plsc.VectorSubcoreMesh(core_axis_name="c", subcore_axis_name="s")

    @functools.partial(
        pl.kernel,
        out_type=jax.ShapeDtypeStruct((NC, NP, D), jnp.float32),
        mesh=mesh,
        scratch_types=[
            pltpu.VMEM((CH, W), jnp.int32),
            pltpu.VMEM((CH, W), jnp.int32),
            [pltpu.VMEM((W, D), jnp.float32)] * 4,
            [pltpu.SemaphoreType.DMA] * 4,
            [pltpu.SemaphoreType.DMA] * 4,
            pltpu.VMEM_SHARED((NP, D), jnp.float32),
        ],
    )
    def sc_scat(g_hbm, src_hbm, dst_hbm, z_hbm, out_hbm,
                src_idx, dst_idx, bufs, gsems, ssems, acc):
        c = lax.axis_index("c")
        s = lax.axis_index("s")
        pltpu.sync_copy(z_hbm.at[pl.ds(s * ROWS_PT, ROWS_PT)],
                        acc.at[pl.ds(s * ROWS_PT, ROWS_PT)])
        plsc.subcore_barrier()

        def g_start(w, b):
            pltpu.async_copy(g_hbm.at[src_idx.at[w]], bufs[b], gsems[b])

        def g_wait(w, b):
            pltpu.make_async_copy(g_hbm.at[src_idx.at[w]], bufs[b],
                                  gsems[b]).wait()

        def s_start(w, b):
            pltpu.async_copy(bufs[b], acc.at[dst_idx.at[w]], ssems[b],
                             add=True)

        def s_wait(w, b):
            pltpu.make_async_copy(bufs[b], acc.at[dst_idx.at[w]],
                                  ssems[b]).wait()

        def chunk(k, carry):
            pltpu.sync_copy(src_hbm.at[c, s, pl.ds(k * CH, CH)], src_idx)
            pltpu.sync_copy(dst_hbm.at[c, s, pl.ds(k * CH, CH)], dst_idx)
            g_start(0, 0)
            g_start(1, 1)

            def body(i4, carry2):
                for j in range(4):
                    w = i4 * 4 + j

                    @pl.when(w >= 2)
                    def _():
                        s_wait(w - 2, (j + 2) % 4)

                    @pl.when(w + 2 < CH)
                    def _():
                        g_start(w + 2, (j + 2) % 4)

                    g_wait(w, j)
                    s_start(w, j)
                return carry2

            lax.fori_loop(0, CH // 4, body, 0)
            s_wait(CH - 2, (CH - 2) % 4)
            s_wait(CH - 1, (CH - 1) % 4)
            return carry

        lax.fori_loop(0, NCH, chunk, 0)
        plsc.subcore_barrier()
        pltpu.sync_copy(acc.at[pl.ds(s * ROWS_PT, ROWS_PT)],
                        out_hbm.at[c, pl.ds(s * ROWS_PT, ROWS_PT)])

    return sc_scat


_make_sc_scatter = functools.cache(_make_sc_scatter)



def _tc_a_body(x_ref, w_ref, dp_ref, g_ref, dinv_ref):
    ones = jnp.ones((NC * NS, 1), jnp.float32)
    s_col = lax.dot_general(dp_ref[...], ones, (((0,), (0,)), ((), ())),
                            preferred_element_type=jnp.float32)
    dinv = lax.rsqrt(1.0 + s_col)
    hw = jnp.dot(x_ref[...], w_ref[...], preferred_element_type=jnp.float32)
    g_ref[...] = hw * dinv
    dinv_ref[...] = jnp.broadcast_to(dinv, (R, D))


def _tc_a(x_pad, W1, deg_parts):
    return pl.pallas_call(
        _tc_a_body,
        grid=(GRID,),
        in_specs=[
            pl.BlockSpec((R, D), lambda j: (j, 0)),
            pl.BlockSpec((D, D), lambda j: (0, 0)),
            pl.BlockSpec((NC * NS, R), lambda j: (0, j)),
        ],
        out_specs=[
            pl.BlockSpec((R, D), lambda j: (j, 0)),
            pl.BlockSpec((R, D), lambda j: (j, 0)),
        ],
        out_shape=[
            jax.ShapeDtypeStruct((NP, D), jnp.float32),
            jax.ShapeDtypeStruct((NP, D), jnp.float32),
        ],
    )(x_pad, W1, deg_parts)



def _tc_b_body(acc_ref, g_ref, dinv_ref, b_ref, w_ref, out_ref):
    j = pl.program_id(0)
    a = acc_ref[0] + acc_ref[1]
    h1 = jnp.maximum(dinv_ref[...] * (a + g_ref[...]) + b_ref[...], 0.0)
    hw2 = jnp.dot(h1, w_ref[...], preferred_element_type=jnp.float32)
    g2 = dinv_ref[...] * hw2
    rows = lax.broadcasted_iota(jnp.int32, (R, D), 0) + j * R
    out_ref[...] = jnp.where(rows < N, g2, 0.0)


def _tc_b(acc1, g1, dinv_b, b1, W2):
    return pl.pallas_call(
        _tc_b_body,
        grid=(GRID,),
        in_specs=[
            pl.BlockSpec((NC, R, D), lambda j: (0, j, 0)),
            pl.BlockSpec((R, D), lambda j: (j, 0)),
            pl.BlockSpec((R, D), lambda j: (j, 0)),
            pl.BlockSpec((1, D), lambda j: (0, 0)),
            pl.BlockSpec((D, D), lambda j: (0, 0)),
        ],
        out_specs=pl.BlockSpec((R, D), lambda j: (j, 0)),
        out_shape=jax.ShapeDtypeStruct((NP, D), jnp.float32),
    )(acc1, g1, dinv_b, b1, W2)



def _tc_c_body(acc_ref, g_ref, dinv_ref, b_ref, batch_ref, out_ref):
    j = pl.program_id(0)

    @pl.when(j == 0)
    def _():
        out_ref[...] = jnp.full((NG, D), -jnp.inf, jnp.float32)

    a = acc_ref[0] + acc_ref[1]
    h2 = dinv_ref[...] * (a + g_ref[...]) + b_ref[...]
    bc = batch_ref[...]
    CHK = 64
    for cidx in range(R // CHK):
        rows = h2[cidx * CHK:(cidx + 1) * CHK]
        bchunk = bc[cidx * CHK:(cidx + 1) * CHK]
        g0 = batch_ref[cidx * CHK, 0]
        g1 = batch_ref[cidx * CHK + CHK - 1, 0]

        @pl.when(jnp.logical_and(g0 == g1, g0 < NG))
        def _():
            cmax = jnp.max(rows, axis=0, keepdims=True)
            cur = out_ref[pl.ds(g0, 1), :]
            out_ref[pl.ds(g0, 1), :] = jnp.maximum(cur, cmax)

        @pl.when(g0 != g1)
        def _():
            parts = []
            for gidx in range(NG):
                hm = jnp.where(bchunk == gidx, rows, -jnp.inf)
                parts.append(jnp.max(hm, axis=0, keepdims=True))
            blockmax = jnp.concatenate(parts, axis=0)
            out_ref[...] = jnp.maximum(out_ref[...], blockmax)


def _tc_c(acc2, g2, dinv_b, b2, batch_col):
    return pl.pallas_call(
        _tc_c_body,
        grid=(GRID,),
        in_specs=[
            pl.BlockSpec((NC, R, D), lambda j: (0, j, 0)),
            pl.BlockSpec((R, D), lambda j: (j, 0)),
            pl.BlockSpec((R, D), lambda j: (j, 0)),
            pl.BlockSpec((1, D), lambda j: (0, 0)),
            pl.BlockSpec((R, 1), lambda j: (j, 0)),
        ],
        out_specs=pl.BlockSpec((NG, D), lambda j: (0, 0)),
        out_shape=jax.ShapeDtypeStruct((NG, D), jnp.float32),
    )(acc2, g2, dinv_b, b2, batch_col)



def kernel(x, edge_index, batch, W1, b1, W2, b2):
    src = edge_index[0]
    dst = edge_index[1]

    pad = ECAP - E
    pad_idx = (N + (jnp.arange(pad, dtype=jnp.int32) % (NP - N)))
    srcp = jnp.concatenate([src, pad_idx]).reshape(NC, NS, NW, W)
    dstp = jnp.concatenate([dst, pad_idx]).reshape(NC, NS, NW, W)
    dst_deg = dst.reshape(NC, NS, E // (NC * NS))

    x_pad = jnp.pad(x, ((0, NP - N), (0, 0)))
    batch_col = jnp.concatenate(
        [batch, jnp.full((NP - N,), NG, jnp.int32)]).reshape(NP, 1)
    zrows = jnp.zeros((NP, D), jnp.float32)
    zflat = jnp.zeros((NP,), jnp.float32)
    b1r = b1.reshape(1, D)
    b2r = b2.reshape(1, D)

    sc_deg = _make_sc_deg()
    sc_scat = _make_sc_scatter()
    deg_parts = sc_deg(dst_deg, zflat)
    g1, dinv_b = _tc_a(x_pad, W1, deg_parts)
    acc1 = sc_scat(g1, srcp, dstp, zrows)
    g2 = _tc_b(acc1, g1, dinv_b, b1r, W2)
    acc2 = sc_scat(g2, srcp, dstp, zrows)
    return _tc_c(acc2, g2, dinv_b, b2r, batch_col)

# --- scband reference (transcript-rebuilt; emitter-appended) ---
"""Pipeline reference for scband-graph-cell-13322988552780 (READ-ONLY COPY).

The authoritative reference and input builder live on the scoring server;
editing this copy changes nothing except your own understanding.
"""

import jax, jax.numpy as jnp
import numpy as np

N = 10000
E = 320000
D_IN = 128
D_OUT = 128
N_GRAPHS = 16


def setup_inputs(seed: int = 0) -> dict:
    key = jax.random.key(seed)
    k1, k2, k3, k4, k5 = jax.random.split(key, 5)
    x = jax.random.normal(k1, (N, D_IN), dtype=jnp.float32)
    edge_index = jax.random.randint(k2, (2, E), 0, N, dtype=jnp.int32)
    batch = jnp.sort(jax.random.randint(k3, (N,), 0, N_GRAPHS, dtype=jnp.int32))
    W1 = jax.random.normal(k4, (D_IN, D_IN), dtype=jnp.float32) * (1.0 / np.sqrt(D_IN))
    b1 = jnp.zeros((D_IN,), dtype=jnp.float32)
    W2 = jax.random.normal(k5, (D_IN, D_OUT), dtype=jnp.float32) * (1.0 / np.sqrt(D_IN))
    b2 = jnp.zeros((D_OUT,), dtype=jnp.float32)
    return {"x": x, "edge_index": edge_index, "batch": batch, "W1": W1, "b1": b1, "W2": W2, "b2": b2}


def _gcn_conv(h, edge_index, W, b):
    # GCNConv: out = D^{-1/2} (A + I) D^{-1/2} (h @ W) + b
    src = edge_index[0]
    dst = edge_index[1]
    loop = jnp.arange(N, dtype=src.dtype)
    s = jnp.concatenate([src, loop])
    d = jnp.concatenate([dst, loop])
    deg = jnp.zeros((N,), dtype=h.dtype).at[d].add(1.0)
    dinv_sqrt = jax.lax.rsqrt(deg)
    norm = dinv_sqrt[s] * dinv_sqrt[d]
    hw = h @ W
    msg = hw[s] * norm[:, None]
    out = jnp.zeros((N, W.shape[1]), dtype=hw.dtype).at[d].add(msg)
    return out + b


def reference(x, edge_index, batch, W1, b1, W2, b2):
    h = _gcn_conv(x, edge_index, W1, b1)
    h = jax.nn.relu(h)
    h = _gcn_conv(h, edge_index, W2, b2)
    out = jax.ops.segment_max(h, batch, num_segments=N_GRAPHS)
    return out

if __name__ == "__main__":
    import jax
    _d = setup_inputs()
    print(jax.jit(kernel)(*tuple(_d.values())))

</pallas_src>

<mosaic_0001>
#map = affine_map<(d0, d1) -> (0, 0)>
#map1 = affine_map<(d0, d1) -> (0, 0, 0, 0)>
#map2 = affine_map<(d0, d1) -> (0, 0, 0)>
module attributes {stable_mosaic.version = 14 : i64} {
  func.func @sc_scat(%arg0: i32, %arg1: i32, %arg2: memref<10240x128xf32, #tpu.memory_space<hbm>>, %arg3: memref<2x16x160x64xi32, #tpu.memory_space<hbm>>, %arg4: memref<2x16x160x64xi32, #tpu.memory_space<hbm>>, %arg5: memref<10240x128xf32, #tpu.memory_space<hbm>>, %arg6: memref<2x10240x128xf32, #tpu.memory_space<hbm>>, %arg7: memref<32x64xi32, #tpu.memory_space<vmem>>, %arg8: memref<32x64xi32, #tpu.memory_space<vmem>>, %arg9: memref<64x128xf32, #tpu.memory_space<vmem>>, %arg10: memref<64x128xf32, #tpu.memory_space<vmem>>, %arg11: memref<64x128xf32, #tpu.memory_space<vmem>>, %arg12: memref<64x128xf32, #tpu.memory_space<vmem>>, %arg13: memref<!tpu.dma_semaphore, #tpu.memory_space<semaphore_mem>>, %arg14: memref<!tpu.dma_semaphore, #tpu.memory_space<semaphore_mem>>, %arg15: memref<!tpu.dma_semaphore, #tpu.memory_space<semaphore_mem>>, %arg16: memref<!tpu.dma_semaphore, #tpu.memory_space<semaphore_mem>>, %arg17: memref<!tpu.dma_semaphore, #tpu.memory_space<semaphore_mem>>, %arg18: memref<!tpu.dma_semaphore, #tpu.memory_space<semaphore_mem>>, %arg19: memref<!tpu.dma_semaphore, #tpu.memory_space<semaphore_mem>>, %arg20: memref<!tpu.dma_semaphore, #tpu.memory_space<semaphore_mem>>, %arg21: memref<10240x128xf32, #tpu.memory_space<vmem_shared>>) attributes {dimension_semantics = [#tpu.dimension_semantics<core_parallel>, #tpu.dimension_semantics<subcore_parallel>], iteration_bounds = array<i64: 2, 16>, scalar_prefetch = 0 : i64, scratch_operands = 15 : i64, tpu.core_type = #tpu.core_type<sc_vector_subcore>, window_params = [{transform_indices = #map}, {transform_indices = #map1}, {transform_indices = #map1}, {transform_indices = #map}, {transform_indices = #map2}]} {
    %mul3A = arith.constant 640 : i32
    %mul3A_0 = arith.muli %arg1, %mul3A : i32
    %mul3A_1 = arith.constant 640 : i32
    %mul3A_2 = arith.muli %arg1, %mul3A_1 : i32
    "tpu.region"() ({
      %run_scoped3A = tpu.sem_alloc : memref<!tpu.dma_semaphore, #tpu.memory_space<semaphore_mem>>
      %dma_start3A = arith.constant 0 : i32
      %dma_start3A_13 = tpu.memref_slice %arg21[%mul3A_2, %dma_start3A] : memref<10240x128xf32, #tpu.memory_space<vmem_shared>> -> memref<640x128xf32, #tpu.memory_space<vmem_shared>>
      %dma_start3A_14 = arith.constant 0 : i32
      %dma_start3A_15 = tpu.memref_slice %arg5[%mul3A_0, %dma_start3A_14] : memref<10240x128xf32, #tpu.memory_space<hbm>> -> memref<640x128xf32, #tpu.memory_space<hbm>>
      tpu.enqueue_dma source(%dma_start3A_15 : memref<640x128xf32, #tpu.memory_space<hbm>>) target(%dma_start3A_13 : memref<640x128xf32, #tpu.memory_space<vmem_shared>>) target_semaphore(%run_scoped3A : memref<!tpu.dma_semaphore, #tpu.memory_space<semaphore_mem>>)
      %dma_wait3A = arith.constant 0 : i32
      %dma_wait3A_16 = tpu.memref_slice %arg21[%mul3A_2, %dma_wait3A] : memref<10240x128xf32, #tpu.memory_space<vmem_shared>> -> memref<640x128xf32, #tpu.memory_space<vmem_shared>>
      %dma_wait3A_17 = arith.constant 0 : i32
      %dma_wait3A_18 = tpu.memref_slice %arg5[%mul3A_0, %dma_wait3A_17] : memref<10240x128xf32, #tpu.memory_space<hbm>> -> memref<640x128xf32, #tpu.memory_space<hbm>>
      tpu.wait_dma2 semaphore(%run_scoped3A : memref<!tpu.dma_semaphore, #tpu.memory_space<semaphore_mem>>) src(%dma_wait3A_18 : memref<640x128xf32, #tpu.memory_space<hbm>>) dst(%dma_wait3A_16 : memref<640x128xf32, #tpu.memory_space<vmem_shared>>)
      tpu.yield
    }) : () -> ()
    %barrier3A = arith.constant 0 : index
    tpu.barrier barrier_id(%barrier3A)
    %scan3A = arith.constant 0 : i32
    %scan3A_3 = arith.constant 0 : i32
    %scan3A_4 = arith.constant 5 : i32
    %scan3A_5 = arith.addi %scan3A_3, %scan3A_4 : i32
    %scan3A_6 = arith.constant 1 : i32
    scf.for %scan3A_13 = %scan3A_3 to %scan3A_5 step %scan3A_6  : i32 {
      %mul3A_14 = arith.constant 32 : i32
      %mul3A_15 = arith.muli %scan3A_13, %mul3A_14 : i32
      "tpu.region"() ({
        %run_scoped3A = tpu.sem_alloc : memref<!tpu.dma_semaphore, #tpu.memory_space<semaphore_mem>>
        %dma_start3A_50 = arith.constant 0 : i32
        %dma_start3A_51 = tpu.memref_slice %arg3[%arg0, %arg1, %mul3A_15, %dma_start3A_50] : memref<2x16x160x64xi32, #tpu.memory_space<hbm>> -> memref<1x1x32x64xi32, #tpu.memory_space<hbm>>
        %dma_start3A_52 = tpu.memref_squeeze %dma_start3A_51 : memref<1x1x32x64xi32, #tpu.memory_space<hbm>> -> memref<32x64xi32, #tpu.memory_space<hbm>>
        %dma_start3A_53 = arith.constant 0 : i32
        %dma_start3A_54 = tpu.memref_slice %arg3[%arg0, %arg1, %mul3A_15, %dma_start3A_53] : memref<2x16x160x64xi32, #tpu.memory_space<hbm>> -> memref<1x1x32x64xi32, #tpu.memory_space<hbm>>
        %dma_start3A_55 = tpu.memref_squeeze %dma_start3A_54 : memref<1x1x32x64xi32, #tpu.memory_space<hbm>> -> memref<32x64xi32, #tpu.memory_space<hbm>>
        tpu.enqueue_dma source(%dma_start3A_55 : memref<32x64xi32, #tpu.memory_space<hbm>>) target(%arg7 : memref<32x64xi32, #tpu.memory_space<vmem>>) target_semaphore(%run_scoped3A : memref<!tpu.dma_semaphore, #tpu.memory_space<semaphore_mem>>)
        %dma_wait3A_56 = arith.constant 0 : i32
        %dma_wait3A_57 = tpu.memref_slice %arg3[%arg0, %arg1, %mul3A_15, %dma_wait3A_56] : memref<2x16x160x64xi32, #tpu.memory_space<hbm>> -> memref<1x1x32x64xi32, #tpu.memory_space<hbm>>
        %dma_wait3A_58 = tpu.memref_squeeze %dma_wait3A_57 : memref<1x1x32x64xi32, #tpu.memory_space<hbm>> -> memref<32x64xi32, #tpu.memory_space<hbm>>
        %dma_wait3A_59 = arith.constant 0 : i32
        %dma_wait3A_60 = tpu.memref_slice %arg3[%arg0, %arg1, %mul3A_15, %dma_wait3A_59] : memref<2x16x160x64xi32, #tpu.memory_space<hbm>> -> memref<1x1x32x64xi32, #tpu.memory_space<hbm>>
        %dma_wait3A_61 = tpu.memref_squeeze %dma_wait3A_60 : memref<1x1x32x64xi32, #tpu.memory_space<hbm>> -> memref<32x64xi32, #tpu.memory_space<hbm>>
        tpu.wait_dma2 semaphore(%run_scoped3A : memref<!tpu.dma_semaphore, #tpu.memory_space<semaphore_mem>>) src(%dma_wait3A_61 : memref<32x64xi32, #tpu.memory_space<hbm>>) dst(%arg7 : memref<32x64xi32, #tpu.memory_space<vmem>>)
        tpu.yield
      }) : () -> ()
      %mul3A_16 = arith.constant 32 : i32
      %mul3A_17 = arith.muli %scan3A_13, %mul3A_16 : i32
      "tpu.region"() ({
        %run_scoped3A = tpu.sem_alloc : memref<!tpu.dma_semaphore, #tpu.memory_space<semaphore_mem>>
        %dma_start3A_50 = arith.constant 0 : i32
        %dma_start3A_51 = tpu.memref_slice %arg4[%arg0, %arg1, %mul3A_17, %dma_start3A_50] : memref<2x16x160x64xi32, #tpu.memory_space<hbm>> -> memref<1x1x32x64xi32, #tpu.memory_space<hbm>>
        %dma_start3A_52 = tpu.memref_squeeze %dma_start3A_51 : memref<1x1x32x64xi32, #tpu.memory_space<hbm>> -> memref<32x64xi32, #tpu.memory_space<hbm>>
        %dma_start3A_53 = arith.constant 0 : i32
        %dma_start3A_54 = tpu.memref_slice %arg4[%arg0, %arg1, %mul3A_17, %dma_start3A_53] : memref<2x16x160x64xi32, #tpu.memory_space<hbm>> -> memref<1x1x32x64xi32, #tpu.memory_space<hbm>>
        %dma_start3A_55 = tpu.memref_squeeze %dma_start3A_54 : memref<1x1x32x64xi32, #tpu.memory_space<hbm>> -> memref<32x64xi32, #tpu.memory_space<hbm>>
        tpu.enqueue_dma source(%dma_start3A_55 : memref<32x64xi32, #tpu.memory_space<hbm>>) target(%arg8 : memref<32x64xi32, #tpu.memory_space<vmem>>) target_semaphore(%run_scoped3A : memref<!tpu.dma_semaphore, #tpu.memory_space<semaphore_mem>>)
        %dma_wait3A_56 = arith.constant 0 : i32
        %dma_wait3A_57 = tpu.memref_slice %arg4[%arg0, %arg1, %mul3A_17, %dma_wait3A_56] : memref<2x16x160x64xi32, #tpu.memory_space<hbm>> -> memref<1x1x32x64xi32, #tpu.memory_space<hbm>>
        %dma_wait3A_58 = tpu.memref_squeeze %dma_wait3A_57 : memref<1x1x32x64xi32, #tpu.memory_space<hbm>> -> memref<32x64xi32, #tpu.memory_space<hbm>>
        %dma_wait3A_59 = arith.constant 0 : i32
        %dma_wait3A_60 = tpu.memref_slice %arg4[%arg0, %arg1, %mul3A_17, %dma_wait3A_59] : memref<2x16x160x64xi32, #tpu.memory_space<hbm>> -> memref<1x1x32x64xi32, #tpu.memory_space<hbm>>
        %dma_wait3A_61 = tpu.memref_squeeze %dma_wait3A_60 : memref<1x1x32x64xi32, #tpu.memory_space<hbm>> -> memref<32x64xi32, #tpu.memory_space<hbm>>
        tpu.wait_dma2 semaphore(%run_scoped3A : memref<!tpu.dma_semaphore, #tpu.memory_space<semaphore_mem>>) src(%dma_wait3A_61 : memref<32x64xi32, #tpu.memory_space<hbm>>) dst(%arg8 : memref<32x64xi32, #tpu.memory_space<vmem>>)
        tpu.yield
      }) : () -> ()
      %dma_start3A = arith.constant 0 : i32
      %dma_start3A_18 = arith.constant 0 : i32
      %dma_start3A_19 = tpu.memref_slice %arg7[%dma_start3A, %dma_start3A_18] : memref<32x64xi32, #tpu.memory_space<vmem>> -> memref<1x64xi32, #tpu.memory_space<vmem>>
      %dma_start3A_20 = tpu.memref_squeeze %dma_start3A_19 : memref<1x64xi32, #tpu.memory_space<vmem>> -> memref<64xi32, #tpu.memory_space<vmem>>
      %dma_start3A_21 = arith.constant 0 : i32
      %dma_start3A_22 = arith.constant 0 : i32
      %dma_start3A_23 = tpu.memref_slice %arg2[%dma_start3A_21, %dma_start3A_22] : memref<10240x128xf32, #tpu.memory_space<hbm>> -> memref<10240x128xf32, #tpu.memory_space<hbm>>
      tpu.enqueue_indirect_dma source(%dma_start3A_23 : memref<10240x128xf32, #tpu.memory_space<hbm>>) target(%arg9 : memref<64x128xf32, #tpu.memory_space<vmem>>) offsets(%dma_start3A_20 : memref<64xi32, #tpu.memory_space<vmem>>) semaphore(%arg13 : memref<!tpu.dma_semaphore, #tpu.memory_space<semaphore_mem>>)
      %dma_start3A_24 = arith.constant 1 : i32
      %dma_start3A_25 = arith.constant 0 : i32
      %dma_start3A_26 = tpu.memref_slice %arg7[%dma_start3A_24, %dma_start3A_25] : memref<32x64xi32, #tpu.memory_space<vmem>> -> memref<1x64xi32, #tpu.memory_space<vmem>>
      %dma_start3A_27 = tpu.memref_squeeze %dma_start3A_26 : memref<1x64xi32, #tpu.memory_space<vmem>> -> memref<64xi32, #tpu.memory_space<vmem>>
      %dma_start3A_28 = arith.constant 0 : i32
      %dma_start3A_29 = arith.constant 0 : i32
      %dma_start3A_30 = tpu.memref_slice %arg2[%dma_start3A_28, %dma_start3A_29] : memref<10240x128xf32, #tpu.memory_space<hbm>> -> memref<10240x128xf32, #tpu.memory_space<hbm>>
      tpu.enqueue_indirect_dma source(%dma_start3A_30 : memref<10240x128xf32, #tpu.memory_space<hbm>>) target(%arg10 : memref<64x128xf32, #tpu.memory_space<vmem>>) offsets(%dma_start3A_27 : memref<64xi32, #tpu.memory_space<vmem>>) semaphore(%arg14 : memref<!tpu.dma_semaphore, #tpu.memory_space<semaphore_mem>>)
      %scan3A_31 = arith.constant 0 : i32
      %scan3A_32 = arith.constant 0 : i32
      %scan3A_33 = arith.constant 8 : i32
      %scan3A_34 = arith.addi %scan3A_32, %scan3A_33 : i32
      %scan3A_35 = arith.constant 1 : i32
      scf.for %scan3A_50 = %scan3A_32 to %scan3A_34 step %scan3A_35  : i32 {
        %mul3A_51 = arith.constant 4 : i32
        %mul3A_52 = arith.muli %scan3A_50, %mul3A_51 : i32
        %add3A = arith.constant 0 : i32
        %add3A_53 = arith.addi %mul3A_52, %add3A : i32
        %ge3A = arith.constant 2 : i32
        %ge3A_54 = arith.cmpi sge, %add3A_53, %ge3A : i32
        %convert_element_type3A = arith.extui %ge3A_54 : i1 to i32
        %cond3A = arith.constant 0 : i32
        %cond3A_55 = arith.cmpi ne, %convert_element_type3A, %cond3A : i32
        scf.if %cond3A_55 {
          %sub3A = arith.constant 2 : i32
          %sub3A_158 = arith.subi %add3A_53, %sub3A : i32
          %dma_wait3A_159 = arith.constant 0 : i32
          %dma_wait3A_160 = tpu.memref_slice %arg8[%sub3A_158, %dma_wait3A_159] : memref<32x64xi32, #tpu.memory_space<vmem>> -> memref<1x64xi32, #tpu.memory_space<vmem>>
          %dma_wait3A_161 = tpu.memref_squeeze %dma_wait3A_160 : memref<1x64xi32, #tpu.memory_space<vmem>> -> memref<64xi32, #tpu.memory_space<vmem>>
          %dma_wait3A_162 = arith.constant 0 : i32
          %dma_wait3A_163 = arith.constant 0 : i32
          %dma_wait3A_164 = tpu.memref_slice %arg21[%dma_wait3A_162, %dma_wait3A_163] : memref<10240x128xf32, #tpu.memory_space<vmem_shared>> -> memref<10240x128xf32, #tpu.memory_space<vmem_shared>>
          tpu.wait_indirect_dma semaphore(%arg19 : memref<!tpu.dma_semaphore, #tpu.memory_space<semaphore_mem>>) src(%arg11 : memref<64x128xf32, #tpu.memory_space<vmem>>) dst(%dma_wait3A_164 : memref<10240x128xf32, #tpu.memory_space<vmem_shared>>)
        } else {
        }
        %add3A_56 = arith.constant 2 : i32
        %add3A_57 = arith.addi %add3A_53, %add3A_56 : i32
        %lt3A = arith.constant 32 : i32
        %lt3A_58 = arith.cmpi slt, %add3A_57, %lt3A : i32
        %convert_element_type3A_59 = arith.extui %lt3A_58 : i1 to i32
        %cond3A_60 = arith.constant 0 : i32
        %cond3A_61 = arith.cmpi ne, %convert_element_type3A_59, %cond3A_60 : i32
        scf.if %cond3A_61 {
          %add3A_158 = arith.constant 2 : i32
          %add3A_159 = arith.addi %add3A_53, %add3A_158 : i32
          %dma_start3A_160 = arith.constant 0 : i32
          %dma_start3A_161 = tpu.memref_slice %arg7[%add3A_159, %dma_start3A_160] : memref<32x64xi32, #tpu.memory_space<vmem>> -> memref<1x64xi32, #tpu.memory_space<vmem>>
          %dma_start3A_162 = tpu.memref_squeeze %dma_start3A_161 : memref<1x64xi32, #tpu.memory_space<vmem>> -> memref<64xi32, #tpu.memory_space<vmem>>
          %dma_start3A_163 = arith.constant 0 : i32
          %dma_start3A_164 = arith.constant 0 : i32
          %dma_start3A_165 = tpu.memref_slice %arg2[%dma_start3A_163, %dma_start3A_164] : memref<10240x128xf32, #tpu.memory_space<hbm>> -> memref<10240x128xf32, #tpu.memory_space<hbm>>
          tpu.enqueue_indirect_dma source(%dma_start3A_165 : memref<10240x128xf32, #tpu.memory_space<hbm>>) target(%arg11 : memref<64x128xf32, #tpu.memory_space<vmem>>) offsets(%dma_start3A_162 : memref<64xi32, #tpu.memory_space<vmem>>) semaphore(%arg15 : memref<!tpu.dma_semaphore, #tpu.memory_space<semaphore_mem>>)
        } else {
        }
        %dma_wait3A_62 = arith.constant 0 : i32
        %dma_wait3A_63 = tpu.memref_slice %arg7[%add3A_53, %dma_wait3A_62] : memref<32x64xi32, #tpu.memory_space<vmem>> -> memref<1x64xi32, #tpu.memory_space<vmem>>
        %dma_wait3A_64 = tpu.memref_squeeze %dma_wait3A_63 : memref<1x64xi32, #tpu.memory_space<vmem>> -> memref<64xi32, #tpu.memory_space<vmem>>
        %dma_wait3A_65 = arith.constant 0 : i32
        %dma_wait3A_66 = arith.constant 0 : i32
        %dma_wait3A_67 = tpu.memref_slice %arg2[%dma_wait3A_65, %dma_wait3A_66] : memref<10240x128xf32, #tpu.memory_space<hbm>> -> memref<10240x128xf32, #tpu.memory_space<hbm>>
        tpu.wait_indirect_dma semaphore(%arg13 : memref<!tpu.dma_semaphore, #tpu.memory_space<semaphore_mem>>) src(%dma_wait3A_67 : memref<10240x128xf32, #tpu.memory_space<hbm>>) dst(%arg9 : memref<64x128xf32, #tpu.memory_space<vmem>>)
        %dma_start3A_68 = arith.constant 0 : i32
        %dma_start3A_69 = tpu.memref_slice %arg8[%add3A_53, %dma_start3A_68] : memref<32x64xi32, #tpu.memory_space<vmem>> -> memref<1x64xi32, #tpu.memory_space<vmem>>
        %dma_start3A_70 = tpu.memref_squeeze %dma_start3A_69 : memref<1x64xi32, #tpu.memory_space<vmem>> -> memref<64xi32, #tpu.memory_space<vmem>>
        %dma_start3A_71 = arith.constant 0 : i32
        %dma_start3A_72 = arith.constant 0 : i32
        %dma_start3A_73 = tpu.memref_slice %arg21[%dma_start3A_71, %dma_start3A_72] : memref<10240x128xf32, #tpu.memory_space<vmem_shared>> -> memref<10240x128xf32, #tpu.memory_space<vmem_shared>>
        tpu.enqueue_indirect_dma source(%arg9 : memref<64x128xf32, #tpu.memory_space<vmem>>) target(%dma_start3A_73 : memref<10240x128xf32, #tpu.memory_space<vmem_shared>>) offsets(%dma_start3A_70 : memref<64xi32, #tpu.memory_space<vmem>>) semaphore(%arg17 : memref<!tpu.dma_semaphore, #tpu.memory_space<semaphore_mem>>) {add = true}
        %mul3A_74 = arith.constant 4 : i32
        %mul3A_75 = arith.muli %scan3A_50, %mul3A_74 : i32
        %add3A_76 = arith.constant 1 : i32
        %add3A_77 = arith.addi %mul3A_75, %add3A_76 : i32
        %ge3A_78 = arith.constant 2 : i32
        %ge3A_79 = arith.cmpi sge, %add3A_77, %ge3A_78 : i32
        %convert_element_type3A_80 = arith.extui %ge3A_79 : i1 to i32
        %cond3A_81 = arith.constant 0 : i32
        %cond3A_82 = arith.cmpi ne, %convert_element_type3A_80, %cond3A_81 : i32
        scf.if %cond3A_82 {
          %sub3A = arith.constant 2 : i32
          %sub3A_158 = arith.subi %add3A_77, %sub3A : i32
          %dma_wait3A_159 = arith.constant 0 : i32
          %dma_wait3A_160 = tpu.memref_slice %arg8[%sub3A_158, %dma_wait3A_159] : memref<32x64xi32, #tpu.memory_space<vmem>> -> memref<1x64xi32, #tpu.memory_space<vmem>>
          %dma_wait3A_161 = tpu.memref_squeeze %dma_wait3A_160 : memref<1x64xi32, #tpu.memory_space<vmem>> -> memref<64xi32, #tpu.memory_space<vmem>>
          %dma_wait3A_162 = arith.constant 0 : i32
          %dma_wait3A_163 = arith.constant 0 : i32
          %dma_wait3A_164 = tpu.memref_slice %arg21[%dma_wait3A_162, %dma_wait3A_163] : memref<10240x128xf32, #tpu.memory_space<vmem_shared>> -> memref<10240x128xf32, #tpu.memory_space<vmem_shared>>
          tpu.wait_indirect_dma semaphore(%arg20 : memref<!tpu.dma_semaphore, #tpu.memory_space<semaphore_mem>>) src(%arg12 : memref<64x128xf32, #tpu.memory_space<vmem>>) dst(%dma_wait3A_164 : memref<10240x128xf32, #tpu.memory_space<vmem_shared>>)
        } else {
        }
        %add3A_83 = arith.constant 2 : i32
        %add3A_84 = arith.addi %add3A_77, %add3A_83 : i32
        %lt3A_85 = arith.constant 32 : i32
        %lt3A_86 = arith.cmpi slt, %add3A_84, %lt3A_85 : i32
        %convert_element_type3A_87 = arith.extui %lt3A_86 : i1 to i32
        %cond3A_88 = arith.constant 0 : i32
        %cond3A_89 = arith.cmpi ne, %convert_element_type3A_87, %cond3A_88 : i32
        scf.if %cond3A_89 {
          %add3A_158 = arith.constant 2 : i32
          %add3A_159 = arith.addi %add3A_77, %add3A_158 : i32
          %dma_start3A_160 = arith.constant 0 : i32
          %dma_start3A_161 = tpu.memref_slice %arg7[%add3A_159, %dma_start3A_160] : memref<32x64xi32, #tpu.memory_space<vmem>> -> memref<1x64xi32, #tpu.memory_space<vmem>>
          %dma_start3A_162 = tpu.memref_squeeze %dma_start3A_161 : memref<1x64xi32, #tpu.memory_space<vmem>> -> memref<64xi32, #tpu.memory_space<vmem>>
          %dma_start3A_163 = arith.constant 0 : i32
          %dma_start3A_164 = arith.constant 0 : i32
          %dma_start3A_165 = tpu.memref_slice %arg2[%dma_start3A_163, %dma_start3A_164] : memref<10240x128xf32, #tpu.memory_space<hbm>> -> memref<10240x128xf32, #tpu.memory_space<hbm>>
          tpu.enqueue_indirect_dma source(%dma_start3A_165 : memref<10240x128xf32, #tpu.memory_space<hbm>>) target(%arg12 : memref<64x128xf32, #tpu.memory_space<vmem>>) offsets(%dma_start3A_162 : memref<64xi32, #tpu.memory_space<vmem>>) semaphore(%arg16 : memref<!tpu.dma_semaphore, #tpu.memory_space<semaphore_mem>>)
        } else {
        }
        %dma_wait3A_90 = arith.constant 0 : i32
        %dma_wait3A_91 = tpu.memref_slice %arg7[%add3A_77, %dma_wait3A_90] : memref<32x64xi32, #tpu.memory_space<vmem>> -> memref<1x64xi32, #tpu.memory_space<vmem>>
        %dma_wait3A_92 = tpu.memref_squeeze %dma_wait3A_91 : memref<1x64xi32, #tpu.memory_space<vmem>> -> memref<64xi32, #tpu.memory_space<vmem>>
        %dma_wait3A_93 = arith.constant 0 : i32
        %dma_wait3A_94 = arith.constant 0 : i32
        %dma_wait3A_95 = tpu.memref_slice %arg2[%dma_wait3A_93, %dma_wait3A_94] : memref<10240x128xf32, #tpu.memory_space<hbm>> -> memref<10240x128xf32, #tpu.memory_space<hbm>>
        tpu.wait_indirect_dma semaphore(%arg14 : memref<!tpu.dma_semaphore, #tpu.memory_space<semaphore_mem>>) src(%dma_wait3A_95 : memref<10240x128xf32, #tpu.memory_space<hbm>>) dst(%arg10 : memref<64x128xf32, #tpu.memory_space<vmem>>)
        %dma_start3A_96 = arith.constant 0 : i32
        %dma_start3A_97 = tpu.memref_slice %arg8[%add3A_77, %dma_start3A_96] : memref<32x64xi32, #tpu.memory_space<vmem>> -> memref<1x64xi32, #tpu.memory_space<vmem>>
        %dma_start3A_98 = tpu.memref_squeeze %dma_start3A_97 : memref<1x64xi32, #tpu.memory_space<vmem>> -> memref<64xi32, #tpu.memory_space<vmem>>
        %dma_start3A_99 = arith.constant 0 : i32
        %dma_start3A_100 = arith.constant 0 : i32
        %dma_start3A_101 = tpu.memref_slice %arg21[%dma_start3A_99, %dma_start3A_100] : memref<10240x128xf32, #tpu.memory_space<vmem_shared>> -> memref<10240x128xf32, #tpu.memory_space<vmem_shared>>
        tpu.enqueue_indirect_dma source(%arg10 : memref<64x128xf32, #tpu.memory_space<vmem>>) target(%dma_start3A_101 : memref<10240x128xf32, #tpu.memory_space<vmem_shared>>) offsets(%dma_start3A_98 : memref<64xi32, #tpu.memory_space<vmem>>) semaphore(%arg18 : memref<!tpu.dma_semaphore, #tpu.memory_space<semaphore_mem>>) {add = true}
        %mul3A_102 = arith.constant 4 : i32
        %mul3A_103 = arith.muli %scan3A_50, %mul3A_102 : i32
        %add3A_104 = arith.constant 2 : i32
        %add3A_105 = arith.addi %mul3A_103, %add3A_104 : i32
        %ge3A_106 = arith.constant 2 : i32
        %ge3A_107 = arith.cmpi sge, %add3A_105, %ge3A_106 : i32
        %convert_element_type3A_108 = arith.extui %ge3A_107 : i1 to i32
        %cond3A_109 = arith.constant 0 : i32
        %cond3A_110 = arith.cmpi ne, %convert_element_type3A_108, %cond3A_109 : i32
        scf.if %cond3A_110 {
          %sub3A = arith.constant 2 : i32
          %sub3A_158 = arith.subi %add3A_105, %sub3A : i32
          %dma_wait3A_159 = arith.constant 0 : i32
          %dma_wait3A_160 = tpu.memref_slice %arg8[%sub3A_158, %dma_wait3A_159] : memref<32x64xi32, #tpu.memory_space<vmem>> -> memref<1x64xi32, #tpu.memory_space<vmem>>
          %dma_wait3A_161 = tpu.memref_squeeze %dma_wait3A_160 : memref<1x64xi32, #tpu.memory_space<vmem>> -> memref<64xi32, #tpu.memory_space<vmem>>
          %dma_wait3A_162 = arith.constant 0 : i32
          %dma_wait3A_163 = arith.constant 0 : i32
          %dma_wait3A_164 = tpu.memref_slice %arg21[%dma_wait3A_162, %dma_wait3A_163] : memref<10240x128xf32, #tpu.memory_space<vmem_shared>> -> memref<10240x128xf32, #tpu.memory_space<vmem_shared>>
          tpu.wait_indirect_dma semaphore(%arg17 : memref<!tpu.dma_semaphore, #tpu.memory_space<semaphore_mem>>) src(%arg9 : memref<64x128xf32, #tpu.memory_space<vmem>>) dst(%dma_wait3A_164 : memref<10240x128xf32, #tpu.memory_space<vmem_shared>>)
        } else {
        }
        %add3A_111 = arith.constant 2 : i32
        %add3A_112 = arith.addi %add3A_105, %add3A_111 : i32
        %lt3A_113 = arith.constant 32 : i32
        %lt3A_114 = arith.cmpi slt, %add3A_112, %lt3A_113 : i32
        %convert_element_type3A_115 = arith.extui %lt3A_114 : i1 to i32
        %cond3A_116 = arith.constant 0 : i32
        %cond3A_117 = arith.cmpi ne, %convert_element_type3A_115, %cond3A_116 : i32
        scf.if %cond3A_117 {
          %add3A_158 = arith.constant 2 : i32
          %add3A_159 = arith.addi %add3A_105, %add3A_158 : i32
          %dma_start3A_160 = arith.constant 0 : i32
          %dma_start3A_161 = tpu.memref_slice %arg7[%add3A_159, %dma_start3A_160] : memref<32x64xi32, #tpu.memory_space<vmem>> -> memref<1x64xi32, #tpu.memory_space<vmem>>
          %dma_start3A_162 = tpu.memref_squeeze %dma_start3A_161 : memref<1x64xi32, #tpu.memory_space<vmem>> -> memref<64xi32, #tpu.memory_space<vmem>>
          %dma_start3A_163 = arith.constant 0 : i32
          %dma_start3A_164 = arith.constant 0 : i32
          %dma_start3A_165 = tpu.memref_slice %arg2[%dma_start3A_163, %dma_start3A_164] : memref<10240x128xf32, #tpu.memory_space<hbm>> -> memref<10240x128xf32, #tpu.memory_space<hbm>>
          tpu.enqueue_indirect_dma source(%dma_start3A_165 : memref<10240x128xf32, #tpu.memory_space<hbm>>) target(%arg9 : memref<64x128xf32, #tpu.memory_space<vmem>>) offsets(%dma_start3A_162 : memref<64xi32, #tpu.memory_space<vmem>>) semaphore(%arg13 : memref<!tpu.dma_semaphore, #tpu.memory_space<semaphore_mem>>)
        } else {
        }
        %dma_wait3A_118 = arith.constant 0 : i32
        %dma_wait3A_119 = tpu.memref_slice %arg7[%add3A_105, %dma_wait3A_118] : memref<32x64xi32, #tpu.memory_space<vmem>> -> memref<1x64xi32, #tpu.memory_space<vmem>>
        %dma_wait3A_120 = tpu.memref_squeeze %dma_wait3A_119 : memref<1x64xi32, #tpu.memory_space<vmem>> -> memref<64xi32, #tpu.memory_space<vmem>>
        %dma_wait3A_121 = arith.constant 0 : i32
        %dma_wait3A_122 = arith.constant 0 : i32
        %dma_wait3A_123 = tpu.memref_slice %arg2[%dma_wait3A_121, %dma_wait3A_122] : memref<10240x128xf32, #tpu.memory_space<hbm>> -> memref<10240x128xf32, #tpu.memory_space<hbm>>
        tpu.wait_indirect_dma semaphore(%arg15 : memref<!tpu.dma_semaphore, #tpu.memory_space<semaphore_mem>>) src(%dma_wait3A_123 : memref<10240x128xf32, #tpu.memory_space<hbm>>) dst(%arg11 : memref<64x128xf32, #tpu.memory_space<vmem>>)
        %dma_start3A_124 = arith.constant 0 : i32
        %dma_start3A_125 = tpu.memref_slice %arg8[%add3A_105, %dma_start3A_124] : memref<32x64xi32, #tpu.memory_space<vmem>> -> memref<1x64xi32, #tpu.memory_space<vmem>>
        %dma_start3A_126 = tpu.memref_squeeze %dma_start3A_125 : memref<1x64xi32, #tpu.memory_space<vmem>> -> memref<64xi32, #tpu.memory_space<vmem>>
        %dma_start3A_127 = arith.constant 0 : i32
        %dma_start3A_128 = arith.constant 0 : i32
        %dma_start3A_129 = tpu.memref_slice %arg21[%dma_start3A_127, %dma_start3A_128] : memref<10240x128xf32, #tpu.memory_space<vmem_shared>> -> memref<10240x128xf32, #tpu.memory_space<vmem_shared>>
        tpu.enqueue_indirect_dma source(%arg11 : memref<64x128xf32, #tpu.memory_space<vmem>>) target(%dma_start3A_129 : memref<10240x128xf32, #tpu.memory_space<vmem_shared>>) offsets(%dma_start3A_126 : memref<64xi32, #tpu.memory_space<vmem>>) semaphore(%arg19 : memref<!tpu.dma_semaphore, #tpu.memory_space<semaphore_mem>>) {add = true}
        %mul3A_130 = arith.constant 4 : i32
        %mul3A_131 = arith.muli %scan3A_50, %mul3A_130 : i32
        %add3A_132 = arith.constant 3 : i32
        %add3A_133 = arith.addi %mul3A_131, %add3A_132 : i32
        %ge3A_134 = arith.constant 2 : i32
        %ge3A_135 = arith.cmpi sge, %add3A_133, %ge3A_134 : i32
        %convert_element_type3A_136 = arith.extui %ge3A_135 : i1 to i32
        %cond3A_137 = arith.constant 0 : i32
        %cond3A_138 = arith.cmpi ne, %convert_element_type3A_136, %cond3A_137 : i32
        scf.if %cond3A_138 {
          %sub3A = arith.constant 2 : i32
          %sub3A_158 = arith.subi %add3A_133, %sub3A : i32
          %dma_wait3A_159 = arith.constant 0 : i32
          %dma_wait3A_160 = tpu.memref_slice %arg8[%sub3A_158, %dma_wait3A_159] : memref<32x64xi32, #tpu.memory_space<vmem>> -> memref<1x64xi32, #tpu.memory_space<vmem>>
          %dma_wait3A_161 = tpu.memref_squeeze %dma_wait3A_160 : memref<1x64xi32, #tpu.memory_space<vmem>> -> memref<64xi32, #tpu.memory_space<vmem>>
          %dma_wait3A_162 = arith.constant 0 : i32
          %dma_wait3A_163 = arith.constant 0 : i32
          %dma_wait3A_164 = tpu.memref_slice %arg21[%dma_wait3A_162, %dma_wait3A_163] : memref<10240x128xf32, #tpu.memory_space<vmem_shared>> -> memref<10240x128xf32, #tpu.memory_space<vmem_shared>>
          tpu.wait_indirect_dma semaphore(%arg18 : memref<!tpu.dma_semaphore, #tpu.memory_space<semaphore_mem>>) src(%arg10 : memref<64x128xf32, #tpu.memory_space<vmem>>) dst(%dma_wait3A_164 : memref<10240x128xf32, #tpu.memory_space<vmem_shared>>)
        } else {
        }
        %add3A_139 = arith.constant 2 : i32
        %add3A_140 = arith.addi %add3A_133, %add3A_139 : i32
        %lt3A_141 = arith.constant 32 : i32
        %lt3A_142 = arith.cmpi slt, %add3A_140, %lt3A_141 : i32
        %convert_element_type3A_143 = arith.extui %lt3A_142 : i1 to i32
        %cond3A_144 = arith.constant 0 : i32
        %cond3A_145 = arith.cmpi ne, %convert_element_type3A_143, %cond3A_144 : i32
        scf.if %cond3A_145 {
          %add3A_158 = arith.constant 2 : i32
          %add3A_159 = arith.addi %add3A_133, %add3A_158 : i32
          %dma_start3A_160 = arith.constant 0 : i32
          %dma_start3A_161 = tpu.memref_slice %arg7[%add3A_159, %dma_start3A_160] : memref<32x64xi32, #tpu.memory_space<vmem>> -> memref<1x64xi32, #tpu.memory_space<vmem>>
          %dma_start3A_162 = tpu.memref_squeeze %dma_start3A_161 : memref<1x64xi32, #tpu.memory_space<vmem>> -> memref<64xi32, #tpu.memory_space<vmem>>
          %dma_start3A_163 = arith.constant 0 : i32
          %dma_start3A_164 = arith.constant 0 : i32
          %dma_start3A_165 = tpu.memref_slice %arg2[%dma_start3A_163, %dma_start3A_164] : memref<10240x128xf32, #tpu.memory_space<hbm>> -> memref<10240x128xf32, #tpu.memory_space<hbm>>
          tpu.enqueue_indirect_dma source(%dma_start3A_165 : memref<10240x128xf32, #tpu.memory_space<hbm>>) target(%arg10 : memref<64x128xf32, #tpu.memory_space<vmem>>) offsets(%dma_start3A_162 : memref<64xi32, #tpu.memory_space<vmem>>) semaphore(%arg14 : memref<!tpu.dma_semaphore, #tpu.memory_space<semaphore_mem>>)
        } else {
        }
        %dma_wait3A_146 = arith.constant 0 : i32
        %dma_wait3A_147 = tpu.memref_slice %arg7[%add3A_133, %dma_wait3A_146] : memref<32x64xi32, #tpu.memory_space<vmem>> -> memref<1x64xi32, #tpu.memory_space<vmem>>
        %dma_wait3A_148 = tpu.memref_squeeze %dma_wait3A_147 : memref<1x64xi32, #tpu.memory_space<vmem>> -> memref<64xi32, #tpu.memory_space<vmem>>
        %dma_wait3A_149 = arith.constant 0 : i32
        %dma_wait3A_150 = arith.constant 0 : i32
        %dma_wait3A_151 = tpu.memref_slice %arg2[%dma_wait3A_149, %dma_wait3A_150] : memref<10240x128xf32, #tpu.memory_space<hbm>> -> memref<10240x128xf32, #tpu.memory_space<hbm>>
        tpu.wait_indirect_dma semaphore(%arg16 : memref<!tpu.dma_semaphore, #tpu.memory_space<semaphore_mem>>) src(%dma_wait3A_151 : memref<10240x128xf32, #tpu.memory_space<hbm>>) dst(%arg12 : memref<64x128xf32, #tpu.memory_space<vmem>>)
        %dma_start3A_152 = arith.constant 0 : i32
        %dma_start3A_153 = tpu.memref_slice %arg8[%add3A_133, %dma_start3A_152] : memref<32x64xi32, #tpu.memory_space<vmem>> -> memref<1x64xi32, #tpu.memory_space<vmem>>
        %dma_start3A_154 = tpu.memref_squeeze %dma_start3A_153 : memref<1x64xi32, #tpu.memory_space<vmem>> -> memref<64xi32, #tpu.memory_space<vmem>>
        %dma_start3A_155 = arith.constant 0 : i32
        %dma_start3A_156 = arith.constant 0 : i32
        %dma_start3A_157 = tpu.memref_slice %arg21[%dma_start3A_155, %dma_start3A_156] : memref<10240x128xf32, #tpu.memory_space<vmem_shared>> -> memref<10240x128xf32, #tpu.memory_space<vmem_shared>>
        tpu.enqueue_indirect_dma source(%arg12 : memref<64x128xf32, #tpu.memory_space<vmem>>) target(%dma_start3A_157 : memref<10240x128xf32, #tpu.memory_space<vmem_shared>>) offsets(%dma_start3A_154 : memref<64xi32, #tpu.memory_space<vmem>>) semaphore(%arg20 : memref<!tpu.dma_semaphore, #tpu.memory_space<semaphore_mem>>) {add = true}
      }
      %scan3A_36 = arith.constant 8 : i32
      %dma_wait3A = arith.constant 30 : i32
      %dma_wait3A_37 = arith.constant 0 : i32
      %dma_wait3A_38 = tpu.memref_slice %arg8[%dma_wait3A, %dma_wait3A_37] : memref<32x64xi32, #tpu.memory_space<vmem>> -> memref<1x64xi32, #tpu.memory_space<vmem>>
      %dma_wait3A_39 = tpu.memref_squeeze %dma_wait3A_38 : memref<1x64xi32, #tpu.memory_space<vmem>> -> memref<64xi32, #tpu.memory_space<vmem>>
      %dma_wait3A_40 = arith.constant 0 : i32
      %dma_wait3A_41 = arith.constant 0 : i32
      %dma_wait3A_42 = tpu.memref_slice %arg21[%dma_wait3A_40, %dma_wait3A_41] : memref<10240x128xf32, #tpu.memory_space<vmem_shared>> -> memref<10240x128xf32, #tpu.memory_space<vmem_shared>>
      tpu.wait_indirect_dma semaphore(%arg19 : memref<!tpu.dma_semaphore, #tpu.memory_space<semaphore_mem>>) src(%arg11 : memref<64x128xf32, #tpu.memory_space<vmem>>) dst(%dma_wait3A_42 : memref<10240x128xf32, #tpu.memory_space<vmem_shared>>)
      %dma_wait3A_43 = arith.constant 31 : i32
      %dma_wait3A_44 = arith.constant 0 : i32
      %dma_wait3A_45 = tpu.memref_slice %arg8[%dma_wait3A_43, %dma_wait3A_44] : memref<32x64xi32, #tpu.memory_space<vmem>> -> memref<1x64xi32, #tpu.memory_space<vmem>>
      %dma_wait3A_46 = tpu.memref_squeeze %dma_wait3A_45 : memref<1x64xi32, #tpu.memory_space<vmem>> -> memref<64xi32, #tpu.memory_space<vmem>>
      %dma_wait3A_47 = arith.constant 0 : i32
      %dma_wait3A_48 = arith.constant 0 : i32
      %dma_wait3A_49 = tpu.memref_slice %arg21[%dma_wait3A_47, %dma_wait3A_48] : memref<10240x128xf32, #tpu.memory_space<vmem_shared>> -> memref<10240x128xf32, #tpu.memory_space<vmem_shared>>
      tpu.wait_indirect_dma semaphore(%arg20 : memref<!tpu.dma_semaphore, #tpu.memory_space<semaphore_mem>>) src(%arg12 : memref<64x128xf32, #tpu.memory_space<vmem>>) dst(%dma_wait3A_49 : memref<10240x128xf32, #tpu.memory_space<vmem_shared>>)
    }
    %scan3A_7 = arith.constant 5 : i32
    %barrier3A_8 = arith.constant 0 : index
    tpu.barrier barrier_id(%barrier3A_8)
    %mul3A_9 = arith.constant 640 : i32
    %mul3A_10 = arith.muli %arg1, %mul3A_9 : i32
    %mul3A_11 = arith.constant 640 : i32
    %mul3A_12 = arith.muli %arg1, %mul3A_11 : i32
    "tpu.region"() ({
      %run_scoped3A = tpu.sem_alloc : memref<!tpu.dma_semaphore, #tpu.memory_space<semaphore_mem>>
      %dma_start3A = arith.constant 0 : i32
      %dma_start3A_13 = tpu.memref_slice %arg6[%arg0, %mul3A_12, %dma_start3A] : memref<2x10240x128xf32, #tpu.memory_space<hbm>> -> memref<1x640x128xf32, #tpu.memory_space<hbm>>
      %dma_start3A_14 = tpu.memref_squeeze %dma_start3A_13 : memref<1x640x128xf32, #tpu.memory_space<hbm>> -> memref<640x128xf32, #tpu.memory_space<hbm>>
      %dma_start3A_15 = arith.constant 0 : i32
      %dma_start3A_16 = tpu.memref_slice %arg21[%mul3A_10, %dma_start3A_15] : memref<10240x128xf32, #tpu.memory_space<vmem_shared>> -> memref<640x128xf32, #tpu.memory_space<vmem_shared>>
      tpu.enqueue_dma source(%dma_start3A_16 : memref<640x128xf32, #tpu.memory_space<vmem_shared>>) target(%dma_start3A_14 : memref<640x128xf32, #tpu.memory_space<hbm>>) target_semaphore(%run_scoped3A : memref<!tpu.dma_semaphore, #tpu.memory_space<semaphore_mem>>)
      %dma_wait3A = arith.constant 0 : i32
      %dma_wait3A_17 = tpu.memref_slice %arg6[%arg0, %mul3A_12, %dma_wait3A] : memref<2x10240x128xf32, #tpu.memory_space<hbm>> -> memref<1x640x128xf32, #tpu.memory_space<hbm>>
      %dma_wait3A_18 = tpu.memref_squeeze %dma_wait3A_17 : memref<1x640x128xf32, #tpu.memory_space<hbm>> -> memref<640x128xf32, #tpu.memory_space<hbm>>
      %dma_wait3A_19 = arith.constant 0 : i32
      %dma_wait3A_20 = tpu.memref_slice %arg21[%mul3A_10, %dma_wait3A_19] : memref<10240x128xf32, #tpu.memory_space<vmem_shared>> -> memref<640x128xf32, #tpu.memory_space<vmem_shared>>
      tpu.wait_dma2 semaphore(%run_scoped3A : memref<!tpu.dma_semaphore, #tpu.memory_space<semaphore_mem>>) src(%dma_wait3A_20 : memref<640x128xf32, #tpu.memory_space<vmem_shared>>) dst(%dma_wait3A_18 : memref<640x128xf32, #tpu.memory_space<hbm>>)
      tpu.yield
    }) : () -> ()
    return
  }
}

#map = affine_map<(d0, d1) -> (0, 0, 0)>
#map1 = affine_map<(d0, d1) -> (0)>
#map2 = affine_map<(d0, d1) -> (0, 0)>
module attributes {stable_mosaic.version = 14 : i64} {
  func.func @sc_deg(%arg0: i32, %arg1: i32, %arg2: memref<2x16x10000xi32, #tpu.memory_space<hbm>>, %arg3: memref<10240xf32, #tpu.memory_space<hbm>>, %arg4: memref<32x10240xf32, #tpu.memory_space<hbm>>, %arg5: memref<10000xi32, #tpu.memory_space<vmem>>, %arg6: memref<10240xf32, #tpu.memory_space<vmem>>) attributes {dimension_semantics = [#tpu.dimension_semantics<core_parallel>, #tpu.dimension_semantics<subcore_parallel>], iteration_bounds = array<i64: 2, 16>, scalar_prefetch = 0 : i64, scratch_operands = 2 : i64, tpu.core_type = #tpu.core_type<sc_vector_subcore>, window_params = [{transform_indices = #map}, {transform_indices = #map1}, {transform_indices = #map2}]} {
    "tpu.region"() ({
      %run_scoped3A = tpu.sem_alloc : memref<!tpu.dma_semaphore, #tpu.memory_space<semaphore_mem>>
      %dma_start3A = arith.constant 0 : i32
      %dma_start3A_7 = tpu.memref_slice %arg2[%arg0, %arg1, %dma_start3A] : memref<2x16x10000xi32, #tpu.memory_space<hbm>> -> memref<1x1x10000xi32, #tpu.memory_space<hbm>>
      %dma_start3A_8 = tpu.memref_squeeze %dma_start3A_7 : memref<1x1x10000xi32, #tpu.memory_space<hbm>> -> memref<10000xi32, #tpu.memory_space<hbm>>
      %dma_start3A_9 = arith.constant 0 : i32
      %dma_start3A_10 = tpu.memref_slice %arg2[%arg0, %arg1, %dma_start3A_9] : memref<2x16x10000xi32, #tpu.memory_space<hbm>> -> memref<1x1x10000xi32, #tpu.memory_space<hbm>>
      %dma_start3A_11 = tpu.memref_squeeze %dma_start3A_10 : memref<1x1x10000xi32, #tpu.memory_space<hbm>> -> memref<10000xi32, #tpu.memory_space<hbm>>
      tpu.enqueue_dma source(%dma_start3A_11 : memref<10000xi32, #tpu.memory_space<hbm>>) target(%arg5 : memref<10000xi32, #tpu.memory_space<vmem>>) target_semaphore(%run_scoped3A : memref<!tpu.dma_semaphore, #tpu.memory_space<semaphore_mem>>)
      %dma_wait3A = arith.constant 0 : i32
      %dma_wait3A_12 = tpu.memref_slice %arg2[%arg0, %arg1, %dma_wait3A] : memref<2x16x10000xi32, #tpu.memory_space<hbm>> -> memref<1x1x10000xi32, #tpu.memory_space<hbm>>
      %dma_wait3A_13 = tpu.memref_squeeze %dma_wait3A_12 : memref<1x1x10000xi32, #tpu.memory_space<hbm>> -> memref<10000xi32, #tpu.memory_space<hbm>>
      %dma_wait3A_14 = arith.constant 0 : i32
      %dma_wait3A_15 = tpu.memref_slice %arg2[%arg0, %arg1, %dma_wait3A_14] : memref<2x16x10000xi32, #tpu.memory_space<hbm>> -> memref<1x1x10000xi32, #tpu.memory_space<hbm>>
      %dma_wait3A_16 = tpu.memref_squeeze %dma_wait3A_15 : memref<1x1x10000xi32, #tpu.memory_space<hbm>> -> memref<10000xi32, #tpu.memory_space<hbm>>
      tpu.wait_dma2 semaphore(%run_scoped3A : memref<!tpu.dma_semaphore, #tpu.memory_space<semaphore_mem>>) src(%dma_wait3A_16 : memref<10000xi32, #tpu.memory_space<hbm>>) dst(%arg5 : memref<10000xi32, #tpu.memory_space<vmem>>)
      tpu.yield
    }) : () -> ()
    "tpu.region"() ({
      %run_scoped3A = tpu.sem_alloc : memref<!tpu.dma_semaphore, #tpu.memory_space<semaphore_mem>>
      tpu.enqueue_dma source(%arg3 : memref<10240xf32, #tpu.memory_space<hbm>>) target(%arg6 : memref<10240xf32, #tpu.memory_space<vmem>>) target_semaphore(%run_scoped3A : memref<!tpu.dma_semaphore, #tpu.memory_space<semaphore_mem>>)
      tpu.wait_dma2 semaphore(%run_scoped3A : memref<!tpu.dma_semaphore, #tpu.memory_space<semaphore_mem>>) src(%arg3 : memref<10240xf32, #tpu.memory_space<hbm>>) dst(%arg6 : memref<10240xf32, #tpu.memory_space<vmem>>)
      tpu.yield
    }) : () -> ()
    %broadcast_in_dim3A = arith.constant 1.000000e+00 : f32
    %broadcast_in_dim3A_0 = vector.broadcast %broadcast_in_dim3A : f32 to vector<16xf32>
    %scan3A = arith.constant 0 : i32
    %scan3A_1 = arith.constant 0 : i32
    %scan3A_2 = arith.constant 125 : i32
    %scan3A_3 = arith.addi %scan3A_1, %scan3A_2 : i32
    %scan3A_4 = arith.constant 1 : i32
    scf.for %scan3A_7 = %scan3A_1 to %scan3A_3 step %scan3A_4  : i32 {
      %mul3A_8 = arith.constant 80 : i32
      %mul3A_9 = arith.muli %scan3A_7, %mul3A_8 : i32
      %add3A_10 = arith.constant 0 : i32
      %add3A_11 = arith.addi %mul3A_9, %add3A_10 : i32
      %get3A = arith.index_cast %add3A_11 : i32 to index
      %get3A_12 = tpu.vector_load %arg5[%get3A] {strides = array<i32>} : memref<10000xi32, #tpu.memory_space<vmem>>, vector<16xi32>,
      tpu.vector_store_idx %arg6[%get3A_12], %broadcast_in_dim3A_0 {add = true} : memref<10240xf32, #tpu.memory_space<vmem>>[vector<16xi32>], vector<16xf32>,
      %mul3A_13 = arith.constant 80 : i32
      %mul3A_14 = arith.muli %scan3A_7, %mul3A_13 : i32
      %add3A_15 = arith.constant 16 : i32
      %add3A_16 = arith.addi %mul3A_14, %add3A_15 : i32
      %get3A_17 = arith.index_cast %add3A_16 : i32 to index
      %get3A_18 = tpu.vector_load %arg5[%get3A_17] {strides = array<i32>} : memref<10000xi32, #tpu.memory_space<vmem>>, vector<16xi32>,
      tpu.vector_store_idx %arg6[%get3A_18], %broadcast_in_dim3A_0 {add = true} : memref<10240xf32, #tpu.memory_space<vmem>>[vector<16xi32>], vector<16xf32>,
      %mul3A_19 = arith.constant 80 : i32
      %mul3A_20 = arith.muli %scan3A_7, %mul3A_19 : i32
      %add3A_21 = arith.constant 32 : i32
      %add3A_22 = arith.addi %mul3A_20, %add3A_21 : i32
      %get3A_23 = arith.index_cast %add3A_22 : i32 to index
      %get3A_24 = tpu.vector_load %arg5[%get3A_23] {strides = array<i32>} : memref<10000xi32, #tpu.memory_space<vmem>>, vector<16xi32>,
      tpu.vector_store_idx %arg6[%get3A_24], %broadcast_in_dim3A_0 {add = true} : memref<10240xf32, #tpu.memory_space<vmem>>[vector<16xi32>], vector<16xf32>,
      %mul3A_25 = arith.constant 80 : i32
      %mul3A_26 = arith.muli %scan3A_7, %mul3A_25 : i32
      %add3A_27 = arith.constant 48 : i32
      %add3A_28 = arith.addi %mul3A_26, %add3A_27 : i32
      %get3A_29 = arith.index_cast %add3A_28 : i32 to index
      %get3A_30 = tpu.vector_load %arg5[%get3A_29] {strides = array<i32>} : memref<10000xi32, #tpu.memory_space<vmem>>, vector<16xi32>,
      tpu.vector_store_idx %arg6[%get3A_30], %broadcast_in_dim3A_0 {add = true} : memref<10240xf32, #tpu.memory_space<vmem>>[vector<16xi32>], vector<16xf32>,
      %mul3A_31 = arith.constant 80 : i32
      %mul3A_32 = arith.muli %scan3A_7, %mul3A_31 : i32
      %add3A_33 = arith.constant 64 : i32
      %add3A_34 = arith.addi %mul3A_32, %add3A_33 : i32
      %get3A_35 = arith.index_cast %add3A_34 : i32 to index
      %get3A_36 = tpu.vector_load %arg5[%get3A_35] {strides = array<i32>} : memref<10000xi32, #tpu.memory_space<vmem>>, vector<16xi32>,
      tpu.vector_store_idx %arg6[%get3A_36], %broadcast_in_dim3A_0 {add = true} : memref<10240xf32, #tpu.memory_space<vmem>>[vector<16xi32>], vector<16xf32>,
    }
    %scan3A_5 = arith.constant 125 : i32
    %mul3A = arith.constant 16 : i32
    %mul3A_6 = arith.muli %arg0, %mul3A : i32
    %add3A = arith.addi %mul3A_6, %arg1 : i32
    "tpu.region"() ({
      %run_scoped3A = tpu.sem_alloc : memref<!tpu.dma_semaphore, #tpu.memory_space<semaphore_mem>>
      %dma_start3A = arith.constant 0 : i32
      %dma_start3A_7 = tpu.memref_slice %arg4[%add3A, %dma_start3A] : memref<32x10240xf32, #tpu.memory_space<hbm>> -> memref<1x10240xf32, #tpu.memory_space<hbm>>
      %dma_start3A_8 = tpu.memref_squeeze %dma_start3A_7 : memref<1x10240xf32, #tpu.memory_space<hbm>> -> memref<10240xf32, #tpu.memory_space<hbm>>
      %dma_start3A_9 = arith.constant 0 : i32
      %dma_start3A_10 = tpu.memref_slice %arg4[%add3A, %dma_start3A_9] : memref<32x10240xf32, #tpu.memory_space<hbm>> -> memref<1x10240xf32, #tpu.memory_space<hbm>>
      %dma_start3A_11 = tpu.memref_squeeze %dma_start3A_10 : memref<1x10240xf32, #tpu.memory_space<hbm>> -> memref<10240xf32, #tpu.memory_space<hbm>>
      tpu.enqueue_dma source(%arg6 : memref<10240xf32, #tpu.memory_space<vmem>>) target(%dma_start3A_11 : memref<10240xf32, #tpu.memory_space<hbm>>) target_semaphore(%run_scoped3A : memref<!tpu.dma_semaphore, #tpu.memory_space<semaphore_mem>>)
      %dma_wait3A = arith.constant 0 : i32
      %dma_wait3A_12 = tpu.memref_slice %arg4[%add3A, %dma_wait3A] : memref<32x10240xf32, #tpu.memory_space<hbm>> -> memref<1x10240xf32, #tpu.memory_space<hbm>>
      %dma_wait3A_13 = tpu.memref_squeeze %dma_wait3A_12 : memref<1x10240xf32, #tpu.memory_space<hbm>> -> memref<10240xf32, #tpu.memory_space<hbm>>
      %dma_wait3A_14 = arith.constant 0 : i32
      %dma_wait3A_15 = tpu.memref_slice %arg4[%add3A, %dma_wait3A_14] : memref<32x10240xf32, #tpu.memory_space<hbm>> -> memref<1x10240xf32, #tpu.memory_space<hbm>>
      %dma_wait3A_16 = tpu.memref_squeeze %dma_wait3A_15 : memref<1x10240xf32, #tpu.memory_space<hbm>> -> memref<10240xf32, #tpu.memory_space<hbm>>
      tpu.wait_dma2 semaphore(%run_scoped3A : memref<!tpu.dma_semaphore, #tpu.memory_space<semaphore_mem>>) src(%arg6 : memref<10240xf32, #tpu.memory_space<vmem>>) dst(%dma_wait3A_16 : memref<10240xf32, #tpu.memory_space<hbm>>)
      tpu.yield
    }) : () -> ()
    return
  }
}

#map = affine_map<(d0, d1) -> (0, 0)>
#map1 = affine_map<(d0, d1) -> (0, 0, 0, 0)>
#map2 = affine_map<(d0, d1) -> (0, 0, 0)>
module attributes {stable_mosaic.version = 14 : i64} {
  func.func @sc_scat(%arg0: i32, %arg1: i32, %arg2: memref<10240x128xf32, #tpu.memory_space<hbm>>, %arg3: memref<2x16x160x64xi32, #tpu.memory_space<hbm>>, %arg4: memref<2x16x160x64xi32, #tpu.memory_space<hbm>>, %arg5: memref<10240x128xf32, #tpu.memory_space<hbm>>, %arg6: memref<2x10240x128xf32, #tpu.memory_space<hbm>>, %arg7: memref<32x64xi32, #tpu.memory_space<vmem>>, %arg8: memref<32x64xi32, #tpu.memory_space<vmem>>, %arg9: memref<64x128xf32, #tpu.memory_space<vmem>>, %arg10: memref<64x128xf32, #tpu.memory_space<vmem>>, %arg11: memref<64x128xf32, #tpu.memory_space<vmem>>, %arg12: memref<64x128xf32, #tpu.memory_space<vmem>>, %arg13: memref<!tpu.dma_semaphore, #tpu.memory_space<semaphore_mem>>, %arg14: memref<!tpu.dma_semaphore, #tpu.memory_space<semaphore_mem>>, %arg15: memref<!tpu.dma_semaphore, #tpu.memory_space<semaphore_mem>>, %arg16: memref<!tpu.dma_semaphore, #tpu.memory_space<semaphore_mem>>, %arg17: memref<!tpu.dma_semaphore, #tpu.memory_space<semaphore_mem>>, %arg18: memref<!tpu.dma_semaphore, #tpu.memory_space<semaphore_mem>>, %arg19: memref<!tpu.dma_semaphore, #tpu.memory_space<semaphore_mem>>, %arg20: memref<!tpu.dma_semaphore, #tpu.memory_space<semaphore_mem>>, %arg21: memref<10240x128xf32, #tpu.memory_space<vmem_shared>>) attributes {dimension_semantics = [#tpu.dimension_semantics<core_parallel>, #tpu.dimension_semantics<subcore_parallel>], iteration_bounds = array<i64: 2, 16>, scalar_prefetch = 0 : i64, scratch_operands = 15 : i64, tpu.core_type = #tpu.core_type<sc_vector_subcore>, window_params = [{transform_indices = #map}, {transform_indices = #map1}, {transform_indices = #map1}, {transform_indices = #map}, {transform_indices = #map2}]} {
    %mul3A = arith.constant 640 : i32
    %mul3A_0 = arith.muli %arg1, %mul3A : i32
    %mul3A_1 = arith.constant 640 : i32
    %mul3A_2 = arith.muli %arg1, %mul3A_1 : i32
    "tpu.region"() ({
      %run_scoped3A = tpu.sem_alloc : memref<!tpu.dma_semaphore, #tpu.memory_space<semaphore_mem>>
      %dma_start3A = arith.constant 0 : i32
      %dma_start3A_13 = tpu.memref_slice %arg21[%mul3A_2, %dma_start3A] : memref<10240x128xf32, #tpu.memory_space<vmem_shared>> -> memref<640x128xf32, #tpu.memory_space<vmem_shared>>
      %dma_start3A_14 = arith.constant 0 : i32
      %dma_start3A_15 = tpu.memref_slice %arg5[%mul3A_0, %dma_start3A_14] : memref<10240x128xf32, #tpu.memory_space<hbm>> -> memref<640x128xf32, #tpu.memory_space<hbm>>
      tpu.enqueue_dma source(%dma_start3A_15 : memref<640x128xf32, #tpu.memory_space<hbm>>) target(%dma_start3A_13 : memref<640x128xf32, #tpu.memory_space<vmem_shared>>) target_semaphore(%run_scoped3A : memref<!tpu.dma_semaphore, #tpu.memory_space<semaphore_mem>>)
      %dma_wait3A = arith.constant 0 : i32
      %dma_wait3A_16 = tpu.memref_slice %arg21[%mul3A_2, %dma_wait3A] : memref<10240x128xf32, #tpu.memory_space<vmem_shared>> -> memref<640x128xf32, #tpu.memory_space<vmem_shared>>
      %dma_wait3A_17 = arith.constant 0 : i32
      %dma_wait3A_18 = tpu.memref_slice %arg5[%mul3A_0, %dma_wait3A_17] : memref<10240x128xf32, #tpu.memory_space<hbm>> -> memref<640x128xf32, #tpu.memory_space<hbm>>
      tpu.wait_dma2 semaphore(%run_scoped3A : memref<!tpu.dma_semaphore, #tpu.memory_space<semaphore_mem>>) src(%dma_wait3A_18 : memref<640x128xf32, #tpu.memory_space<hbm>>) dst(%dma_wait3A_16 : memref<640x128xf32, #tpu.memory_space<vmem_shared>>)
      tpu.yield
    }) : () -> ()
    %barrier3A = arith.constant 0 : index
    tpu.barrier barrier_id(%barrier3A)
    %scan3A = arith.constant 0 : i32
    %scan3A_3 = arith.constant 0 : i32
    %scan3A_4 = arith.constant 5 : i32
    %scan3A_5 = arith.addi %scan3A_3, %scan3A_4 : i32
    %scan3A_6 = arith.constant 1 : i32
    scf.for %scan3A_13 = %scan3A_3 to %scan3A_5 step %scan3A_6  : i32 {
      %mul3A_14 = arith.constant 32 : i32
      %mul3A_15 = arith.muli %scan3A_13, %mul3A_14 : i32
      "tpu.region"() ({
        %run_scoped3A = tpu.sem_alloc : memref<!tpu.dma_semaphore, #tpu.memory_space<semaphore_mem>>
        %dma_start3A_50 = arith.constant 0 : i32
        %dma_start3A_51 = tpu.memref_slice %arg3[%arg0, %arg1, %mul3A_15, %dma_start3A_50] : memref<2x16x160x64xi32, #tpu.memory_space<hbm>> -> memref<1x1x32x64xi32, #tpu.memory_space<hbm>>
        %dma_start3A_52 = tpu.memref_squeeze %dma_start3A_51 : memref<1x1x32x64xi32, #tpu.memory_space<hbm>> -> memref<32x64xi32, #tpu.memory_space<hbm>>
        %dma_start3A_53 = arith.constant 0 : i32
        %dma_start3A_54 = tpu.memref_slice %arg3[%arg0, %arg1, %mul3A_15, %dma_start3A_53] : memref<2x16x160x64xi32, #tpu.memory_space<hbm>> -> memref<1x1x32x64xi32, #tpu.memory_space<hbm>>
        %dma_start3A_55 = tpu.memref_squeeze %dma_start3A_54 : memref<1x1x32x64xi32, #tpu.memory_space<hbm>> -> memref<32x64xi32, #tpu.memory_space<hbm>>
        tpu.enqueue_dma source(%dma_start3A_55 : memref<32x64xi32, #tpu.memory_space<hbm>>) target(%arg7 : memref<32x64xi32, #tpu.memory_space<vmem>>) target_semaphore(%run_scoped3A : memref<!tpu.dma_semaphore, #tpu.memory_space<semaphore_mem>>)
        %dma_wait3A_56 = arith.constant 0 : i32
        %dma_wait3A_57 = tpu.memref_slice %arg3[%arg0, %arg1, %mul3A_15, %dma_wait3A_56] : memref<2x16x160x64xi32, #tpu.memory_space<hbm>> -> memref<1x1x32x64xi32, #tpu.memory_space<hbm>>
        %dma_wait3A_58 = tpu.memref_squeeze %dma_wait3A_57 : memref<1x1x32x64xi32, #tpu.memory_space<hbm>> -> memref<32x64xi32, #tpu.memory_space<hbm>>
        %dma_wait3A_59 = arith.constant 0 : i32
        %dma_wait3A_60 = tpu.memref_slice %arg3[%arg0, %arg1, %mul3A_15, %dma_wait3A_59] : memref<2x16x160x64xi32, #tpu.memory_space<hbm>> -> memref<1x1x32x64xi32, #tpu.memory_space<hbm>>
        %dma_wait3A_61 = tpu.memref_squeeze %dma_wait3A_60 : memref<1x1x32x64xi32, #tpu.memory_space<hbm>> -> memref<32x64xi32, #tpu.memory_space<hbm>>
        tpu.wait_dma2 semaphore(%run_scoped3A : memref<!tpu.dma_semaphore, #tpu.memory_space<semaphore_mem>>) src(%dma_wait3A_61 : memref<32x64xi32, #tpu.memory_space<hbm>>) dst(%arg7 : memref<32x64xi32, #tpu.memory_space<vmem>>)
        tpu.yield
      }) : () -> ()
      %mul3A_16 = arith.constant 32 : i32
      %mul3A_17 = arith.muli %scan3A_13, %mul3A_16 : i32
      "tpu.region"() ({
        %run_scoped3A = tpu.sem_alloc : memref<!tpu.dma_semaphore, #tpu.memory_space<semaphore_mem>>
        %dma_start3A_50 = arith.constant 0 : i32
        %dma_start3A_51 = tpu.memref_slice %arg4[%arg0, %arg1, %mul3A_17, %dma_start3A_50] : memref<2x16x160x64xi32, #tpu.memory_space<hbm>> -> memref<1x1x32x64xi32, #tpu.memory_space<hbm>>
        %dma_start3A_52 = tpu.memref_squeeze %dma_start3A_51 : memref<1x1x32x64xi32, #tpu.memory_space<hbm>> -> memref<32x64xi32, #tpu.memory_space<hbm>>
        %dma_start3A_53 = arith.constant 0 : i32
        %dma_start3A_54 = tpu.memref_slice %arg4[%arg0, %arg1, %mul3A_17, %dma_start3A_53] : memref<2x16x160x64xi32, #tpu.memory_space<hbm>> -> memref<1x1x32x64xi32, #tpu.memory_space<hbm>>
        %dma_start3A_55 = tpu.memref_squeeze %dma_start3A_54 : memref<1x1x32x64xi32, #tpu.memory_space<hbm>> -> memref<32x64xi32, #tpu.memory_space<hbm>>
        tpu.enqueue_dma source(%dma_start3A_55 : memref<32x64xi32, #tpu.memory_space<hbm>>) target(%arg8 : memref<32x64xi32, #tpu.memory_space<vmem>>) target_semaphore(%run_scoped3A : memref<!tpu.dma_semaphore, #tpu.memory_space<semaphore_mem>>)
        %dma_wait3A_56 = arith.constant 0 : i32
        %dma_wait3A_57 = tpu.memref_slice %arg4[%arg0, %arg1, %mul3A_17, %dma_wait3A_56] : memref<2x16x160x64xi32, #tpu.memory_space<hbm>> -> memref<1x1x32x64xi32, #tpu.memory_space<hbm>>
        %dma_wait3A_58 = tpu.memref_squeeze %dma_wait3A_57 : memref<1x1x32x64xi32, #tpu.memory_space<hbm>> -> memref<32x64xi32, #tpu.memory_space<hbm>>
        %dma_wait3A_59 = arith.constant 0 : i32
        %dma_wait3A_60 = tpu.memref_slice %arg4[%arg0, %arg1, %mul3A_17, %dma_wait3A_59] : memref<2x16x160x64xi32, #tpu.memory_space<hbm>> -> memref<1x1x32x64xi32, #tpu.memory_space<hbm>>
        %dma_wait3A_61 = tpu.memref_squeeze %dma_wait3A_60 : memref<1x1x32x64xi32, #tpu.memory_space<hbm>> -> memref<32x64xi32, #tpu.memory_space<hbm>>
        tpu.wait_dma2 semaphore(%run_scoped3A : memref<!tpu.dma_semaphore, #tpu.memory_space<semaphore_mem>>) src(%dma_wait3A_61 : memref<32x64xi32, #tpu.memory_space<hbm>>) dst(%arg8 : memref<32x64xi32, #tpu.memory_space<vmem>>)
        tpu.yield
      }) : () -> ()
      %dma_start3A = arith.constant 0 : i32
      %dma_start3A_18 = arith.constant 0 : i32
      %dma_start3A_19 = tpu.memref_slice %arg7[%dma_start3A, %dma_start3A_18] : memref<32x64xi32, #tpu.memory_space<vmem>> -> memref<1x64xi32, #tpu.memory_space<vmem>>
      %dma_start3A_20 = tpu.memref_squeeze %dma_start3A_19 : memref<1x64xi32, #tpu.memory_space<vmem>> -> memref<64xi32, #tpu.memory_space<vmem>>
      %dma_start3A_21 = arith.constant 0 : i32
      %dma_start3A_22 = arith.constant 0 : i32
      %dma_start3A_23 = tpu.memref_slice %arg2[%dma_start3A_21, %dma_start3A_22] : memref<10240x128xf32, #tpu.memory_space<hbm>> -> memref<10240x128xf32, #tpu.memory_space<hbm>>
      tpu.enqueue_indirect_dma source(%dma_start3A_23 : memref<10240x128xf32, #tpu.memory_space<hbm>>) target(%arg9 : memref<64x128xf32, #tpu.memory_space<vmem>>) offsets(%dma_start3A_20 : memref<64xi32, #tpu.memory_space<vmem>>) semaphore(%arg13 : memref<!tpu.dma_semaphore, #tpu.memory_space<semaphore_mem>>)
      %dma_start3A_24 = arith.constant 1 : i32
      %dma_start3A_25 = arith.constant 0 : i32
      %dma_start3A_26 = tpu.memref_slice %arg7[%dma_start3A_24, %dma_start3A_25] : memref<32x64xi32, #tpu.memory_space<vmem>> -> memref<1x64xi32, #tpu.memory_space<vmem>>
      %dma_start3A_27 = tpu.memref_squeeze %dma_start3A_26 : memref<1x64xi32, #tpu.memory_space<vmem>> -> memref<64xi32, #tpu.memory_space<vmem>>
      %dma_start3A_28 = arith.constant 0 : i32
      %dma_start3A_29 = arith.constant 0 : i32
      %dma_start3A_30 = tpu.memref_slice %arg2[%dma_start3A_28, %dma_start3A_29] : memref<10240x128xf32, #tpu.memory_space<hbm>> -> memref<10240x128xf32, #tpu.memory_space<hbm>>
      tpu.enqueue_indirect_dma source(%dma_start3A_30 : memref<10240x128xf32, #tpu.memory_space<hbm>>) target(%arg10 : memref<64x128xf32, #tpu.memory_space<vmem>>) offsets(%dma_start3A_27 : memref<64xi32, #tpu.memory_space<vmem>>) semaphore(%arg14 : memref<!tpu.dma_semaphore, #tpu.memory_space<semaphore_mem>>)
      %scan3A_31 = arith.constant 0 : i32
      %scan3A_32 = arith.constant 0 : i32
      %scan3A_33 = arith.constant 8 : i32
      %scan3A_34 = arith.addi %scan3A_32, %scan3A_33 : i32
      %scan3A_35 = arith.constant 1 : i32
      scf.for %scan3A_50 = %scan3A_32 to %scan3A_34 step %scan3A_35  : i32 {
        %mul3A_51 = arith.constant 4 : i32
        %mul3A_52 = arith.muli %scan3A_50, %mul3A_51 : i32
        %add3A = arith.constant 0 : i32
        %add3A_53 = arith.addi %mul3A_52, %add3A : i32
        %ge3A = arith.constant 2 : i32
        %ge3A_54 = arith.cmpi sge, %add3A_53, %ge3A : i32
        %convert_element_type3A = arith.extui %ge3A_54 : i1 to i32
        %cond3A = arith.constant 0 : i32
        %cond3A_55 = arith.cmpi ne, %convert_element_type3A, %cond3A : i32
        scf.if %cond3A_55 {
          %sub3A = arith.constant 2 : i32
          %sub3A_158 = arith.subi %add3A_53, %sub3A : i32
          %dma_wait3A_159 = arith.constant 0 : i32
          %dma_wait3A_160 = tpu.memref_slice %arg8[%sub3A_158, %dma_wait3A_159] : memref<32x64xi32, #tpu.memory_space<vmem>> -> memref<1x64xi32, #tpu.memory_space<vmem>>
          %dma_wait3A_161 = tpu.memref_squeeze %dma_wait3A_160 : memref<1x64xi32, #tpu.memory_space<vmem>> -> memref<64xi32, #tpu.memory_space<vmem>>
          %dma_wait3A_162 = arith.constant 0 : i32
          %dma_wait3A_163 = arith.constant 0 : i32
          %dma_wait3A_164 = tpu.memref_slice %arg21[%dma_wait3A_162, %dma_wait3A_163] : memref<10240x128xf32, #tpu.memory_space<vmem_shared>> -> memref<10240x128xf32, #tpu.memory_space<vmem_shared>>
          tpu.wait_indirect_dma semaphore(%arg19 : memref<!tpu.dma_semaphore, #tpu.memory_space<semaphore_mem>>) src(%arg11 : memref<64x128xf32, #tpu.memory_space<vmem>>) dst(%dma_wait3A_164 : memref<10240x128xf32, #tpu.memory_space<vmem_shared>>)
        } else {
        }
        %add3A_56 = arith.constant 2 : i32
        %add3A_57 = arith.addi %add3A_53, %add3A_56 : i32
        %lt3A = arith.constant 32 : i32
        %lt3A_58 = arith.cmpi slt, %add3A_57, %lt3A : i32
        %convert_element_type3A_59 = arith.extui %lt3A_58 : i1 to i32
        %cond3A_60 = arith.constant 0 : i32
        %cond3A_61 = arith.cmpi ne, %convert_element_type3A_59, %cond3A_60 : i32
        scf.if %cond3A_61 {
          %add3A_158 = arith.constant 2 : i32
          %add3A_159 = arith.addi %add3A_53, %add3A_158 : i32
          %dma_start3A_160 = arith.constant 0 : i32
          %dma_start3A_161 = tpu.memref_slice %arg7[%add3A_159, %dma_start3A_160] : memref<32x64xi32, #tpu.memory_space<vmem>> -> memref<1x64xi32, #tpu.memory_space<vmem>>
          %dma_start3A_162 = tpu.memref_squeeze %dma_start3A_161 : memref<1x64xi32, #tpu.memory_space<vmem>> -> memref<64xi32, #tpu.memory_space<vmem>>
          %dma_start3A_163 = arith.constant 0 : i32
          %dma_start3A_164 = arith.constant 0 : i32
          %dma_start3A_165 = tpu.memref_slice %arg2[%dma_start3A_163, %dma_start3A_164] : memref<10240x128xf32, #tpu.memory_space<hbm>> -> memref<10240x128xf32, #tpu.memory_space<hbm>>
          tpu.enqueue_indirect_dma source(%dma_start3A_165 : memref<10240x128xf32, #tpu.memory_space<hbm>>) target(%arg11 : memref<64x128xf32, #tpu.memory_space<vmem>>) offsets(%dma_start3A_162 : memref<64xi32, #tpu.memory_space<vmem>>) semaphore(%arg15 : memref<!tpu.dma_semaphore, #tpu.memory_space<semaphore_mem>>)
        } else {
        }
        %dma_wait3A_62 = arith.constant 0 : i32
        %dma_wait3A_63 = tpu.memref_slice %arg7[%add3A_53, %dma_wait3A_62] : memref<32x64xi32, #tpu.memory_space<vmem>> -> memref<1x64xi32, #tpu.memory_space<vmem>>
        %dma_wait3A_64 = tpu.memref_squeeze %dma_wait3A_63 : memref<1x64xi32, #tpu.memory_space<vmem>> -> memref<64xi32, #tpu.memory_space<vmem>>
        %dma_wait3A_65 = arith.constant 0 : i32
        %dma_wait3A_66 = arith.constant 0 : i32
        %dma_wait3A_67 = tpu.memref_slice %arg2[%dma_wait3A_65, %dma_wait3A_66] : memref<10240x128xf32, #tpu.memory_space<hbm>> -> memref<10240x128xf32, #tpu.memory_space<hbm>>
        tpu.wait_indirect_dma semaphore(%arg13 : memref<!tpu.dma_semaphore, #tpu.memory_space<semaphore_mem>>) src(%dma_wait3A_67 : memref<10240x128xf32, #tpu.memory_space<hbm>>) dst(%arg9 : memref<64x128xf32, #tpu.memory_space<vmem>>)
        %dma_start3A_68 = arith.constant 0 : i32
        %dma_start3A_69 = tpu.memref_slice %arg8[%add3A_53, %dma_start3A_68] : memref<32x64xi32, #tpu.memory_space<vmem>> -> memref<1x64xi32, #tpu.memory_space<vmem>>
        %dma_start3A_70 = tpu.memref_squeeze %dma_start3A_69 : memref<1x64xi32, #tpu.memory_space<vmem>> -> memref<64xi32, #tpu.memory_space<vmem>>
        %dma_start3A_71 = arith.constant 0 : i32
        %dma_start3A_72 = arith.constant 0 : i32
        %dma_start3A_73 = tpu.memref_slice %arg21[%dma_start3A_71, %dma_start3A_72] : memref<10240x128xf32, #tpu.memory_space<vmem_shared>> -> memref<10240x128xf32, #tpu.memory_space<vmem_shared>>
        tpu.enqueue_indirect_dma source(%arg9 : memref<64x128xf32, #tpu.memory_space<vmem>>) target(%dma_start3A_73 : memref<10240x128xf32, #tpu.memory_space<vmem_shared>>) offsets(%dma_start3A_70 : memref<64xi32, #tpu.memory_space<vmem>>) semaphore(%arg17 : memref<!tpu.dma_semaphore, #tpu.memory_space<semaphore_mem>>) {add = true}
        %mul3A_74 = arith.constant 4 : i32
        %mul3A_75 = arith.muli %scan3A_50, %mul3A_74 : i32
        %add3A_76 = arith.constant 1 : i32
        %add3A_77 = arith.addi %mul3A_75, %add3A_76 : i32
        %ge3A_78 = arith.constant 2 : i32
        %ge3A_79 = arith.cmpi sge, %add3A_77, %ge3A_78 : i32
        %convert_element_type3A_80 = arith.extui %ge3A_79 : i1 to i32
        %cond3A_81 = arith.constant 0 : i32
        %cond3A_82 = arith.cmpi ne, %convert_element_type3A_80, %cond3A_81 : i32
        scf.if %cond3A_82 {
          %sub3A = arith.constant 2 : i32
          %sub3A_158 = arith.subi %add3A_77, %sub3A : i32
          %dma_wait3A_159 = arith.constant 0 : i32
          %dma_wait3A_160 = tpu.memref_slice %arg8[%sub3A_158, %dma_wait3A_159] : memref<32x64xi32, #tpu.memory_space<vmem>> -> memref<1x64xi32, #tpu.memory_space<vmem>>
          %dma_wait3A_161 = tpu.memref_squeeze %dma_wait3A_160 : memref<1x64xi32, #tpu.memory_space<vmem>> -> memref<64xi32, #tpu.memory_space<vmem>>
          %dma_wait3A_162 = arith.constant 0 : i32
          %dma_wait3A_163 = arith.constant 0 : i32
          %dma_wait3A_164 = tpu.memref_slice %arg21[%dma_wait3A_162, %dma_wait3A_163] : memref<10240x128xf32, #tpu.memory_space<vmem_shared>> -> memref<10240x128xf32, #tpu.memory_space<vmem_shared>>
          tpu.wait_indirect_dma semaphore(%arg20 : memref<!tpu.dma_semaphore, #tpu.memory_space<semaphore_mem>>) src(%arg12 : memref<64x128xf32, #tpu.memory_space<vmem>>) dst(%dma_wait3A_164 : memref<10240x128xf32, #tpu.memory_space<vmem_shared>>)
        } else {
        }
        %add3A_83 = arith.constant 2 : i32
        %add3A_84 = arith.addi %add3A_77, %add3A_83 : i32
        %lt3A_85 = arith.constant 32 : i32
        %lt3A_86 = arith.cmpi slt, %add3A_84, %lt3A_85 : i32
        %convert_element_type3A_87 = arith.extui %lt3A_86 : i1 to i32
        %cond3A_88 = arith.constant 0 : i32
        %cond3A_89 = arith.cmpi ne, %convert_element_type3A_87, %cond3A_88 : i32
        scf.if %cond3A_89 {
          %add3A_158 = arith.constant 2 : i32
          %add3A_159 = arith.addi %add3A_77, %add3A_158 : i32
          %dma_start3A_160 = arith.constant 0 : i32
          %dma_start3A_161 = tpu.memref_slice %arg7[%add3A_159, %dma_start3A_160] : memref<32x64xi32, #tpu.memory_space<vmem>> -> memref<1x64xi32, #tpu.memory_space<vmem>>
          %dma_start3A_162 = tpu.memref_squeeze %dma_start3A_161 : memref<1x64xi32, #tpu.memory_space<vmem>> -> memref<64xi32, #tpu.memory_space<vmem>>
          %dma_start3A_163 = arith.constant 0 : i32
          %dma_start3A_164 = arith.constant 0 : i32
          %dma_start3A_165 = tpu.memref_slice %arg2[%dma_start3A_163, %dma_start3A_164] : memref<10240x128xf32, #tpu.memory_space<hbm>> -> memref<10240x128xf32, #tpu.memory_space<hbm>>
          tpu.enqueue_indirect_dma source(%dma_start3A_165 : memref<10240x128xf32, #tpu.memory_space<hbm>>) target(%arg12 : memref<64x128xf32, #tpu.memory_space<vmem>>) offsets(%dma_start3A_162 : memref<64xi32, #tpu.memory_space<vmem>>) semaphore(%arg16 : memref<!tpu.dma_semaphore, #tpu.memory_space<semaphore_mem>>)
        } else {
        }
        %dma_wait3A_90 = arith.constant 0 : i32
        %dma_wait3A_91 = tpu.memref_slice %arg7[%add3A_77, %dma_wait3A_90] : memref<32x64xi32, #tpu.memory_space<vmem>> -> memref<1x64xi32, #tpu.memory_space<vmem>>
        %dma_wait3A_92 = tpu.memref_squeeze %dma_wait3A_91 : memref<1x64xi32, #tpu.memory_space<vmem>> -> memref<64xi32, #tpu.memory_space<vmem>>
        %dma_wait3A_93 = arith.constant 0 : i32
        %dma_wait3A_94 = arith.constant 0 : i32
        %dma_wait3A_95 = tpu.memref_slice %arg2[%dma_wait3A_93, %dma_wait3A_94] : memref<10240x128xf32, #tpu.memory_space<hbm>> -> memref<10240x128xf32, #tpu.memory_space<hbm>>
        tpu.wait_indirect_dma semaphore(%arg14 : memref<!tpu.dma_semaphore, #tpu.memory_space<semaphore_mem>>) src(%dma_wait3A_95 : memref<10240x128xf32, #tpu.memory_space<hbm>>) dst(%arg10 : memref<64x128xf32, #tpu.memory_space<vmem>>)
        %dma_start3A_96 = arith.constant 0 : i32
        %dma_start3A_97 = tpu.memref_slice %arg8[%add3A_77, %dma_start3A_96] : memref<32x64xi32, #tpu.memory_space<vmem>> -> memref<1x64xi32, #tpu.memory_space<vmem>>
        %dma_start3A_98 = tpu.memref_squeeze %dma_start3A_97 : memref<1x64xi32, #tpu.memory_space<vmem>> -> memref<64xi32, #tpu.memory_space<vmem>>
        %dma_start3A_99 = arith.constant 0 : i32
        %dma_start3A_100 = arith.constant 0 : i32
        %dma_start3A_101 = tpu.memref_slice %arg21[%dma_start3A_99, %dma_start3A_100] : memref<10240x128xf32, #tpu.memory_space<vmem_shared>> -> memref<10240x128xf32, #tpu.memory_space<vmem_shared>>
        tpu.enqueue_indirect_dma source(%arg10 : memref<64x128xf32, #tpu.memory_space<vmem>>) target(%dma_start3A_101 : memref<10240x128xf32, #tpu.memory_space<vmem_shared>>) offsets(%dma_start3A_98 : memref<64xi32, #tpu.memory_space<vmem>>) semaphore(%arg18 : memref<!tpu.dma_semaphore, #tpu.memory_space<semaphore_mem>>) {add = true}
        %mul3A_102 = arith.constant 4 : i32
        %mul3A_103 = arith.muli %scan3A_50, %mul3A_102 : i32
        %add3A_104 = arith.constant 2 : i32
        %add3A_105 = arith.addi %mul3A_103, %add3A_104 : i32
        %ge3A_106 = arith.constant 2 : i32
        %ge3A_107 = arith.cmpi sge, %add3A_105, %ge3A_106 : i32
        %convert_element_type3A_108 = arith.extui %ge3A_107 : i1 to i32
        %cond3A_109 = arith.constant 0 : i32
        %cond3A_110 = arith.cmpi ne, %convert_element_type3A_108, %cond3A_109 : i32
        scf.if %cond3A_110 {
          %sub3A = arith.constant 2 : i32
          %sub3A_158 = arith.subi %add3A_105, %sub3A : i32
          %dma_wait3A_159 = arith.constant 0 : i32
          %dma_wait3A_160 = tpu.memref_slice %arg8[%sub3A_158, %dma_wait3A_159] : memref<32x64xi32, #tpu.memory_space<vmem>> -> memref<1x64xi32, #tpu.memory_space<vmem>>
          %dma_wait3A_161 = tpu.memref_squeeze %dma_wait3A_160 : memref<1x64xi32, #tpu.memory_space<vmem>> -> memref<64xi32, #tpu.memory_space<vmem>>
          %dma_wait3A_162 = arith.constant 0 : i32
          %dma_wait3A_163 = arith.constant 0 : i32
          %dma_wait3A_164 = tpu.memref_slice %arg21[%dma_wait3A_162, %dma_wait3A_163] : memref<10240x128xf32, #tpu.memory_space<vmem_shared>> -> memref<10240x128xf32, #tpu.memory_space<vmem_shared>>
          tpu.wait_indirect_dma semaphore(%arg17 : memref<!tpu.dma_semaphore, #tpu.memory_space<semaphore_mem>>) src(%arg9 : memref<64x128xf32, #tpu.memory_space<vmem>>) dst(%dma_wait3A_164 : memref<10240x128xf32, #tpu.memory_space<vmem_shared>>)
        } else {
        }
        %add3A_111 = arith.constant 2 : i32
        %add3A_112 = arith.addi %add3A_105, %add3A_111 : i32
        %lt3A_113 = arith.constant 32 : i32
        %lt3A_114 = arith.cmpi slt, %add3A_112, %lt3A_113 : i32
        %convert_element_type3A_115 = arith.extui %lt3A_114 : i1 to i32
        %cond3A_116 = arith.constant 0 : i32
        %cond3A_117 = arith.cmpi ne, %convert_element_type3A_115, %cond3A_116 : i32
        scf.if %cond3A_117 {
          %add3A_158 = arith.constant 2 : i32
          %add3A_159 = arith.addi %add3A_105, %add3A_158 : i32
          %dma_start3A_160 = arith.constant 0 : i32
          %dma_start3A_161 = tpu.memref_slice %arg7[%add3A_159, %dma_start3A_160] : memref<32x64xi32, #tpu.memory_space<vmem>> -> memref<1x64xi32, #tpu.memory_space<vmem>>
          %dma_start3A_162 = tpu.memref_squeeze %dma_start3A_161 : memref<1x64xi32, #tpu.memory_space<vmem>> -> memref<64xi32, #tpu.memory_space<vmem>>
          %dma_start3A_163 = arith.constant 0 : i32
          %dma_start3A_164 = arith.constant 0 : i32
          %dma_start3A_165 = tpu.memref_slice %arg2[%dma_start3A_163, %dma_start3A_164] : memref<10240x128xf32, #tpu.memory_space<hbm>> -> memref<10240x128xf32, #tpu.memory_space<hbm>>
          tpu.enqueue_indirect_dma source(%dma_start3A_165 : memref<10240x128xf32, #tpu.memory_space<hbm>>) target(%arg9 : memref<64x128xf32, #tpu.memory_space<vmem>>) offsets(%dma_start3A_162 : memref<64xi32, #tpu.memory_space<vmem>>) semaphore(%arg13 : memref<!tpu.dma_semaphore, #tpu.memory_space<semaphore_mem>>)
        } else {
        }
        %dma_wait3A_118 = arith.constant 0 : i32
        %dma_wait3A_119 = tpu.memref_slice %arg7[%add3A_105, %dma_wait3A_118] : memref<32x64xi32, #tpu.memory_space<vmem>> -> memref<1x64xi32, #tpu.memory_space<vmem>>
        %dma_wait3A_120 = tpu.memref_squeeze %dma_wait3A_119 : memref<1x64xi32, #tpu.memory_space<vmem>> -> memref<64xi32, #tpu.memory_space<vmem>>
        %dma_wait3A_121 = arith.constant 0 : i32
        %dma_wait3A_122 = arith.constant 0 : i32
        %dma_wait3A_123 = tpu.memref_slice %arg2[%dma_wait3A_121, %dma_wait3A_122] : memref<10240x128xf32, #tpu.memory_space<hbm>> -> memref<10240x128xf32, #tpu.memory_space<hbm>>
        tpu.wait_indirect_dma semaphore(%arg15 : memref<!tpu.dma_semaphore, #tpu.memory_space<semaphore_mem>>) src(%dma_wait3A_123 : memref<10240x128xf32, #tpu.memory_space<hbm>>) dst(%arg11 : memref<64x128xf32, #tpu.memory_space<vmem>>)
        %dma_start3A_124 = arith.constant 0 : i32
        %dma_start3A_125 = tpu.memref_slice %arg8[%add3A_105, %dma_start3A_124] : memref<32x64xi32, #tpu.memory_space<vmem>> -> memref<1x64xi32, #tpu.memory_space<vmem>>
        %dma_start3A_126 = tpu.memref_squeeze %dma_start3A_125 : memref<1x64xi32, #tpu.memory_space<vmem>> -> memref<64xi32, #tpu.memory_space<vmem>>
        %dma_start3A_127 = arith.constant 0 : i32
        %dma_start3A_128 = arith.constant 0 : i32
        %dma_start3A_129 = tpu.memref_slice %arg21[%dma_start3A_127, %dma_start3A_128] : memref<10240x128xf32, #tpu.memory_space<vmem_shared>> -> memref<10240x128xf32, #tpu.memory_space<vmem_shared>>
        tpu.enqueue_indirect_dma source(%arg11 : memref<64x128xf32, #tpu.memory_space<vmem>>) target(%dma_start3A_129 : memref<10240x128xf32, #tpu.memory_space<vmem_shared>>) offsets(%dma_start3A_126 : memref<64xi32, #tpu.memory_space<vmem>>) semaphore(%arg19 : memref<!tpu.dma_semaphore, #tpu.memory_space<semaphore_mem>>) {add = true}
        %mul3A_130 = arith.constant 4 : i32
        %mul3A_131 = arith.muli %scan3A_50, %mul3A_130 : i32
        %add3A_132 = arith.constant 3 : i32
        %add3A_133 = arith.addi %mul3A_131, %add3A_132 : i32
        %ge3A_134 = arith.constant 2 : i32
        %ge3A_135 = arith.cmpi sge, %add3A_133, %ge3A_134 : i32
        %convert_element_type3A_136 = arith.extui %ge3A_135 : i1 to i32
        %cond3A_137 = arith.constant 0 : i32
        %cond3A_138 = arith.cmpi ne, %convert_element_type3A_136, %cond3A_137 : i32
        scf.if %cond3A_138 {
          %sub3A = arith.constant 2 : i32
          %sub3A_158 = arith.subi %add3A_133, %sub3A : i32
          %dma_wait3A_159 = arith.constant 0 : i32
          %dma_wait3A_160 = tpu.memref_slice %arg8[%sub3A_158, %dma_wait3A_159] : memref<32x64xi32, #tpu.memory_space<vmem>> -> memref<1x64xi32, #tpu.memory_space<vmem>>
          %dma_wait3A_161 = tpu.memref_squeeze %dma_wait3A_160 : memref<1x64xi32, #tpu.memory_space<vmem>> -> memref<64xi32, #tpu.memory_space<vmem>>
          %dma_wait3A_162 = arith.constant 0 : i32
          %dma_wait3A_163 = arith.constant 0 : i32
          %dma_wait3A_164 = tpu.memref_slice %arg21[%dma_wait3A_162, %dma_wait3A_163] : memref<10240x128xf32, #tpu.memory_space<vmem_shared>> -> memref<10240x128xf32, #tpu.memory_space<vmem_shared>>
          tpu.wait_indirect_dma semaphore(%arg18 : memref<!tpu.dma_semaphore, #tpu.memory_space<semaphore_mem>>) src(%arg10 : memref<64x128xf32, #tpu.memory_space<vmem>>) dst(%dma_wait3A_164 : memref<10240x128xf32, #tpu.memory_space<vmem_shared>>)
        } else {
        }
        %add3A_139 = arith.constant 2 : i32
        %add3A_140 = arith.addi %add3A_133, %add3A_139 : i32
        %lt3A_141 = arith.constant 32 : i32
        %lt3A_142 = arith.cmpi slt, %add3A_140, %lt3A_141 : i32
        %convert_element_type3A_143 = arith.extui %lt3A_142 : i1 to i32
        %cond3A_144 = arith.constant 0 : i32
        %cond3A_145 = arith.cmpi ne, %convert_element_type3A_143, %cond3A_144 : i32
        scf.if %cond3A_145 {
          %add3A_158 = arith.constant 2 : i32
          %add3A_159 = arith.addi %add3A_133, %add3A_158 : i32
          %dma_start3A_160 = arith.constant 0 : i32
          %dma_start3A_161 = tpu.memref_slice %arg7[%add3A_159, %dma_start3A_160] : memref<32x64xi32, #tpu.memory_space<vmem>> -> memref<1x64xi32, #tpu.memory_space<vmem>>
          %dma_start3A_162 = tpu.memref_squeeze %dma_start3A_161 : memref<1x64xi32, #tpu.memory_space<vmem>> -> memref<64xi32, #tpu.memory_space<vmem>>
          %dma_start3A_163 = arith.constant 0 : i32
          %dma_start3A_164 = arith.constant 0 : i32
          %dma_start3A_165 = tpu.memref_slice %arg2[%dma_start3A_163, %dma_start3A_164] : memref<10240x128xf32, #tpu.memory_space<hbm>> -> memref<10240x128xf32, #tpu.memory_space<hbm>>
          tpu.enqueue_indirect_dma source(%dma_start3A_165 : memref<10240x128xf32, #tpu.memory_space<hbm>>) target(%arg10 : memref<64x128xf32, #tpu.memory_space<vmem>>) offsets(%dma_start3A_162 : memref<64xi32, #tpu.memory_space<vmem>>) semaphore(%arg14 : memref<!tpu.dma_semaphore, #tpu.memory_space<semaphore_mem>>)
        } else {
        }
        %dma_wait3A_146 = arith.constant 0 : i32
        %dma_wait3A_147 = tpu.memref_slice %arg7[%add3A_133, %dma_wait3A_146] : memref<32x64xi32, #tpu.memory_space<vmem>> -> memref<1x64xi32, #tpu.memory_space<vmem>>
        %dma_wait3A_148 = tpu.memref_squeeze %dma_wait3A_147 : memref<1x64xi32, #tpu.memory_space<vmem>> -> memref<64xi32, #tpu.memory_space<vmem>>
        %dma_wait3A_149 = arith.constant 0 : i32
        %dma_wait3A_150 = arith.constant 0 : i32
        %dma_wait3A_151 = tpu.memref_slice %arg2[%dma_wait3A_149, %dma_wait3A_150] : memref<10240x128xf32, #tpu.memory_space<hbm>> -> memref<10240x128xf32, #tpu.memory_space<hbm>>
        tpu.wait_indirect_dma semaphore(%arg16 : memref<!tpu.dma_semaphore, #tpu.memory_space<semaphore_mem>>) src(%dma_wait3A_151 : memref<10240x128xf32, #tpu.memory_space<hbm>>) dst(%arg12 : memref<64x128xf32, #tpu.memory_space<vmem>>)
        %dma_start3A_152 = arith.constant 0 : i32
        %dma_start3A_153 = tpu.memref_slice %arg8[%add3A_133, %dma_start3A_152] : memref<32x64xi32, #tpu.memory_space<vmem>> -> memref<1x64xi32, #tpu.memory_space<vmem>>
        %dma_start3A_154 = tpu.memref_squeeze %dma_start3A_153 : memref<1x64xi32, #tpu.memory_space<vmem>> -> memref<64xi32, #tpu.memory_space<vmem>>
        %dma_start3A_155 = arith.constant 0 : i32
        %dma_start3A_156 = arith.constant 0 : i32
        %dma_start3A_157 = tpu.memref_slice %arg21[%dma_start3A_155, %dma_start3A_156] : memref<10240x128xf32, #tpu.memory_space<vmem_shared>> -> memref<10240x128xf32, #tpu.memory_space<vmem_shared>>
        tpu.enqueue_indirect_dma source(%arg12 : memref<64x128xf32, #tpu.memory_space<vmem>>) target(%dma_start3A_157 : memref<10240x128xf32, #tpu.memory_space<vmem_shared>>) offsets(%dma_start3A_154 : memref<64xi32, #tpu.memory_space<vmem>>) semaphore(%arg20 : memref<!tpu.dma_semaphore, #tpu.memory_space<semaphore_mem>>) {add = true}
      }
      %scan3A_36 = arith.constant 8 : i32
      %dma_wait3A = arith.constant 30 : i32
      %dma_wait3A_37 = arith.constant 0 : i32
      %dma_wait3A_38 = tpu.memref_slice %arg8[%dma_wait3A, %dma_wait3A_37] : memref<32x64xi32, #tpu.memory_space<vmem>> -> memref<1x64xi32, #tpu.memory_space<vmem>>
      %dma_wait3A_39 = tpu.memref_squeeze %dma_wait3A_38 : memref<1x64xi32, #tpu.memory_space<vmem>> -> memref<64xi32, #tpu.memory_space<vmem>>
      %dma_wait3A_40 = arith.constant 0 : i32
      %dma_wait3A_41 = arith.constant 0 : i32
      %dma_wait3A_42 = tpu.memref_slice %arg21[%dma_wait3A_40, %dma_wait3A_41] : memref<10240x128xf32, #tpu.memory_space<vmem_shared>> -> memref<10240x128xf32, #tpu.memory_space<vmem_shared>>
      tpu.wait_indirect_dma semaphore(%arg19 : memref<!tpu.dma_semaphore, #tpu.memory_space<semaphore_mem>>) src(%arg11 : memref<64x128xf32, #tpu.memory_space<vmem>>) dst(%dma_wait3A_42 : memref<10240x128xf32, #tpu.memory_space<vmem_shared>>)
      %dma_wait3A_43 = arith.constant 31 : i32
      %dma_wait3A_44 = arith.constant 0 : i32
      %dma_wait3A_45 = tpu.memref_slice %arg8[%dma_wait3A_43, %dma_wait3A_44] : memref<32x64xi32, #tpu.memory_space<vmem>> -> memref<1x64xi32, #tpu.memory_space<vmem>>
      %dma_wait3A_46 = tpu.memref_squeeze %dma_wait3A_45 : memref<1x64xi32, #tpu.memory_space<vmem>> -> memref<64xi32, #tpu.memory_space<vmem>>
      %dma_wait3A_47 = arith.constant 0 : i32
      %dma_wait3A_48 = arith.constant 0 : i32
      %dma_wait3A_49 = tpu.memref_slice %arg21[%dma_wait3A_47, %dma_wait3A_48] : memref<10240x128xf32, #tpu.memory_space<vmem_shared>> -> memref<10240x128xf32, #tpu.memory_space<vmem_shared>>
      tpu.wait_indirect_dma semaphore(%arg20 : memref<!tpu.dma_semaphore, #tpu.memory_space<semaphore_mem>>) src(%arg12 : memref<64x128xf32, #tpu.memory_space<vmem>>) dst(%dma_wait3A_49 : memref<10240x128xf32, #tpu.memory_space<vmem_shared>>)
    }
    %scan3A_7 = arith.constant 5 : i32
    %barrier3A_8 = arith.constant 0 : index
    tpu.barrier barrier_id(%barrier3A_8)
    %mul3A_9 = arith.constant 640 : i32
    %mul3A_10 = arith.muli %arg1, %mul3A_9 : i32
    %mul3A_11 = arith.constant 640 : i32
    %mul3A_12 = arith.muli %arg1, %mul3A_11 : i32
    "tpu.region"() ({
      %run_scoped3A = tpu.sem_alloc : memref<!tpu.dma_semaphore, #tpu.memory_space<semaphore_mem>>
      %dma_start3A = arith.constant 0 : i32
      %dma_start3A_13 = tpu.memref_slice %arg6[%arg0, %mul3A_12, %dma_start3A] : memref<2x10240x128xf32, #tpu.memory_space<hbm>> -> memref<1x640x128xf32, #tpu.memory_space<hbm>>
      %dma_start3A_14 = tpu.memref_squeeze %dma_start3A_13 : memref<1x640x128xf32, #tpu.memory_space<hbm>> -> memref<640x128xf32, #tpu.memory_space<hbm>>
      %dma_start3A_15 = arith.constant 0 : i32
      %dma_start3A_16 = tpu.memref_slice %arg21[%mul3A_10, %dma_start3A_15] : memref<10240x128xf32, #tpu.memory_space<vmem_shared>> -> memref<640x128xf32, #tpu.memory_space<vmem_shared>>
      tpu.enqueue_dma source(%dma_start3A_16 : memref<640x128xf32, #tpu.memory_space<vmem_shared>>) target(%dma_start3A_14 : memref<640x128xf32, #tpu.memory_space<hbm>>) target_semaphore(%run_scoped3A : memref<!tpu.dma_semaphore, #tpu.memory_space<semaphore_mem>>)
      %dma_wait3A = arith.constant 0 : i32
      %dma_wait3A_17 = tpu.memref_slice %arg6[%arg0, %mul3A_12, %dma_wait3A] : memref<2x10240x128xf32, #tpu.memory_space<hbm>> -> memref<1x640x128xf32, #tpu.memory_space<hbm>>
      %dma_wait3A_18 = tpu.memref_squeeze %dma_wait3A_17 : memref<1x640x128xf32, #tpu.memory_space<hbm>> -> memref<640x128xf32, #tpu.memory_space<hbm>>
      %dma_wait3A_19 = arith.constant 0 : i32
      %dma_wait3A_20 = tpu.memref_slice %arg21[%mul3A_10, %dma_wait3A_19] : memref<10240x128xf32, #tpu.memory_space<vmem_shared>> -> memref<640x128xf32, #tpu.memory_space<vmem_shared>>
      tpu.wait_dma2 semaphore(%run_scoped3A : memref<!tpu.dma_semaphore, #tpu.memory_space<semaphore_mem>>) src(%dma_wait3A_20 : memref<640x128xf32, #tpu.memory_space<vmem_shared>>) dst(%dma_wait3A_18 : memref<640x128xf32, #tpu.memory_space<hbm>>)
      tpu.yield
    }) : () -> ()
    return
  }
}

module attributes {stable_mosaic.version = 14 : i64} {
  func.func @_tc_a_body(%arg0: i32, %arg1: memref<1024x128xf32, #tpu.memory_space<vmem>>, %arg2: memref<128x128xf32, #tpu.memory_space<vmem>>, %arg3: memref<32x1024xf32, #tpu.memory_space<vmem>>, %arg4: memref<1024x128xf32, #tpu.memory_space<vmem>>, %arg5: memref<1024x128xf32, #tpu.memory_space<vmem>>) attributes {dimension_semantics = [#tpu.dimension_semantics<arbitrary>], iteration_bounds = array<i64: 10>, scalar_prefetch = 0 : i64, scratch_operands = 0 : i64, tpu.core_type = #tpu.core_type<tc>, window_params = [{transform_indices = @transform_0, window_bounds = array<i64: 1024, 128>}, {pipeline_mode = #tpu.pipeline_mode<synchronous>, transform_indices = @transform_1, window_bounds = array<i64: 128, 128>}, {transform_indices = @transform_2, window_bounds = array<i64: 32, 1024>}, {transform_indices = @transform_3, window_bounds = array<i64: 1024, 128>}, {transform_indices = @transform_4, window_bounds = array<i64: 1024, 128>}]} {
    %broadcast_in_dim3A = arith.constant 1.000000e+00 : f32
    %broadcast_in_dim3A_0 = vector.broadcast %broadcast_in_dim3A : f32 to vector<32x1xf32>
    %get3A = arith.constant 0 : index
    %get3A_1 = arith.constant 0 : index
    %get3A_2 = vector.load %arg3[%get3A, %get3A_1] : memref<32x1024xf32, #tpu.memory_space<vmem>>, vector<32x1024xf32>
    %dot_general3A = arith.constant dense<0.000000e+00> : vector<1024x1xf32>
    %dot_general3A_3 = tpu.matmul %get3A_2, %broadcast_in_dim3A_0, %dot_general3A {dimension_numbers = #tpu.dot_dimension_numbers<[0], [0], [1], [1], [0, 1, 1, 1], [], []>, transpose_lhs_hint = false} : vector<32x1024xf32>, vector<32x1xf32>, vector<1024x1xf32> -> vector<1024x1xf32>
    %add3A = arith.constant 1.000000e+00 : f32
    %add3A_4 = vector.broadcast %add3A : f32 to vector<1024x1xf32>
    %add3A_5 = arith.addf %add3A_4, %dot_general3A_3 : vector<1024x1xf32>
    %rsqrt3A = math.rsqrt %add3A_5 : vector<1024x1xf32>
    %get3A_6 = arith.constant 0 : index
    %get3A_7 = arith.constant 0 : index
    %get3A_8 = vector.load %arg1[%get3A_6, %get3A_7] : memref<1024x128xf32, #tpu.memory_space<vmem>>, vector<1024x128xf32>
    %get3A_9 = arith.constant 0 : index
    %get3A_10 = arith.constant 0 : index
    %get3A_11 = vector.load %arg2[%get3A_9, %get3A_10] : memref<128x128xf32, #tpu.memory_space<vmem>>, vector<128x128xf32>
    %dot_general3A_12 = arith.constant dense<0.000000e+00> : vector<1024x128xf32>
    %dot_general3A_13 = tpu.matmul %get3A_8, %get3A_11, %dot_general3A_12 {dimension_numbers = #tpu.dot_dimension_numbers<[1], [0], [0], [1], [0, 0, 1, 1], [], []>, transpose_lhs_hint = false} : vector<1024x128xf32>, vector<128x128xf32>, vector<1024x128xf32> -> vector<1024x128xf32>
    %mul3A = vector.broadcast %rsqrt3A : vector<1024x1xf32> to vector<1024x128xf32>
    %mul3A_14 = arith.mulf %dot_general3A_13, %mul3A : vector<1024x128xf32>
    %swap3A = arith.constant 0 : index
    %swap3A_15 = arith.constant 0 : index
    %swap3A_16 = vector.load %arg4[%swap3A, %swap3A_15] : memref<1024x128xf32, #tpu.memory_space<vmem>>, vector<1024x128xf32>
    tpu.vector_store %arg4[%swap3A, %swap3A_15], %mul3A_14 {strides = array<i32>} : memref<1024x128xf32, #tpu.memory_space<vmem>>, vector<1024x128xf32>,
    %broadcast_in_dim3A_17 = vector.shape_cast %rsqrt3A : vector<1024x1xf32> to vector<1024x1xf32>
    %broadcast_in_dim3A_18 = vector.broadcast %broadcast_in_dim3A_17 : vector<1024x1xf32> to vector<1024x128xf32>
    %swap3A_19 = arith.constant 0 : index
    %swap3A_20 = arith.constant 0 : index
    %swap3A_21 = vector.load %arg5[%swap3A_19, %swap3A_20] : memref<1024x128xf32, #tpu.memory_space<vmem>>, vector<1024x128xf32>
    tpu.vector_store %arg5[%swap3A_19, %swap3A_20], %broadcast_in_dim3A_18 {strides = array<i32>} : memref<1024x128xf32, #tpu.memory_space<vmem>>, vector<1024x128xf32>,
    return
  }
  func.func @transform_0(%arg0: i32) -> (i32, i32) {
    %c0_i32 = arith.constant 0 : i32
    %c0_i32_0 = arith.constant 0 : i32
    return %arg0, %c0_i32 : i32, i32
  }
  func.func @transform_1(%arg0: i32) -> (i32, i32) {
    %c0_i32 = arith.constant 0 : i32
    %c0_i32_0 = arith.constant 0 : i32
    %c0_i32_1 = arith.constant 0 : i32
    return %c0_i32, %c0_i32_0 : i32, i32
  }
  func.func @transform_2(%arg0: i32) -> (i32, i32) {
    %c0_i32 = arith.constant 0 : i32
    %c0_i32_0 = arith.constant 0 : i32
    return %c0_i32, %arg0 : i32, i32
  }
  func.func @transform_3(%arg0: i32) -> (i32, i32) {
    %c0_i32 = arith.constant 0 : i32
    %c0_i32_0 = arith.constant 0 : i32
    return %arg0, %c0_i32 : i32, i32
  }
  func.func @transform_4(%arg0: i32) -> (i32, i32) {
    %c0_i32 = arith.constant 0 : i32
    %c0_i32_0 = arith.constant 0 : i32
    return %arg0, %c0_i32 : i32, i32
  }
}

module attributes {stable_mosaic.version = 14 : i64} {
  func.func @_tc_b_body(%arg0: i32, %arg1: memref<2x1024x128xf32, #tpu.memory_space<vmem>>, %arg2: memref<1024x128xf32, #tpu.memory_space<vmem>>, %arg3: memref<1024x128xf32, #tpu.memory_space<vmem>>, %arg4: memref<1x128xf32, #tpu.memory_space<vmem>>, %arg5: memref<128x128xf32, #tpu.memory_space<vmem>>, %arg6: memref<1024x128xf32, #tpu.memory_space<vmem>>) attributes {dimension_semantics = [#tpu.dimension_semantics<arbitrary>], iteration_bounds = array<i64: 10>, scalar_prefetch = 0 : i64, scratch_operands = 0 : i64, tpu.core_type = #tpu.core_type<tc>, window_params = [{transform_indices = @transform_0, window_bounds = array<i64: 2, 1024, 128>}, {transform_indices = @transform_1, window_bounds = array<i64: 1024, 128>}, {transform_indices = @transform_2, window_bounds = array<i64: 1024, 128>}, {pipeline_mode = #tpu.pipeline_mode<synchronous>, transform_indices = @transform_3, window_bounds = array<i64: 1, 128>}, {pipeline_mode = #tpu.pipeline_mode<synchronous>, transform_indices = @transform_4, window_bounds = array<i64: 128, 128>}, {transform_indices = @transform_5, window_bounds = array<i64: 1024, 128>}]} {
    %get3A = arith.constant 0 : index
    %get3A_0 = arith.constant 0 : index
    %get3A_1 = arith.constant 0 : index
    %get3A_2 = vector.load %arg1[%get3A, %get3A_0, %get3A_1] : memref<2x1024x128xf32, #tpu.memory_space<vmem>>, vector<1x1024x128xf32>
    %get3A_3 = vector.shape_cast %get3A_2 : vector<1x1024x128xf32> to vector<1024x128xf32>
    %get3A_4 = arith.constant 1 : index
    %get3A_5 = arith.constant 0 : index
    %get3A_6 = arith.constant 0 : index
    %get3A_7 = vector.load %arg1[%get3A_4, %get3A_5, %get3A_6] : memref<2x1024x128xf32, #tpu.memory_space<vmem>>, vector<1x1024x128xf32>
    %get3A_8 = vector.shape_cast %get3A_7 : vector<1x1024x128xf32> to vector<1024x128xf32>
    %add3A = arith.addf %get3A_3, %get3A_8 : vector<1024x128xf32>
    %get3A_9 = arith.constant 0 : index
    %get3A_10 = arith.constant 0 : index
    %get3A_11 = vector.load %arg3[%get3A_9, %get3A_10] : memref<1024x128xf32, #tpu.memory_space<vmem>>, vector<1024x128xf32>
    %get3A_12 = arith.constant 0 : index
    %get3A_13 = arith.constant 0 : index
    %get3A_14 = vector.load %arg2[%get3A_12, %get3A_13] : memref<1024x128xf32, #tpu.memory_space<vmem>>, vector<1024x128xf32>
    %add3A_15 = arith.addf %add3A, %get3A_14 : vector<1024x128xf32>
    %mul3A = arith.mulf %get3A_11, %add3A_15 : vector<1024x128xf32>
    %get3A_16 = arith.constant 0 : index
    %get3A_17 = arith.constant 0 : index
    %get3A_18 = vector.load %arg4[%get3A_16, %get3A_17] : memref<1x128xf32, #tpu.memory_space<vmem>>, vector<1x128xf32>
    %add3A_19 = vector.broadcast %get3A_18 : vector<1x128xf32> to vector<1024x128xf32>
    %add3A_20 = arith.addf %mul3A, %add3A_19 : vector<1024x128xf32>
    %max3A = arith.constant 0.000000e+00 : f32
    %max3A_21 = vector.broadcast %max3A : f32 to vector<1024x128xf32>
    %max3A_22 = arith.maximumf %add3A_20, %max3A_21 : vector<1024x128xf32>
    %get3A_23 = arith.constant 0 : index
    %get3A_24 = arith.constant 0 : index
    %get3A_25 = vector.load %arg5[%get3A_23, %get3A_24] : memref<128x128xf32, #tpu.memory_space<vmem>>, vector<128x128xf32>
    %dot_general3A = arith.constant dense<0.000000e+00> : vector<1024x128xf32>
    %dot_general3A_26 = tpu.matmul %max3A_22, %get3A_25, %dot_general3A {dimension_numbers = #tpu.dot_dimension_numbers<[1], [0], [0], [1], [0, 0, 1, 1], [], []>, transpose_lhs_hint = false} : vector<1024x128xf32>, vector<128x128xf32>, vector<1024x128xf32> -> vector<1024x128xf32>
    %get3A_27 = arith.constant 0 : index
    %get3A_28 = arith.constant 0 : index
    %get3A_29 = vector.load %arg3[%get3A_27, %get3A_28] : memref<1024x128xf32, #tpu.memory_space<vmem>>, vector<1024x128xf32>
    %mul3A_30 = arith.mulf %get3A_29, %dot_general3A_26 : vector<1024x128xf32>
    %iota3A = tpu.iota {dimensions = array<i32: 0>} : vector<1024x128xi32>
    %mul3A_31 = arith.constant 1024 : i32
    %mul3A_32 = arith.muli %arg0, %mul3A_31 : i32
    %add3A_33 = vector.broadcast %mul3A_32 : i32 to vector<1024x128xi32>
    %add3A_34 = arith.addi %iota3A, %add3A_33 : vector<1024x128xi32>
    %lt3A = arith.constant 10000 : i32
    %lt3A_35 = vector.broadcast %lt3A : i32 to vector<1024x128xi32>
    %lt3A_36 = arith.cmpi slt, %add3A_34, %lt3A_35 : vector<1024x128xi32>
    %jit3A = arith.constant 0.000000e+00 : f32
    %broadcast_in_dim3A = vector.broadcast %jit3A : f32 to vector<1024x128xf32>
    %select_n3A = arith.select %lt3A_36, %mul3A_30, %broadcast_in_dim3A : vector<1024x128xi1>, vector<1024x128xf32>
    %swap3A = arith.constant 0 : index
    %swap3A_37 = arith.constant 0 : index
    %swap3A_38 = vector.load %arg6[%swap3A, %swap3A_37] : memref<1024x128xf32, #tpu.memory_space<vmem>>, vector<1024x128xf32>
    tpu.vector_store %arg6[%swap3A, %swap3A_37], %select_n3A {strides = array<i32>} : memref<1024x128xf32, #tpu.memory_space<vmem>>, vector<1024x128xf32>,
    return
  }
  func.func @transform_0(%arg0: i32) -> (i32, i32, i32) {
    %c0_i32 = arith.constant 0 : i32
    %c0_i32_0 = arith.constant 0 : i32
    %c0_i32_1 = arith.constant 0 : i32
    return %c0_i32, %arg0, %c0_i32_0 : i32, i32, i32
  }
  func.func @transform_1(%arg0: i32) -> (i32, i32) {
    %c0_i32 = arith.constant 0 : i32
    %c0_i32_0 = arith.constant 0 : i32
    return %arg0, %c0_i32 : i32, i32
  }
  func.func @transform_2(%arg0: i32) -> (i32, i32) {
    %c0_i32 = arith.constant 0 : i32
    %c0_i32_0 = arith.constant 0 : i32
    return %arg0, %c0_i32 : i32, i32
  }
  func.func @transform_3(%arg0: i32) -> (i32, i32) {
    %c0_i32 = arith.constant 0 : i32
    %c0_i32_0 = arith.constant 0 : i32
    %c0_i32_1 = arith.constant 0 : i32
    return %c0_i32, %c0_i32_0 : i32, i32
  }
  func.func @transform_4(%arg0: i32) -> (i32, i32) {
    %c0_i32 = arith.constant 0 : i32
    %c0_i32_0 = arith.constant 0 : i32
    %c0_i32_1 = arith.constant 0 : i32
    return %c0_i32, %c0_i32_0 : i32, i32
  }
  func.func @transform_5(%arg0: i32) -> (i32, i32) {
    %c0_i32 = arith.constant 0 : i32
    %c0_i32_0 = arith.constant 0 : i32
    return %arg0, %c0_i32 : i32, i32
  }
}

module attributes {stable_mosaic.version = 14 : i64} {
  func.func @_tc_c_body(%arg0: i32, %arg1: memref<2x1024x128xf32, #tpu.memory_space<vmem>>, %arg2: memref<1024x128xf32, #tpu.memory_space<vmem>>, %arg3: memref<1024x128xf32, #tpu.memory_space<vmem>>, %arg4: memref<1x128xf32, #tpu.memory_space<vmem>>, %arg5: memref<1024x1xi32, #tpu.memory_space<vmem>>, %arg6: memref<16x128xf32, #tpu.memory_space<vmem>>) attributes {dimension_semantics = [#tpu.dimension_semantics<arbitrary>], iteration_bounds = array<i64: 10>, scalar_prefetch = 0 : i64, scratch_operands = 0 : i64, tpu.core_type = #tpu.core_type<tc>, window_params = [{transform_indices = @transform_0, window_bounds = array<i64: 2, 1024, 128>}, {transform_indices = @transform_1, window_bounds = array<i64: 1024, 128>}, {transform_indices = @transform_2, window_bounds = array<i64: 1024, 128>}, {pipeline_mode = #tpu.pipeline_mode<synchronous>, transform_indices = @transform_3, window_bounds = array<i64: 1, 128>}, {transform_indices = @transform_4, window_bounds = array<i64: 1024, 1>}, {pipeline_mode = #tpu.pipeline_mode<synchronous>, transform_indices = @transform_5, window_bounds = array<i64: 16, 128>}]} {
    %eq3A = arith.constant 0 : i32
    %eq3A_0 = arith.cmpi eq, %arg0, %eq3A : i32
    %convert_element_type3A = arith.extui %eq3A_0 : i1 to i32
    %cond3A = arith.constant 0 : i32
    %cond3A_1 = arith.cmpi ne, %convert_element_type3A, %cond3A : i32
    scf.if %cond3A_1 {
      %broadcast_in_dim3A = arith.constant 0xFF800000 : f32
      %broadcast_in_dim3A_358 = vector.broadcast %broadcast_in_dim3A : f32 to vector<16x128xf32>
      %swap3A = arith.constant 0 : index
      %swap3A_359 = arith.constant 0 : index
      %swap3A_360 = vector.load %arg6[%swap3A, %swap3A_359] : memref<16x128xf32, #tpu.memory_space<vmem>>, vector<16x128xf32>
      tpu.vector_store %arg6[%swap3A, %swap3A_359], %broadcast_in_dim3A_358 {strides = array<i32>} : memref<16x128xf32, #tpu.memory_space<vmem>>, vector<16x128xf32>,
    } else {
    }
    %get3A = arith.constant 0 : index
    %get3A_2 = arith.constant 0 : index
    %get3A_3 = arith.constant 0 : index
    %get3A_4 = vector.load %arg1[%get3A, %get3A_2, %get3A_3] : memref<2x1024x128xf32, #tpu.memory_space<vmem>>, vector<1x1024x128xf32>
    %get3A_5 = vector.shape_cast %get3A_4 : vector<1x1024x128xf32> to vector<1024x128xf32>
    %get3A_6 = arith.constant 1 : index
    %get3A_7 = arith.constant 0 : index
    %get3A_8 = arith.constant 0 : index
    %get3A_9 = vector.load %arg1[%get3A_6, %get3A_7, %get3A_8] : memref<2x1024x128xf32, #tpu.memory_space<vmem>>, vector<1x1024x128xf32>
    %get3A_10 = vector.shape_cast %get3A_9 : vector<1x1024x128xf32> to vector<1024x128xf32>
    %add3A = arith.addf %get3A_5, %get3A_10 : vector<1024x128xf32>
    %get3A_11 = arith.constant 0 : index
    %get3A_12 = arith.constant 0 : index
    %get3A_13 = vector.load %arg3[%get3A_11, %get3A_12] : memref<1024x128xf32, #tpu.memory_space<vmem>>, vector<1024x128xf32>
    %get3A_14 = arith.constant 0 : index
    %get3A_15 = arith.constant 0 : index
    %get3A_16 = vector.load %arg2[%get3A_14, %get3A_15] : memref<1024x128xf32, #tpu.memory_space<vmem>>, vector<1024x128xf32>
    %add3A_17 = arith.addf %add3A, %get3A_16 : vector<1024x128xf32>
    %mul3A = arith.mulf %get3A_13, %add3A_17 : vector<1024x128xf32>
    %get3A_18 = arith.constant 0 : index
    %get3A_19 = arith.constant 0 : index
    %get3A_20 = vector.load %arg4[%get3A_18, %get3A_19] : memref<1x128xf32, #tpu.memory_space<vmem>>, vector<1x128xf32>
    %add3A_21 = vector.broadcast %get3A_20 : vector<1x128xf32> to vector<1024x128xf32>
    %add3A_22 = arith.addf %mul3A, %add3A_21 : vector<1024x128xf32>
    %get3A_23 = arith.constant 0 : index
    %get3A_24 = arith.constant 0 : index
    %get3A_25 = vector.load %arg5[%get3A_23, %get3A_24] : memref<1024x1xi32, #tpu.memory_space<vmem>>, vector<1024x1xi32>
    %slice3A = vector.extract_strided_slice %add3A_22 {offsets = [0, 0], sizes = [64, 128], strides = [1, 1]} : vector<1024x128xf32> to vector<64x128xf32>
    %slice3A_26 = vector.extract_strided_slice %get3A_25 {offsets = [0, 0], sizes = [64, 1], strides = [1, 1]} : vector<1024x1xi32> to vector<64x1xi32>
    %get3A_27 = arith.constant 0 : index
    %get3A_28 = arith.constant 0 : index
    %get3A_29 = vector.load %arg5[%get3A_27, %get3A_28] : memref<1024x1xi32, #tpu.memory_space<vmem>>, vector<1x1xi32>
    %get3A_30 = vector.extract %get3A_29[0, 0] : i32 from vector<1x1xi32>
    %get3A_31 = arith.constant 63 : index
    %get3A_32 = arith.constant 0 : index
    %get3A_33 = vector.load %arg5[%get3A_31, %get3A_32] : memref<1024x1xi32, #tpu.memory_space<vmem>>, vector<1x1xi32>
    %get3A_34 = vector.extract %get3A_33[0, 0] : i32 from vector<1x1xi32>
    %eq3A_35 = arith.cmpi eq, %get3A_30, %get3A_34 : i32
    %lt3A = arith.constant 16 : i32
    %lt3A_36 = arith.cmpi slt, %get3A_30, %lt3A : i32
    %and3A = arith.andi %eq3A_35, %lt3A_36 : i1
    %convert_element_type3A_37 = arith.extui %and3A : i1 to i32
    %cond3A_38 = arith.constant 0 : i32
    %cond3A_39 = arith.cmpi ne, %convert_element_type3A_37, %cond3A_38 : i32
    scf.if %cond3A_39 {
      %reduce_max3A = arith.constant dense<0xFF800000> : vector<128xf32>
      %reduce_max3A_358 = vector.multi_reduction <maximumf>, %slice3A, %reduce_max3A [0] : vector<64x128xf32> to vector<128xf32>
      %broadcast_in_dim3A = vector.shape_cast %reduce_max3A_358 : vector<128xf32> to vector<1x128xf32>
      %get3A_359 = arith.index_cast %get3A_30 : i32 to index
      %get3A_360 = arith.constant 0 : index
      %get3A_361 = vector.load %arg6[%get3A_359, %get3A_360] : memref<16x128xf32, #tpu.memory_space<vmem>>, vector<1x128xf32>
      %max3A = arith.maximumf %get3A_361, %broadcast_in_dim3A : vector<1x128xf32>
      %swap3A = arith.index_cast %get3A_30 : i32 to index
      %swap3A_362 = arith.constant 0 : index
      %swap3A_363 = vector.load %arg6[%swap3A, %swap3A_362] : memref<16x128xf32, #tpu.memory_space<vmem>>, vector<1x128xf32>
      tpu.vector_store %arg6[%swap3A, %swap3A_362], %max3A {strides = array<i32>} : memref<16x128xf32, #tpu.memory_space<vmem>>, vector<1x128xf32>,
    } else {
    }
    %ne3A = arith.cmpi ne, %get3A_30, %get3A_34 : i32
    %convert_element_type3A_40 = arith.extui %ne3A : i1 to i32
    %cond3A_41 = arith.constant 0 : i32
    %cond3A_42 = arith.cmpi ne, %convert_element_type3A_40, %cond3A_41 : i32
    scf.if %cond3A_42 {
      %eq3A_358 = arith.constant 0 : i32
      %eq3A_359 = vector.broadcast %eq3A_358 : i32 to vector<64x1xi32>
      %eq3A_360 = arith.cmpi eq, %slice3A_26, %eq3A_359 : vector<64x1xi32>
      %jit3A = arith.constant 0xFF800000 : f32
      %broadcast_in_dim3A = vector.shape_cast %eq3A_360 : vector<64x1xi1> to vector<64x1xi1>
      %broadcast_in_dim3A_361 = vector.broadcast %broadcast_in_dim3A : vector<64x1xi1> to vector<64x128xi1>
      %broadcast_in_dim3A_362 = vector.broadcast %jit3A : f32 to vector<64x128xf32>
      %select_n3A = arith.select %broadcast_in_dim3A_361, %slice3A, %broadcast_in_dim3A_362 : vector<64x128xi1>, vector<64x128xf32>
      %reduce_max3A = arith.constant dense<0xFF800000> : vector<128xf32>
      %reduce_max3A_363 = vector.multi_reduction <maximumf>, %select_n3A, %reduce_max3A [0] : vector<64x128xf32> to vector<128xf32>
      %broadcast_in_dim3A_364 = vector.shape_cast %reduce_max3A_363 : vector<128xf32> to vector<1x128xf32>
      %eq3A_365 = arith.constant 1 : i32
      %eq3A_366 = vector.broadcast %eq3A_365 : i32 to vector<64x1xi32>
      %eq3A_367 = arith.cmpi eq, %slice3A_26, %eq3A_366 : vector<64x1xi32>
      %jit3A_368 = arith.constant 0xFF800000 : f32
      %broadcast_in_dim3A_369 = vector.shape_cast %eq3A_367 : vector<64x1xi1> to vector<64x1xi1>
      %broadcast_in_dim3A_370 = vector.broadcast %broadcast_in_dim3A_369 : vector<64x1xi1> to vector<64x128xi1>
      %broadcast_in_dim3A_371 = vector.broadcast %jit3A_368 : f32 to vector<64x128xf32>
      %select_n3A_372 = arith.select %broadcast_in_dim3A_370, %slice3A, %broadcast_in_dim3A_371 : vector<64x128xi1>, vector<64x128xf32>
      %reduce_max3A_373 = arith.constant dense<0xFF800000> : vector<128xf32>
      %reduce_max3A_374 = vector.multi_reduction <maximumf>, %select_n3A_372, %reduce_max3A_373 [0] : vector<64x128xf32> to vector<128xf32>
      %broadcast_in_dim3A_375 = vector.shape_cast %reduce_max3A_374 : vector<128xf32> to vector<1x128xf32>
      %eq3A_376 = arith.constant 2 : i32
      %eq3A_377 = vector.broadcast %eq3A_376 : i32 to vector<64x1xi32>
      %eq3A_378 = arith.cmpi eq, %slice3A_26, %eq3A_377 : vector<64x1xi32>
      %jit3A_379 = arith.constant 0xFF800000 : f32
      %broadcast_in_dim3A_380 = vector.shape_cast %eq3A_378 : vector<64x1xi1> to vector<64x1xi1>
      %broadcast_in_dim3A_381 = vector.broadcast %broadcast_in_dim3A_380 : vector<64x1xi1> to vector<64x128xi1>
      %broadcast_in_dim3A_382 = vector.broadcast %jit3A_379 : f32 to vector<64x128xf32>
      %select_n3A_383 = arith.select %broadcast_in_dim3A_381, %slice3A, %broadcast_in_dim3A_382 : vector<64x128xi1>, vector<64x128xf32>
      %reduce_max3A_384 = arith.constant dense<0xFF800000> : vector<128xf32>
      %reduce_max3A_385 = vector.multi_reduction <maximumf>, %select_n3A_383, %reduce_max3A_384 [0] : vector<64x128xf32> to vector<128xf32>
      %broadcast_in_dim3A_386 = vector.shape_cast %reduce_max3A_385 : vector<128xf32> to vector<1x128xf32>
      %eq3A_387 = arith.constant 3 : i32
      %eq3A_388 = vector.broadcast %eq3A_387 : i32 to vector<64x1xi32>
      %eq3A_389 = arith.cmpi eq, %slice3A_26, %eq3A_388 : vector<64x1xi32>
      %jit3A_390 = arith.constant 0xFF800000 : f32
      %broadcast_in_dim3A_391 = vector.shape_cast %eq3A_389 : vector<64x1xi1> to vector<64x1xi1>
      %broadcast_in_dim3A_392 = vector.broadcast %broadcast_in_dim3A_391 : vector<64x1xi1> to vector<64x128xi1>
      %broadcast_in_dim3A_393 = vector.broadcast %jit3A_390 : f32 to vector<64x128xf32>
      %select_n3A_394 = arith.select %broadcast_in_dim3A_392, %slice3A, %broadcast_in_dim3A_393 : vector<64x128xi1>, vector<64x128xf32>
      %reduce_max3A_395 = arith.constant dense<0xFF800000> : vector<128xf32>
      %reduce_max3A_396 = vector.multi_reduction <maximumf>, %select_n3A_394, %reduce_max3A_395 [0] : vector<64x128xf32> to vector<128xf32>
      %broadcast_in_dim3A_397 = vector.shape_cast %reduce_max3A_396 : vector<128xf32> to vector<1x128xf32>
      %eq3A_398 = arith.constant 4 : i32
      %eq3A_399 = vector.broadcast %eq3A_398 : i32 to vector<64x1xi32>
      %eq3A_400 = arith.cmpi eq, %slice3A_26, %eq3A_399 : vector<64x1xi32>
      %jit3A_401 = arith.constant 0xFF800000 : f32
      %broadcast_in_dim3A_402 = vector.shape_cast %eq3A_400 : vector<64x1xi1> to vector<64x1xi1>
      %broadcast_in_dim3A_403 = vector.broadcast %broadcast_in_dim3A_402 : vector<64x1xi1> to vector<64x128xi1>
      %broadcast_in_dim3A_404 = vector.broadcast %jit3A_401 : f32 to vector<64x128xf32>
      %select_n3A_405 = arith.select %broadcast_in_dim3A_403, %slice3A, %broadcast_in_dim3A_404 : vector<64x128xi1>, vector<64x128xf32>
      %reduce_max3A_406 = arith.constant dense<0xFF800000> : vector<128xf32>
      %reduce_max3A_407 = vector.multi_reduction <maximumf>, %select_n3A_405, %reduce_max3A_406 [0] : vector<64x128xf32> to vector<128xf32>
      %broadcast_in_dim3A_408 = vector.shape_cast %reduce_max3A_407 : vector<128xf32> to vector<1x128xf32>
      %eq3A_409 = arith.constant 5 : i32
      %eq3A_410 = vector.broadcast %eq3A_409 : i32 to vector<64x1xi32>
      %eq3A_411 = arith.cmpi eq, %slice3A_26, %eq3A_410 : vector<64x1xi32>
      %jit3A_412 = arith.constant 0xFF800000 : f32
      %broadcast_in_dim3A_413 = vector.shape_cast %eq3A_411 : vector<64x1xi1> to vector<64x1xi1>
      %broadcast_in_dim3A_414 = vector.broadcast %broadcast_in_dim3A_413 : vector<64x1xi1> to vector<64x128xi1>
      %broadcast_in_dim3A_415 = vector.broadcast %jit3A_412 : f32 to vector<64x128xf32>
      %select_n3A_416 = arith.select %broadcast_in_dim3A_414, %slice3A, %broadcast_in_dim3A_415 : vector<64x128xi1>, vector<64x128xf32>
      %reduce_max3A_417 = arith.constant dense<0xFF800000> : vector<128xf32>
      %reduce_max3A_418 = vector.multi_reduction <maximumf>, %select_n3A_416, %reduce_max3A_417 [0] : vector<64x128xf32> to vector<128xf32>
      %broadcast_in_dim3A_419 = vector.shape_cast %reduce_max3A_418 : vector<128xf32> to vector<1x128xf32>
      %eq3A_420 = arith.constant 6 : i32
      %eq3A_421 = vector.broadcast %eq3A_420 : i32 to vector<64x1xi32>
      %eq3A_422 = arith.cmpi eq, %slice3A_26, %eq3A_421 : vector<64x1xi32>
      %jit3A_423 = arith.constant 0xFF800000 : f32
      %broadcast_in_dim3A_424 = vector.shape_cast %eq3A_422 : vector<64x1xi1> to vector<64x1xi1>
      %broadcast_in_dim3A_425 = vector.broadcast %broadcast_in_dim3A_424 : vector<64x1xi1> to vector<64x128xi1>
      %broadcast_in_dim3A_426 = vector.broadcast %jit3A_423 : f32 to vector<64x128xf32>
      %select_n3A_427 = arith.select %broadcast_in_dim3A_425, %slice3A, %broadcast_in_dim3A_426 : vector<64x128xi1>, vector<64x128xf32>
      %reduce_max3A_428 = arith.constant dense<0xFF800000> : vector<128xf32>
      %reduce_max3A_429 = vector.multi_reduction <maximumf>, %select_n3A_427, %reduce_max3A_428 [0] : vector<64x128xf32> to vector<128xf32>
      %broadcast_in_dim3A_430 = vector.shape_cast %reduce_max3A_429 : vector<128xf32> to vector<1x128xf32>
      %eq3A_431 = arith.constant 7 : i32
      %eq3A_432 = vector.broadcast %eq3A_431 : i32 to vector<64x1xi32>
      %eq3A_433 = arith.cmpi eq, %slice3A_26, %eq3A_432 : vector<64x1xi32>
      %jit3A_434 = arith.constant 0xFF800000 : f32
      %broadcast_in_dim3A_435 = vector.shape_cast %eq3A_433 : vector<64x1xi1> to vector<64x1xi1>
      %broadcast_in_dim3A_436 = vector.broadcast %broadcast_in_dim3A_435 : vector<64x1xi1> to vector<64x128xi1>
      %broadcast_in_dim3A_437 = vector.broadcast %jit3A_434 : f32 to vector<64x128xf32>
      %select_n3A_438 = arith.select %broadcast_in_dim3A_436, %slice3A, %broadcast_in_dim3A_437 : vector<64x128xi1>, vector<64x128xf32>
      %reduce_max3A_439 = arith.constant dense<0xFF800000> : vector<128xf32>
      %reduce_max3A_440 = vector.multi_reduction <maximumf>, %select_n3A_438, %reduce_max3A_439 [0] : vector<64x128xf32> to vector<128xf32>
      %broadcast_in_dim3A_441 = vector.shape_cast %reduce_max3A_440 : vector<128xf32> to vector<1x128xf32>
      %eq3A_442 = arith.constant 8 : i32
      %eq3A_443 = vector.broadcast %eq3A_442 : i32 to vector<64x1xi32>
      %eq3A_444 = arith.cmpi eq, %slice3A_26, %eq3A_443 : vector<64x1xi32>
      %jit3A_445 = arith.constant 0xFF800000 : f32
      %broadcast_in_dim3A_446 = vector.shape_cast %eq3A_444 : vector<64x1xi1> to vector<64x1xi1>
      %broadcast_in_dim3A_447 = vector.broadcast %broadcast_in_dim3A_446 : vector<64x1xi1> to vector<64x128xi1>
      %broadcast_in_dim3A_448 = vector.broadcast %jit3A_445 : f32 to vector<64x128xf32>
      %select_n3A_449 = arith.select %broadcast_in_dim3A_447, %slice3A, %broadcast_in_dim3A_448 : vector<64x128xi1>, vector<64x128xf32>
      %reduce_max3A_450 = arith.constant dense<0xFF800000> : vector<128xf32>
      %reduce_max3A_451 = vector.multi_reduction <maximumf>, %select_n3A_449, %reduce_max3A_450 [0] : vector<64x128xf32> to vector<128xf32>
      %broadcast_in_dim3A_452 = vector.shape_cast %reduce_max3A_451 : vector<128xf32> to vector<1x128xf32>
      %eq3A_453 = arith.constant 9 : i32
      %eq3A_454 = vector.broadcast %eq3A_453 : i32 to vector<64x1xi32>
      %eq3A_455 = arith.cmpi eq, %slice3A_26, %eq3A_454 : vector<64x1xi32>
      %jit3A_456 = arith.constant 0xFF800000 : f32
      %broadcast_in_dim3A_457 = vector.shape_cast %eq3A_455 : vector<64x1xi1> to vector<64x1xi1>
      %broadcast_in_dim3A_458 = vector.broadcast %broadcast_in_dim3A_457 : vector<64x1xi1> to vector<64x128xi1>
      %broadcast_in_dim3A_459 = vector.broadcast %jit3A_456 : f32 to vector<64x128xf32>
      %select_n3A_460 = arith.select %broadcast_in_dim3A_458, %slice3A, %broadcast_in_dim3A_459 : vector<64x128xi1>, vector<64x128xf32>
      %reduce_max3A_461 = arith.constant dense<0xFF800000> : vector<128xf32>
      %reduce_max3A_462 = vector.multi_reduction <maximumf>, %select_n3A_460, %reduce_max3A_461 [0] : vector<64x128xf32> to vector<128xf32>
      %broadcast_in_dim3A_463 = vector.shape_cast %reduce_max3A_462 : vector<128xf32> to vector<1x128xf32>
      %eq3A_464 = arith.constant 10 : i32
      %eq3A_465 = vector.broadcast %eq3A_464 : i32 to vector<64x1xi32>
      %eq3A_466 = arith.cmpi eq, %slice3A_26, %eq3A_465 : vector<64x1xi32>
      %jit3A_467 = arith.constant 0xFF800000 : f32
      %broadcast_in_dim3A_468 = vector.shape_cast %eq3A_466 : vector<64x1xi1> to vector<64x1xi1>
      %broadcast_in_dim3A_469 = vector.broadcast %broadcast_in_dim3A_468 : vector<64x1xi1> to vector<64x128xi1>
      %broadcast_in_dim3A_470 = vector.broadcast %jit3A_467 : f32 to vector<64x128xf32>
      %select_n3A_471 = arith.select %broadcast_in_dim3A_469, %slice3A, %broadcast_in_dim3A_470 : vector<64x128xi1>, vector<64x128xf32>
      %reduce_max3A_472 = arith.constant dense<0xFF800000> : vector<128xf32>
      %reduce_max3A_473 = vector.multi_reduction <maximumf>, %select_n3A_471, %reduce_max3A_472 [0] : vector<64x128xf32> to vector<128xf32>
      %broadcast_in_dim3A_474 = vector.shape_cast %reduce_max3A_473 : vector<128xf32> to vector<1x128xf32>
      %eq3A_475 = arith.constant 11 : i32
      %eq3A_476 = vector.broadcast %eq3A_475 : i32 to vector<64x1xi32>
      %eq3A_477 = arith.cmpi eq, %slice3A_26, %eq3A_476 : vector<64x1xi32>
      %jit3A_478 = arith.constant 0xFF800000 : f32
      %broadcast_in_dim3A_479 = vector.shape_cast %eq3A_477 : vector<64x1xi1> to vector<64x1xi1>
      %broadcast_in_dim3A_480 = vector.broadcast %broadcast_in_dim3A_479 : vector<64x1xi1> to vector<64x128xi1>
      %broadcast_in_dim3A_481 = vector.broadcast %jit3A_478 : f32 to vector<64x128xf32>
      %select_n3A_482 = arith.select %broadcast_in_dim3A_480, %slice3A, %broadcast_in_dim3A_481 : vector<64x128xi1>, vector<64x128xf32>
      %reduce_max3A_483 = arith.constant dense<0xFF800000> : vector<128xf32>
      %reduce_max3A_484 = vector.multi_reduction <maximumf>, %select_n3A_482, %reduce_max3A_483 [0] : vector<64x128xf32> to vector<128xf32>
      %broadcast_in_dim3A_485 = vector.shape_cast %reduce_max3A_484 : vector<128xf32> to vector<1x128xf32>
      %eq3A_486 = arith.constant 12 : i32
      %eq3A_487 = vector.broadcast %eq3A_486 : i32 to vector<64x1xi32>
      %eq3A_488 = arith.cmpi eq, %slice3A_26, %eq3A_487 : vector<64x1xi32>
      %jit3A_489 = arith.constant 0xFF800000 : f32
      %broadcast_in_dim3A_490 = vector.shape_cast %eq3A_488 : vector<64x1xi1> to vector<64x1xi1>
      %broadcast_in_dim3A_491 = vector.broadcast %broadcast_in_dim3A_490 : vector<64x1xi1> to vector<64x128xi1>
      %broadcast_in_dim3A_492 = vector.broadcast %jit3A_489 : f32 to vector<64x128xf32>
      %select_n3A_493 = arith.select %broadcast_in_dim3A_491, %slice3A, %broadcast_in_dim3A_492 : vector<64x128xi1>, vector<64x128xf32>
      %reduce_max3A_494 = arith.constant dense<0xFF800000> : vector<128xf32>
      %reduce_max3A_495 = vector.multi_reduction <maximumf>, %select_n3A_493, %reduce_max3A_494 [0] : vector<64x128xf32> to vector<128xf32>
      %broadcast_in_dim3A_496 = vector.shape_cast %reduce_max3A_495 : vector<128xf32> to vector<1x128xf32>
      %eq3A_497 = arith.constant 13 : i32
      %eq3A_498 = vector.broadcast %eq3A_497 : i32 to vector<64x1xi32>
      %eq3A_499 = arith.cmpi eq, %slice3A_26, %eq3A_498 : vector<64x1xi32>
      %jit3A_500 = arith.constant 0xFF800000 : f32
      %broadcast_in_dim3A_501 = vector.shape_cast %eq3A_499 : vector<64x1xi1> to vector<64x1xi1>
      %broadcast_in_dim3A_502 = vector.broadcast %broadcast_in_dim3A_501 : vector<64x1xi1> to vector<64x128xi1>
      %broadcast_in_dim3A_503 = vector.broadcast %jit3A_500 : f32 to vector<64x128xf32>
      %select_n3A_504 = arith.select %broadcast_in_dim3A_502, %slice3A, %broadcast_in_dim3A_503 : vector<64x128xi1>, vector<64x128xf32>
      %reduce_max3A_505 = arith.constant dense<0xFF800000> : vector<128xf32>
      %reduce_max3A_506 = vector.multi_reduction <maximumf>, %select_n3A_504, %reduce_max3A_505 [0] : vector<64x128xf32> to vector<128xf32>
      %broadcast_in_dim3A_507 = vector.shape_cast %reduce_max3A_506 : vector<128xf32> to vector<1x128xf32>
      %eq3A_508 = arith.constant 14 : i32
      %eq3A_509 = vector.broadcast %eq3A_508 : i32 to vector<64x1xi32>
      %eq3A_510 = arith.cmpi eq, %slice3A_26, %eq3A_509 : vector<64x1xi32>
      %jit3A_511 = arith.constant 0xFF800000 : f32
      %broadcast_in_dim3A_512 = vector.shape_cast %eq3A_510 : vector<64x1xi1> to vector<64x1xi1>
      %broadcast_in_dim3A_513 = vector.broadcast %broadcast_in_dim3A_512 : vector<64x1xi1> to vector<64x128xi1>
      %broadcast_in_dim3A_514 = vector.broadcast %jit3A_511 : f32 to vector<64x128xf32>
      %select_n3A_515 = arith.select %broadcast_in_dim3A_513, %slice3A, %broadcast_in_dim3A_514 : vector<64x128xi1>, vector<64x128xf32>
      %reduce_max3A_516 = arith.constant dense<0xFF800000> : vector<128xf32>
      %reduce_max3A_517 = vector.multi_reduction <maximumf>, %select_n3A_515, %reduce_max3A_516 [0] : vector<64x128xf32> to vector<128xf32>
      %broadcast_in_dim3A_518 = vector.shape_cast %reduce_max3A_517 : vector<128xf32> to vector<1x128xf32>
      %eq3A_519 = arith.constant 15 : i32
      %eq3A_520 = vector.broadcast %eq3A_519 : i32 to vector<64x1xi32>
      %eq3A_521 = arith.cmpi eq, %slice3A_26, %eq3A_520 : vector<64x1xi32>
      %jit3A_522 = arith.constant 0xFF800000 : f32
      %broadcast_in_dim3A_523 = vector.shape_cast %eq3A_521 : vector<64x1xi1> to vector<64x1xi1>
      %broadcast_in_dim3A_524 = vector.broadcast %broadcast_in_dim3A_523 : vector<64x1xi1> to vector<64x128xi1>
      %broadcast_in_dim3A_525 = vector.broadcast %jit3A_522 : f32 to vector<64x128xf32>
      %select_n3A_526 = arith.select %broadcast_in_dim3A_524, %slice3A, %broadcast_in_dim3A_525 : vector<64x128xi1>, vector<64x128xf32>
      %reduce_max3A_527 = arith.constant dense<0xFF800000> : vector<128xf32>
      %reduce_max3A_528 = vector.multi_reduction <maximumf>, %select_n3A_526, %reduce_max3A_527 [0] : vector<64x128xf32> to vector<128xf32>
      %broadcast_in_dim3A_529 = vector.shape_cast %reduce_max3A_528 : vector<128xf32> to vector<1x128xf32>
      %concatenate3A = tpu.concatenate %broadcast_in_dim3A_364, %broadcast_in_dim3A_375, %broadcast_in_dim3A_386, %broadcast_in_dim3A_397, %broadcast_in_dim3A_408, %broadcast_in_dim3A_419, %broadcast_in_dim3A_430, %broadcast_in_dim3A_441, %broadcast_in_dim3A_452, %broadcast_in_dim3A_463, %broadcast_in_dim3A_474, %broadcast_in_dim3A_485, %broadcast_in_dim3A_496, %broadcast_in_dim3A_507, %broadcast_in_dim3A_518, %broadcast_in_dim3A_529 in 0 : vector<1x128xf32>, vector<1x128xf32>, vector<1x128xf32>, vector<1x128xf32>, vector<1x128xf32>, vector<1x128xf32>, vector<1x128xf32>, vector<1x128xf32>, vector<1x128xf32>, vector<1x128xf32>, vector<1x128xf32>, vector<1x128xf32>, vector<1x128xf32>, vector<1x128xf32>, vector<1x128xf32>, vector<1x128xf32> -> vector<16x128xf32>
      %get3A_530 = arith.constant 0 : index
      %get3A_531 = arith.constant 0 : index
      %get3A_532 = vector.load %arg6[%get3A_530, %get3A_531] : memref<16x128xf32, #tpu.memory_space<vmem>>, vector<16x128xf32>
      %max3A = arith.maximumf %get3A_532, %concatenate3A : vector<16x128xf32>
      %swap3A = arith.constant 0 : index
      %swap3A_533 = arith.constant 0 : index
      %swap3A_534 = vector.load %arg6[%swap3A, %swap3A_533] : memref<16x128xf32, #tpu.memory_space<vmem>>, vector<16x128xf32>
      tpu.vector_store %arg6[%swap3A, %swap3A_533], %max3A {strides = array<i32>} : memref<16x128xf32, #tpu.memory_space<vmem>>, vector<16x128xf32>,
    } else {
    }
    %slice3A_43 = vector.extract_strided_slice %add3A_22 {offsets = [64, 0], sizes = [64, 128], strides = [1, 1]} : vector<1024x128xf32> to vector<64x128xf32>
    %slice3A_44 = vector.extract_strided_slice %get3A_25 {offsets = [64, 0], sizes = [64, 1], strides = [1, 1]} : vector<1024x1xi32> to vector<64x1xi32>
    %get3A_45 = arith.constant 64 : index
    %get3A_46 = arith.constant 0 : index
    %get3A_47 = vector.load %arg5[%get3A_45, %get3A_46] : memref<1024x1xi32, #tpu.memory_space<vmem>>, vector<1x1xi32>
    %get3A_48 = vector.extract %get3A_47[0, 0] : i32 from vector<1x1xi32>
    %get3A_49 = arith.constant 127 : index
    %get3A_50 = arith.constant 0 : index
    %get3A_51 = vector.load %arg5[%get3A_49, %get3A_50] : memref<1024x1xi32, #tpu.memory_space<vmem>>, vector<1x1xi32>
    %get3A_52 = vector.extract %get3A_51[0, 0] : i32 from vector<1x1xi32>
    %eq3A_53 = arith.cmpi eq, %get3A_48, %get3A_52 : i32
    %lt3A_54 = arith.constant 16 : i32
    %lt3A_55 = arith.cmpi slt, %get3A_48, %lt3A_54 : i32
    %and3A_56 = arith.andi %eq3A_53, %lt3A_55 : i1
    %convert_element_type3A_57 = arith.extui %and3A_56 : i1 to i32
    %cond3A_58 = arith.constant 0 : i32
    %cond3A_59 = arith.cmpi ne, %convert_element_type3A_57, %cond3A_58 : i32
    scf.if %cond3A_59 {
      %reduce_max3A = arith.constant dense<0xFF800000> : vector<128xf32>
      %reduce_max3A_358 = vector.multi_reduction <maximumf>, %slice3A_43, %reduce_max3A [0] : vector<64x128xf32> to vector<128xf32>
      %broadcast_in_dim3A = vector.shape_cast %reduce_max3A_358 : vector<128xf32> to vector<1x128xf32>
      %get3A_359 = arith.index_cast %get3A_48 : i32 to index
      %get3A_360 = arith.constant 0 : index
      %get3A_361 = vector.load %arg6[%get3A_359, %get3A_360] : memref<16x128xf32, #tpu.memory_space<vmem>>, vector<1x128xf32>
      %max3A = arith.maximumf %get3A_361, %broadcast_in_dim3A : vector<1x128xf32>
      %swap3A = arith.index_cast %get3A_48 : i32 to index
      %swap3A_362 = arith.constant 0 : index
      %swap3A_363 = vector.load %arg6[%swap3A, %swap3A_362] : memref<16x128xf32, #tpu.memory_space<vmem>>, vector<1x128xf32>
      tpu.vector_store %arg6[%swap3A, %swap3A_362], %max3A {strides = array<i32>} : memref<16x128xf32, #tpu.memory_space<vmem>>, vector<1x128xf32>,
    } else {
    }
    %ne3A_60 = arith.cmpi ne, %get3A_48, %get3A_52 : i32
    %convert_element_type3A_61 = arith.extui %ne3A_60 : i1 to i32
    %cond3A_62 = arith.constant 0 : i32
    %cond3A_63 = arith.cmpi ne, %convert_element_type3A_61, %cond3A_62 : i32
    scf.if %cond3A_63 {
      %eq3A_358 = arith.constant 0 : i32
      %eq3A_359 = vector.broadcast %eq3A_358 : i32 to vector<64x1xi32>
      %eq3A_360 = arith.cmpi eq, %slice3A_44, %eq3A_359 : vector<64x1xi32>
      %jit3A = arith.constant 0xFF800000 : f32
      %broadcast_in_dim3A = vector.shape_cast %eq3A_360 : vector<64x1xi1> to vector<64x1xi1>
      %broadcast_in_dim3A_361 = vector.broadcast %broadcast_in_dim3A : vector<64x1xi1> to vector<64x128xi1>
      %broadcast_in_dim3A_362 = vector.broadcast %jit3A : f32 to vector<64x128xf32>
      %select_n3A = arith.select %broadcast_in_dim3A_361, %slice3A_43, %broadcast_in_dim3A_362 : vector<64x128xi1>, vector<64x128xf32>
      %reduce_max3A = arith.constant dense<0xFF800000> : vector<128xf32>
      %reduce_max3A_363 = vector.multi_reduction <maximumf>, %select_n3A, %reduce_max3A [0] : vector<64x128xf32> to vector<128xf32>
      %broadcast_in_dim3A_364 = vector.shape_cast %reduce_max3A_363 : vector<128xf32> to vector<1x128xf32>
      %eq3A_365 = arith.constant 1 : i32
      %eq3A_366 = vector.broadcast %eq3A_365 : i32 to vector<64x1xi32>
      %eq3A_367 = arith.cmpi eq, %slice3A_44, %eq3A_366 : vector<64x1xi32>
      %jit3A_368 = arith.constant 0xFF800000 : f32
      %broadcast_in_dim3A_369 = vector.shape_cast %eq3A_367 : vector<64x1xi1> to vector<64x1xi1>
      %broadcast_in_dim3A_370 = vector.broadcast %broadcast_in_dim3A_369 : vector<64x1xi1> to vector<64x128xi1>
      %broadcast_in_dim3A_371 = vector.broadcast %jit3A_368 : f32 to vector<64x128xf32>
      %select_n3A_372 = arith.select %broadcast_in_dim3A_370, %slice3A_43, %broadcast_in_dim3A_371 : vector<64x128xi1>, vector<64x128xf32>
      %reduce_max3A_373 = arith.constant dense<0xFF800000> : vector<128xf32>
      %reduce_max3A_374 = vector.multi_reduction <maximumf>, %select_n3A_372, %reduce_max3A_373 [0] : vector<64x128xf32> to vector<128xf32>
      %broadcast_in_dim3A_375 = vector.shape_cast %reduce_max3A_374 : vector<128xf32> to vector<1x128xf32>
      %eq3A_376 = arith.constant 2 : i32
      %eq3A_377 = vector.broadcast %eq3A_376 : i32 to vector<64x1xi32>
      %eq3A_378 = arith.cmpi eq, %slice3A_44, %eq3A_377 : vector<64x1xi32>
      %jit3A_379 = arith.constant 0xFF800000 : f32
      %broadcast_in_dim3A_380 = vector.shape_cast %eq3A_378 : vector<64x1xi1> to vector<64x1xi1>
      %broadcast_in_dim3A_381 = vector.broadcast %broadcast_in_dim3A_380 : vector<64x1xi1> to vector<64x128xi1>
      %broadcast_in_dim3A_382 = vector.broadcast %jit3A_379 : f32 to vector<64x128xf32>
      %select_n3A_383 = arith.select %broadcast_in_dim3A_381, %slice3A_43, %broadcast_in_dim3A_382 : vector<64x128xi1>, vector<64x128xf32>
      %reduce_max3A_384 = arith.constant dense<0xFF800000> : vector<128xf32>
      %reduce_max3A_385 = vector.multi_reduction <maximumf>, %select_n3A_383, %reduce_max3A_384 [0] : vector<64x128xf32> to vector<128xf32>
      %broadcast_in_dim3A_386 = vector.shape_cast %reduce_max3A_385 : vector<128xf32> to vector<1x128xf32>
      %eq3A_387 = arith.constant 3 : i32
      %eq3A_388 = vector.broadcast %eq3A_387 : i32 to vector<64x1xi32>
      %eq3A_389 = arith.cmpi eq, %slice3A_44, %eq3A_388 : vector<64x1xi32>
      %jit3A_390 = arith.constant 0xFF800000 : f32
      %broadcast_in_dim3A_391 = vector.shape_cast %eq3A_389 : vector<64x1xi1> to vector<64x1xi1>
      %broadcast_in_dim3A_392 = vector.broadcast %broadcast_in_dim3A_391 : vector<64x1xi1> to vector<64x128xi1>
      %broadcast_in_dim3A_393 = vector.broadcast %jit3A_390 : f32 to vector<64x128xf32>
      %select_n3A_394 = arith.select %broadcast_in_dim3A_392, %slice3A_43, %broadcast_in_dim3A_393 : vector<64x128xi1>, vector<64x128xf32>
      %reduce_max3A_395 = arith.constant dense<0xFF800000> : vector<128xf32>
      %reduce_max3A_396 = vector.multi_reduction <maximumf>, %select_n3A_394, %reduce_max3A_395 [0] : vector<64x128xf32> to vector<128xf32>
      %broadcast_in_dim3A_397 = vector.shape_cast %reduce_max3A_396 : vector<128xf32> to vector<1x128xf32>
      %eq3A_398 = arith.constant 4 : i32
      %eq3A_399 = vector.broadcast %eq3A_398 : i32 to vector<64x1xi32>
      %eq3A_400 = arith.cmpi eq, %slice3A_44, %eq3A_399 : vector<64x1xi32>
      %jit3A_401 = arith.constant 0xFF800000 : f32
      %broadcast_in_dim3A_402 = vector.shape_cast %eq3A_400 : vector<64x1xi1> to vector<64x1xi1>
      %broadcast_in_dim3A_403 = vector.broadcast %broadcast_in_dim3A_402 : vector<64x1xi1> to vector<64x128xi1>
      %broadcast_in_dim3A_404 = vector.broadcast %jit3A_401 : f32 to vector<64x128xf32>
      %select_n3A_405 = arith.select %broadcast_in_dim3A_403, %slice3A_43, %broadcast_in_dim3A_404 : vector<64x128xi1>, vector<64x128xf32>
      %reduce_max3A_406 = arith.constant dense<0xFF800000> : vector<128xf32>
      %reduce_max3A_407 = vector.multi_reduction <maximumf>, %select_n3A_405, %reduce_max3A_406 [0] : vector<64x128xf32> to vector<128xf32>
      %broadcast_in_dim3A_408 = vector.shape_cast %reduce_max3A_407 : vector<128xf32> to vector<1x128xf32>
      %eq3A_409 = arith.constant 5 : i32
      %eq3A_410 = vector.broadcast %eq3A_409 : i32 to vector<64x1xi32>
      %eq3A_411 = arith.cmpi eq, %slice3A_44, %eq3A_410 : vector<64x1xi32>
      %jit3A_412 = arith.constant 0xFF800000 : f32
      %broadcast_in_dim3A_413 = vector.shape_cast %eq3A_411 : vector<64x1xi1> to vector<64x1xi1>
      %broadcast_in_dim3A_414 = vector.broadcast %broadcast_in_dim3A_413 : vector<64x1xi1> to vector<64x128xi1>
      %broadcast_in_dim3A_415 = vector.broadcast %jit3A_412 : f32 to vector<64x128xf32>
      %select_n3A_416 = arith.select %broadcast_in_dim3A_414, %slice3A_43, %broadcast_in_dim3A_415 : vector<64x128xi1>, vector<64x128xf32>
      %reduce_max3A_417 = arith.constant dense<0xFF800000> : vector<128xf32>
      %reduce_max3A_418 = vector.multi_reduction <maximumf>, %select_n3A_416, %reduce_max3A_417 [0] : vector<64x128xf32> to vector<128xf32>
      %broadcast_in_dim3A_419 = vector.shape_cast %reduce_max3A_418 : vector<128xf32> to vector<1x128xf32>
      %eq3A_420 = arith.constant 6 : i32
      %eq3A_421 = vector.broadcast %eq3A_420 : i32 to vector<64x1xi32>
      %eq3A_422 = arith.cmpi eq, %slice3A_44, %eq3A_421 : vector<64x1xi32>
      %jit3A_423 = arith.constant 0xFF800000 : f32
      %broadcast_in_dim3A_424 = vector.shape_cast %eq3A_422 : vector<64x1xi1> to vector<64x1xi1>
      %broadcast_in_dim3A_425 = vector.broadcast %broadcast_in_dim3A_424 : vector<64x1xi1> to vector<64x128xi1>
      %broadcast_in_dim3A_426 = vector.broadcast %jit3A_423 : f32 to vector<64x128xf32>
      %select_n3A_427 = arith.select %broadcast_in_dim3A_425, %slice3A_43, %broadcast_in_dim3A_426 : vector<64x128xi1>, vector<64x128xf32>
      %reduce_max3A_428 = arith.constant dense<0xFF800000> : vector<128xf32>
      %reduce_max3A_429 = vector.multi_reduction <maximumf>, %select_n3A_427, %reduce_max3A_428 [0] : vector<64x128xf32> to vector<128xf32>
      %broadcast_in_dim3A_430 = vector.shape_cast %reduce_max3A_429 : vector<128xf32> to vector<1x128xf32>
      %eq3A_431 = arith.constant 7 : i32
      %eq3A_432 = vector.broadcast %eq3A_431 : i32 to vector<64x1xi32>
      %eq3A_433 = arith.cmpi eq, %slice3A_44, %eq3A_432 : vector<64x1xi32>
      %jit3A_434 = arith.constant 0xFF800000 : f32
      %broadcast_in_dim3A_435 = vector.shape_cast %eq3A_433 : vector<64x1xi1> to vector<64x1xi1>
      %broadcast_in_dim3A_436 = vector.broadcast %broadcast_in_dim3A_435 : vector<64x1xi1> to vector<64x128xi1>
      %broadcast_in_dim3A_437 = vector.broadcast %jit3A_434 : f32 to vector<64x128xf32>
      %select_n3A_438 = arith.select %broadcast_in_dim3A_436, %slice3A_43, %broadcast_in_dim3A_437 : vector<64x128xi1>, vector<64x128xf32>
      %reduce_max3A_439 = arith.constant dense<0xFF800000> : vector<128xf32>
      %reduce_max3A_440 = vector.multi_reduction <maximumf>, %select_n3A_438, %reduce_max3A_439 [0] : vector<64x128xf32> to vector<128xf32>
      %broadcast_in_dim3A_441 = vector.shape_cast %reduce_max3A_440 : vector<128xf32> to vector<1x128xf32>
      %eq3A_442 = arith.constant 8 : i32
      %eq3A_443 = vector.broadcast %eq3A_442 : i32 to vector<64x1xi32>
      %eq3A_444 = arith.cmpi eq, %slice3A_44, %eq3A_443 : vector<64x1xi32>
      %jit3A_445 = arith.constant 0xFF800000 : f32
      %broadcast_in_dim3A_446 = vector.shape_cast %eq3A_444 : vector<64x1xi1> to vector<64x1xi1>
      %broadcast_in_dim3A_447 = vector.broadcast %broadcast_in_dim3A_446 : vector<64x1xi1> to vector<64x128xi1>
      %broadcast_in_dim3A_448 = vector.broadcast %jit3A_445 : f32 to vector<64x128xf32>
      %select_n3A_449 = arith.select %broadcast_in_dim3A_447, %slice3A_43, %broadcast_in_dim3A_448 : vector<64x128xi1>, vector<64x128xf32>
      %reduce_max3A_450 = arith.constant dense<0xFF800000> : vector<128xf32>
      %reduce_max3A_451 = vector.multi_reduction <maximumf>, %select_n3A_449, %reduce_max3A_450 [0] : vector<64x128xf32> to vector<128xf32>
      %broadcast_in_dim3A_452 = vector.shape_cast %reduce_max3A_451 : vector<128xf32> to vector<1x128xf32>
      %eq3A_453 = arith.constant 9 : i32
      %eq3A_454 = vector.broadcast %eq3A_453 : i32 to vector<64x1xi32>
      %eq3A_455 = arith.cmpi eq, %slice3A_44, %eq3A_454 : vector<64x1xi32>
      %jit3A_456 = arith.constant 0xFF800000 : f32
      %broadcast_in_dim3A_457 = vector.shape_cast %eq3A_455 : vector<64x1xi1> to vector<64x1xi1>
      %broadcast_in_dim3A_458 = vector.broadcast %broadcast_in_dim3A_457 : vector<64x1xi1> to vector<64x128xi1>
      %broadcast_in_dim3A_459 = vector.broadcast %jit3A_456 : f32 to vector<64x128xf32>
      %select_n3A_460 = arith.select %broadcast_in_dim3A_458, %slice3A_43, %broadcast_in_dim3A_459 : vector<64x128xi1>, vector<64x128xf32>
      %reduce_max3A_461 = arith.constant dense<0xFF800000> : vector<128xf32>
      %reduce_max3A_462 = vector.multi_reduction <maximumf>, %select_n3A_460, %reduce_max3A_461 [0] : vector<64x128xf32> to vector<128xf32>
      %broadcast_in_dim3A_463 = vector.shape_cast %reduce_max3A_462 : vector<128xf32> to vector<1x128xf32>
      %eq3A_464 = arith.constant 10 : i32
      %eq3A_465 = vector.broadcast %eq3A_464 : i32 to vector<64x1xi32>
      %eq3A_466 = arith.cmpi eq, %slice3A_44, %eq3A_465 : vector<64x1xi32>
      %jit3A_467 = arith.constant 0xFF800000 : f32
      %broadcast_in_dim3A_468 = vector.shape_cast %eq3A_466 : vector<64x1xi1> to vector<64x1xi1>
      %broadcast_in_dim3A_469 = vector.broadcast %broadcast_in_dim3A_468 : vector<64x1xi1> to vector<64x128xi1>
      %broadcast_in_dim3A_470 = vector.broadcast %jit3A_467 : f32 to vector<64x128xf32>
      %select_n3A_471 = arith.select %broadcast_in_dim3A_469, %slice3A_43, %broadcast_in_dim3A_470 : vector<64x128xi1>, vector<64x128xf32>
      %reduce_max3A_472 = arith.constant dense<0xFF800000> : vector<128xf32>
      %reduce_max3A_473 = vector.multi_reduction <maximumf>, %select_n3A_471, %reduce_max3A_472 [0] : vector<64x128xf32> to vector<128xf32>
      %broadcast_in_dim3A_474 = vector.shape_cast %reduce_max3A_473 : vector<128xf32> to vector<1x128xf32>
      %eq3A_475 = arith.constant 11 : i32
      %eq3A_476 = vector.broadcast %eq3A_475 : i32 to vector<64x1xi32>
      %eq3A_477 = arith.cmpi eq, %slice3A_44, %eq3A_476 : vector<64x1xi32>
      %jit3A_478 = arith.constant 0xFF800000 : f32
      %broadcast_in_dim3A_479 = vector.shape_cast %eq3A_477 : vector<64x1xi1> to vector<64x1xi1>
      %broadcast_in_dim3A_480 = vector.broadcast %broadcast_in_dim3A_479 : vector<64x1xi1> to vector<64x128xi1>
      %broadcast_in_dim3A_481 = vector.broadcast %jit3A_478 : f32 to vector<64x128xf32>
      %select_n3A_482 = arith.select %broadcast_in_dim3A_480, %slice3A_43, %broadcast_in_dim3A_481 : vector<64x128xi1>, vector<64x128xf32>
      %reduce_max3A_483 = arith.constant dense<0xFF800000> : vector<128xf32>
      %reduce_max3A_484 = vector.multi_reduction <maximumf>, %select_n3A_482, %reduce_max3A_483 [0] : vector<64x128xf32> to vector<128xf32>
      %broadcast_in_dim3A_485 = vector.shape_cast %reduce_max3A_484 : vector<128xf32> to vector<1x128xf32>
      %eq3A_486 = arith.constant 12 : i32
      %eq3A_487 = vector.broadcast %eq3A_486 : i32 to vector<64x1xi32>
      %eq3A_488 = arith.cmpi eq, %slice3A_44, %eq3A_487 : vector<64x1xi32>
      %jit3A_489 = arith.constant 0xFF800000 : f32
      %broadcast_in_dim3A_490 = vector.shape_cast %eq3A_488 : vector<64x1xi1> to vector<64x1xi1>
      %broadcast_in_dim3A_491 = vector.broadcast %broadcast_in_dim3A_490 : vector<64x1xi1> to vector<64x128xi1>
      %broadcast_in_dim3A_492 = vector.broadcast %jit3A_489 : f32 to vector<64x128xf32>
      %select_n3A_493 = arith.select %broadcast_in_dim3A_491, %slice3A_43, %broadcast_in_dim3A_492 : vector<64x128xi1>, vector<64x128xf32>
      %reduce_max3A_494 = arith.constant dense<0xFF800000> : vector<128xf32>
      %reduce_max3A_495 = vector.multi_reduction <maximumf>, %select_n3A_493, %reduce_max3A_494 [0] : vector<64x128xf32> to vector<128xf32>
      %broadcast_in_dim3A_496 = vector.shape_cast %reduce_max3A_495 : vector<128xf32> to vector<1x128xf32>
      %eq3A_497 = arith.constant 13 : i32
      %eq3A_498 = vector.broadcast %eq3A_497 : i32 to vector<64x1xi32>
      %eq3A_499 = arith.cmpi eq, %slice3A_44, %eq3A_498 : vector<64x1xi32>
      %jit3A_500 = arith.constant 0xFF800000 : f32
      %broadcast_in_dim3A_501 = vector.shape_cast %eq3A_499 : vector<64x1xi1> to vector<64x1xi1>
      %broadcast_in_dim3A_502 = vector.broadcast %broadcast_in_dim3A_501 : vector<64x1xi1> to vector<64x128xi1>
      %broadcast_in_dim3A_503 = vector.broadcast %jit3A_500 : f32 to vector<64x128xf32>
      %select_n3A_504 = arith.select %broadcast_in_dim3A_502, %slice3A_43, %broadcast_in_dim3A_503 : vector<64x128xi1>, vector<64x128xf32>
      %reduce_max3A_505 = arith.constant dense<0xFF800000> : vector<128xf32>
      %reduce_max3A_506 = vector.multi_reduction <maximumf>, %select_n3A_504, %reduce_max3A_505 [0] : vector<64x128xf32> to vector<128xf32>
      %broadcast_in_dim3A_507 = vector.shape_cast %reduce_max3A_506 : vector<128xf32> to vector<1x128xf32>
      %eq3A_508 = arith.constant 14 : i32
      %eq3A_509 = vector.broadcast %eq3A_508 : i32 to vector<64x1xi32>
      %eq3A_510 = arith.cmpi eq, %slice3A_44, %eq3A_509 : vector<64x1xi32>
      %jit3A_511 = arith.constant 0xFF800000 : f32
      %broadcast_in_dim3A_512 = vector.shape_cast %eq3A_510 : vector<64x1xi1> to vector<64x1xi1>
      %broadcast_in_dim3A_513 = vector.broadcast %broadcast_in_dim3A_512 : vector<64x1xi1> to vector<64x128xi1>
      %broadcast_in_dim3A_514 = vector.broadcast %jit3A_511 : f32 to vector<64x128xf32>
      %select_n3A_515 = arith.select %broadcast_in_dim3A_513, %slice3A_43, %broadcast_in_dim3A_514 : vector<64x128xi1>, vector<64x128xf32>
      %reduce_max3A_516 = arith.constant dense<0xFF800000> : vector<128xf32>
      %reduce_max3A_517 = vector.multi_reduction <maximumf>, %select_n3A_515, %reduce_max3A_516 [0] : vector<64x128xf32> to vector<128xf32>
      %broadcast_in_dim3A_518 = vector.shape_cast %reduce_max3A_517 : vector<128xf32> to vector<1x128xf32>
      %eq3A_519 = arith.constant 15 : i32
      %eq3A_520 = vector.broadcast %eq3A_519 : i32 to vector<64x1xi32>
      %eq3A_521 = arith.cmpi eq, %slice3A_44, %eq3A_520 : vector<64x1xi32>
      %jit3A_522 = arith.constant 0xFF800000 : f32
      %broadcast_in_dim3A_523 = vector.shape_cast %eq3A_521 : vector<64x1xi1> to vector<64x1xi1>
      %broadcast_in_dim3A_524 = vector.broadcast %broadcast_in_dim3A_523 : vector<64x1xi1> to vector<64x128xi1>
      %broadcast_in_dim3A_525 = vector.broadcast %jit3A_522 : f32 to vector<64x128xf32>
      %select_n3A_526 = arith.select %broadcast_in_dim3A_524, %slice3A_43, %broadcast_in_dim3A_525 : vector<64x128xi1>, vector<64x128xf32>
      %reduce_max3A_527 = arith.constant dense<0xFF800000> : vector<128xf32>
      %reduce_max3A_528 = vector.multi_reduction <maximumf>, %select_n3A_526, %reduce_max3A_527 [0] : vector<64x128xf32> to vector<128xf32>
      %broadcast_in_dim3A_529 = vector.shape_cast %reduce_max3A_528 : vector<128xf32> to vector<1x128xf32>
      %concatenate3A = tpu.concatenate %broadcast_in_dim3A_364, %broadcast_in_dim3A_375, %broadcast_in_dim3A_386, %broadcast_in_dim3A_397, %broadcast_in_dim3A_408, %broadcast_in_dim3A_419, %broadcast_in_dim3A_430, %broadcast_in_dim3A_441, %broadcast_in_dim3A_452, %broadcast_in_dim3A_463, %broadcast_in_dim3A_474, %broadcast_in_dim3A_485, %broadcast_in_dim3A_496, %broadcast_in_dim3A_507, %broadcast_in_dim3A_518, %broadcast_in_dim3A_529 in 0 : vector<1x128xf32>, vector<1x128xf32>, vector<1x128xf32>, vector<1x128xf32>, vector<1x128xf32>, vector<1x128xf32>, vector<1x128xf32>, vector<1x128xf32>, vector<1x128xf32>, vector<1x128xf32>, vector<1x128xf32>, vector<1x128xf32>, vector<1x128xf32>, vector<1x128xf32>, vector<1x128xf32>, vector<1x128xf32> -> vector<16x128xf32>
      %get3A_530 = arith.constant 0 : index
      %get3A_531 = arith.constant 0 : index
      %get3A_532 = vector.load %arg6[%get3A_530, %get3A_531] : memref<16x128xf32, #tpu.memory_space<vmem>>, vector<16x128xf32>
      %max3A = arith.maximumf %get3A_532, %concatenate3A : vector<16x128xf32>
      %swap3A = arith.constant 0 : index
      %swap3A_533 = arith.constant 0 : index
      %swap3A_534 = vector.load %arg6[%swap3A, %swap3A_533] : memref<16x128xf32, #tpu.memory_space<vmem>>, vector<16x128xf32>
      tpu.vector_store %arg6[%swap3A, %swap3A_533], %max3A {strides = array<i32>} : memref<16x128xf32, #tpu.memory_space<vmem>>, vector<16x128xf32>,
    } else {
    }
    %slice3A_64 = vector.extract_strided_slice %add3A_22 {offsets = [128, 0], sizes = [64, 128], strides = [1, 1]} : vector<1024x128xf32> to vector<64x128xf32>
    %slice3A_65 = vector.extract_strided_slice %get3A_25 {offsets = [128, 0], sizes = [64, 1], strides = [1, 1]} : vector<1024x1xi32> to vector<64x1xi32>
    %get3A_66 = arith.constant 128 : index
    %get3A_67 = arith.constant 0 : index
    %get3A_68 = vector.load %arg5[%get3A_66, %get3A_67] : memref<1024x1xi32, #tpu.memory_space<vmem>>, vector<1x1xi32>
    %get3A_69 = vector.extract %get3A_68[0, 0] : i32 from vector<1x1xi32>
    %get3A_70 = arith.constant 191 : index
    %get3A_71 = arith.constant 0 : index
    %get3A_72 = vector.load %arg5[%get3A_70, %get3A_71] : memref<1024x1xi32, #tpu.memory_space<vmem>>, vector<1x1xi32>
    %get3A_73 = vector.extract %get3A_72[0, 0] : i32 from vector<1x1xi32>
    %eq3A_74 = arith.cmpi eq, %get3A_69, %get3A_73 : i32
    %lt3A_75 = arith.constant 16 : i32
    %lt3A_76 = arith.cmpi slt, %get3A_69, %lt3A_75 : i32
    %and3A_77 = arith.andi %eq3A_74, %lt3A_76 : i1
    %convert_element_type3A_78 = arith.extui %and3A_77 : i1 to i32
    %cond3A_79 = arith.constant 0 : i32
    %cond3A_80 = arith.cmpi ne, %convert_element_type3A_78, %cond3A_79 : i32
    scf.if %cond3A_80 {
      %reduce_max3A = arith.constant dense<0xFF800000> : vector<128xf32>
      %reduce_max3A_358 = vector.multi_reduction <maximumf>, %slice3A_64, %reduce_max3A [0] : vector<64x128xf32> to vector<128xf32>
      %broadcast_in_dim3A = vector.shape_cast %reduce_max3A_358 : vector<128xf32> to vector<1x128xf32>
      %get3A_359 = arith.index_cast %get3A_69 : i32 to index
      %get3A_360 = arith.constant 0 : index
      %get3A_361 = vector.load %arg6[%get3A_359, %get3A_360] : memref<16x128xf32, #tpu.memory_space<vmem>>, vector<1x128xf32>
      %max3A = arith.maximumf %get3A_361, %broadcast_in_dim3A : vector<1x128xf32>
      %swap3A = arith.index_cast %get3A_69 : i32 to index
      %swap3A_362 = arith.constant 0 : index
      %swap3A_363 = vector.load %arg6[%swap3A, %swap3A_362] : memref<16x128xf32, #tpu.memory_space<vmem>>, vector<1x128xf32>
      tpu.vector_store %arg6[%swap3A, %swap3A_362], %max3A {strides = array<i32>} : memref<16x128xf32, #tpu.memory_space<vmem>>, vector<1x128xf32>,
    } else {
    }
    %ne3A_81 = arith.cmpi ne, %get3A_69, %get3A_73 : i32
    %convert_element_type3A_82 = arith.extui %ne3A_81 : i1 to i32
    %cond3A_83 = arith.constant 0 : i32
    %cond3A_84 = arith.cmpi ne, %convert_element_type3A_82, %cond3A_83 : i32
    scf.if %cond3A_84 {
      %eq3A_358 = arith.constant 0 : i32
      %eq3A_359 = vector.broadcast %eq3A_358 : i32 to vector<64x1xi32>
      %eq3A_360 = arith.cmpi eq, %slice3A_65, %eq3A_359 : vector<64x1xi32>
      %jit3A = arith.constant 0xFF800000 : f32
      %broadcast_in_dim3A = vector.shape_cast %eq3A_360 : vector<64x1xi1> to vector<64x1xi1>
      %broadcast_in_dim3A_361 = vector.broadcast %broadcast_in_dim3A : vector<64x1xi1> to vector<64x128xi1>
      %broadcast_in_dim3A_362 = vector.broadcast %jit3A : f32 to vector<64x128xf32>
      %select_n3A = arith.select %broadcast_in_dim3A_361, %slice3A_64, %broadcast_in_dim3A_362 : vector<64x128xi1>, vector<64x128xf32>
      %reduce_max3A = arith.constant dense<0xFF800000> : vector<128xf32>
      %reduce_max3A_363 = vector.multi_reduction <maximumf>, %select_n3A, %reduce_max3A [0] : vector<64x128xf32> to vector<128xf32>
      %broadcast_in_dim3A_364 = vector.shape_cast %reduce_max3A_363 : vector<128xf32> to vector<1x128xf32>
      %eq3A_365 = arith.constant 1 : i32
      %eq3A_366 = vector.broadcast %eq3A_365 : i32 to vector<64x1xi32>
      %eq3A_367 = arith.cmpi eq, %slice3A_65, %eq3A_366 : vector<64x1xi32>
      %jit3A_368 = arith.constant 0xFF800000 : f32
      %broadcast_in_dim3A_369 = vector.shape_cast %eq3A_367 : vector<64x1xi1> to vector<64x1xi1>
      %broadcast_in_dim3A_370 = vector.broadcast %broadcast_in_dim3A_369 : vector<64x1xi1> to vector<64x128xi1>
      %broadcast_in_dim3A_371 = vector.broadcast %jit3A_368 : f32 to vector<64x128xf32>
      %select_n3A_372 = arith.select %broadcast_in_dim3A_370, %slice3A_64, %broadcast_in_dim3A_371 : vector<64x128xi1>, vector<64x128xf32>
      %reduce_max3A_373 = arith.constant dense<0xFF800000> : vector<128xf32>
      %reduce_max3A_374 = vector.multi_reduction <maximumf>, %select_n3A_372, %reduce_max3A_373 [0] : vector<64x128xf32> to vector<128xf32>
      %broadcast_in_dim3A_375 = vector.shape_cast %reduce_max3A_374 : vector<128xf32> to vector<1x128xf32>
      %eq3A_376 = arith.constant 2 : i32
      %eq3A_377 = vector.broadcast %eq3A_376 : i32 to vector<64x1xi32>
      %eq3A_378 = arith.cmpi eq, %slice3A_65, %eq3A_377 : vector<64x1xi32>
      %jit3A_379 = arith.constant 0xFF800000 : f32
      %broadcast_in_dim3A_380 = vector.shape_cast %eq3A_378 : vector<64x1xi1> to vector<64x1xi1>
      %broadcast_in_dim3A_381 = vector.broadcast %broadcast_in_dim3A_380 : vector<64x1xi1> to vector<64x128xi1>
      %broadcast_in_dim3A_382 = vector.broadcast %jit3A_379 : f32 to vector<64x128xf32>
      %select_n3A_383 = arith.select %broadcast_in_dim3A_381, %slice3A_64, %broadcast_in_dim3A_382 : vector<64x128xi1>, vector<64x128xf32>
      %reduce_max3A_384 = arith.constant dense<0xFF800000> : vector<128xf32>
      %reduce_max3A_385 = vector.multi_reduction <maximumf>, %select_n3A_383, %reduce_max3A_384 [0] : vector<64x128xf32> to vector<128xf32>
      %broadcast_in_dim3A_386 = vector.shape_cast %reduce_max3A_385 : vector<128xf32> to vector<1x128xf32>
      %eq3A_387 = arith.constant 3 : i32
      %eq3A_388 = vector.broadcast %eq3A_387 : i32 to vector<64x1xi32>
      %eq3A_389 = arith.cmpi eq, %slice3A_65, %eq3A_388 : vector<64x1xi32>
      %jit3A_390 = arith.constant 0xFF800000 : f32
      %broadcast_in_dim3A_391 = vector.shape_cast %eq3A_389 : vector<64x1xi1> to vector<64x1xi1>
      %broadcast_in_dim3A_392 = vector.broadcast %broadcast_in_dim3A_391 : vector<64x1xi1> to vector<64x128xi1>
      %broadcast_in_dim3A_393 = vector.broadcast %jit3A_390 : f32 to vector<64x128xf32>
      %select_n3A_394 = arith.select %broadcast_in_dim3A_392, %slice3A_64, %broadcast_in_dim3A_393 : vector<64x128xi1>, vector<64x128xf32>
      %reduce_max3A_395 = arith.constant dense<0xFF800000> : vector<128xf32>
      %reduce_max3A_396 = vector.multi_reduction <maximumf>, %select_n3A_394, %reduce_max3A_395 [0] : vector<64x128xf32> to vector<128xf32>
      %broadcast_in_dim3A_397 = vector.shape_cast %reduce_max3A_396 : vector<128xf32> to vector<1x128xf32>
      %eq3A_398 = arith.constant 4 : i32
      %eq3A_399 = vector.broadcast %eq3A_398 : i32 to vector<64x1xi32>
      %eq3A_400 = arith.cmpi eq, %slice3A_65, %eq3A_399 : vector<64x1xi32>
      %jit3A_401 = arith.constant 0xFF800000 : f32
      %broadcast_in_dim3A_402 = vector.shape_cast %eq3A_400 : vector<64x1xi1> to vector<64x1xi1>
      %broadcast_in_dim3A_403 = vector.broadcast %broadcast_in_dim3A_402 : vector<64x1xi1> to vector<64x128xi1>
      %broadcast_in_dim3A_404 = vector.broadcast %jit3A_401 : f32 to vector<64x128xf32>
      %select_n3A_405 = arith.select %broadcast_in_dim3A_403, %slice3A_64, %broadcast_in_dim3A_404 : vector<64x128xi1>, vector<64x128xf32>
      %reduce_max3A_406 = arith.constant dense<0xFF800000> : vector<128xf32>
      %reduce_max3A_407 = vector.multi_reduction <maximumf>, %select_n3A_405, %reduce_max3A_406 [0] : vector<64x128xf32> to vector<128xf32>
      %broadcast_in_dim3A_408 = vector.shape_cast %reduce_max3A_407 : vector<128xf32> to vector<1x128xf32>
      %eq3A_409 = arith.constant 5 : i32
      %eq3A_410 = vector.broadcast %eq3A_409 : i32 to vector<64x1xi32>
      %eq3A_411 = arith.cmpi eq, %slice3A_65, %eq3A_410 : vector<64x1xi32>
      %jit3A_412 = arith.constant 0xFF800000 : f32
      %broadcast_in_dim3A_413 = vector.shape_cast %eq3A_411 : vector<64x1xi1> to vector<64x1xi1>
      %broadcast_in_dim3A_414 = vector.broadcast %broadcast_in_dim3A_413 : vector<64x1xi1> to vector<64x128xi1>
      %broadcast_in_dim3A_415 = vector.broadcast %jit3A_412 : f32 to vector<64x128xf32>
      %select_n3A_416 = arith.select %broadcast_in_dim3A_414, %slice3A_64, %broadcast_in_dim3A_415 : vector<64x128xi1>, vector<64x128xf32>
      %reduce_max3A_417 = arith.constant dense<0xFF800000> : vector<128xf32>
      %reduce_max3A_418 = vector.multi_reduction <maximumf>, %select_n3A_416, %reduce_max3A_417 [0] : vector<64x128xf32> to vector<128xf32>
      %broadcast_in_dim3A_419 = vector.shape_cast %reduce_max3A_418 : vector<128xf32> to vector<1x128xf32>
      %eq3A_420 = arith.constant 6 : i32
      %eq3A_421 = vector.broadcast %eq3A_420 : i32 to vector<64x1xi32>
      %eq3A_422 = arith.cmpi eq, %slice3A_65, %eq3A_421 : vector<64x1xi32>
      %jit3A_423 = arith.constant 0xFF800000 : f32
      %broadcast_in_dim3A_424 = vector.shape_cast %eq3A_422 : vector<64x1xi1> to vector<64x1xi1>
      %broadcast_in_dim3A_425 = vector.broadcast %broadcast_in_dim3A_424 : vector<64x1xi1> to vector<64x128xi1>
      %broadcast_in_dim3A_426 = vector.broadcast %jit3A_423 : f32 to vector<64x128xf32>
      %select_n3A_427 = arith.select %broadcast_in_dim3A_425, %slice3A_64, %broadcast_in_dim3A_426 : vector<64x128xi1>, vector<64x128xf32>
      %reduce_max3A_428 = arith.constant dense<0xFF800000> : vector<128xf32>
      %reduce_max3A_429 = vector.multi_reduction <maximumf>, %select_n3A_427, %reduce_max3A_428 [0] : vector<64x128xf32> to vector<128xf32>
      %broadcast_in_dim3A_430 = vector.shape_cast %reduce_max3A_429 : vector<128xf32> to vector<1x128xf32>
      %eq3A_431 = arith.constant 7 : i32
      %eq3A_432 = vector.broadcast %eq3A_431 : i32 to vector<64x1xi32>
      %eq3A_433 = arith.cmpi eq, %slice3A_65, %eq3A_432 : vector<64x1xi32>
      %jit3A_434 = arith.constant 0xFF800000 : f32
      %broadcast_in_dim3A_435 = vector.shape_cast %eq3A_433 : vector<64x1xi1> to vector<64x1xi1>
      %broadcast_in_dim3A_436 = vector.broadcast %broadcast_in_dim3A_435 : vector<64x1xi1> to vector<64x128xi1>
      %broadcast_in_dim3A_437 = vector.broadcast %jit3A_434 : f32 to vector<64x128xf32>
      %select_n3A_438 = arith.select %broadcast_in_dim3A_436, %slice3A_64, %broadcast_in_dim3A_437 : vector<64x128xi1>, vector<64x128xf32>
      %reduce_max3A_439 = arith.constant dense<0xFF800000> : vector<128xf32>
      %reduce_max3A_440 = vector.multi_reduction <maximumf>, %select_n3A_438, %reduce_max3A_439 [0] : vector<64x128xf32> to vector<128xf32>
      %broadcast_in_dim3A_441 = vector.shape_cast %reduce_max3A_440 : vector<128xf32> to vector<1x128xf32>
      %eq3A_442 = arith.constant 8 : i32
      %eq3A_443 = vector.broadcast %eq3A_442 : i32 to vector<64x1xi32>
      %eq3A_444 = arith.cmpi eq, %slice3A_65, %eq3A_443 : vector<64x1xi32>
      %jit3A_445 = arith.constant 0xFF800000 : f32
      %broadcast_in_dim3A_446 = vector.shape_cast %eq3A_444 : vector<64x1xi1> to vector<64x1xi1>
      %broadcast_in_dim3A_447 = vector.broadcast %broadcast_in_dim3A_446 : vector<64x1xi1> to vector<64x128xi1>
      %broadcast_in_dim3A_448 = vector.broadcast %jit3A_445 : f32 to vector<64x128xf32>
      %select_n3A_449 = arith.select %broadcast_in_dim3A_447, %slice3A_64, %broadcast_in_dim3A_448 : vector<64x128xi1>, vector<64x128xf32>
      %reduce_max3A_450 = arith.constant dense<0xFF800000> : vector<128xf32>
      %reduce_max3A_451 = vector.multi_reduction <maximumf>, %select_n3A_449, %reduce_max3A_450 [0] : vector<64x128xf32> to vector<128xf32>
      %broadcast_in_dim3A_452 = vector.shape_cast %reduce_max3A_451 : vector<128xf32> to vector<1x128xf32>
      %eq3A_453 = arith.constant 9 : i32
      %eq3A_454 = vector.broadcast %eq3A_453 : i32 to vector<64x1xi32>
      %eq3A_455 = arith.cmpi eq, %slice3A_65, %eq3A_454 : vector<64x1xi32>
      %jit3A_456 = arith.constant 0xFF800000 : f32
      %broadcast_in_dim3A_457 = vector.shape_cast %eq3A_455 : vector<64x1xi1> to vector<64x1xi1>
      %broadcast_in_dim3A_458 = vector.broadcast %broadcast_in_dim3A_457 : vector<64x1xi1> to vector<64x128xi1>
      %broadcast_in_dim3A_459 = vector.broadcast %jit3A_456 : f32 to vector<64x128xf32>
      %select_n3A_460 = arith.select %broadcast_in_dim3A_458, %slice3A_64, %broadcast_in_dim3A_459 : vector<64x128xi1>, vector<64x128xf32>
      %reduce_max3A_461 = arith.constant dense<0xFF800000> : vector<128xf32>
      %reduce_max3A_462 = vector.multi_reduction <maximumf>, %select_n3A_460, %reduce_max3A_461 [0] : vector<64x128xf32> to vector<128xf32>
      %broadcast_in_dim3A_463 = vector.shape_cast %reduce_max3A_462 : vector<128xf32> to vector<1x128xf32>
      %eq3A_464 = arith.constant 10 : i32
      %eq3A_465 = vector.broadcast %eq3A_464 : i32 to vector<64x1xi32>
      %eq3A_466 = arith.cmpi eq, %slice3A_65, %eq3A_465 : vector<64x1xi32>
      %jit3A_467 = arith.constant 0xFF800000 : f32
      %broadcast_in_dim3A_468 = vector.shape_cast %eq3A_466 : vector<64x1xi1> to vector<64x1xi1>
      %broadcast_in_dim3A_469 = vector.broadcast %broadcast_in_dim3A_468 : vector<64x1xi1> to vector<64x128xi1>
      %broadcast_in_dim3A_470 = vector.broadcast %jit3A_467 : f32 to vector<64x128xf32>
      %select_n3A_471 = arith.select %broadcast_in_dim3A_469, %slice3A_64, %broadcast_in_dim3A_470 : vector<64x128xi1>, vector<64x128xf32>
      %reduce_max3A_472 = arith.constant dense<0xFF800000> : vector<128xf32>
      %reduce_max3A_473 = vector.multi_reduction <maximumf>, %select_n3A_471, %reduce_max3A_472 [0] : vector<64x128xf32> to vector<128xf32>
      %broadcast_in_dim3A_474 = vector.shape_cast %reduce_max3A_473 : vector<128xf32> to vector<1x128xf32>
      %eq3A_475 = arith.constant 11 : i32
      %eq3A_476 = vector.broadcast %eq3A_475 : i32 to vector<64x1xi32>
      %eq3A_477 = arith.cmpi eq, %slice3A_65, %eq3A_476 : vector<64x1xi32>
      %jit3A_478 = arith.constant 0xFF800000 : f32
      %broadcast_in_dim3A_479 = vector.shape_cast %eq3A_477 : vector<64x1xi1> to vector<64x1xi1>
      %broadcast_in_dim3A_480 = vector.broadcast %broadcast_in_dim3A_479 : vector<64x1xi1> to vector<64x128xi1>
      %broadcast_in_dim3A_481 = vector.broadcast %jit3A_478 : f32 to vector<64x128xf32>
      %select_n3A_482 = arith.select %broadcast_in_dim3A_480, %slice3A_64, %broadcast_in_dim3A_481 : vector<64x128xi1>, vector<64x128xf32>
      %reduce_max3A_483 = arith.constant dense<0xFF800000> : vector<128xf32>
      %reduce_max3A_484 = vector.multi_reduction <maximumf>, %select_n3A_482, %reduce_max3A_483 [0] : vector<64x128xf32> to vector<128xf32>
      %broadcast_in_dim3A_485 = vector.shape_cast %reduce_max3A_484 : vector<128xf32> to vector<1x128xf32>
      %eq3A_486 = arith.constant 12 : i32
      %eq3A_487 = vector.broadcast %eq3A_486 : i32 to vector<64x1xi32>
      %eq3A_488 = arith.cmpi eq, %slice3A_65, %eq3A_487 : vector<64x1xi32>
      %jit3A_489 = arith.constant 0xFF800000 : f32
      %broadcast_in_dim3A_490 = vector.shape_cast %eq3A_488 : vector<64x1xi1> to vector<64x1xi1>
      %broadcast_in_dim3A_491 = vector.broadcast %broadcast_in_dim3A_490 : vector<64x1xi1> to vector<64x128xi1>
      %broadcast_in_dim3A_492 = vector.broadcast %jit3A_489 : f32 to vector<64x128xf32>
      %select_n3A_493 = arith.select %broadcast_in_dim3A_491, %slice3A_64, %broadcast_in_dim3A_492 : vector<64x128xi1>, vector<64x128xf32>
      %reduce_max3A_494 = arith.constant dense<0xFF800000> : vector<128xf32>
      %reduce_max3A_495 = vector.multi_reduction <maximumf>, %select_n3A_493, %reduce_max3A_494 [0] : vector<64x128xf32> to vector<128xf32>
      %broadcast_in_dim3A_496 = vector.shape_cast %reduce_max3A_495 : vector<128xf32> to vector<1x128xf32>
      %eq3A_497 = arith.constant 13 : i32
      %eq3A_498 = vector.broadcast %eq3A_497 : i32 to vector<64x1xi32>
      %eq3A_499 = arith.cmpi eq, %slice3A_65, %eq3A_498 : vector<64x1xi32>
      %jit3A_500 = arith.constant 0xFF800000 : f32
      %broadcast_in_dim3A_501 = vector.shape_cast %eq3A_499 : vector<64x1xi1> to vector<64x1xi1>
      %broadcast_in_dim3A_502 = vector.broadcast %broadcast_in_dim3A_501 : vector<64x1xi1> to vector<64x128xi1>
      %broadcast_in_dim3A_503 = vector.broadcast %jit3A_500 : f32 to vector<64x128xf32>
      %select_n3A_504 = arith.select %broadcast_in_dim3A_502, %slice3A_64, %broadcast_in_dim3A_503 : vector<64x128xi1>, vector<64x128xf32>
      %reduce_max3A_505 = arith.constant dense<0xFF800000> : vector<128xf32>
      %reduce_max3A_506 = vector.multi_reduction <maximumf>, %select_n3A_504, %reduce_max3A_505 [0] : vector<64x128xf32> to vector<128xf32>
      %broadcast_in_dim3A_507 = vector.shape_cast %reduce_max3A_506 : vector<128xf32> to vector<1x128xf32>
      %eq3A_508 = arith.constant 14 : i32
      %eq3A_509 = vector.broadcast %eq3A_508 : i32 to vector<64x1xi32>
      %eq3A_510 = arith.cmpi eq, %slice3A_65, %eq3A_509 : vector<64x1xi32>
      %jit3A_511 = arith.constant 0xFF800000 : f32
      %broadcast_in_dim3A_512 = vector.shape_cast %eq3A_510 : vector<64x1xi1> to vector<64x1xi1>
      %broadcast_in_dim3A_513 = vector.broadcast %broadcast_in_dim3A_512 : vector<64x1xi1> to vector<64x128xi1>
      %broadcast_in_dim3A_514 = vector.broadcast %jit3A_511 : f32 to vector<64x128xf32>
      %select_n3A_515 = arith.select %broadcast_in_dim3A_513, %slice3A_64, %broadcast_in_dim3A_514 : vector<64x128xi1>, vector<64x128xf32>
      %reduce_max3A_516 = arith.constant dense<0xFF800000> : vector<128xf32>
      %reduce_max3A_517 = vector.multi_reduction <maximumf>, %select_n3A_515, %reduce_max3A_516 [0] : vector<64x128xf32> to vector<128xf32>
      %broadcast_in_dim3A_518 = vector.shape_cast %reduce_max3A_517 : vector<128xf32> to vector<1x128xf32>
      %eq3A_519 = arith.constant 15 : i32
      %eq3A_520 = vector.broadcast %eq3A_519 : i32 to vector<64x1xi32>
      %eq3A_521 = arith.cmpi eq, %slice3A_65, %eq3A_520 : vector<64x1xi32>
      %jit3A_522 = arith.constant 0xFF800000 : f32
      %broadcast_in_dim3A_523 = vector.shape_cast %eq3A_521 : vector<64x1xi1> to vector<64x1xi1>
      %broadcast_in_dim3A_524 = vector.broadcast %broadcast_in_dim3A_523 : vector<64x1xi1> to vector<64x128xi1>
      %broadcast_in_dim3A_525 = vector.broadcast %jit3A_522 : f32 to vector<64x128xf32>
      %select_n3A_526 = arith.select %broadcast_in_dim3A_524, %slice3A_64, %broadcast_in_dim3A_525 : vector<64x128xi1>, vector<64x128xf32>
      %reduce_max3A_527 = arith.constant dense<0xFF800000> : vector<128xf32>
      %reduce_max3A_528 = vector.multi_reduction <maximumf>, %select_n3A_526, %reduce_max3A_527 [0] : vector<64x128xf32> to vector<128xf32>
      %broadcast_in_dim3A_529 = vector.shape_cast %reduce_max3A_528 : vector<128xf32> to vector<1x128xf32>
      %concatenate3A = tpu.concatenate %broadcast_in_dim3A_364, %broadcast_in_dim3A_375, %broadcast_in_dim3A_386, %broadcast_in_dim3A_397, %broadcast_in_dim3A_408, %broadcast_in_dim3A_419, %broadcast_in_dim3A_430, %broadcast_in_dim3A_441, %broadcast_in_dim3A_452, %broadcast_in_dim3A_463, %broadcast_in_dim3A_474, %broadcast_in_dim3A_485, %broadcast_in_dim3A_496, %broadcast_in_dim3A_507, %broadcast_in_dim3A_518, %broadcast_in_dim3A_529 in 0 : vector<1x128xf32>, vector<1x128xf32>, vector<1x128xf32>, vector<1x128xf32>, vector<1x128xf32>, vector<1x128xf32>, vector<1x128xf32>, vector<1x128xf32>, vector<1x128xf32>, vector<1x128xf32>, vector<1x128xf32>, vector<1x128xf32>, vector<1x128xf32>, vector<1x128xf32>, vector<1x128xf32>, vector<1x128xf32> -> vector<16x128xf32>
      %get3A_530 = arith.constant 0 : index
      %get3A_531 = arith.constant 0 : index
      %get3A_532 = vector.load %arg6[%get3A_530, %get3A_531] : memref<16x128xf32, #tpu.memory_space<vmem>>, vector<16x128xf32>
      %max3A = arith.maximumf %get3A_532, %concatenate3A : vector<16x128xf32>
      %swap3A = arith.constant 0 : index
      %swap3A_533 = arith.constant 0 : index
      %swap3A_534 = vector.load %arg6[%swap3A, %swap3A_533] : memref<16x128xf32, #tpu.memory_space<vmem>>, vector<16x128xf32>
      tpu.vector_store %arg6[%swap3A, %swap3A_533], %max3A {strides = array<i32>} : memref<16x128xf32, #tpu.memory_space<vmem>>, vector<16x128xf32>,
    } else {
    }
    %slice3A_85 = vector.extract_strided_slice %add3A_22 {offsets = [192, 0], sizes = [64, 128], strides = [1, 1]} : vector<1024x128xf32> to vector<64x128xf32>
    %slice3A_86 = vector.extract_strided_slice %get3A_25 {offsets = [192, 0], sizes = [64, 1], strides = [1, 1]} : vector<1024x1xi32> to vector<64x1xi32>
    %get3A_87 = arith.constant 192 : index
    %get3A_88 = arith.constant 0 : index
    %get3A_89 = vector.load %arg5[%get3A_87, %get3A_88] : memref<1024x1xi32, #tpu.memory_space<vmem>>, vector<1x1xi32>
    %get3A_90 = vector.extract %get3A_89[0, 0] : i32 from vector<1x1xi32>
    %get3A_91 = arith.constant 255 : index
    %get3A_92 = arith.constant 0 : index
    %get3A_93 = vector.load %arg5[%get3A_91, %get3A_92] : memref<1024x1xi32, #tpu.memory_space<vmem>>, vector<1x1xi32>
    %get3A_94 = vector.extract %get3A_93[0, 0] : i32 from vector<1x1xi32>
    %eq3A_95 = arith.cmpi eq, %get3A_90, %get3A_94 : i32
    %lt3A_96 = arith.constant 16 : i32
    %lt3A_97 = arith.cmpi slt, %get3A_90, %lt3A_96 : i32
    %and3A_98 = arith.andi %eq3A_95, %lt3A_97 : i1
    %convert_element_type3A_99 = arith.extui %and3A_98 : i1 to i32
    %cond3A_100 = arith.constant 0 : i32
    %cond3A_101 = arith.cmpi ne, %convert_element_type3A_99, %cond3A_100 : i32
    scf.if %cond3A_101 {
      %reduce_max3A = arith.constant dense<0xFF800000> : vector<128xf32>
      %reduce_max3A_358 = vector.multi_reduction <maximumf>, %slice3A_85, %reduce_max3A [0] : vector<64x128xf32> to vector<128xf32>
      %broadcast_in_dim3A = vector.shape_cast %reduce_max3A_358 : vector<128xf32> to vector<1x128xf32>
      %get3A_359 = arith.index_cast %get3A_90 : i32 to index
      %get3A_360 = arith.constant 0 : index
      %get3A_361 = vector.load %arg6[%get3A_359, %get3A_360] : memref<16x128xf32, #tpu.memory_space<vmem>>, vector<1x128xf32>
      %max3A = arith.maximumf %get3A_361, %broadcast_in_dim3A : vector<1x128xf32>
      %swap3A = arith.index_cast %get3A_90 : i32 to index
      %swap3A_362 = arith.constant 0 : index
      %swap3A_363 = vector.load %arg6[%swap3A, %swap3A_362] : memref<16x128xf32, #tpu.memory_space<vmem>>, vector<1x128xf32>
      tpu.vector_store %arg6[%swap3A, %swap3A_362], %max3A {strides = array<i32>} : memref<16x128xf32, #tpu.memory_space<vmem>>, vector<1x128xf32>,
    } else {
    }
    %ne3A_102 = arith.cmpi ne, %get3A_90, %get3A_94 : i32
    %convert_element_type3A_103 = arith.extui %ne3A_102 : i1 to i32
    %cond3A_104 = arith.constant 0 : i32
    %cond3A_105 = arith.cmpi ne, %convert_element_type3A_103, %cond3A_104 : i32
    scf.if %cond3A_105 {
      %eq3A_358 = arith.constant 0 : i32
      %eq3A_359 = vector.broadcast %eq3A_358 : i32 to vector<64x1xi32>
      %eq3A_360 = arith.cmpi eq, %slice3A_86, %eq3A_359 : vector<64x1xi32>
      %jit3A = arith.constant 0xFF800000 : f32
      %broadcast_in_dim3A = vector.shape_cast %eq3A_360 : vector<64x1xi1> to vector<64x1xi1>
      %broadcast_in_dim3A_361 = vector.broadcast %broadcast_in_dim3A : vector<64x1xi1> to vector<64x128xi1>
      %broadcast_in_dim3A_362 = vector.broadcast %jit3A : f32 to vector<64x128xf32>
      %select_n3A = arith.select %broadcast_in_dim3A_361, %slice3A_85, %broadcast_in_dim3A_362 : vector<64x128xi1>, vector<64x128xf32>
      %reduce_max3A = arith.constant dense<0xFF800000> : vector<128xf32>
      %reduce_max3A_363 = vector.multi_reduction <maximumf>, %select_n3A, %reduce_max3A [0] : vector<64x128xf32> to vector<128xf32>
      %broadcast_in_dim3A_364 = vector.shape_cast %reduce_max3A_363 : vector<128xf32> to vector<1x128xf32>
      %eq3A_365 = arith.constant 1 : i32
      %eq3A_366 = vector.broadcast %eq3A_365 : i32 to vector<64x1xi32>
      %eq3A_367 = arith.cmpi eq, %slice3A_86, %eq3A_366 : vector<64x1xi32>
      %jit3A_368 = arith.constant 0xFF800000 : f32
      %broadcast_in_dim3A_369 = vector.shape_cast %eq3A_367 : vector<64x1xi1> to vector<64x1xi1>
      %broadcast_in_dim3A_370 = vector.broadcast %broadcast_in_dim3A_369 : vector<64x1xi1> to vector<64x128xi1>
      %broadcast_in_dim3A_371 = vector.broadcast %jit3A_368 : f32 to vector<64x128xf32>
      %select_n3A_372 = arith.select %broadcast_in_dim3A_370, %slice3A_85, %broadcast_in_dim3A_371 : vector<64x128xi1>, vector<64x128xf32>
      %reduce_max3A_373 = arith.constant dense<0xFF800000> : vector<128xf32>
      %reduce_max3A_374 = vector.multi_reduction <maximumf>, %select_n3A_372, %reduce_max3A_373 [0] : vector<64x128xf32> to vector<128xf32>
      %broadcast_in_dim3A_375 = vector.shape_cast %reduce_max3A_374 : vector<128xf32> to vector<1x128xf32>
      %eq3A_376 = arith.constant 2 : i32
      %eq3A_377 = vector.broadcast %eq3A_376 : i32 to vector<64x1xi32>
      %eq3A_378 = arith.cmpi eq, %slice3A_86, %eq3A_377 : vector<64x1xi32>
      %jit3A_379 = arith.constant 0xFF800000 : f32
      %broadcast_in_dim3A_380 = vector.shape_cast %eq3A_378 : vector<64x1xi1> to vector<64x1xi1>
      %broadcast_in_dim3A_381 = vector.broadcast %broadcast_in_dim3A_380 : vector<64x1xi1> to vector<64x128xi1>
      %broadcast_in_dim3A_382 = vector.broadcast %jit3A_379 : f32 to vector<64x128xf32>
      %select_n3A_383 = arith.select %broadcast_in_dim3A_381, %slice3A_85, %broadcast_in_dim3A_382 : vector<64x128xi1>, vector<64x128xf32>
      %reduce_max3A_384 = arith.constant dense<0xFF800000> : vector<128xf32>
      %reduce_max3A_385 = vector.multi_reduction <maximumf>, %select_n3A_383, %reduce_max3A_384 [0] : vector<64x128xf32> to vector<128xf32>
      %broadcast_in_dim3A_386 = vector.shape_cast %reduce_max3A_385 : vector<128xf32> to vector<1x128xf32>
      %eq3A_387 = arith.constant 3 : i32
      %eq3A_388 = vector.broadcast %eq3A_387 : i32 to vector<64x1xi32>
      %eq3A_389 = arith.cmpi eq, %slice3A_86, %eq3A_388 : vector<64x1xi32>
      %jit3A_390 = arith.constant 0xFF800000 : f32
      %broadcast_in_dim3A_391 = vector.shape_cast %eq3A_389 : vector<64x1xi1> to vector<64x1xi1>
      %broadcast_in_dim3A_392 = vector.broadcast %broadcast_in_dim3A_391 : vector<64x1xi1> to vector<64x128xi1>
      %broadcast_in_dim3A_393 = vector.broadcast %jit3A_390 : f32 to vector<64x128xf32>
      %select_n3A_394 = arith.select %broadcast_in_dim3A_392, %slice3A_85, %broadcast_in_dim3A_393 : vector<64x128xi1>, vector<64x128xf32>
      %reduce_max3A_395 = arith.constant dense<0xFF800000> : vector<128xf32>
      %reduce_max3A_396 = vector.multi_reduction <maximumf>, %select_n3A_394, %reduce_max3A_395 [0] : vector<64x128xf32> to vector<128xf32>
      %broadcast_in_dim3A_397 = vector.shape_cast %reduce_max3A_396 : vector<128xf32> to vector<1x128xf32>
      %eq3A_398 = arith.constant 4 : i32
      %eq3A_399 = vector.broadcast %eq3A_398 : i32 to vector<64x1xi32>
      %eq3A_400 = arith.cmpi eq, %slice3A_86, %eq3A_399 : vector<64x1xi32>
      %jit3A_401 = arith.constant 0xFF800000 : f32
      %broadcast_in_dim3A_402 = vector.shape_cast %eq3A_400 : vector<64x1xi1> to vector<64x1xi1>
      %broadcast_in_dim3A_403 = vector.broadcast %broadcast_in_dim3A_402 : vector<64x1xi1> to vector<64x128xi1>
      %broadcast_in_dim3A_404 = vector.broadcast %jit3A_401 : f32 to vector<64x128xf32>
      %select_n3A_405 = arith.select %broadcast_in_dim3A_403, %slice3A_85, %broadcast_in_dim3A_404 : vector<64x128xi1>, vector<64x128xf32>
      %reduce_max3A_406 = arith.constant dense<0xFF800000> : vector<128xf32>
      %reduce_max3A_407 = vector.multi_reduction <maximumf>, %select_n3A_405, %reduce_max3A_406 [0] : vector<64x128xf32> to vector<128xf32>
      %broadcast_in_dim3A_408 = vector.shape_cast %reduce_max3A_407 : vector<128xf32> to vector<1x128xf32>
      %eq3A_409 = arith.constant 5 : i32
      %eq3A_410 = vector.broadcast %eq3A_409 : i32 to vector<64x1xi32>
      %eq3A_411 = arith.cmpi eq, %slice3A_86, %eq3A_410 : vector<64x1xi32>
      %jit3A_412 = arith.constant 0xFF800000 : f32
      %broadcast_in_dim3A_413 = vector.shape_cast %eq3A_411 : vector<64x1xi1> to vector<64x1xi1>
      %broadcast_in_dim3A_414 = vector.broadcast %broadcast_in_dim3A_413 : vector<64x1xi1> to vector<64x128xi1>
      %broadcast_in_dim3A_415 = vector.broadcast %jit3A_412 : f32 to vector<64x128xf32>
      %select_n3A_416 = arith.select %broadcast_in_dim3A_414, %slice3A_85, %broadcast_in_dim3A_415 : vector<64x128xi1>, vector<64x128xf32>
      %reduce_max3A_417 = arith.constant dense<0xFF800000> : vector<128xf32>
      %reduce_max3A_418 = vector.multi_reduction <maximumf>, %select_n3A_416, %reduce_max3A_417 [0] : vector<64x128xf32> to vector<128xf32>
      %broadcast_in_dim3A_419 = vector.shape_cast %reduce_max3A_418 : vector<128xf32> to vector<1x128xf32>
      %eq3A_420 = arith.constant 6 : i32
      %eq3A_421 = vector.broadcast %eq3A_420 : i32 to vector<64x1xi32>
      %eq3A_422 = arith.cmpi eq, %slice3A_86, %eq3A_421 : vector<64x1xi32>
      %jit3A_423 = arith.constant 0xFF800000 : f32
      %broadcast_in_dim3A_424 = vector.shape_cast %eq3A_422 : vector<64x1xi1> to vector<64x1xi1>
      %broadcast_in_dim3A_425 = vector.broadcast %broadcast_in_dim3A_424 : vector<64x1xi1> to vector<64x128xi1>
      %broadcast_in_dim3A_426 = vector.broadcast %jit3A_423 : f32 to vector<64x128xf32>
      %select_n3A_427 = arith.select %broadcast_in_dim3A_425, %slice3A_85, %broadcast_in_dim3A_426 : vector<64x128xi1>, vector<64x128xf32>
      %reduce_max3A_428 = arith.constant dense<0xFF800000> : vector<128xf32>
      %reduce_max3A_429 = vector.multi_reduction <maximumf>, %select_n3A_427, %reduce_max3A_428 [0] : vector<64x128xf32> to vector<128xf32>
      %broadcast_in_dim3A_430 = vector.shape_cast %reduce_max3A_429 : vector<128xf32> to vector<1x128xf32>
      %eq3A_431 = arith.constant 7 : i32
      %eq3A_432 = vector.broadcast %eq3A_431 : i32 to vector<64x1xi32>
      %eq3A_433 = arith.cmpi eq, %slice3A_86, %eq3A_432 : vector<64x1xi32>
      %jit3A_434 = arith.constant 0xFF800000 : f32
      %broadcast_in_dim3A_435 = vector.shape_cast %eq3A_433 : vector<64x1xi1> to vector<64x1xi1>
      %broadcast_in_dim3A_436 = vector.broadcast %broadcast_in_dim3A_435 : vector<64x1xi1> to vector<64x128xi1>
      %broadcast_in_dim3A_437 = vector.broadcast %jit3A_434 : f32 to vector<64x128xf32>
      %select_n3A_438 = arith.select %broadcast_in_dim3A_436, %slice3A_85, %broadcast_in_dim3A_437 : vector<64x128xi1>, vector<64x128xf32>
      %reduce_max3A_439 = arith.constant dense<0xFF800000> : vector<128xf32>
      %reduce_max3A_440 = vector.multi_reduction <maximumf>, %select_n3A_438, %reduce_max3A_439 [0] : vector<64x128xf32> to vector<128xf32>
      %broadcast_in_dim3A_441 = vector.shape_cast %reduce_max3A_440 : vector<128xf32> to vector<1x128xf32>
      %eq3A_442 = arith.constant 8 : i32
      %eq3A_443 = vector.broadcast %eq3A_442 : i32 to vector<64x1xi32>
      %eq3A_444 = arith.cmpi eq, %slice3A_86, %eq3A_443 : vector<64x1xi32>
      %jit3A_445 = arith.constant 0xFF800000 : f32
      %broadcast_in_dim3A_446 = vector.shape_cast %eq3A_444 : vector<64x1xi1> to vector<64x1xi1>
      %broadcast_in_dim3A_447 = vector.broadcast %broadcast_in_dim3A_446 : vector<64x1xi1> to vector<64x128xi1>
      %broadcast_in_dim3A_448 = vector.broadcast %jit3A_445 : f32 to vector<64x128xf32>
      %select_n3A_449 = arith.select %broadcast_in_dim3A_447, %slice3A_85, %broadcast_in_dim3A_448 : vector<64x128xi1>, vector<64x128xf32>
      %reduce_max3A_450 = arith.constant dense<0xFF800000> : vector<128xf32>
      %reduce_max3A_451 = vector.multi_reduction <maximumf>, %select_n3A_449, %reduce_max3A_450 [0] : vector<64x128xf32> to vector<128xf32>
      %broadcast_in_dim3A_452 = vector.shape_cast %reduce_max3A_451 : vector<128xf32> to vector<1x128xf32>
      %eq3A_453 = arith.constant 9 : i32
      %eq3A_454 = vector.broadcast %eq3A_453 : i32 to vector<64x1xi32>
      %eq3A_455 = arith.cmpi eq, %slice3A_86, %eq3A_454 : vector<64x1xi32>
      %jit3A_456 = arith.constant 0xFF800000 : f32
      %broadcast_in_dim3A_457 = vector.shape_cast %eq3A_455 : vector<64x1xi1> to vector<64x1xi1>
      %broadcast_in_dim3A_458 = vector.broadcast %broadcast_in_dim3A_457 : vector<64x1xi1> to vector<64x128xi1>
      %broadcast_in_dim3A_459 = vector.broadcast %jit3A_456 : f32 to vector<64x128xf32>
      %select_n3A_460 = arith.select %broadcast_in_dim3A_458, %slice3A_85, %broadcast_in_dim3A_459 : vector<64x128xi1>, vector<64x128xf32>
      %reduce_max3A_461 = arith.constant dense<0xFF800000> : vector<128xf32>
      %reduce_max3A_462 = vector.multi_reduction <maximumf>, %select_n3A_460, %reduce_max3A_461 [0] : vector<64x128xf32> to vector<128xf32>
      %broadcast_in_dim3A_463 = vector.shape_cast %reduce_max3A_462 : vector<128xf32> to vector<1x128xf32>
      %eq3A_464 = arith.constant 10 : i32
      %eq3A_465 = vector.broadcast %eq3A_464 : i32 to vector<64x1xi32>
      %eq3A_466 = arith.cmpi eq, %slice3A_86, %eq3A_465 : vector<64x1xi32>
      %jit3A_467 = arith.constant 0xFF800000 : f32
      %broadcast_in_dim3A_468 = vector.shape_cast %eq3A_466 : vector<64x1xi1> to vector<64x1xi1>
      %broadcast_in_dim3A_469 = vector.broadcast %broadcast_in_dim3A_468 : vector<64x1xi1> to vector<64x128xi1>
      %broadcast_in_dim3A_470 = vector.broadcast %jit3A_467 : f32 to vector<64x128xf32>
      %select_n3A_471 = arith.select %broadcast_in_dim3A_469, %slice3A_85, %broadcast_in_dim3A_470 : vector<64x128xi1>, vector<64x128xf32>
      %reduce_max3A_472 = arith.constant dense<0xFF800000> : vector<128xf32>
      %reduce_max3A_473 = vector.multi_reduction <maximumf>, %select_n3A_471, %reduce_max3A_472 [0] : vector<64x128xf32> to vector<128xf32>
      %broadcast_in_dim3A_474 = vector.shape_cast %reduce_max3A_473 : vector<128xf32> to vector<1x128xf32>
      %eq3A_475 = arith.constant 11 : i32
      %eq3A_476 = vector.broadcast %eq3A_475 : i32 to vector<64x1xi32>
      %eq3A_477 = arith.cmpi eq, %slice3A_86, %eq3A_476 : vector<64x1xi32>
      %jit3A_478 = arith.constant 0xFF800000 : f32
      %broadcast_in_dim3A_479 = vector.shape_cast %eq3A_477 : vector<64x1xi1> to vector<64x1xi1>
      %broadcast_in_dim3A_480 = vector.broadcast %broadcast_in_dim3A_479 : vector<64x1xi1> to vector<64x128xi1>
      %broadcast_in_dim3A_481 = vector.broadcast %jit3A_478 : f32 to vector<64x128xf32>
      %select_n3A_482 = arith.select %broadcast_in_dim3A_480, %slice3A_85, %broadcast_in_dim3A_481 : vector<64x128xi1>, vector<64x128xf32>
      %reduce_max3A_483 = arith.constant dense<0xFF800000> : vector<128xf32>
      %reduce_max3A_484 = vector.multi_reduction <maximumf>, %select_n3A_482, %reduce_max3A_483 [0] : vector<64x128xf32> to vector<128xf32>
      %broadcast_in_dim3A_485 = vector.shape_cast %reduce_max3A_484 : vector<128xf32> to vector<1x128xf32>
      %eq3A_486 = arith.constant 12 : i32
      %eq3A_487 = vector.broadcast %eq3A_486 : i32 to vector<64x1xi32>
      %eq3A_488 = arith.cmpi eq, %slice3A_86, %eq3A_487 : vector<64x1xi32>
      %jit3A_489 = arith.constant 0xFF800000 : f32
      %broadcast_in_dim3A_490 = vector.shape_cast %eq3A_488 : vector<64x1xi1> to vector<64x1xi1>
      %broadcast_in_dim3A_491 = vector.broadcast %broadcast_in_dim3A_490 : vector<64x1xi1> to vector<64x128xi1>
      %broadcast_in_dim3A_492 = vector.broadcast %jit3A_489 : f32 to vector<64x128xf32>
      %select_n3A_493 = arith.select %broadcast_in_dim3A_491, %slice3A_85, %broadcast_in_dim3A_492 : vector<64x128xi1>, vector<64x128xf32>
      %reduce_max3A_494 = arith.constant dense<0xFF800000> : vector<128xf32>
      %reduce_max3A_495 = vector.multi_reduction <maximumf>, %select_n3A_493, %reduce_max3A_494 [0] : vector<64x128xf32> to vector<128xf32>
      %broadcast_in_dim3A_496 = vector.shape_cast %reduce_max3A_495 : vector<128xf32> to vector<1x128xf32>
      %eq3A_497 = arith.constant 13 : i32
      %eq3A_498 = vector.broadcast %eq3A_497 : i32 to vector<64x1xi32>
      %eq3A_499 = arith.cmpi eq, %slice3A_86, %eq3A_498 : vector<64x1xi32>
      %jit3A_500 = arith.constant 0xFF800000 : f32
      %broadcast_in_dim3A_501 = vector.shape_cast %eq3A_499 : vector<64x1xi1> to vector<64x1xi1>
      %broadcast_in_dim3A_502 = vector.broadcast %broadcast_in_dim3A_501 : vector<64x1xi1> to vector<64x128xi1>
      %broadcast_in_dim3A_503 = vector.broadcast %jit3A_500 : f32 to vector<64x128xf32>
      %select_n3A_504 = arith.select %broadcast_in_dim3A_502, %slice3A_85, %broadcast_in_dim3A_503 : vector<64x128xi1>, vector<64x128xf32>
      %reduce_max3A_505 = arith.constant dense<0xFF800000> : vector<128xf32>
      %reduce_max3A_506 = vector.multi_reduction <maximumf>, %select_n3A_504, %reduce_max3A_505 [0] : vector<64x128xf32> to vector<128xf32>
      %broadcast_in_dim3A_507 = vector.shape_cast %reduce_max3A_506 : vector<128xf32> to vector<1x128xf32>
      %eq3A_508 = arith.constant 14 : i32
      %eq3A_509 = vector.broadcast %eq3A_508 : i32 to vector<64x1xi32>
      %eq3A_510 = arith.cmpi eq, %slice3A_86, %eq3A_509 : vector<64x1xi32>
      %jit3A_511 = arith.constant 0xFF800000 : f32
      %broadcast_in_dim3A_512 = vector.shape_cast %eq3A_510 : vector<64x1xi1> to vector<64x1xi1>
      %broadcast_in_dim3A_513 = vector.broadcast %broadcast_in_dim3A_512 : vector<64x1xi1> to vector<64x128xi1>
      %broadcast_in_dim3A_514 = vector.broadcast %jit3A_511 : f32 to vector<64x128xf32>
      %select_n3A_515 = arith.select %broadcast_in_dim3A_513, %slice3A_85, %broadcast_in_dim3A_514 : vector<64x128xi1>, vector<64x128xf32>
      %reduce_max3A_516 = arith.constant dense<0xFF800000> : vector<128xf32>
      %reduce_max3A_517 = vector.multi_reduction <maximumf>, %select_n3A_515, %reduce_max3A_516 [0] : vector<64x128xf32> to vector<128xf32>
      %broadcast_in_dim3A_518 = vector.shape_cast %reduce_max3A_517 : vector<128xf32> to vector<1x128xf32>
      %eq3A_519 = arith.constant 15 : i32
      %eq3A_520 = vector.broadcast %eq3A_519 : i32 to vector<64x1xi32>
      %eq3A_521 = arith.cmpi eq, %slice3A_86, %eq3A_520 : vector<64x1xi32>
      %jit3A_522 = arith.constant 0xFF800000 : f32
      %broadcast_in_dim3A_523 = vector.shape_cast %eq3A_521 : vector<64x1xi1> to vector<64x1xi1>
      %broadcast_in_dim3A_524 = vector.broadcast %broadcast_in_dim3A_523 : vector<64x1xi1> to vector<64x128xi1>
      %broadcast_in_dim3A_525 = vector.broadcast %jit3A_522 : f32 to vector<64x128xf32>
      %select_n3A_526 = arith.select %broadcast_in_dim3A_524, %slice3A_85, %broadcast_in_dim3A_525 : vector<64x128xi1>, vector<64x128xf32>
      %reduce_max3A_527 = arith.constant dense<0xFF800000> : vector<128xf32>
      %reduce_max3A_528 = vector.multi_reduction <maximumf>, %select_n3A_526, %reduce_max3A_527 [0] : vector<64x128xf32> to vector<128xf32>
      %broadcast_in_dim3A_529 = vector.shape_cast %reduce_max3A_528 : vector<128xf32> to vector<1x128xf32>
      %concatenate3A = tpu.concatenate %broadcast_in_dim3A_364, %broadcast_in_dim3A_375, %broadcast_in_dim3A_386, %broadcast_in_dim3A_397, %broadcast_in_dim3A_408, %broadcast_in_dim3A_419, %broadcast_in_dim3A_430, %broadcast_in_dim3A_441, %broadcast_in_dim3A_452, %broadcast_in_dim3A_463, %broadcast_in_dim3A_474, %broadcast_in_dim3A_485, %broadcast_in_dim3A_496, %broadcast_in_dim3A_507, %broadcast_in_dim3A_518, %broadcast_in_dim3A_529 in 0 : vector<1x128xf32>, vector<1x128xf32>, vector<1x128xf32>, vector<1x128xf32>, vector<1x128xf32>, vector<1x128xf32>, vector<1x128xf32>, vector<1x128xf32>, vector<1x128xf32>, vector<1x128xf32>, vector<1x128xf32>, vector<1x128xf32>, vector<1x128xf32>, vector<1x128xf32>, vector<1x128xf32>, vector<1x128xf32> -> vector<16x128xf32>
      %get3A_530 = arith.constant 0 : index
      %get3A_531 = arith.constant 0 : index
      %get3A_532 = vector.load %arg6[%get3A_530, %get3A_531] : memref<16x128xf32, #tpu.memory_space<vmem>>, vector<16x128xf32>
      %max3A = arith.maximumf %get3A_532, %concatenate3A : vector<16x128xf32>
      %swap3A = arith.constant 0 : index
      %swap3A_533 = arith.constant 0 : index
      %swap3A_534 = vector.load %arg6[%swap3A, %swap3A_533] : memref<16x128xf32, #tpu.memory_space<vmem>>, vector<16x128xf32>
      tpu.vector_store %arg6[%swap3A, %swap3A_533], %max3A {strides = array<i32>} : memref<16x128xf32, #tpu.memory_space<vmem>>, vector<16x128xf32>,
    } else {
    }
    %slice3A_106 = vector.extract_strided_slice %add3A_22 {offsets = [256, 0], sizes = [64, 128], strides = [1, 1]} : vector<1024x128xf32> to vector<64x128xf32>
    %slice3A_107 = vector.extract_strided_slice %get3A_25 {offsets = [256, 0], sizes = [64, 1], strides = [1, 1]} : vector<1024x1xi32> to vector<64x1xi32>
    %get3A_108 = arith.constant 256 : index
    %get3A_109 = arith.constant 0 : index
    %get3A_110 = vector.load %arg5[%get3A_108, %get3A_109] : memref<1024x1xi32, #tpu.memory_space<vmem>>, vector<1x1xi32>
    %get3A_111 = vector.extract %get3A_110[0, 0] : i32 from vector<1x1xi32>
    %get3A_112 = arith.constant 319 : index
    %get3A_113 = arith.constant 0 : index
    %get3A_114 = vector.load %arg5[%get3A_112, %get3A_113] : memref<1024x1xi32, #tpu.memory_space<vmem>>, vector<1x1xi32>
    %get3A_115 = vector.extract %get3A_114[0, 0] : i32 from vector<1x1xi32>
    %eq3A_116 = arith.cmpi eq, %get3A_111, %get3A_115 : i32
    %lt3A_117 = arith.constant 16 : i32
    %lt3A_118 = arith.cmpi slt, %get3A_111, %lt3A_117 : i32
    %and3A_119 = arith.andi %eq3A_116, %lt3A_118 : i1
    %convert_element_type3A_120 = arith.extui %and3A_119 : i1 to i32
    %cond3A_121 = arith.constant 0 : i32
    %cond3A_122 = arith.cmpi ne, %convert_element_type3A_120, %cond3A_121 : i32
    scf.if %cond3A_122 {
      %reduce_max3A = arith.constant dense<0xFF800000> : vector<128xf32>
      %reduce_max3A_358 = vector.multi_reduction <maximumf>, %slice3A_106, %reduce_max3A [0] : vector<64x128xf32> to vector<128xf32>
      %broadcast_in_dim3A = vector.shape_cast %reduce_max3A_358 : vector<128xf32> to vector<1x128xf32>
      %get3A_359 = arith.index_cast %get3A_111 : i32 to index
      %get3A_360 = arith.constant 0 : index
      %get3A_361 = vector.load %arg6[%get3A_359, %get3A_360] : memref<16x128xf32, #tpu.memory_space<vmem>>, vector<1x128xf32>
      %max3A = arith.maximumf %get3A_361, %broadcast_in_dim3A : vector<1x128xf32>
      %swap3A = arith.index_cast %get3A_111 : i32 to index
      %swap3A_362 = arith.constant 0 : index
      %swap3A_363 = vector.load %arg6[%swap3A, %swap3A_362] : memref<16x128xf32, #tpu.memory_space<vmem>>, vector<1x128xf32>
      tpu.vector_store %arg6[%swap3A, %swap3A_362], %max3A {strides = array<i32>} : memref<16x128xf32, #tpu.memory_space<vmem>>, vector<1x128xf32>,
    } else {
    }
    %ne3A_123 = arith.cmpi ne, %get3A_111, %get3A_115 : i32
    %convert_element_type3A_124 = arith.extui %ne3A_123 : i1 to i32
    %cond3A_125 = arith.constant 0 : i32
    %cond3A_126 = arith.cmpi ne, %convert_element_type3A_124, %cond3A_125 : i32
    scf.if %cond3A_126 {
      %eq3A_358 = arith.constant 0 : i32
      %eq3A_359 = vector.broadcast %eq3A_358 : i32 to vector<64x1xi32>
      %eq3A_360 = arith.cmpi eq, %slice3A_107, %eq3A_359 : vector<64x1xi32>
      %jit3A = arith.constant 0xFF800000 : f32
      %broadcast_in_dim3A = vector.shape_cast %eq3A_360 : vector<64x1xi1> to vector<64x1xi1>
      %broadcast_in_dim3A_361 = vector.broadcast %broadcast_in_dim3A : vector<64x1xi1> to vector<64x128xi1>
      %broadcast_in_dim3A_362 = vector.broadcast %jit3A : f32 to vector<64x128xf32>
      %select_n3A = arith.select %broadcast_in_dim3A_361, %slice3A_106, %broadcast_in_dim3A_362 : vector<64x128xi1>, vector<64x128xf32>
      %reduce_max3A = arith.constant dense<0xFF800000> : vector<128xf32>
      %reduce_max3A_363 = vector.multi_reduction <maximumf>, %select_n3A, %reduce_max3A [0] : vector<64x128xf32> to vector<128xf32>
      %broadcast_in_dim3A_364 = vector.shape_cast %reduce_max3A_363 : vector<128xf32> to vector<1x128xf32>
      %eq3A_365 = arith.constant 1 : i32
      %eq3A_366 = vector.broadcast %eq3A_365 : i32 to vector<64x1xi32>
      %eq3A_367 = arith.cmpi eq, %slice3A_107, %eq3A_366 : vector<64x1xi32>
      %jit3A_368 = arith.constant 0xFF800000 : f32
      %broadcast_in_dim3A_369 = vector.shape_cast %eq3A_367 : vector<64x1xi1> to vector<64x1xi1>
      %broadcast_in_dim3A_370 = vector.broadcast %broadcast_in_dim3A_369 : vector<64x1xi1> to vector<64x128xi1>
      %broadcast_in_dim3A_371 = vector.broadcast %jit3A_368 : f32 to vector<64x128xf32>
      %select_n3A_372 = arith.select %broadcast_in_dim3A_370, %slice3A_106, %broadcast_in_dim3A_371 : vector<64x128xi1>, vector<64x128xf32>
      %reduce_max3A_373 = arith.constant dense<0xFF800000> : vector<128xf32>
      %reduce_max3A_374 = vector.multi_reduction <maximumf>, %select_n3A_372, %reduce_max3A_373 [0] : vector<64x128xf32> to vector<128xf32>
      %broadcast_in_dim3A_375 = vector.shape_cast %reduce_max3A_374 : vector<128xf32> to vector<1x128xf32>
      %eq3A_376 = arith.constant 2 : i32
      %eq3A_377 = vector.broadcast %eq3A_376 : i32 to vector<64x1xi32>
      %eq3A_378 = arith.cmpi eq, %slice3A_107, %eq3A_377 : vector<64x1xi32>
      %jit3A_379 = arith.constant 0xFF800000 : f32
      %broadcast_in_dim3A_380 = vector.shape_cast %eq3A_378 : vector<64x1xi1> to vector<64x1xi1>
      %broadcast_in_dim3A_381 = vector.broadcast %broadcast_in_dim3A_380 : vector<64x1xi1> to vector<64x128xi1>
      %broadcast_in_dim3A_382 = vector.broadcast %jit3A_379 : f32 to vector<64x128xf32>
      %select_n3A_383 = arith.select %broadcast_in_dim3A_381, %slice3A_106, %broadcast_in_dim3A_382 : vector<64x128xi1>, vector<64x128xf32>
      %reduce_max3A_384 = arith.constant dense<0xFF800000> : vector<128xf32>
      %reduce_max3A_385 = vector.multi_reduction <maximumf>, %select_n3A_383, %reduce_max3A_384 [0] : vector<64x128xf32> to vector<128xf32>
      %broadcast_in_dim3A_386 = vector.shape_cast %reduce_max3A_385 : vector<128xf32> to vector<1x128xf32>
      %eq3A_387 = arith.constant 3 : i32
      %eq3A_388 = vector.broadcast %eq3A_387 : i32 to vector<64x1xi32>
      %eq3A_389 = arith.cmpi eq, %slice3A_107, %eq3A_388 : vector<64x1xi32>
      %jit3A_390 = arith.constant 0xFF800000 : f32
      %broadcast_in_dim3A_391 = vector.shape_cast %eq3A_389 : vector<64x1xi1> to vector<64x1xi1>
      %broadcast_in_dim3A_392 = vector.broadcast %broadcast_in_dim3A_391 : vector<64x1xi1> to vector<64x128xi1>
      %broadcast_in_dim3A_393 = vector.broadcast %jit3A_390 : f32 to vector<64x128xf32>
      %select_n3A_394 = arith.select %broadcast_in_dim3A_392, %slice3A_106, %broadcast_in_dim3A_393 : vector<64x128xi1>, vector<64x128xf32>
      %reduce_max3A_395 = arith.constant dense<0xFF800000> : vector<128xf32>
      %reduce_max3A_396 = vector.multi_reduction <maximumf>, %select_n3A_394, %reduce_max3A_395 [0] : vector<64x128xf32> to vector<128xf32>
      %broadcast_in_dim3A_397 = vector.shape_cast %reduce_max3A_396 : vector<128xf32> to vector<1x128xf32>
      %eq3A_398 = arith.constant 4 : i32
      %eq3A_399 = vector.broadcast %eq3A_398 : i32 to vector<64x1xi32>
      %eq3A_400 = arith.cmpi eq, %slice3A_107, %eq3A_399 : vector<64x1xi32>
      %jit3A_401 = arith.constant 0xFF800000 : f32
      %broadcast_in_dim3A_402 = vector.shape_cast %eq3A_400 : vector<64x1xi1> to vector<64x1xi1>
      %broadcast_in_dim3A_403 = vector.broadcast %broadcast_in_dim3A_402 : vector<64x1xi1> to vector<64x128xi1>
      %broadcast_in_dim3A_404 = vector.broadcast %jit3A_401 : f32 to vector<64x128xf32>
      %select_n3A_405 = arith.select %broadcast_in_dim3A_403, %slice3A_106, %broadcast_in_dim3A_404 : vector<64x128xi1>, vector<64x128xf32>
      %reduce_max3A_406 = arith.constant dense<0xFF800000> : vector<128xf32>
      %reduce_max3A_407 = vector.multi_reduction <maximumf>, %select_n3A_405, %reduce_max3A_406 [0] : vector<64x128xf32> to vector<128xf32>
      %broadcast_in_dim3A_408 = vector.shape_cast %reduce_max3A_407 : vector<128xf32> to vector<1x128xf32>
      %eq3A_409 = arith.constant 5 : i32
      %eq3A_410 = vector.broadcast %eq3A_409 : i32 to vector<64x1xi32>
      %eq3A_411 = arith.cmpi eq, %slice3A_107, %eq3A_410 : vector<64x1xi32>
      %jit3A_412 = arith.constant 0xFF800000 : f32
      %broadcast_in_dim3A_413 = vector.shape_cast %eq3A_411 : vector<64x1xi1> to vector<64x1xi1>
      %broadcast_in_dim3A_414 = vector.broadcast %broadcast_in_dim3A_413 : vector<64x1xi1> to vector<64x128xi1>
      %broadcast_in_dim3A_415 = vector.broadcast %jit3A_412 : f32 to vector<64x128xf32>
      %select_n3A_416 = arith.select %broadcast_in_dim3A_414, %slice3A_106, %broadcast_in_dim3A_415 : vector<64x128xi1>, vector<64x128xf32>
      %reduce_max3A_417 = arith.constant dense<0xFF800000> : vector<128xf32>
      %reduce_max3A_418 = vector.multi_reduction <maximumf>, %select_n3A_416, %reduce_max3A_417 [0] : vector<64x128xf32> to vector<128xf32>
      %broadcast_in_dim3A_419 = vector.shape_cast %reduce_max3A_418 : vector<128xf32> to vector<1x128xf32>
      %eq3A_420 = arith.constant 6 : i32
      %eq3A_421 = vector.broadcast %eq3A_420 : i32 to vector<64x1xi32>
      %eq3A_422 = arith.cmpi eq, %slice3A_107, %eq3A_421 : vector<64x1xi32>
      %jit3A_423 = arith.constant 0xFF800000 : f32
      %broadcast_in_dim3A_424 = vector.shape_cast %eq3A_422 : vector<64x1xi1> to vector<64x1xi1>
      %broadcast_in_dim3A_425 = vector.broadcast %broadcast_in_dim3A_424 : vector<64x1xi1> to vector<64x128xi1>
      %broadcast_in_dim3A_426 = vector.broadcast %jit3A_423 : f32 to vector<64x128xf32>
      %select_n3A_427 = arith.select %broadcast_in_dim3A_425, %slice3A_106, %broadcast_in_dim3A_426 : vector<64x128xi1>, vector<64x128xf32>
      %reduce_max3A_428 = arith.constant dense<0xFF800000> : vector<128xf32>
      %reduce_max3A_429 = vector.multi_reduction <maximumf>, %select_n3A_427, %reduce_max3A_428 [0] : vector<64x128xf32> to vector<128xf32>
      %broadcast_in_dim3A_430 = vector.shape_cast %reduce_max3A_429 : vector<128xf32> to vector<1x128xf32>
      %eq3A_431 = arith.constant 7 : i32
      %eq3A_432 = vector.broadcast %eq3A_431 : i32 to vector<64x1xi32>
      %eq3A_433 = arith.cmpi eq, %slice3A_107, %eq3A_432 : vector<64x1xi32>
      %jit3A_434 = arith.constant 0xFF800000 : f32
      %broadcast_in_dim3A_435 = vector.shape_cast %eq3A_433 : vector<64x1xi1> to vector<64x1xi1>
      %broadcast_in_dim3A_436 = vector.broadcast %broadcast_in_dim3A_435 : vector<64x1xi1> to vector<64x128xi1>
      %broadcast_in_dim3A_437 = vector.broadcast %jit3A_434 : f32 to vector<64x128xf32>
      %select_n3A_438 = arith.select %broadcast_in_dim3A_436, %slice3A_106, %broadcast_in_dim3A_437 : vector<64x128xi1>, vector<64x128xf32>
      %reduce_max3A_439 = arith.constant dense<0xFF800000> : vector<128xf32>
      %reduce_max3A_440 = vector.multi_reduction <maximumf>, %select_n3A_438, %reduce_max3A_439 [0] : vector<64x128xf32> to vector<128xf32>
      %broadcast_in_dim3A_441 = vector.shape_cast %reduce_max3A_440 : vector<128xf32> to vector<1x128xf32>
      %eq3A_442 = arith.constant 8 : i32
      %eq3A_443 = vector.broadcast %eq3A_442 : i32 to vector<64x1xi32>
      %eq3A_444 = arith.cmpi eq, %slice3A_107, %eq3A_443 : vector<64x1xi32>
      %jit3A_445 = arith.constant 0xFF800000 : f32
      %broadcast_in_dim3A_446 = vector.shape_cast %eq3A_444 : vector<64x1xi1> to vector<64x1xi1>
      %broadcast_in_dim3A_447 = vector.broadcast %broadcast_in_dim3A_446 : vector<64x1xi1> to vector<64x128xi1>
      %broadcast_in_dim3A_448 = vector.broadcast %jit3A_445 : f32 to vector<64x128xf32>
      %select_n3A_449 = arith.select %broadcast_in_dim3A_447, %slice3A_106, %broadcast_in_dim3A_448 : vector<64x128xi1>, vector<64x128xf32>
      %reduce_max3A_450 = arith.constant dense<0xFF800000> : vector<128xf32>
      %reduce_max3A_451 = vector.multi_reduction <maximumf>, %select_n3A_449, %reduce_max3A_450 [0] : vector<64x128xf32> to vector<128xf32>
      %broadcast_in_dim3A_452 = vector.shape_cast %reduce_max3A_451 : vector<128xf32> to vector<1x128xf32>
      %eq3A_453 = arith.constant 9 : i32
      %eq3A_454 = vector.broadcast %eq3A_453 : i32 to vector<64x1xi32>
      %eq3A_455 = arith.cmpi eq, %slice3A_107, %eq3A_454 : vector<64x1xi32>
      %jit3A_456 = arith.constant 0xFF800000 : f32
      %broadcast_in_dim3A_457 = vector.shape_cast %eq3A_455 : vector<64x1xi1> to vector<64x1xi1>
      %broadcast_in_dim3A_458 = vector.broadcast %broadcast_in_dim3A_457 : vector<64x1xi1> to vector<64x128xi1>
      %broadcast_in_dim3A_459 = vector.broadcast %jit3A_456 : f32 to vector<64x128xf32>
      %select_n3A_460 = arith.select %broadcast_in_dim3A_458, %slice3A_106, %broadcast_in_dim3A_459 : vector<64x128xi1>, vector<64x128xf32>
      %reduce_max3A_461 = arith.constant dense<0xFF800000> : vector<128xf32>
      %reduce_max3A_462 = vector.multi_reduction <maximumf>, %select_n3A_460, %reduce_max3A_461 [0] : vector<64x128xf32> to vector<128xf32>
      %broadcast_in_dim3A_463 = vector.shape_cast %reduce_max3A_462 : vector<128xf32> to vector<1x128xf32>
      %eq3A_464 = arith.constant 10 : i32
      %eq3A_465 = vector.broadcast %eq3A_464 : i32 to vector<64x1xi32>
      %eq3A_466 = arith.cmpi eq, %slice3A_107, %eq3A_465 : vector<64x1xi32>
      %jit3A_467 = arith.constant 0xFF800000 : f32
      %broadcast_in_dim3A_468 = vector.shape_cast %eq3A_466 : vector<64x1xi1> to vector<64x1xi1>
      %broadcast_in_dim3A_469 = vector.broadcast %broadcast_in_dim3A_468 : vector<64x1xi1> to vector<64x128xi1>
      %broadcast_in_dim3A_470 = vector.broadcast %jit3A_467 : f32 to vector<64x128xf32>
      %select_n3A_471 = arith.select %broadcast_in_dim3A_469, %slice3A_106, %broadcast_in_dim3A_470 : vector<64x128xi1>, vector<64x128xf32>
      %reduce_max3A_472 = arith.constant dense<0xFF800000> : vector<128xf32>
      %reduce_max3A_473 = vector.multi_reduction <maximumf>, %select_n3A_471, %reduce_max3A_472 [0] : vector<64x128xf32> to vector<128xf32>
      %broadcast_in_dim3A_474 = vector.shape_cast %reduce_max3A_473 : vector<128xf32> to vector<1x128xf32>
      %eq3A_475 = arith.constant 11 : i32
      %eq3A_476 = vector.broadcast %eq3A_475 : i32 to vector<64x1xi32>
      %eq3A_477 = arith.cmpi eq, %slice3A_107, %eq3A_476 : vector<64x1xi32>
      %jit3A_478 = arith.constant 0xFF800000 : f32
      %broadcast_in_dim3A_479 = vector.shape_cast %eq3A_477 : vector<64x1xi1> to vector<64x1xi1>
      %broadcast_in_dim3A_480 = vector.broadcast %broadcast_in_dim3A_479 : vector<64x1xi1> to vector<64x128xi1>
      %broadcast_in_dim3A_481 = vector.broadcast %jit3A_478 : f32 to vector<64x128xf32>
      %select_n3A_482 = arith.select %broadcast_in_dim3A_480, %slice3A_106, %broadcast_in_dim3A_481 : vector<64x128xi1>, vector<64x128xf32>
      %reduce_max3A_483 = arith.constant dense<0xFF800000> : vector<128xf32>
      %reduce_max3A_484 = vector.multi_reduction <maximumf>, %select_n3A_482, %reduce_max3A_483 [0] : vector<64x128xf32> to vector<128xf32>
      %broadcast_in_dim3A_485 = vector.shape_cast %reduce_max3A_484 : vector<128xf32> to vector<1x128xf32>
      %eq3A_486 = arith.constant 12 : i32
      %eq3A_487 = vector.broadcast %eq3A_486 : i32 to vector<64x1xi32>
      %eq3A_488 = arith.cmpi eq, %slice3A_107, %eq3A_487 : vector<64x1xi32>
      %jit3A_489 = arith.constant 0xFF800000 : f32
      %broadcast_in_dim3A_490 = vector.shape_cast %eq3A_488 : vector<64x1xi1> to vector<64x1xi1>
      %broadcast_in_dim3A_491 = vector.broadcast %broadcast_in_dim3A_490 : vector<64x1xi1> to vector<64x128xi1>
      %broadcast_in_dim3A_492 = vector.broadcast %jit3A_489 : f32 to vector<64x128xf32>
      %select_n3A_493 = arith.select %broadcast_in_dim3A_491, %slice3A_106, %broadcast_in_dim3A_492 : vector<64x128xi1>, vector<64x128xf32>
      %reduce_max3A_494 = arith.constant dense<0xFF800000> : vector<128xf32>
      %reduce_max3A_495 = vector.multi_reduction <maximumf>, %select_n3A_493, %reduce_max3A_494 [0] : vector<64x128xf32> to vector<128xf32>
      %broadcast_in_dim3A_496 = vector.shape_cast %reduce_max3A_495 : vector<128xf32> to vector<1x128xf32>
      %eq3A_497 = arith.constant 13 : i32
      %eq3A_498 = vector.broadcast %eq3A_497 : i32 to vector<64x1xi32>
      %eq3A_499 = arith.cmpi eq, %slice3A_107, %eq3A_498 : vector<64x1xi32>
      %jit3A_500 = arith.constant 0xFF800000 : f32
      %broadcast_in_dim3A_501 = vector.shape_cast %eq3A_499 : vector<64x1xi1> to vector<64x1xi1>
      %broadcast_in_dim3A_502 = vector.broadcast %broadcast_in_dim3A_501 : vector<64x1xi1> to vector<64x128xi1>
      %broadcast_in_dim3A_503 = vector.broadcast %jit3A_500 : f32 to vector<64x128xf32>
      %select_n3A_504 = arith.select %broadcast_in_dim3A_502, %slice3A_106, %broadcast_in_dim3A_503 : vector<64x128xi1>, vector<64x128xf32>
      %reduce_max3A_505 = arith.constant dense<0xFF800000> : vector<128xf32>
      %reduce_max3A_506 = vector.multi_reduction <maximumf>, %select_n3A_504, %reduce_max3A_505 [0] : vector<64x128xf32> to vector<128xf32>
      %broadcast_in_dim3A_507 = vector.shape_cast %reduce_max3A_506 : vector<128xf32> to vector<1x128xf32>
      %eq3A_508 = arith.constant 14 : i32
      %eq3A_509 = vector.broadcast %eq3A_508 : i32 to vector<64x1xi32>
      %eq3A_510 = arith.cmpi eq, %slice3A_107, %eq3A_509 : vector<64x1xi32>
      %jit3A_511 = arith.constant 0xFF800000 : f32
      %broadcast_in_dim3A_512 = vector.shape_cast %eq3A_510 : vector<64x1xi1> to vector<64x1xi1>
      %broadcast_in_dim3A_513 = vector.broadcast %broadcast_in_dim3A_512 : vector<64x1xi1> to vector<64x128xi1>
      %broadcast_in_dim3A_514 = vector.broadcast %jit3A_511 : f32 to vector<64x128xf32>
      %select_n3A_515 = arith.select %broadcast_in_dim3A_513, %slice3A_106, %broadcast_in_dim3A_514 : vector<64x128xi1>, vector<64x128xf32>
      %reduce_max3A_516 = arith.constant dense<0xFF800000> : vector<128xf32>
      %reduce_max3A_517 = vector.multi_reduction <maximumf>, %select_n3A_515, %reduce_max3A_516 [0] : vector<64x128xf32> to vector<128xf32>
      %broadcast_in_dim3A_518 = vector.shape_cast %reduce_max3A_517 : vector<128xf32> to vector<1x128xf32>
      %eq3A_519 = arith.constant 15 : i32
      %eq3A_520 = vector.broadcast %eq3A_519 : i32 to vector<64x1xi32>
      %eq3A_521 = arith.cmpi eq, %slice3A_107, %eq3A_520 : vector<64x1xi32>
      %jit3A_522 = arith.constant 0xFF800000 : f32
      %broadcast_in_dim3A_523 = vector.shape_cast %eq3A_521 : vector<64x1xi1> to vector<64x1xi1>
      %broadcast_in_dim3A_524 = vector.broadcast %broadcast_in_dim3A_523 : vector<64x1xi1> to vector<64x128xi1>
      %broadcast_in_dim3A_525 = vector.broadcast %jit3A_522 : f32 to vector<64x128xf32>
      %select_n3A_526 = arith.select %broadcast_in_dim3A_524, %slice3A_106, %broadcast_in_dim3A_525 : vector<64x128xi1>, vector<64x128xf32>
      %reduce_max3A_527 = arith.constant dense<0xFF800000> : vector<128xf32>
      %reduce_max3A_528 = vector.multi_reduction <maximumf>, %select_n3A_526, %reduce_max3A_527 [0] : vector<64x128xf32> to vector<128xf32>
      %broadcast_in_dim3A_529 = vector.shape_cast %reduce_max3A_528 : vector<128xf32> to vector<1x128xf32>
      %concatenate3A = tpu.concatenate %broadcast_in_dim3A_364, %broadcast_in_dim3A_375, %broadcast_in_dim3A_386, %broadcast_in_dim3A_397, %broadcast_in_dim3A_408, %broadcast_in_dim3A_419, %broadcast_in_dim3A_430, %broadcast_in_dim3A_441, %broadcast_in_dim3A_452, %broadcast_in_dim3A_463, %broadcast_in_dim3A_474, %broadcast_in_dim3A_485, %broadcast_in_dim3A_496, %broadcast_in_dim3A_507, %broadcast_in_dim3A_518, %broadcast_in_dim3A_529 in 0 : vector<1x128xf32>, vector<1x128xf32>, vector<1x128xf32>, vector<1x128xf32>, vector<1x128xf32>, vector<1x128xf32>, vector<1x128xf32>, vector<1x128xf32>, vector<1x128xf32>, vector<1x128xf32>, vector<1x128xf32>, vector<1x128xf32>, vector<1x128xf32>, vector<1x128xf32>, vector<1x128xf32>, vector<1x128xf32> -> vector<16x128xf32>
      %get3A_530 = arith.constant 0 : index
      %get3A_531 = arith.constant 0 : index
      %get3A_532 = vector.load %arg6[%get3A_530, %get3A_531] : memref<16x128xf32, #tpu.memory_space<vmem>>, vector<16x128xf32>
      %max3A = arith.maximumf %get3A_532, %concatenate3A : vector<16x128xf32>
      %swap3A = arith.constant 0 : index
      %swap3A_533 = arith.constant 0 : index
      %swap3A_534 = vector.load %arg6[%swap3A, %swap3A_533] : memref<16x128xf32, #tpu.memory_space<vmem>>, vector<16x128xf32>
      tpu.vector_store %arg6[%swap3A, %swap3A_533], %max3A {strides = array<i32>} : memref<16x128xf32, #tpu.memory_space<vmem>>, vector<16x128xf32>,
    } else {
    }
    %slice3A_127 = vector.extract_strided_slice %add3A_22 {offsets = [320, 0], sizes = [64, 128], strides = [1, 1]} : vector<1024x128xf32> to vector<64x128xf32>
    %slice3A_128 = vector.extract_strided_slice %get3A_25 {offsets = [320, 0], sizes = [64, 1], strides = [1, 1]} : vector<1024x1xi32> to vector<64x1xi32>
    %get3A_129 = arith.constant 320 : index
    %get3A_130 = arith.constant 0 : index
    %get3A_131 = vector.load %arg5[%get3A_129, %get3A_130] : memref<1024x1xi32, #tpu.memory_space<vmem>>, vector<1x1xi32>
    %get3A_132 = vector.extract %get3A_131[0, 0] : i32 from vector<1x1xi32>
    %get3A_133 = arith.constant 383 : index
    %get3A_134 = arith.constant 0 : index
    %get3A_135 = vector.load %arg5[%get3A_133, %get3A_134] : memref<1024x1xi32, #tpu.memory_space<vmem>>, vector<1x1xi32>
    %get3A_136 = vector.extract %get3A_135[0, 0] : i32 from vector<1x1xi32>
    %eq3A_137 = arith.cmpi eq, %get3A_132, %get3A_136 : i32
    %lt3A_138 = arith.constant 16 : i32
    %lt3A_139 = arith.cmpi slt, %get3A_132, %lt3A_138 : i32
    %and3A_140 = arith.andi %eq3A_137, %lt3A_139 : i1
    %convert_element_type3A_141 = arith.extui %and3A_140 : i1 to i32
    %cond3A_142 = arith.constant 0 : i32
    %cond3A_143 = arith.cmpi ne, %convert_element_type3A_141, %cond3A_142 : i32
    scf.if %cond3A_143 {
      %reduce_max3A = arith.constant dense<0xFF800000> : vector<128xf32>
      %reduce_max3A_358 = vector.multi_reduction <maximumf>, %slice3A_127, %reduce_max3A [0] : vector<64x128xf32> to vector<128xf32>
      %broadcast_in_dim3A = vector.shape_cast %reduce_max3A_358 : vector<128xf32> to vector<1x128xf32>
      %get3A_359 = arith.index_cast %get3A_132 : i32 to index
      %get3A_360 = arith.constant 0 : index
      %get3A_361 = vector.load %arg6[%get3A_359, %get3A_360] : memref<16x128xf32, #tpu.memory_space<vmem>>, vector<1x128xf32>
      %max3A = arith.maximumf %get3A_361, %broadcast_in_dim3A : vector<1x128xf32>
      %swap3A = arith.index_cast %get3A_132 : i32 to index
      %swap3A_362 = arith.constant 0 : index
      %swap3A_363 = vector.load %arg6[%swap3A, %swap3A_362] : memref<16x128xf32, #tpu.memory_space<vmem>>, vector<1x128xf32>
      tpu.vector_store %arg6[%swap3A, %swap3A_362], %max3A {strides = array<i32>} : memref<16x128xf32, #tpu.memory_space<vmem>>, vector<1x128xf32>,
    } else {
    }
    %ne3A_144 = arith.cmpi ne, %get3A_132, %get3A_136 : i32
    %convert_element_type3A_145 = arith.extui %ne3A_144 : i1 to i32
    %cond3A_146 = arith.constant 0 : i32
    %cond3A_147 = arith.cmpi ne, %convert_element_type3A_145, %cond3A_146 : i32
    scf.if %cond3A_147 {
      %eq3A_358 = arith.constant 0 : i32
      %eq3A_359 = vector.broadcast %eq3A_358 : i32 to vector<64x1xi32>
      %eq3A_360 = arith.cmpi eq, %slice3A_128, %eq3A_359 : vector<64x1xi32>
      %jit3A = arith.constant 0xFF800000 : f32
      %broadcast_in_dim3A = vector.shape_cast %eq3A_360 : vector<64x1xi1> to vector<64x1xi1>
      %broadcast_in_dim3A_361 = vector.broadcast %broadcast_in_dim3A : vector<64x1xi1> to vector<64x128xi1>
      %broadcast_in_dim3A_362 = vector.broadcast %jit3A : f32 to vector<64x128xf32>
      %select_n3A = arith.select %broadcast_in_dim3A_361, %slice3A_127, %broadcast_in_dim3A_362 : vector<64x128xi1>, vector<64x128xf32>
      %reduce_max3A = arith.constant dense<0xFF800000> : vector<128xf32>
      %reduce_max3A_363 = vector.multi_reduction <maximumf>, %select_n3A, %reduce_max3A [0] : vector<64x128xf32> to vector<128xf32>
      %broadcast_in_dim3A_364 = vector.shape_cast %reduce_max3A_363 : vector<128xf32> to vector<1x128xf32>
      %eq3A_365 = arith.constant 1 : i32
      %eq3A_366 = vector.broadcast %eq3A_365 : i32 to vector<64x1xi32>
      %eq3A_367 = arith.cmpi eq, %slice3A_128, %eq3A_366 : vector<64x1xi32>
      %jit3A_368 = arith.constant 0xFF800000 : f32
      %broadcast_in_dim3A_369 = vector.shape_cast %eq3A_367 : vector<64x1xi1> to vector<64x1xi1>
      %broadcast_in_dim3A_370 = vector.broadcast %broadcast_in_dim3A_369 : vector<64x1xi1> to vector<64x128xi1>
      %broadcast_in_dim3A_371 = vector.broadcast %jit3A_368 : f32 to vector<64x128xf32>
      %select_n3A_372 = arith.select %broadcast_in_dim3A_370, %slice3A_127, %broadcast_in_dim3A_371 : vector<64x128xi1>, vector<64x128xf32>
      %reduce_max3A_373 = arith.constant dense<0xFF800000> : vector<128xf32>
      %reduce_max3A_374 = vector.multi_reduction <maximumf>, %select_n3A_372, %reduce_max3A_373 [0] : vector<64x128xf32> to vector<128xf32>
      %broadcast_in_dim3A_375 = vector.shape_cast %reduce_max3A_374 : vector<128xf32> to vector<1x128xf32>
      %eq3A_376 = arith.constant 2 : i32
      %eq3A_377 = vector.broadcast %eq3A_376 : i32 to vector<64x1xi32>
      %eq3A_378 = arith.cmpi eq, %slice3A_128, %eq3A_377 : vector<64x1xi32>
      %jit3A_379 = arith.constant 0xFF800000 : f32
      %broadcast_in_dim3A_380 = vector.shape_cast %eq3A_378 : vector<64x1xi1> to vector<64x1xi1>
      %broadcast_in_dim3A_381 = vector.broadcast %broadcast_in_dim3A_380 : vector<64x1xi1> to vector<64x128xi1>
      %broadcast_in_dim3A_382 = vector.broadcast %jit3A_379 : f32 to vector<64x128xf32>
      %select_n3A_383 = arith.select %broadcast_in_dim3A_381, %slice3A_127, %broadcast_in_dim3A_382 : vector<64x128xi1>, vector<64x128xf32>
      %reduce_max3A_384 = arith.constant dense<0xFF800000> : vector<128xf32>
      %reduce_max3A_385 = vector.multi_reduction <maximumf>, %select_n3A_383, %reduce_max3A_384 [0] : vector<64x128xf32> to vector<128xf32>
      %broadcast_in_dim3A_386 = vector.shape_cast %reduce_max3A_385 : vector<128xf32> to vector<1x128xf32>
      %eq3A_387 = arith.constant 3 : i32
      %eq3A_388 = vector.broadcast %eq3A_387 : i32 to vector<64x1xi32>
      %eq3A_389 = arith.cmpi eq, %slice3A_128, %eq3A_388 : vector<64x1xi32>
      %jit3A_390 = arith.constant 0xFF800000 : f32
      %broadcast_in_dim3A_391 = vector.shape_cast %eq3A_389 : vector<64x1xi1> to vector<64x1xi1>
      %broadcast_in_dim3A_392 = vector.broadcast %broadcast_in_dim3A_391 : vector<64x1xi1> to vector<64x128xi1>
      %broadcast_in_dim3A_393 = vector.broadcast %jit3A_390 : f32 to vector<64x128xf32>
      %select_n3A_394 = arith.select %broadcast_in_dim3A_392, %slice3A_127, %broadcast_in_dim3A_393 : vector<64x128xi1>, vector<64x128xf32>
      %reduce_max3A_395 = arith.constant dense<0xFF800000> : vector<128xf32>
      %reduce_max3A_396 = vector.multi_reduction <maximumf>, %select_n3A_394, %reduce_max3A_395 [0] : vector<64x128xf32> to vector<128xf32>
      %broadcast_in_dim3A_397 = vector.shape_cast %reduce_max3A_396 : vector<128xf32> to vector<1x128xf32>
      %eq3A_398 = arith.constant 4 : i32
      %eq3A_399 = vector.broadcast %eq3A_398 : i32 to vector<64x1xi32>
      %eq3A_400 = arith.cmpi eq, %slice3A_128, %eq3A_399 : vector<64x1xi32>
      %jit3A_401 = arith.constant 0xFF800000 : f32
      %broadcast_in_dim3A_402 = vector.shape_cast %eq3A_400 : vector<64x1xi1> to vector<64x1xi1>
      %broadcast_in_dim3A_403 = vector.broadcast %broadcast_in_dim3A_402 : vector<64x1xi1> to vector<64x128xi1>
      %broadcast_in_dim3A_404 = vector.broadcast %jit3A_401 : f32 to vector<64x128xf32>
      %select_n3A_405 = arith.select %broadcast_in_dim3A_403, %slice3A_127, %broadcast_in_dim3A_404 : vector<64x128xi1>, vector<64x128xf32>
      %reduce_max3A_406 = arith.constant dense<0xFF800000> : vector<128xf32>
      %reduce_max3A_407 = vector.multi_reduction <maximumf>, %select_n3A_405, %reduce_max3A_406 [0] : vector<64x128xf32> to vector<128xf32>
      %broadcast_in_dim3A_408 = vector.shape_cast %reduce_max3A_407 : vector<128xf32> to vector<1x128xf32>
      %eq3A_409 = arith.constant 5 : i32
      %eq3A_410 = vector.broadcast %eq3A_409 : i32 to vector<64x1xi32>
      %eq3A_411 = arith.cmpi eq, %slice3A_128, %eq3A_410 : vector<64x1xi32>
      %jit3A_412 = arith.constant 0xFF800000 : f32
      %broadcast_in_dim3A_413 = vector.shape_cast %eq3A_411 : vector<64x1xi1> to vector<64x1xi1>
      %broadcast_in_dim3A_414 = vector.broadcast %broadcast_in_dim3A_413 : vector<64x1xi1> to vector<64x128xi1>
      %broadcast_in_dim3A_415 = vector.broadcast %jit3A_412 : f32 to vector<64x128xf32>
      %select_n3A_416 = arith.select %broadcast_in_dim3A_414, %slice3A_127, %broadcast_in_dim3A_415 : vector<64x128xi1>, vector<64x128xf32>
      %reduce_max3A_417 = arith.constant dense<0xFF800000> : vector<128xf32>
      %reduce_max3A_418 = vector.multi_reduction <maximumf>, %select_n3A_416, %reduce_max3A_417 [0] : vector<64x128xf32> to vector<128xf32>
      %broadcast_in_dim3A_419 = vector.shape_cast %reduce_max3A_418 : vector<128xf32> to vector<1x128xf32>
      %eq3A_420 = arith.constant 6 : i32
      %eq3A_421 = vector.broadcast %eq3A_420 : i32 to vector<64x1xi32>
      %eq3A_422 = arith.cmpi eq, %slice3A_128, %eq3A_421 : vector<64x1xi32>
      %jit3A_423 = arith.constant 0xFF800000 : f32
      %broadcast_in_dim3A_424 = vector.shape_cast %eq3A_422 : vector<64x1xi1> to vector<64x1xi1>
      %broadcast_in_dim3A_425 = vector.broadcast %broadcast_in_dim3A_424 : vector<64x1xi1> to vector<64x128xi1>
      %broadcast_in_dim3A_426 = vector.broadcast %jit3A_423 : f32 to vector<64x128xf32>
      %select_n3A_427 = arith.select %broadcast_in_dim3A_425, %slice3A_127, %broadcast_in_dim3A_426 : vector<64x128xi1>, vector<64x128xf32>
      %reduce_max3A_428 = arith.constant dense<0xFF800000> : vector<128xf32>
      %reduce_max3A_429 = vector.multi_reduction <maximumf>, %select_n3A_427, %reduce_max3A_428 [0] : vector<64x128xf32> to vector<128xf32>
      %broadcast_in_dim3A_430 = vector.shape_cast %reduce_max3A_429 : vector<128xf32> to vector<1x128xf32>
      %eq3A_431 = arith.constant 7 : i32
      %eq3A_432 = vector.broadcast %eq3A_431 : i32 to vector<64x1xi32>
      %eq3A_433 = arith.cmpi eq, %slice3A_128, %eq3A_432 : vector<64x1xi32>
      %jit3A_434 = arith.constant 0xFF800000 : f32
      %broadcast_in_dim3A_435 = vector.shape_cast %eq3A_433 : vector<64x1xi1> to vector<64x1xi1>
      %broadcast_in_dim3A_436 = vector.broadcast %broadcast_in_dim3A_435 : vector<64x1xi1> to vector<64x128xi1>
      %broadcast_in_dim3A_437 = vector.broadcast %jit3A_434 : f32 to vector<64x128xf32>
      %select_n3A_438 = arith.select %broadcast_in_dim3A_436, %slice3A_127, %broadcast_in_dim3A_437 : vector<64x128xi1>, vector<64x128xf32>
      %reduce_max3A_439 = arith.constant dense<0xFF800000> : vector<128xf32>
      %reduce_max3A_440 = vector.multi_reduction <maximumf>, %select_n3A_438, %reduce_max3A_439 [0] : vector<64x128xf32> to vector<128xf32>
      %broadcast_in_dim3A_441 = vector.shape_cast %reduce_max3A_440 : vector<128xf32> to vector<1x128xf32>
      %eq3A_442 = arith.constant 8 : i32
      %eq3A_443 = vector.broadcast %eq3A_442 : i32 to vector<64x1xi32>
      %eq3A_444 = arith.cmpi eq, %slice3A_128, %eq3A_443 : vector<64x1xi32>
      %jit3A_445 = arith.constant 0xFF800000 : f32
      %broadcast_in_dim3A_446 = vector.shape_cast %eq3A_444 : vector<64x1xi1> to vector<64x1xi1>
      %broadcast_in_dim3A_447 = vector.broadcast %broadcast_in_dim3A_446 : vector<64x1xi1> to vector<64x128xi1>
      %broadcast_in_dim3A_448 = vector.broadcast %jit3A_445 : f32 to vector<64x128xf32>
      %select_n3A_449 = arith.select %broadcast_in_dim3A_447, %slice3A_127, %broadcast_in_dim3A_448 : vector<64x128xi1>, vector<64x128xf32>
      %reduce_max3A_450 = arith.constant dense<0xFF800000> : vector<128xf32>
      %reduce_max3A_451 = vector.multi_reduction <maximumf>, %select_n3A_449, %reduce_max3A_450 [0] : vector<64x128xf32> to vector<128xf32>
      %broadcast_in_dim3A_452 = vector.shape_cast %reduce_max3A_451 : vector<128xf32> to vector<1x128xf32>
      %eq3A_453 = arith.constant 9 : i32
      %eq3A_454 = vector.broadcast %eq3A_453 : i32 to vector<64x1xi32>
      %eq3A_455 = arith.cmpi eq, %slice3A_128, %eq3A_454 : vector<64x1xi32>
      %jit3A_456 = arith.constant 0xFF800000 : f32
      %broadcast_in_dim3A_457 = vector.shape_cast %eq3A_455 : vector<64x1xi1> to vector<64x1xi1>
      %broadcast_in_dim3A_458 = vector.broadcast %broadcast_in_dim3A_457 : vector<64x1xi1> to vector<64x128xi1>
      %broadcast_in_dim3A_459 = vector.broadcast %jit3A_456 : f32 to vector<64x128xf32>
      %select_n3A_460 = arith.select %broadcast_in_dim3A_458, %slice3A_127, %broadcast_in_dim3A_459 : vector<64x128xi1>, vector<64x128xf32>
      %reduce_max3A_461 = arith.constant dense<0xFF800000> : vector<128xf32>
      %reduce_max3A_462 = vector.multi_reduction <maximumf>, %select_n3A_460, %reduce_max3A_461 [0] : vector<64x128xf32> to vector<128xf32>
      %broadcast_in_dim3A_463 = vector.shape_cast %reduce_max3A_462 : vector<128xf32> to vector<1x128xf32>
      %eq3A_464 = arith.constant 10 : i32
      %eq3A_465 = vector.broadcast %eq3A_464 : i32 to vector<64x1xi32>
      %eq3A_466 = arith.cmpi eq, %slice3A_128, %eq3A_465 : vector<64x1xi32>
      %jit3A_467 = arith.constant 0xFF800000 : f32
      %broadcast_in_dim3A_468 = vector.shape_cast %eq3A_466 : vector<64x1xi1> to vector<64x1xi1>
      %broadcast_in_dim3A_469 = vector.broadcast %broadcast_in_dim3A_468 : vector<64x1xi1> to vector<64x128xi1>
      %broadcast_in_dim3A_470 = vector.broadcast %jit3A_467 : f32 to vector<64x128xf32>
      %select_n3A_471 = arith.select %broadcast_in_dim3A_469, %slice3A_127, %broadcast_in_dim3A_470 : vector<64x128xi1>, vector<64x128xf32>
      %reduce_max3A_472 = arith.constant dense<0xFF800000> : vector<128xf32>
      %reduce_max3A_473 = vector.multi_reduction <maximumf>, %select_n3A_471, %reduce_max3A_472 [0] : vector<64x128xf32> to vector<128xf32>
      %broadcast_in_dim3A_474 = vector.shape_cast %reduce_max3A_473 : vector<128xf32> to vector<1x128xf32>
      %eq3A_475 = arith.constant 11 : i32
      %eq3A_476 = vector.broadcast %eq3A_475 : i32 to vector<64x1xi32>
      %eq3A_477 = arith.cmpi eq, %slice3A_128, %eq3A_476 : vector<64x1xi32>
      %jit3A_478 = arith.constant 0xFF800000 : f32
      %broadcast_in_dim3A_479 = vector.shape_cast %eq3A_477 : vector<64x1xi1> to vector<64x1xi1>
      %broadcast_in_dim3A_480 = vector.broadcast %broadcast_in_dim3A_479 : vector<64x1xi1> to vector<64x128xi1>
      %broadcast_in_dim3A_481 = vector.broadcast %jit3A_478 : f32 to vector<64x128xf32>
      %select_n3A_482 = arith.select %broadcast_in_dim3A_480, %slice3A_127, %broadcast_in_dim3A_481 : vector<64x128xi1>, vector<64x128xf32>
      %reduce_max3A_483 = arith.constant dense<0xFF800000> : vector<128xf32>
      %reduce_max3A_484 = vector.multi_reduction <maximumf>, %select_n3A_482, %reduce_max3A_483 [0] : vector<64x128xf32> to vector<128xf32>
      %broadcast_in_dim3A_485 = vector.shape_cast %reduce_max3A_484 : vector<128xf32> to vector<1x128xf32>
      %eq3A_486 = arith.constant 12 : i32
      %eq3A_487 = vector.broadcast %eq3A_486 : i32 to vector<64x1xi32>
      %eq3A_488 = arith.cmpi eq, %slice3A_128, %eq3A_487 : vector<64x1xi32>
      %jit3A_489 = arith.constant 0xFF800000 : f32
      %broadcast_in_dim3A_490 = vector.shape_cast %eq3A_488 : vector<64x1xi1> to vector<64x1xi1>
      %broadcast_in_dim3A_491 = vector.broadcast %broadcast_in_dim3A_490 : vector<64x1xi1> to vector<64x128xi1>
      %broadcast_in_dim3A_492 = vector.broadcast %jit3A_489 : f32 to vector<64x128xf32>
      %select_n3A_493 = arith.select %broadcast_in_dim3A_491, %slice3A_127, %broadcast_in_dim3A_492 : vector<64x128xi1>, vector<64x128xf32>
      %reduce_max3A_494 = arith.constant dense<0xFF800000> : vector<128xf32>
      %reduce_max3A_495 = vector.multi_reduction <maximumf>, %select_n3A_493, %reduce_max3A_494 [0] : vector<64x128xf32> to vector<128xf32>
      %broadcast_in_dim3A_496 = vector.shape_cast %reduce_max3A_495 : vector<128xf32> to vector<1x128xf32>
      %eq3A_497 = arith.constant 13 : i32
      %eq3A_498 = vector.broadcast %eq3A_497 : i32 to vector<64x1xi32>
      %eq3A_499 = arith.cmpi eq, %slice3A_128, %eq3A_498 : vector<64x1xi32>
      %jit3A_500 = arith.constant 0xFF800000 : f32
      %broadcast_in_dim3A_501 = vector.shape_cast %eq3A_499 : vector<64x1xi1> to vector<64x1xi1>
      %broadcast_in_dim3A_502 = vector.broadcast %broadcast_in_dim3A_501 : vector<64x1xi1> to vector<64x128xi1>
      %broadcast_in_dim3A_503 = vector.broadcast %jit3A_500 : f32 to vector<64x128xf32>
      %select_n3A_504 = arith.select %broadcast_in_dim3A_502, %slice3A_127, %broadcast_in_dim3A_503 : vector<64x128xi1>, vector<64x128xf32>
      %reduce_max3A_505 = arith.constant dense<0xFF800000> : vector<128xf32>
      %reduce_max3A_506 = vector.multi_reduction <maximumf>, %select_n3A_504, %reduce_max3A_505 [0] : vector<64x128xf32> to vector<128xf32>
      %broadcast_in_dim3A_507 = vector.shape_cast %reduce_max3A_506 : vector<128xf32> to vector<1x128xf32>
      %eq3A_508 = arith.constant 14 : i32
      %eq3A_509 = vector.broadcast %eq3A_508 : i32 to vector<64x1xi32>
      %eq3A_510 = arith.cmpi eq, %slice3A_128, %eq3A_509 : vector<64x1xi32>
      %jit3A_511 = arith.constant 0xFF800000 : f32
      %broadcast_in_dim3A_512 = vector.shape_cast %eq3A_510 : vector<64x1xi1> to vector<64x1xi1>
      %broadcast_in_dim3A_513 = vector.broadcast %broadcast_in_dim3A_512 : vector<64x1xi1> to vector<64x128xi1>
      %broadcast_in_dim3A_514 = vector.broadcast %jit3A_511 : f32 to vector<64x128xf32>
      %select_n3A_515 = arith.select %broadcast_in_dim3A_513, %slice3A_127, %broadcast_in_dim3A_514 : vector<64x128xi1>, vector<64x128xf32>
      %reduce_max3A_516 = arith.constant dense<0xFF800000> : vector<128xf32>
      %reduce_max3A_517 = vector.multi_reduction <maximumf>, %select_n3A_515, %reduce_max3A_516 [0] : vector<64x128xf32> to vector<128xf32>
      %broadcast_in_dim3A_518 = vector.shape_cast %reduce_max3A_517 : vector<128xf32> to vector<1x128xf32>
      %eq3A_519 = arith.constant 15 : i32
      %eq3A_520 = vector.broadcast %eq3A_519 : i32 to vector<64x1xi32>
      %eq3A_521 = arith.cmpi eq, %slice3A_128, %eq3A_520 : vector<64x1xi32>
      %jit3A_522 = arith.constant 0xFF800000 : f32
      %broadcast_in_dim3A_523 = vector.shape_cast %eq3A_521 : vector<64x1xi1> to vector<64x1xi1>
      %broadcast_in_dim3A_524 = vector.broadcast %broadcast_in_dim3A_523 : vector<64x1xi1> to vector<64x128xi1>
      %broadcast_in_dim3A_525 = vector.broadcast %jit3A_522 : f32 to vector<64x128xf32>
      %select_n3A_526 = arith.select %broadcast_in_dim3A_524, %slice3A_127, %broadcast_in_dim3A_525 : vector<64x128xi1>, vector<64x128xf32>
      %reduce_max3A_527 = arith.constant dense<0xFF800000> : vector<128xf32>
      %reduce_max3A_528 = vector.multi_reduction <maximumf>, %select_n3A_526, %reduce_max3A_527 [0] : vector<64x128xf32> to vector<128xf32>
      %broadcast_in_dim3A_529 = vector.shape_cast %reduce_max3A_528 : vector<128xf32> to vector<1x128xf32>
      %concatenate3A = tpu.concatenate %broadcast_in_dim3A_364, %broadcast_in_dim3A_375, %broadcast_in_dim3A_386, %broadcast_in_dim3A_397, %broadcast_in_dim3A_408, %broadcast_in_dim3A_419, %broadcast_in_dim3A_430, %broadcast_in_dim3A_441, %broadcast_in_dim3A_452, %broadcast_in_dim3A_463, %broadcast_in_dim3A_474, %broadcast_in_dim3A_485, %broadcast_in_dim3A_496, %broadcast_in_dim3A_507, %broadcast_in_dim3A_518, %broadcast_in_dim3A_529 in 0 : vector<1x128xf32>, vector<1x128xf32>, vector<1x128xf32>, vector<1x128xf32>, vector<1x128xf32>, vector<1x128xf32>, vector<1x128xf32>, vector<1x128xf32>, vector<1x128xf32>, vector<1x128xf32>, vector<1x128xf32>, vector<1x128xf32>, vector<1x128xf32>, vector<1x128xf32>, vector<1x128xf32>, vector<1x128xf32> -> vector<16x128xf32>
      %get3A_530 = arith.constant 0 : index
      %get3A_531 = arith.constant 0 : index
      %get3A_532 = vector.load %arg6[%get3A_530, %get3A_531] : memref<16x128xf32, #tpu.memory_space<vmem>>, vector<16x128xf32>
      %max3A = arith.maximumf %get3A_532, %concatenate3A : vector<16x128xf32>
      %swap3A = arith.constant 0 : index
      %swap3A_533 = arith.constant 0 : index
      %swap3A_534 = vector.load %arg6[%swap3A, %swap3A_533] : memref<16x128xf32, #tpu.memory_space<vmem>>, vector<16x128xf32>
      tpu.vector_store %arg6[%swap3A, %swap3A_533], %max3A {strides = array<i32>} : memref<16x128xf32, #tpu.memory_space<vmem>>, vector<16x128xf32>,
    } else {
    }
    %slice3A_148 = vector.extract_strided_slice %add3A_22 {offsets = [384, 0], sizes = [64, 128], strides = [1, 1]} : vector<1024x128xf32> to vector<64x128xf32>
    %slice3A_149 = vector.extract_strided_slice %get3A_25 {offsets = [384, 0], sizes = [64, 1], strides = [1, 1]} : vector<1024x1xi32> to vector<64x1xi32>
    %get3A_150 = arith.constant 384 : index
    %get3A_151 = arith.constant 0 : index
    %get3A_152 = vector.load %arg5[%get3A_150, %get3A_151] : memref<1024x1xi32, #tpu.memory_space<vmem>>, vector<1x1xi32>
    %get3A_153 = vector.extract %get3A_152[0, 0] : i32 from vector<1x1xi32>
    %get3A_154 = arith.constant 447 : index
    %get3A_155 = arith.constant 0 : index
    %get3A_156 = vector.load %arg5[%get3A_154, %get3A_155] : memref<1024x1xi32, #tpu.memory_space<vmem>>, vector<1x1xi32>
    %get3A_157 = vector.extract %get3A_156[0, 0] : i32 from vector<1x1xi32>
    %eq3A_158 = arith.cmpi eq, %get3A_153, %get3A_157 : i32
    %lt3A_159 = arith.constant 16 : i32
    %lt3A_160 = arith.cmpi slt, %get3A_153, %lt3A_159 : i32
    %and3A_161 = arith.andi %eq3A_158, %lt3A_160 : i1
    %convert_element_type3A_162 = arith.extui %and3A_161 : i1 to i32
    %cond3A_163 = arith.constant 0 : i32
    %cond3A_164 = arith.cmpi ne, %convert_element_type3A_162, %cond3A_163 : i32
    scf.if %cond3A_164 {
      %reduce_max3A = arith.constant dense<0xFF800000> : vector<128xf32>
      %reduce_max3A_358 = vector.multi_reduction <maximumf>, %slice3A_148, %reduce_max3A [0] : vector<64x128xf32> to vector<128xf32>
      %broadcast_in_dim3A = vector.shape_cast %reduce_max3A_358 : vector<128xf32> to vector<1x128xf32>
      %get3A_359 = arith.index_cast %get3A_153 : i32 to index
      %get3A_360 = arith.constant 0 : index
      %get3A_361 = vector.load %arg6[%get3A_359, %get3A_360] : memref<16x128xf32, #tpu.memory_space<vmem>>, vector<1x128xf32>
      %max3A = arith.maximumf %get3A_361, %broadcast_in_dim3A : vector<1x128xf32>
      %swap3A = arith.index_cast %get3A_153 : i32 to index
      %swap3A_362 = arith.constant 0 : index
      %swap3A_363 = vector.load %arg6[%swap3A, %swap3A_362] : memref<16x128xf32, #tpu.memory_space<vmem>>, vector<1x128xf32>
      tpu.vector_store %arg6[%swap3A, %swap3A_362], %max3A {strides = array<i32>} : memref<16x128xf32, #tpu.memory_space<vmem>>, vector<1x128xf32>,
    } else {
    }
    %ne3A_165 = arith.cmpi ne, %get3A_153, %get3A_157 : i32
    %convert_element_type3A_166 = arith.extui %ne3A_165 : i1 to i32
    %cond3A_167 = arith.constant 0 : i32
    %cond3A_168 = arith.cmpi ne, %convert_element_type3A_166, %cond3A_167 : i32
    scf.if %cond3A_168 {
      %eq3A_358 = arith.constant 0 : i32
      %eq3A_359 = vector.broadcast %eq3A_358 : i32 to vector<64x1xi32>
      %eq3A_360 = arith.cmpi eq, %slice3A_149, %eq3A_359 : vector<64x1xi32>
      %jit3A = arith.constant 0xFF800000 : f32
      %broadcast_in_dim3A = vector.shape_cast %eq3A_360 : vector<64x1xi1> to vector<64x1xi1>
      %broadcast_in_dim3A_361 = vector.broadcast %broadcast_in_dim3A : vector<64x1xi1> to vector<64x128xi1>
      %broadcast_in_dim3A_362 = vector.broadcast %jit3A : f32 to vector<64x128xf32>
      %select_n3A = arith.select %broadcast_in_dim3A_361, %slice3A_148, %broadcast_in_dim3A_362 : vector<64x128xi1>, vector<64x128xf32>
      %reduce_max3A = arith.constant dense<0xFF800000> : vector<128xf32>
      %reduce_max3A_363 = vector.multi_reduction <maximumf>, %select_n3A, %reduce_max3A [0] : vector<64x128xf32> to vector<128xf32>
      %broadcast_in_dim3A_364 = vector.shape_cast %reduce_max3A_363 : vector<128xf32> to vector<1x128xf32>
      %eq3A_365 = arith.constant 1 : i32
      %eq3A_366 = vector.broadcast %eq3A_365 : i32 to vector<64x1xi32>
      %eq3A_367 = arith.cmpi eq, %slice3A_149, %eq3A_366 : vector<64x1xi32>
      %jit3A_368 = arith.constant 0xFF800000 : f32
      %broadcast_in_dim3A_369 = vector.shape_cast %eq3A_367 : vector<64x1xi1> to vector<64x1xi1>
      %broadcast_in_dim3A_370 = vector.broadcast %broadcast_in_dim3A_369 : vector<64x1xi1> to vector<64x128xi1>
      %broadcast_in_dim3A_371 = vector.broadcast %jit3A_368 : f32 to vector<64x128xf32>
      %select_n3A_372 = arith.select %broadcast_in_dim3A_370, %slice3A_148, %broadcast_in_dim3A_371 : vector<64x128xi1>, vector<64x128xf32>
      %reduce_max3A_373 = arith.constant dense<0xFF800000> : vector<128xf32>
      %reduce_max3A_374 = vector.multi_reduction <maximumf>, %select_n3A_372, %reduce_max3A_373 [0] : vector<64x128xf32> to vector<128xf32>
      %broadcast_in_dim3A_375 = vector.shape_cast %reduce_max3A_374 : vector<128xf32> to vector<1x128xf32>
      %eq3A_376 = arith.constant 2 : i32
      %eq3A_377 = vector.broadcast %eq3A_376 : i32 to vector<64x1xi32>
      %eq3A_378 = arith.cmpi eq, %slice3A_149, %eq3A_377 : vector<64x1xi32>
      %jit3A_379 = arith.constant 0xFF800000 : f32
      %broadcast_in_dim3A_380 = vector.shape_cast %eq3A_378 : vector<64x1xi1> to vector<64x1xi1>
      %broadcast_in_dim3A_381 = vector.broadcast %broadcast_in_dim3A_380 : vector<64x1xi1> to vector<64x128xi1>
      %broadcast_in_dim3A_382 = vector.broadcast %jit3A_379 : f32 to vector<64x128xf32>
      %select_n3A_383 = arith.select %broadcast_in_dim3A_381, %slice3A_148, %broadcast_in_dim3A_382 : vector<64x128xi1>, vector<64x128xf32>
      %reduce_max3A_384 = arith.constant dense<0xFF800000> : vector<128xf32>
      %reduce_max3A_385 = vector.multi_reduction <maximumf>, %select_n3A_383, %reduce_max3A_384 [0] : vector<64x128xf32> to vector<128xf32>
      %broadcast_in_dim3A_386 = vector.shape_cast %reduce_max3A_385 : vector<128xf32> to vector<1x128xf32>
      %eq3A_387 = arith.constant 3 : i32
      %eq3A_388 = vector.broadcast %eq3A_387 : i32 to vector<64x1xi32>
      %eq3A_389 = arith.cmpi eq, %slice3A_149, %eq3A_388 : vector<64x1xi32>
      %jit3A_390 = arith.constant 0xFF800000 : f32
      %broadcast_in_dim3A_391 = vector.shape_cast %eq3A_389 : vector<64x1xi1> to vector<64x1xi1>
      %broadcast_in_dim3A_392 = vector.broadcast %broadcast_in_dim3A_391 : vector<64x1xi1> to vector<64x128xi1>
      %broadcast_in_dim3A_393 = vector.broadcast %jit3A_390 : f32 to vector<64x128xf32>
      %select_n3A_394 = arith.select %broadcast_in_dim3A_392, %slice3A_148, %broadcast_in_dim3A_393 : vector<64x128xi1>, vector<64x128xf32>
      %reduce_max3A_395 = arith.constant dense<0xFF800000> : vector<128xf32>
      %reduce_max3A_396 = vector.multi_reduction <maximumf>, %select_n3A_394, %reduce_max3A_395 [0] : vector<64x128xf32> to vector<128xf32>
      %broadcast_in_dim3A_397 = vector.shape_cast %reduce_max3A_396 : vector<128xf32> to vector<1x128xf32>
      %eq3A_398 = arith.constant 4 : i32
      %eq3A_399 = vector.broadcast %eq3A_398 : i32 to vector<64x1xi32>
      %eq3A_400 = arith.cmpi eq, %slice3A_149, %eq3A_399 : vector<64x1xi32>
      %jit3A_401 = arith.constant 0xFF800000 : f32
      %broadcast_in_dim3A_402 = vector.shape_cast %eq3A_400 : vector<64x1xi1> to vector<64x1xi1>
      %broadcast_in_dim3A_403 = vector.broadcast %broadcast_in_dim3A_402 : vector<64x1xi1> to vector<64x128xi1>
      %broadcast_in_dim3A_404 = vector.broadcast %jit3A_401 : f32 to vector<64x128xf32>
      %select_n3A_405 = arith.select %broadcast_in_dim3A_403, %slice3A_148, %broadcast_in_dim3A_404 : vector<64x128xi1>, vector<64x128xf32>
      %reduce_max3A_406 = arith.constant dense<0xFF800000> : vector<128xf32>
      %reduce_max3A_407 = vector.multi_reduction <maximumf>, %select_n3A_405, %reduce_max3A_406 [0] : vector<64x128xf32> to vector<128xf32>
      %broadcast_in_dim3A_408 = vector.shape_cast %reduce_max3A_407 : vector<128xf32> to vector<1x128xf32>
      %eq3A_409 = arith.constant 5 : i32
      %eq3A_410 = vector.broadcast %eq3A_409 : i32 to vector<64x1xi32>
      %eq3A_411 = arith.cmpi eq, %slice3A_149, %eq3A_410 : vector<64x1xi32>
      %jit3A_412 = arith.constant 0xFF800000 : f32
      %broadcast_in_dim3A_413 = vector.shape_cast %eq3A_411 : vector<64x1xi1> to vector<64x1xi1>
      %broadcast_in_dim3A_414 = vector.broadcast %broadcast_in_dim3A_413 : vector<64x1xi1> to vector<64x128xi1>
      %broadcast_in_dim3A_415 = vector.broadcast %jit3A_412 : f32 to vector<64x128xf32>
      %select_n3A_416 = arith.select %broadcast_in_dim3A_414, %slice3A_148, %broadcast_in_dim3A_415 : vector<64x128xi1>, vector<64x128xf32>
      %reduce_max3A_417 = arith.constant dense<0xFF800000> : vector<128xf32>
      %reduce_max3A_418 = vector.multi_reduction <maximumf>, %select_n3A_416, %reduce_max3A_417 [0] : vector<64x128xf32> to vector<128xf32>
      %broadcast_in_dim3A_419 = vector.shape_cast %reduce_max3A_418 : vector<128xf32> to vector<1x128xf32>
      %eq3A_420 = arith.constant 6 : i32
      %eq3A_421 = vector.broadcast %eq3A_420 : i32 to vector<64x1xi32>
      %eq3A_422 = arith.cmpi eq, %slice3A_149, %eq3A_421 : vector<64x1xi32>
      %jit3A_423 = arith.constant 0xFF800000 : f32
      %broadcast_in_dim3A_424 = vector.shape_cast %eq3A_422 : vector<64x1xi1> to vector<64x1xi1>
      %broadcast_in_dim3A_425 = vector.broadcast %broadcast_in_dim3A_424 : vector<64x1xi1> to vector<64x128xi1>
      %broadcast_in_dim3A_426 = vector.broadcast %jit3A_423 : f32 to vector<64x128xf32>
      %select_n3A_427 = arith.select %broadcast_in_dim3A_425, %slice3A_148, %broadcast_in_dim3A_426 : vector<64x128xi1>, vector<64x128xf32>
      %reduce_max3A_428 = arith.constant dense<0xFF800000> : vector<128xf32>
      %reduce_max3A_429 = vector.multi_reduction <maximumf>, %select_n3A_427, %reduce_max3A_428 [0] : vector<64x128xf32> to vector<128xf32>
      %broadcast_in_dim3A_430 = vector.shape_cast %reduce_max3A_429 : vector<128xf32> to vector<1x128xf32>
      %eq3A_431 = arith.constant 7 : i32
      %eq3A_432 = vector.broadcast %eq3A_431 : i32 to vector<64x1xi32>
      %eq3A_433 = arith.cmpi eq, %slice3A_149, %eq3A_432 : vector<64x1xi32>
      %jit3A_434 = arith.constant 0xFF800000 : f32
      %broadcast_in_dim3A_435 = vector.shape_cast %eq3A_433 : vector<64x1xi1> to vector<64x1xi1>
      %broadcast_in_dim3A_436 = vector.broadcast %broadcast_in_dim3A_435 : vector<64x1xi1> to vector<64x128xi1>
      %broadcast_in_dim3A_437 = vector.broadcast %jit3A_434 : f32 to vector<64x128xf32>
      %select_n3A_438 = arith.select %broadcast_in_dim3A_436, %slice3A_148, %broadcast_in_dim3A_437 : vector<64x128xi1>, vector<64x128xf32>
      %reduce_max3A_439 = arith.constant dense<0xFF800000> : vector<128xf32>
      %reduce_max3A_440 = vector.multi_reduction <maximumf>, %select_n3A_438, %reduce_max3A_439 [0] : vector<64x128xf32> to vector<128xf32>
      %broadcast_in_dim3A_441 = vector.shape_cast %reduce_max3A_440 : vector<128xf32> to vector<1x128xf32>
      %eq3A_442 = arith.constant 8 : i32
      %eq3A_443 = vector.broadcast %eq3A_442 : i32 to vector<64x1xi32>
      %eq3A_444 = arith.cmpi eq, %slice3A_149, %eq3A_443 : vector<64x1xi32>
      %jit3A_445 = arith.constant 0xFF800000 : f32
      %broadcast_in_dim3A_446 = vector.shape_cast %eq3A_444 : vector<64x1xi1> to vector<64x1xi1>
      %broadcast_in_dim3A_447 = vector.broadcast %broadcast_in_dim3A_446 : vector<64x1xi1> to vector<64x128xi1>
      %broadcast_in_dim3A_448 = vector.broadcast %jit3A_445 : f32 to vector<64x128xf32>
      %select_n3A_449 = arith.select %broadcast_in_dim3A_447, %slice3A_148, %broadcast_in_dim3A_448 : vector<64x128xi1>, vector<64x128xf32>
      %reduce_max3A_450 = arith.constant dense<0xFF800000> : vector<128xf32>
      %reduce_max3A_451 = vector.multi_reduction <maximumf>, %select_n3A_449, %reduce_max3A_450 [0] : vector<64x128xf32> to vector<128xf32>
      %broadcast_in_dim3A_452 = vector.shape_cast %reduce_max3A_451 : vector<128xf32> to vector<1x128xf32>
      %eq3A_453 = arith.constant 9 : i32
      %eq3A_454 = vector.broadcast %eq3A_453 : i32 to vector<64x1xi32>
      %eq3A_455 = arith.cmpi eq, %slice3A_149, %eq3A_454 : vector<64x1xi32>
      %jit3A_456 = arith.constant 0xFF800000 : f32
      %broadcast_in_dim3A_457 = vector.shape_cast %eq3A_455 : vector<64x1xi1> to vector<64x1xi1>
      %broadcast_in_dim3A_458 = vector.broadcast %broadcast_in_dim3A_457 : vector<64x1xi1> to vector<64x128xi1>
      %broadcast_in_dim3A_459 = vector.broadcast %jit3A_456 : f32 to vector<64x128xf32>
      %select_n3A_460 = arith.select %broadcast_in_dim3A_458, %slice3A_148, %broadcast_in_dim3A_459 : vector<64x128xi1>, vector<64x128xf32>
      %reduce_max3A_461 = arith.constant dense<0xFF800000> : vector<128xf32>
      %reduce_max3A_462 = vector.multi_reduction <maximumf>, %select_n3A_460, %reduce_max3A_461 [0] : vector<64x128xf32> to vector<128xf32>
      %broadcast_in_dim3A_463 = vector.shape_cast %reduce_max3A_462 : vector<128xf32> to vector<1x128xf32>
      %eq3A_464 = arith.constant 10 : i32
      %eq3A_465 = vector.broadcast %eq3A_464 : i32 to vector<64x1xi32>
      %eq3A_466 = arith.cmpi eq, %slice3A_149, %eq3A_465 : vector<64x1xi32>
      %jit3A_467 = arith.constant 0xFF800000 : f32
      %broadcast_in_dim3A_468 = vector.shape_cast %eq3A_466 : vector<64x1xi1> to vector<64x1xi1>
      %broadcast_in_dim3A_469 = vector.broadcast %broadcast_in_dim3A_468 : vector<64x1xi1> to vector<64x128xi1>
      %broadcast_in_dim3A_470 = vector.broadcast %jit3A_467 : f32 to vector<64x128xf32>
      %select_n3A_471 = arith.select %broadcast_in_dim3A_469, %slice3A_148, %broadcast_in_dim3A_470 : vector<64x128xi1>, vector<64x128xf32>
      %reduce_max3A_472 = arith.constant dense<0xFF800000> : vector<128xf32>
      %reduce_max3A_473 = vector.multi_reduction <maximumf>, %select_n3A_471, %reduce_max3A_472 [0] : vector<64x128xf32> to vector<128xf32>
      %broadcast_in_dim3A_474 = vector.shape_cast %reduce_max3A_473 : vector<128xf32> to vector<1x128xf32>
      %eq3A_475 = arith.constant 11 : i32
      %eq3A_476 = vector.broadcast %eq3A_475 : i32 to vector<64x1xi32>
      %eq3A_477 = arith.cmpi eq, %slice3A_149, %eq3A_476 : vector<64x1xi32>
      %jit3A_478 = arith.constant 0xFF800000 : f32
      %broadcast_in_dim3A_479 = vector.shape_cast %eq3A_477 : vector<64x1xi1> to vector<64x1xi1>
      %broadcast_in_dim3A_480 = vector.broadcast %broadcast_in_dim3A_479 : vector<64x1xi1> to vector<64x128xi1>
      %broadcast_in_dim3A_481 = vector.broadcast %jit3A_478 : f32 to vector<64x128xf32>
      %select_n3A_482 = arith.select %broadcast_in_dim3A_480, %slice3A_148, %broadcast_in_dim3A_481 : vector<64x128xi1>, vector<64x128xf32>
      %reduce_max3A_483 = arith.constant dense<0xFF800000> : vector<128xf32>
      %reduce_max3A_484 = vector.multi_reduction <maximumf>, %select_n3A_482, %reduce_max3A_483 [0] : vector<64x128xf32> to vector<128xf32>
      %broadcast_in_dim3A_485 = vector.shape_cast %reduce_max3A_484 : vector<128xf32> to vector<1x128xf32>
      %eq3A_486 = arith.constant 12 : i32
      %eq3A_487 = vector.broadcast %eq3A_486 : i32 to vector<64x1xi32>
      %eq3A_488 = arith.cmpi eq, %slice3A_149, %eq3A_487 : vector<64x1xi32>
      %jit3A_489 = arith.constant 0xFF800000 : f32
      %broadcast_in_dim3A_490 = vector.shape_cast %eq3A_488 : vector<64x1xi1> to vector<64x1xi1>
      %broadcast_in_dim3A_491 = vector.broadcast %broadcast_in_dim3A_490 : vector<64x1xi1> to vector<64x128xi1>
      %broadcast_in_dim3A_492 = vector.broadcast %jit3A_489 : f32 to vector<64x128xf32>
      %select_n3A_493 = arith.select %broadcast_in_dim3A_491, %slice3A_148, %broadcast_in_dim3A_492 : vector<64x128xi1>, vector<64x128xf32>
      %reduce_max3A_494 = arith.constant dense<0xFF800000> : vector<128xf32>
      %reduce_max3A_495 = vector.multi_reduction <maximumf>, %select_n3A_493, %reduce_max3A_494 [0] : vector<64x128xf32> to vector<128xf32>
      %broadcast_in_dim3A_496 = vector.shape_cast %reduce_max3A_495 : vector<128xf32> to vector<1x128xf32>
      %eq3A_497 = arith.constant 13 : i32
      %eq3A_498 = vector.broadcast %eq3A_497 : i32 to vector<64x1xi32>
      %eq3A_499 = arith.cmpi eq, %slice3A_149, %eq3A_498 : vector<64x1xi32>
      %jit3A_500 = arith.constant 0xFF800000 : f32
      %broadcast_in_dim3A_501 = vector.shape_cast %eq3A_499 : vector<64x1xi1> to vector<64x1xi1>
      %broadcast_in_dim3A_502 = vector.broadcast %broadcast_in_dim3A_501 : vector<64x1xi1> to vector<64x128xi1>
      %broadcast_in_dim3A_503 = vector.broadcast %jit3A_500 : f32 to vector<64x128xf32>
      %select_n3A_504 = arith.select %broadcast_in_dim3A_502, %slice3A_148, %broadcast_in_dim3A_503 : vector<64x128xi1>, vector<64x128xf32>
      %reduce_max3A_505 = arith.constant dense<0xFF800000> : vector<128xf32>
      %reduce_max3A_506 = vector.multi_reduction <maximumf>, %select_n3A_504, %reduce_max3A_505 [0] : vector<64x128xf32> to vector<128xf32>
      %broadcast_in_dim3A_507 = vector.shape_cast %reduce_max3A_506 : vector<128xf32> to vector<1x128xf32>
      %eq3A_508 = arith.constant 14 : i32
      %eq3A_509 = vector.broadcast %eq3A_508 : i32 to vector<64x1xi32>
      %eq3A_510 = arith.cmpi eq, %slice3A_149, %eq3A_509 : vector<64x1xi32>
      %jit3A_511 = arith.constant 0xFF800000 : f32
      %broadcast_in_dim3A_512 = vector.shape_cast %eq3A_510 : vector<64x1xi1> to vector<64x1xi1>
      %broadcast_in_dim3A_513 = vector.broadcast %broadcast_in_dim3A_512 : vector<64x1xi1> to vector<64x128xi1>
      %broadcast_in_dim3A_514 = vector.broadcast %jit3A_511 : f32 to vector<64x128xf32>
      %select_n3A_515 = arith.select %broadcast_in_dim3A_513, %slice3A_148, %broadcast_in_dim3A_514 : vector<64x128xi1>, vector<64x128xf32>
      %reduce_max3A_516 = arith.constant dense<0xFF800000> : vector<128xf32>
      %reduce_max3A_517 = vector.multi_reduction <maximumf>, %select_n3A_515, %reduce_max3A_516 [0] : vector<64x128xf32> to vector<128xf32>
      %broadcast_in_dim3A_518 = vector.shape_cast %reduce_max3A_517 : vector<128xf32> to vector<1x128xf32>
      %eq3A_519 = arith.constant 15 : i32
      %eq3A_520 = vector.broadcast %eq3A_519 : i32 to vector<64x1xi32>
      %eq3A_521 = arith.cmpi eq, %slice3A_149, %eq3A_520 : vector<64x1xi32>
      %jit3A_522 = arith.constant 0xFF800000 : f32
      %broadcast_in_dim3A_523 = vector.shape_cast %eq3A_521 : vector<64x1xi1> to vector<64x1xi1>
      %broadcast_in_dim3A_524 = vector.broadcast %broadcast_in_dim3A_523 : vector<64x1xi1> to vector<64x128xi1>
      %broadcast_in_dim3A_525 = vector.broadcast %jit3A_522 : f32 to vector<64x128xf32>
      %select_n3A_526 = arith.select %broadcast_in_dim3A_524, %slice3A_148, %broadcast_in_dim3A_525 : vector<64x128xi1>, vector<64x128xf32>
      %reduce_max3A_527 = arith.constant dense<0xFF800000> : vector<128xf32>
      %reduce_max3A_528 = vector.multi_reduction <maximumf>, %select_n3A_526, %reduce_max3A_527 [0] : vector<64x128xf32> to vector<128xf32>
      %broadcast_in_dim3A_529 = vector.shape_cast %reduce_max3A_528 : vector<128xf32> to vector<1x128xf32>
      %concatenate3A = tpu.concatenate %broadcast_in_dim3A_364, %broadcast_in_dim3A_375, %broadcast_in_dim3A_386, %broadcast_in_dim3A_397, %broadcast_in_dim3A_408, %broadcast_in_dim3A_419, %broadcast_in_dim3A_430, %broadcast_in_dim3A_441, %broadcast_in_dim3A_452, %broadcast_in_dim3A_463, %broadcast_in_dim3A_474, %broadcast_in_dim3A_485, %broadcast_in_dim3A_496, %broadcast_in_dim3A_507, %broadcast_in_dim3A_518, %broadcast_in_dim3A_529 in 0 : vector<1x128xf32>, vector<1x128xf32>, vector<1x128xf32>, vector<1x128xf32>, vector<1x128xf32>, vector<1x128xf32>, vector<1x128xf32>, vector<1x128xf32>, vector<1x128xf32>, vector<1x128xf32>, vector<1x128xf32>, vector<1x128xf32>, vector<1x128xf32>, vector<1x128xf32>, vector<1x128xf32>, vector<1x128xf32> -> vector<16x128xf32>
      %get3A_530 = arith.constant 0 : index
      %get3A_531 = arith.constant 0 : index
      %get3A_532 = vector.load %arg6[%get3A_530, %get3A_531] : memref<16x128xf32, #tpu.memory_space<vmem>>, vector<16x128xf32>
      %max3A = arith.maximumf %get3A_532, %concatenate3A : vector<16x128xf32>
      %swap3A = arith.constant 0 : index
      %swap3A_533 = arith.constant 0 : index
      %swap3A_534 = vector.load %arg6[%swap3A, %swap3A_533] : memref<16x128xf32, #tpu.memory_space<vmem>>, vector<16x128xf32>
      tpu.vector_store %arg6[%swap3A, %swap3A_533], %max3A {strides = array<i32>} : memref<16x128xf32, #tpu.memory_space<vmem>>, vector<16x128xf32>,
    } else {
    }
    %slice3A_169 = vector.extract_strided_slice %add3A_22 {offsets = [448, 0], sizes = [64, 128], strides = [1, 1]} : vector<1024x128xf32> to vector<64x128xf32>
    %slice3A_170 = vector.extract_strided_slice %get3A_25 {offsets = [448, 0], sizes = [64, 1], strides = [1, 1]} : vector<1024x1xi32> to vector<64x1xi32>
    %get3A_171 = arith.constant 448 : index
    %get3A_172 = arith.constant 0 : index
    %get3A_173 = vector.load %arg5[%get3A_171, %get3A_172] : memref<1024x1xi32, #tpu.memory_space<vmem>>, vector<1x1xi32>
    %get3A_174 = vector.extract %get3A_173[0, 0] : i32 from vector<1x1xi32>
    %get3A_175 = arith.constant 511 : index
    %get3A_176 = arith.constant 0 : index
    %get3A_177 = vector.load %arg5[%get3A_175, %get3A_176] : memref<1024x1xi32, #tpu.memory_space<vmem>>, vector<1x1xi32>
    %get3A_178 = vector.extract %get3A_177[0, 0] : i32 from vector<1x1xi32>
    %eq3A_179 = arith.cmpi eq, %get3A_174, %get3A_178 : i32
    %lt3A_180 = arith.constant 16 : i32
    %lt3A_181 = arith.cmpi slt, %get3A_174, %lt3A_180 : i32
    %and3A_182 = arith.andi %eq3A_179, %lt3A_181 : i1
    %convert_element_type3A_183 = arith.extui %and3A_182 : i1 to i32
    %cond3A_184 = arith.constant 0 : i32
    %cond3A_185 = arith.cmpi ne, %convert_element_type3A_183, %cond3A_184 : i32
    scf.if %cond3A_185 {
      %reduce_max3A = arith.constant dense<0xFF800000> : vector<128xf32>
      %reduce_max3A_358 = vector.multi_reduction <maximumf>, %slice3A_169, %reduce_max3A [0] : vector<64x128xf32> to vector<128xf32>
      %broadcast_in_dim3A = vector.shape_cast %reduce_max3A_358 : vector<128xf32> to vector<1x128xf32>
      %get3A_359 = arith.index_cast %get3A_174 : i32 to index
      %get3A_360 = arith.constant 0 : index
      %get3A_361 = vector.load %arg6[%get3A_359, %get3A_360] : memref<16x128xf32, #tpu.memory_space<vmem>>, vector<1x128xf32>
      %max3A = arith.maximumf %get3A_361, %broadcast_in_dim3A : vector<1x128xf32>
      %swap3A = arith.index_cast %get3A_174 : i32 to index
      %swap3A_362 = arith.constant 0 : index
      %swap3A_363 = vector.load %arg6[%swap3A, %swap3A_362] : memref<16x128xf32, #tpu.memory_space<vmem>>, vector<1x128xf32>
      tpu.vector_store %arg6[%swap3A, %swap3A_362], %max3A {strides = array<i32>} : memref<16x128xf32, #tpu.memory_space<vmem>>, vector<1x128xf32>,
    } else {
    }
    %ne3A_186 = arith.cmpi ne, %get3A_174, %get3A_178 : i32
    %convert_element_type3A_187 = arith.extui %ne3A_186 : i1 to i32
    %cond3A_188 = arith.constant 0 : i32
    %cond3A_189 = arith.cmpi ne, %convert_element_type3A_187, %cond3A_188 : i32
    scf.if %cond3A_189 {
      %eq3A_358 = arith.constant 0 : i32
      %eq3A_359 = vector.broadcast %eq3A_358 : i32 to vector<64x1xi32>
      %eq3A_360 = arith.cmpi eq, %slice3A_170, %eq3A_359 : vector<64x1xi32>
      %jit3A = arith.constant 0xFF800000 : f32
      %broadcast_in_dim3A = vector.shape_cast %eq3A_360 : vector<64x1xi1> to vector<64x1xi1>
      %broadcast_in_dim3A_361 = vector.broadcast %broadcast_in_dim3A : vector<64x1xi1> to vector<64x128xi1>
      %broadcast_in_dim3A_362 = vector.broadcast %jit3A : f32 to vector<64x128xf32>
      %select_n3A = arith.select %broadcast_in_dim3A_361, %slice3A_169, %broadcast_in_dim3A_362 : vector<64x128xi1>, vector<64x128xf32>
      %reduce_max3A = arith.constant dense<0xFF800000> : vector<128xf32>
      %reduce_max3A_363 = vector.multi_reduction <maximumf>, %select_n3A, %reduce_max3A [0] : vector<64x128xf32> to vector<128xf32>
      %broadcast_in_dim3A_364 = vector.shape_cast %reduce_max3A_363 : vector<128xf32> to vector<1x128xf32>
      %eq3A_365 = arith.constant 1 : i32
      %eq3A_366 = vector.broadcast %eq3A_365 : i32 to vector<64x1xi32>
      %eq3A_367 = arith.cmpi eq, %slice3A_170, %eq3A_366 : vector<64x1xi32>
      %jit3A_368 = arith.constant 0xFF800000 : f32
      %broadcast_in_dim3A_369 = vector.shape_cast %eq3A_367 : vector<64x1xi1> to vector<64x1xi1>
      %broadcast_in_dim3A_370 = vector.broadcast %broadcast_in_dim3A_369 : vector<64x1xi1> to vector<64x128xi1>
      %broadcast_in_dim3A_371 = vector.broadcast %jit3A_368 : f32 to vector<64x128xf32>
      %select_n3A_372 = arith.select %broadcast_in_dim3A_370, %slice3A_169, %broadcast_in_dim3A_371 : vector<64x128xi1>, vector<64x128xf32>
      %reduce_max3A_373 = arith.constant dense<0xFF800000> : vector<128xf32>
      %reduce_max3A_374 = vector.multi_reduction <maximumf>, %select_n3A_372, %reduce_max3A_373 [0] : vector<64x128xf32> to vector<128xf32>
      %broadcast_in_dim3A_375 = vector.shape_cast %reduce_max3A_374 : vector<128xf32> to vector<1x128xf32>
      %eq3A_376 = arith.constant 2 : i32
      %eq3A_377 = vector.broadcast %eq3A_376 : i32 to vector<64x1xi32>
      %eq3A_378 = arith.cmpi eq, %slice3A_170, %eq3A_377 : vector<64x1xi32>
      %jit3A_379 = arith.constant 0xFF800000 : f32
      %broadcast_in_dim3A_380 = vector.shape_cast %eq3A_378 : vector<64x1xi1> to vector<64x1xi1>
      %broadcast_in_dim3A_381 = vector.broadcast %broadcast_in_dim3A_380 : vector<64x1xi1> to vector<64x128xi1>
      %broadcast_in_dim3A_382 = vector.broadcast %jit3A_379 : f32 to vector<64x128xf32>
      %select_n3A_383 = arith.select %broadcast_in_dim3A_381, %slice3A_169, %broadcast_in_dim3A_382 : vector<64x128xi1>, vector<64x128xf32>
      %reduce_max3A_384 = arith.constant dense<0xFF800000> : vector<128xf32>
      %reduce_max3A_385 = vector.multi_reduction <maximumf>, %select_n3A_383, %reduce_max3A_384 [0] : vector<64x128xf32> to vector<128xf32>
      %broadcast_in_dim3A_386 = vector.shape_cast %reduce_max3A_385 : vector<128xf32> to vector<1x128xf32>
      %eq3A_387 = arith.constant 3 : i32
      %eq3A_388 = vector.broadcast %eq3A_387 : i32 to vector<64x1xi32>
      %eq3A_389 = arith.cmpi eq, %slice3A_170, %eq3A_388 : vector<64x1xi32>
      %jit3A_390 = arith.constant 0xFF800000 : f32
      %broadcast_in_dim3A_391 = vector.shape_cast %eq3A_389 : vector<64x1xi1> to vector<64x1xi1>
      %broadcast_in_dim3A_392 = vector.broadcast %broadcast_in_dim3A_391 : vector<64x1xi1> to vector<64x128xi1>
      %broadcast_in_dim3A_393 = vector.broadcast %jit3A_390 : f32 to vector<64x128xf32>
      %select_n3A_394 = arith.select %broadcast_in_dim3A_392, %slice3A_169, %broadcast_in_dim3A_393 : vector<64x128xi1>, vector<64x128xf32>
      %reduce_max3A_395 = arith.constant dense<0xFF800000> : vector<128xf32>
      %reduce_max3A_396 = vector.multi_reduction <maximumf>, %select_n3A_394, %reduce_max3A_395 [0] : vector<64x128xf32> to vector<128xf32>
      %broadcast_in_dim3A_397 = vector.shape_cast %reduce_max3A_396 : vector<128xf32> to vector<1x128xf32>
      %eq3A_398 = arith.constant 4 : i32
      %eq3A_399 = vector.broadcast %eq3A_398 : i32 to vector<64x1xi32>
      %eq3A_400 = arith.cmpi eq, %slice3A_170, %eq3A_399 : vector<64x1xi32>
      %jit3A_401 = arith.constant 0xFF800000 : f32
      %broadcast_in_dim3A_402 = vector.shape_cast %eq3A_400 : vector<64x1xi1> to vector<64x1xi1>
      %broadcast_in_dim3A_403 = vector.broadcast %broadcast_in_dim3A_402 : vector<64x1xi1> to vector<64x128xi1>
      %broadcast_in_dim3A_404 = vector.broadcast %jit3A_401 : f32 to vector<64x128xf32>
      %select_n3A_405 = arith.select %broadcast_in_dim3A_403, %slice3A_169, %broadcast_in_dim3A_404 : vector<64x128xi1>, vector<64x128xf32>
      %reduce_max3A_406 = arith.constant dense<0xFF800000> : vector<128xf32>
      %reduce_max3A_407 = vector.multi_reduction <maximumf>, %select_n3A_405, %reduce_max3A_406 [0] : vector<64x128xf32> to vector<128xf32>
      %broadcast_in_dim3A_408 = vector.shape_cast %reduce_max3A_407 : vector<128xf32> to vector<1x128xf32>
      %eq3A_409 = arith.constant 5 : i32
      %eq3A_410 = vector.broadcast %eq3A_409 : i32 to vector<64x1xi32>
      %eq3A_411 = arith.cmpi eq, %slice3A_170, %eq3A_410 : vector<64x1xi32>
      %jit3A_412 = arith.constant 0xFF800000 : f32
      %broadcast_in_dim3A_413 = vector.shape_cast %eq3A_411 : vector<64x1xi1> to vector<64x1xi1>
      %broadcast_in_dim3A_414 = vector.broadcast %broadcast_in_dim3A_413 : vector<64x1xi1> to vector<64x128xi1>
      %broadcast_in_dim3A_415 = vector.broadcast %jit3A_412 : f32 to vector<64x128xf32>
      %select_n3A_416 = arith.select %broadcast_in_dim3A_414, %slice3A_169, %broadcast_in_dim3A_415 : vector<64x128xi1>, vector<64x128xf32>
      %reduce_max3A_417 = arith.constant dense<0xFF800000> : vector<128xf32>
      %reduce_max3A_418 = vector.multi_reduction <maximumf>, %select_n3A_416, %reduce_max3A_417 [0] : vector<64x128xf32> to vector<128xf32>
      %broadcast_in_dim3A_419 = vector.shape_cast %reduce_max3A_418 : vector<128xf32> to vector<1x128xf32>
      %eq3A_420 = arith.constant 6 : i32
      %eq3A_421 = vector.broadcast %eq3A_420 : i32 to vector<64x1xi32>
      %eq3A_422 = arith.cmpi eq, %slice3A_170, %eq3A_421 : vector<64x1xi32>
      %jit3A_423 = arith.constant 0xFF800000 : f32
      %broadcast_in_dim3A_424 = vector.shape_cast %eq3A_422 : vector<64x1xi1> to vector<64x1xi1>
      %broadcast_in_dim3A_425 = vector.broadcast %broadcast_in_dim3A_424 : vector<64x1xi1> to vector<64x128xi1>
      %broadcast_in_dim3A_426 = vector.broadcast %jit3A_423 : f32 to vector<64x128xf32>
      %select_n3A_427 = arith.select %broadcast_in_dim3A_425, %slice3A_169, %broadcast_in_dim3A_426 : vector<64x128xi1>, vector<64x128xf32>
      %reduce_max3A_428 = arith.constant dense<0xFF800000> : vector<128xf32>
      %reduce_max3A_429 = vector.multi_reduction <maximumf>, %select_n3A_427, %reduce_max3A_428 [0] : vector<64x128xf32> to vector<128xf32>
      %broadcast_in_dim3A_430 = vector.shape_cast %reduce_max3A_429 : vector<128xf32> to vector<1x128xf32>
      %eq3A_431 = arith.constant 7 : i32
      %eq3A_432 = vector.broadcast %eq3A_431 : i32 to vector<64x1xi32>
      %eq3A_433 = arith.cmpi eq, %slice3A_170, %eq3A_432 : vector<64x1xi32>
      %jit3A_434 = arith.constant 0xFF800000 : f32
      %broadcast_in_dim3A_435 = vector.shape_cast %eq3A_433 : vector<64x1xi1> to vector<64x1xi1>
      %broadcast_in_dim3A_436 = vector.broadcast %broadcast_in_dim3A_435 : vector<64x1xi1> to vector<64x128xi1>
      %broadcast_in_dim3A_437 = vector.broadcast %jit3A_434 : f32 to vector<64x128xf32>
      %select_n3A_438 = arith.select %broadcast_in_dim3A_436, %slice3A_169, %broadcast_in_dim3A_437 : vector<64x128xi1>, vector<64x128xf32>
      %reduce_max3A_439 = arith.constant dense<0xFF800000> : vector<128xf32>
      %reduce_max3A_440 = vector.multi_reduction <maximumf>, %select_n3A_438, %reduce_max3A_439 [0] : vector<64x128xf32> to vector<128xf32>
      %broadcast_in_dim3A_441 = vector.shape_cast %reduce_max3A_440 : vector<128xf32> to vector<1x128xf32>
      %eq3A_442 = arith.constant 8 : i32
      %eq3A_443 = vector.broadcast %eq3A_442 : i32 to vector<64x1xi32>
      %eq3A_444 = arith.cmpi eq, %slice3A_170, %eq3A_443 : vector<64x1xi32>
      %jit3A_445 = arith.constant 0xFF800000 : f32
      %broadcast_in_dim3A_446 = vector.shape_cast %eq3A_444 : vector<64x1xi1> to vector<64x1xi1>
      %broadcast_in_dim3A_447 = vector.broadcast %broadcast_in_dim3A_446 : vector<64x1xi1> to vector<64x128xi1>
      %broadcast_in_dim3A_448 = vector.broadcast %jit3A_445 : f32 to vector<64x128xf32>
      %select_n3A_449 = arith.select %broadcast_in_dim3A_447, %slice3A_169, %broadcast_in_dim3A_448 : vector<64x128xi1>, vector<64x128xf32>
      %reduce_max3A_450 = arith.constant dense<0xFF800000> : vector<128xf32>
      %reduce_max3A_451 = vector.multi_reduction <maximumf>, %select_n3A_449, %reduce_max3A_450 [0] : vector<64x128xf32> to vector<128xf32>
      %broadcast_in_dim3A_452 = vector.shape_cast %reduce_max3A_451 : vector<128xf32> to vector<1x128xf32>
      %eq3A_453 = arith.constant 9 : i32
      %eq3A_454 = vector.broadcast %eq3A_453 : i32 to vector<64x1xi32>
      %eq3A_455 = arith.cmpi eq, %slice3A_170, %eq3A_454 : vector<64x1xi32>
      %jit3A_456 = arith.constant 0xFF800000 : f32
      %broadcast_in_dim3A_457 = vector.shape_cast %eq3A_455 : vector<64x1xi1> to vector<64x1xi1>
      %broadcast_in_dim3A_458 = vector.broadcast %broadcast_in_dim3A_457 : vector<64x1xi1> to vector<64x128xi1>
      %broadcast_in_dim3A_459 = vector.broadcast %jit3A_456 : f32 to vector<64x128xf32>
      %select_n3A_460 = arith.select %broadcast_in_dim3A_458, %slice3A_169, %broadcast_in_dim3A_459 : vector<64x128xi1>, vector<64x128xf32>
      %reduce_max3A_461 = arith.constant dense<0xFF800000> : vector<128xf32>
      %reduce_max3A_462 = vector.multi_reduction <maximumf>, %select_n3A_460, %reduce_max3A_461 [0] : vector<64x128xf32> to vector<128xf32>
      %broadcast_in_dim3A_463 = vector.shape_cast %reduce_max3A_462 : vector<128xf32> to vector<1x128xf32>
      %eq3A_464 = arith.constant 10 : i32
      %eq3A_465 = vector.broadcast %eq3A_464 : i32 to vector<64x1xi32>
      %eq3A_466 = arith.cmpi eq, %slice3A_170, %eq3A_465 : vector<64x1xi32>
      %jit3A_467 = arith.constant 0xFF800000 : f32
      %broadcast_in_dim3A_468 = vector.shape_cast %eq3A_466 : vector<64x1xi1> to vector<64x1xi1>
      %broadcast_in_dim3A_469 = vector.broadcast %broadcast_in_dim3A_468 : vector<64x1xi1> to vector<64x128xi1>
      %broadcast_in_dim3A_470 = vector.broadcast %jit3A_467 : f32 to vector<64x128xf32>
      %select_n3A_471 = arith.select %broadcast_in_dim3A_469, %slice3A_169, %broadcast_in_dim3A_470 : vector<64x128xi1>, vector<64x128xf32>
      %reduce_max3A_472 = arith.constant dense<0xFF800000> : vector<128xf32>
      %reduce_max3A_473 = vector.multi_reduction <maximumf>, %select_n3A_471, %reduce_max3A_472 [0] : vector<64x128xf32> to vector<128xf32>
      %broadcast_in_dim3A_474 = vector.shape_cast %reduce_max3A_473 : vector<128xf32> to vector<1x128xf32>
      %eq3A_475 = arith.constant 11 : i32
      %eq3A_476 = vector.broadcast %eq3A_475 : i32 to vector<64x1xi32>
      %eq3A_477 = arith.cmpi eq, %slice3A_170, %eq3A_476 : vector<64x1xi32>
      %jit3A_478 = arith.constant 0xFF800000 : f32
      %broadcast_in_dim3A_479 = vector.shape_cast %eq3A_477 : vector<64x1xi1> to vector<64x1xi1>
      %broadcast_in_dim3A_480 = vector.broadcast %broadcast_in_dim3A_479 : vector<64x1xi1> to vector<64x128xi1>
      %broadcast_in_dim3A_481 = vector.broadcast %jit3A_478 : f32 to vector<64x128xf32>
      %select_n3A_482 = arith.select %broadcast_in_dim3A_480, %slice3A_169, %broadcast_in_dim3A_481 : vector<64x128xi1>, vector<64x128xf32>
      %reduce_max3A_483 = arith.constant dense<0xFF800000> : vector<128xf32>
      %reduce_max3A_484 = vector.multi_reduction <maximumf>, %select_n3A_482, %reduce_max3A_483 [0] : vector<64x128xf32> to vector<128xf32>
      %broadcast_in_dim3A_485 = vector.shape_cast %reduce_max3A_484 : vector<128xf32> to vector<1x128xf32>
      %eq3A_486 = arith.constant 12 : i32
      %eq3A_487 = vector.broadcast %eq3A_486 : i32 to vector<64x1xi32>
      %eq3A_488 = arith.cmpi eq, %slice3A_170, %eq3A_487 : vector<64x1xi32>
      %jit3A_489 = arith.constant 0xFF800000 : f32
      %broadcast_in_dim3A_490 = vector.shape_cast %eq3A_488 : vector<64x1xi1> to vector<64x1xi1>
      %broadcast_in_dim3A_491 = vector.broadcast %broadcast_in_dim3A_490 : vector<64x1xi1> to vector<64x128xi1>
      %broadcast_in_dim3A_492 = vector.broadcast %jit3A_489 : f32 to vector<64x128xf32>
      %select_n3A_493 = arith.select %broadcast_in_dim3A_491, %slice3A_169, %broadcast_in_dim3A_492 : vector<64x128xi1>, vector<64x128xf32>
      %reduce_max3A_494 = arith.constant dense<0xFF800000> : vector<128xf32>
      %reduce_max3A_495 = vector.multi_reduction <maximumf>, %select_n3A_493, %reduce_max3A_494 [0] : vector<64x128xf32> to vector<128xf32>
      %broadcast_in_dim3A_496 = vector.shape_cast %reduce_max3A_495 : vector<128xf32> to vector<1x128xf32>
      %eq3A_497 = arith.constant 13 : i32
      %eq3A_498 = vector.broadcast %eq3A_497 : i32 to vector<64x1xi32>
      %eq3A_499 = arith.cmpi eq, %slice3A_170, %eq3A_498 : vector<64x1xi32>
      %jit3A_500 = arith.constant 0xFF800000 : f32
      %broadcast_in_dim3A_501 = vector.shape_cast %eq3A_499 : vector<64x1xi1> to vector<64x1xi1>
      %broadcast_in_dim3A_502 = vector.broadcast %broadcast_in_dim3A_501 : vector<64x1xi1> to vector<64x128xi1>
      %broadcast_in_dim3A_503 = vector.broadcast %jit3A_500 : f32 to vector<64x128xf32>
      %select_n3A_504 = arith.select %broadcast_in_dim3A_502, %slice3A_169, %broadcast_in_dim3A_503 : vector<64x128xi1>, vector<64x128xf32>
      %reduce_max3A_505 = arith.constant dense<0xFF800000> : vector<128xf32>
      %reduce_max3A_506 = vector.multi_reduction <maximumf>, %select_n3A_504, %reduce_max3A_505 [0] : vector<64x128xf32> to vector<128xf32>
      %broadcast_in_dim3A_507 = vector.shape_cast %reduce_max3A_506 : vector<128xf32> to vector<1x128xf32>
      %eq3A_508 = arith.constant 14 : i32
      %eq3A_509 = vector.broadcast %eq3A_508 : i32 to vector<64x1xi32>
      %eq3A_510 = arith.cmpi eq, %slice3A_170, %eq3A_509 : vector<64x1xi32>
      %jit3A_511 = arith.constant 0xFF800000 : f32
      %broadcast_in_dim3A_512 = vector.shape_cast %eq3A_510 : vector<64x1xi1> to vector<64x1xi1>
      %broadcast_in_dim3A_513 = vector.broadcast %broadcast_in_dim3A_512 : vector<64x1xi1> to vector<64x128xi1>
      %broadcast_in_dim3A_514 = vector.broadcast %jit3A_511 : f32 to vector<64x128xf32>
      %select_n3A_515 = arith.select %broadcast_in_dim3A_513, %slice3A_169, %broadcast_in_dim3A_514 : vector<64x128xi1>, vector<64x128xf32>
      %reduce_max3A_516 = arith.constant dense<0xFF800000> : vector<128xf32>
      %reduce_max3A_517 = vector.multi_reduction <maximumf>, %select_n3A_515, %reduce_max3A_516 [0] : vector<64x128xf32> to vector<128xf32>
      %broadcast_in_dim3A_518 = vector.shape_cast %reduce_max3A_517 : vector<128xf32> to vector<1x128xf32>
      %eq3A_519 = arith.constant 15 : i32
      %eq3A_520 = vector.broadcast %eq3A_519 : i32 to vector<64x1xi32>
      %eq3A_521 = arith.cmpi eq, %slice3A_170, %eq3A_520 : vector<64x1xi32>
      %jit3A_522 = arith.constant 0xFF800000 : f32
      %broadcast_in_dim3A_523 = vector.shape_cast %eq3A_521 : vector<64x1xi1> to vector<64x1xi1>
      %broadcast_in_dim3A_524 = vector.broadcast %broadcast_in_dim3A_523 : vector<64x1xi1> to vector<64x128xi1>
      %broadcast_in_dim3A_525 = vector.broadcast %jit3A_522 : f32 to vector<64x128xf32>
      %select_n3A_526 = arith.select %broadcast_in_dim3A_524, %slice3A_169, %broadcast_in_dim3A_525 : vector<64x128xi1>, vector<64x128xf32>
      %reduce_max3A_527 = arith.constant dense<0xFF800000> : vector<128xf32>
      %reduce_max3A_528 = vector.multi_reduction <maximumf>, %select_n3A_526, %reduce_max3A_527 [0] : vector<64x128xf32> to vector<128xf32>
      %broadcast_in_dim3A_529 = vector.shape_cast %reduce_max3A_528 : vector<128xf32> to vector<1x128xf32>
      %concatenate3A = tpu.concatenate %broadcast_in_dim3A_364, %broadcast_in_dim3A_375, %broadcast_in_dim3A_386, %broadcast_in_dim3A_397, %broadcast_in_dim3A_408, %broadcast_in_dim3A_419, %broadcast_in_dim3A_430, %broadcast_in_dim3A_441, %broadcast_in_dim3A_452, %broadcast_in_dim3A_463, %broadcast_in_dim3A_474, %broadcast_in_dim3A_485, %broadcast_in_dim3A_496, %broadcast_in_dim3A_507, %broadcast_in_dim3A_518, %broadcast_in_dim3A_529 in 0 : vector<1x128xf32>, vector<1x128xf32>, vector<1x128xf32>, vector<1x128xf32>, vector<1x128xf32>, vector<1x128xf32>, vector<1x128xf32>, vector<1x128xf32>, vector<1x128xf32>, vector<1x128xf32>, vector<1x128xf32>, vector<1x128xf32>, vector<1x128xf32>, vector<1x128xf32>, vector<1x128xf32>, vector<1x128xf32> -> vector<16x128xf32>
      %get3A_530 = arith.constant 0 : index
      %get3A_531 = arith.constant 0 : index
      %get3A_532 = vector.load %arg6[%get3A_530, %get3A_531] : memref<16x128xf32, #tpu.memory_space<vmem>>, vector<16x128xf32>
      %max3A = arith.maximumf %get3A_532, %concatenate3A : vector<16x128xf32>
      %swap3A = arith.constant 0 : index
      %swap3A_533 = arith.constant 0 : index
      %swap3A_534 = vector.load %arg6[%swap3A, %swap3A_533] : memref<16x128xf32, #tpu.memory_space<vmem>>, vector<16x128xf32>
      tpu.vector_store %arg6[%swap3A, %swap3A_533], %max3A {strides = array<i32>} : memref<16x128xf32, #tpu.memory_space<vmem>>, vector<16x128xf32>,
    } else {
    }
    %slice3A_190 = vector.extract_strided_slice %add3A_22 {offsets = [512, 0], sizes = [64, 128], strides = [1, 1]} : vector<1024x128xf32> to vector<64x128xf32>
    %slice3A_191 = vector.extract_strided_slice %get3A_25 {offsets = [512, 0], sizes = [64, 1], strides = [1, 1]} : vector<1024x1xi32> to vector<64x1xi32>
    %get3A_192 = arith.constant 512 : index
    %get3A_193 = arith.constant 0 : index
    %get3A_194 = vector.load %arg5[%get3A_192, %get3A_193] : memref<1024x1xi32, #tpu.memory_space<vmem>>, vector<1x1xi32>
    %get3A_195 = vector.extract %get3A_194[0, 0] : i32 from vector<1x1xi32>
    %get3A_196 = arith.constant 575 : index
    %get3A_197 = arith.constant 0 : index
    %get3A_198 = vector.load %arg5[%get3A_196, %get3A_197] : memref<1024x1xi32, #tpu.memory_space<vmem>>, vector<1x1xi32>
    %get3A_199 = vector.extract %get3A_198[0, 0] : i32 from vector<1x1xi32>
    %eq3A_200 = arith.cmpi eq, %get3A_195, %get3A_199 : i32
    %lt3A_201 = arith.constant 16 : i32
    %lt3A_202 = arith.cmpi slt, %get3A_195, %lt3A_201 : i32
    %and3A_203 = arith.andi %eq3A_200, %lt3A_202 : i1
    %convert_element_type3A_204 = arith.extui %and3A_203 : i1 to i32
    %cond3A_205 = arith.constant 0 : i32
    %cond3A_206 = arith.cmpi ne, %convert_element_type3A_204, %cond3A_205 : i32
    scf.if %cond3A_206 {
      %reduce_max3A = arith.constant dense<0xFF800000> : vector<128xf32>
      %reduce_max3A_358 = vector.multi_reduction <maximumf>, %slice3A_190, %reduce_max3A [0] : vector<64x128xf32> to vector<128xf32>
      %broadcast_in_dim3A = vector.shape_cast %reduce_max3A_358 : vector<128xf32> to vector<1x128xf32>
      %get3A_359 = arith.index_cast %get3A_195 : i32 to index
      %get3A_360 = arith.constant 0 : index
      %get3A_361 = vector.load %arg6[%get3A_359, %get3A_360] : memref<16x128xf32, #tpu.memory_space<vmem>>, vector<1x128xf32>
      %max3A = arith.maximumf %get3A_361, %broadcast_in_dim3A : vector<1x128xf32>
      %swap3A = arith.index_cast %get3A_195 : i32 to index
      %swap3A_362 = arith.constant 0 : index
      %swap3A_363 = vector.load %arg6[%swap3A, %swap3A_362] : memref<16x128xf32, #tpu.memory_space<vmem>>, vector<1x128xf32>
      tpu.vector_store %arg6[%swap3A, %swap3A_362], %max3A {strides = array<i32>} : memref<16x128xf32, #tpu.memory_space<vmem>>, vector<1x128xf32>,
    } else {
    }
    %ne3A_207 = arith.cmpi ne, %get3A_195, %get3A_199 : i32
    %convert_element_type3A_208 = arith.extui %ne3A_207 : i1 to i32
    %cond3A_209 = arith.constant 0 : i32
    %cond3A_210 = arith.cmpi ne, %convert_element_type3A_208, %cond3A_209 : i32
    scf.if %cond3A_210 {
      %eq3A_358 = arith.constant 0 : i32
      %eq3A_359 = vector.broadcast %eq3A_358 : i32 to vector<64x1xi32>
      %eq3A_360 = arith.cmpi eq, %slice3A_191, %eq3A_359 : vector<64x1xi32>
      %jit3A = arith.constant 0xFF800000 : f32
      %broadcast_in_dim3A = vector.shape_cast %eq3A_360 : vector<64x1xi1> to vector<64x1xi1>
      %broadcast_in_dim3A_361 = vector.broadcast %broadcast_in_dim3A : vector<64x1xi1> to vector<64x128xi1>
      %broadcast_in_dim3A_362 = vector.broadcast %jit3A : f32 to vector<64x128xf32>
      %select_n3A = arith.select %broadcast_in_dim3A_361, %slice3A_190, %broadcast_in_dim3A_362 : vector<64x128xi1>, vector<64x128xf32>
      %reduce_max3A = arith.constant dense<0xFF800000> : vector<128xf32>
      %reduce_max3A_363 = vector.multi_reduction <maximumf>, %select_n3A, %reduce_max3A [0] : vector<64x128xf32> to vector<128xf32>
      %broadcast_in_dim3A_364 = vector.shape_cast %reduce_max3A_363 : vector<128xf32> to vector<1x128xf32>
      %eq3A_365 = arith.constant 1 : i32
      %eq3A_366 = vector.broadcast %eq3A_365 : i32 to vector<64x1xi32>
      %eq3A_367 = arith.cmpi eq, %slice3A_191, %eq3A_366 : vector<64x1xi32>
      %jit3A_368 = arith.constant 0xFF800000 : f32
      %broadcast_in_dim3A_369 = vector.shape_cast %eq3A_367 : vector<64x1xi1> to vector<64x1xi1>
      %broadcast_in_dim3A_370 = vector.broadcast %broadcast_in_dim3A_369 : vector<64x1xi1> to vector<64x128xi1>
      %broadcast_in_dim3A_371 = vector.broadcast %jit3A_368 : f32 to vector<64x128xf32>
      %select_n3A_372 = arith.select %broadcast_in_dim3A_370, %slice3A_190, %broadcast_in_dim3A_371 : vector<64x128xi1>, vector<64x128xf32>
      %reduce_max3A_373 = arith.constant dense<0xFF800000> : vector<128xf32>
      %reduce_max3A_374 = vector.multi_reduction <maximumf>, %select_n3A_372, %reduce_max3A_373 [0] : vector<64x128xf32> to vector<128xf32>
      %broadcast_in_dim3A_375 = vector.shape_cast %reduce_max3A_374 : vector<128xf32> to vector<1x128xf32>
      %eq3A_376 = arith.constant 2 : i32
      %eq3A_377 = vector.broadcast %eq3A_376 : i32 to vector<64x1xi32>
      %eq3A_378 = arith.cmpi eq, %slice3A_191, %eq3A_377 : vector<64x1xi32>
      %jit3A_379 = arith.constant 0xFF800000 : f32
      %broadcast_in_dim3A_380 = vector.shape_cast %eq3A_378 : vector<64x1xi1> to vector<64x1xi1>
      %broadcast_in_dim3A_381 = vector.broadcast %broadcast_in_dim3A_380 : vector<64x1xi1> to vector<64x128xi1>
      %broadcast_in_dim3A_382 = vector.broadcast %jit3A_379 : f32 to vector<64x128xf32>
      %select_n3A_383 = arith.select %broadcast_in_dim3A_381, %slice3A_190, %broadcast_in_dim3A_382 : vector<64x128xi1>, vector<64x128xf32>
      %reduce_max3A_384 = arith.constant dense<0xFF800000> : vector<128xf32>
      %reduce_max3A_385 = vector.multi_reduction <maximumf>, %select_n3A_383, %reduce_max3A_384 [0] : vector<64x128xf32> to vector<128xf32>
      %broadcast_in_dim3A_386 = vector.shape_cast %reduce_max3A_385 : vector<128xf32> to vector<1x128xf32>
      %eq3A_387 = arith.constant 3 : i32
      %eq3A_388 = vector.broadcast %eq3A_387 : i32 to vector<64x1xi32>
      %eq3A_389 = arith.cmpi eq, %slice3A_191, %eq3A_388 : vector<64x1xi32>
      %jit3A_390 = arith.constant 0xFF800000 : f32
      %broadcast_in_dim3A_391 = vector.shape_cast %eq3A_389 : vector<64x1xi1> to vector<64x1xi1>
      %broadcast_in_dim3A_392 = vector.broadcast %broadcast_in_dim3A_391 : vector<64x1xi1> to vector<64x128xi1>
      %broadcast_in_dim3A_393 = vector.broadcast %jit3A_390 : f32 to vector<64x128xf32>
      %select_n3A_394 = arith.select %broadcast_in_dim3A_392, %slice3A_190, %broadcast_in_dim3A_393 : vector<64x128xi1>, vector<64x128xf32>
      %reduce_max3A_395 = arith.constant dense<0xFF800000> : vector<128xf32>
      %reduce_max3A_396 = vector.multi_reduction <maximumf>, %select_n3A_394, %reduce_max3A_395 [0] : vector<64x128xf32> to vector<128xf32>
      %broadcast_in_dim3A_397 = vector.shape_cast %reduce_max3A_396 : vector<128xf32> to vector<1x128xf32>
      %eq3A_398 = arith.constant 4 : i32
      %eq3A_399 = vector.broadcast %eq3A_398 : i32 to vector<64x1xi32>
      %eq3A_400 = arith.cmpi eq, %slice3A_191, %eq3A_399 : vector<64x1xi32>
      %jit3A_401 = arith.constant 0xFF800000 : f32
      %broadcast_in_dim3A_402 = vector.shape_cast %eq3A_400 : vector<64x1xi1> to vector<64x1xi1>
      %broadcast_in_dim3A_403 = vector.broadcast %broadcast_in_dim3A_402 : vector<64x1xi1> to vector<64x128xi1>
      %broadcast_in_dim3A_404 = vector.broadcast %jit3A_401 : f32 to vector<64x128xf32>
      %select_n3A_405 = arith.select %broadcast_in_dim3A_403, %slice3A_190, %broadcast_in_dim3A_404 : vector<64x128xi1>, vector<64x128xf32>
      %reduce_max3A_406 = arith.constant dense<0xFF800000> : vector<128xf32>
      %reduce_max3A_407 = vector.multi_reduction <maximumf>, %select_n3A_405, %reduce_max3A_406 [0] : vector<64x128xf32> to vector<128xf32>
      %broadcast_in_dim3A_408 = vector.shape_cast %reduce_max3A_407 : vector<128xf32> to vector<1x128xf32>
      %eq3A_409 = arith.constant 5 : i32
      %eq3A_410 = vector.broadcast %eq3A_409 : i32 to vector<64x1xi32>
      %eq3A_411 = arith.cmpi eq, %slice3A_191, %eq3A_410 : vector<64x1xi32>
      %jit3A_412 = arith.constant 0xFF800000 : f32
      %broadcast_in_dim3A_413 = vector.shape_cast %eq3A_411 : vector<64x1xi1> to vector<64x1xi1>
      %broadcast_in_dim3A_414 = vector.broadcast %broadcast_in_dim3A_413 : vector<64x1xi1> to vector<64x128xi1>
      %broadcast_in_dim3A_415 = vector.broadcast %jit3A_412 : f32 to vector<64x128xf32>
      %select_n3A_416 = arith.select %broadcast_in_dim3A_414, %slice3A_190, %broadcast_in_dim3A_415 : vector<64x128xi1>, vector<64x128xf32>
      %reduce_max3A_417 = arith.constant dense<0xFF800000> : vector<128xf32>
      %reduce_max3A_418 = vector.multi_reduction <maximumf>, %select_n3A_416, %reduce_max3A_417 [0] : vector<64x128xf32> to vector<128xf32>
      %broadcast_in_dim3A_419 = vector.shape_cast %reduce_max3A_418 : vector<128xf32> to vector<1x128xf32>
      %eq3A_420 = arith.constant 6 : i32
      %eq3A_421 = vector.broadcast %eq3A_420 : i32 to vector<64x1xi32>
      %eq3A_422 = arith.cmpi eq, %slice3A_191, %eq3A_421 : vector<64x1xi32>
      %jit3A_423 = arith.constant 0xFF800000 : f32
      %broadcast_in_dim3A_424 = vector.shape_cast %eq3A_422 : vector<64x1xi1> to vector<64x1xi1>
      %broadcast_in_dim3A_425 = vector.broadcast %broadcast_in_dim3A_424 : vector<64x1xi1> to vector<64x128xi1>
      %broadcast_in_dim3A_426 = vector.broadcast %jit3A_423 : f32 to vector<64x128xf32>
      %select_n3A_427 = arith.select %broadcast_in_dim3A_425, %slice3A_190, %broadcast_in_dim3A_426 : vector<64x128xi1>, vector<64x128xf32>
      %reduce_max3A_428 = arith.constant dense<0xFF800000> : vector<128xf32>
      %reduce_max3A_429 = vector.multi_reduction <maximumf>, %select_n3A_427, %reduce_max3A_428 [0] : vector<64x128xf32> to vector<128xf32>
      %broadcast_in_dim3A_430 = vector.shape_cast %reduce_max3A_429 : vector<128xf32> to vector<1x128xf32>
      %eq3A_431 = arith.constant 7 : i32
      %eq3A_432 = vector.broadcast %eq3A_431 : i32 to vector<64x1xi32>
      %eq3A_433 = arith.cmpi eq, %slice3A_191, %eq3A_432 : vector<64x1xi32>
      %jit3A_434 = arith.constant 0xFF800000 : f32
      %broadcast_in_dim3A_435 = vector.shape_cast %eq3A_433 : vector<64x1xi1> to vector<64x1xi1>
      %broadcast_in_dim3A_436 = vector.broadcast %broadcast_in_dim3A_435 : vector<64x1xi1> to vector<64x128xi1>
      %broadcast_in_dim3A_437 = vector.broadcast %jit3A_434 : f32 to vector<64x128xf32>
      %select_n3A_438 = arith.select %broadcast_in_dim3A_436, %slice3A_190, %broadcast_in_dim3A_437 : vector<64x128xi1>, vector<64x128xf32>
      %reduce_max3A_439 = arith.constant dense<0xFF800000> : vector<128xf32>
      %reduce_max3A_440 = vector.multi_reduction <maximumf>, %select_n3A_438, %reduce_max3A_439 [0] : vector<64x128xf32> to vector<128xf32>
      %broadcast_in_dim3A_441 = vector.shape_cast %reduce_max3A_440 : vector<128xf32> to vector<1x128xf32>
      %eq3A_442 = arith.constant 8 : i32
      %eq3A_443 = vector.broadcast %eq3A_442 : i32 to vector<64x1xi32>
      %eq3A_444 = arith.cmpi eq, %slice3A_191, %eq3A_443 : vector<64x1xi32>
      %jit3A_445 = arith.constant 0xFF800000 : f32
      %broadcast_in_dim3A_446 = vector.shape_cast %eq3A_444 : vector<64x1xi1> to vector<64x1xi1>
      %broadcast_in_dim3A_447 = vector.broadcast %broadcast_in_dim3A_446 : vector<64x1xi1> to vector<64x128xi1>
      %broadcast_in_dim3A_448 = vector.broadcast %jit3A_445 : f32 to vector<64x128xf32>
      %select_n3A_449 = arith.select %broadcast_in_dim3A_447, %slice3A_190, %broadcast_in_dim3A_448 : vector<64x128xi1>, vector<64x128xf32>
      %reduce_max3A_450 = arith.constant dense<0xFF800000> : vector<128xf32>
      %reduce_max3A_451 = vector.multi_reduction <maximumf>, %select_n3A_449, %reduce_max3A_450 [0] : vector<64x128xf32> to vector<128xf32>
      %broadcast_in_dim3A_452 = vector.shape_cast %reduce_max3A_451 : vector<128xf32> to vector<1x128xf32>
      %eq3A_453 = arith.constant 9 : i32
      %eq3A_454 = vector.broadcast %eq3A_453 : i32 to vector<64x1xi32>
      %eq3A_455 = arith.cmpi eq, %slice3A_191, %eq3A_454 : vector<64x1xi32>
      %jit3A_456 = arith.constant 0xFF800000 : f32
      %broadcast_in_dim3A_457 = vector.shape_cast %eq3A_455 : vector<64x1xi1> to vector<64x1xi1>
      %broadcast_in_dim3A_458 = vector.broadcast %broadcast_in_dim3A_457 : vector<64x1xi1> to vector<64x128xi1>
      %broadcast_in_dim3A_459 = vector.broadcast %jit3A_456 : f32 to vector<64x128xf32>
      %select_n3A_460 = arith.select %broadcast_in_dim3A_458, %slice3A_190, %broadcast_in_dim3A_459 : vector<64x128xi1>, vector<64x128xf32>
      %reduce_max3A_461 = arith.constant dense<0xFF800000> : vector<128xf32>
      %reduce_max3A_462 = vector.multi_reduction <maximumf>, %select_n3A_460, %reduce_max3A_461 [0] : vector<64x128xf32> to vector<128xf32>
      %broadcast_in_dim3A_463 = vector.shape_cast %reduce_max3A_462 : vector<128xf32> to vector<1x128xf32>
      %eq3A_464 = arith.constant 10 : i32
      %eq3A_465 = vector.broadcast %eq3A_464 : i32 to vector<64x1xi32>
      %eq3A_466 = arith.cmpi eq, %slice3A_191, %eq3A_465 : vector<64x1xi32>
      %jit3A_467 = arith.constant 0xFF800000 : f32
      %broadcast_in_dim3A_468 = vector.shape_cast %eq3A_466 : vector<64x1xi1> to vector<64x1xi1>
      %broadcast_in_dim3A_469 = vector.broadcast %broadcast_in_dim3A_468 : vector<64x1xi1> to vector<64x128xi1>
      %broadcast_in_dim3A_470 = vector.broadcast %jit3A_467 : f32 to vector<64x128xf32>
      %select_n3A_471 = arith.select %broadcast_in_dim3A_469, %slice3A_190, %broadcast_in_dim3A_470 : vector<64x128xi1>, vector<64x128xf32>
      %reduce_max3A_472 = arith.constant dense<0xFF800000> : vector<128xf32>
      %reduce_max3A_473 = vector.multi_reduction <maximumf>, %select_n3A_471, %reduce_max3A_472 [0] : vector<64x128xf32> to vector<128xf32>
      %broadcast_in_dim3A_474 = vector.shape_cast %reduce_max3A_473 : vector<128xf32> to vector<1x128xf32>
      %eq3A_475 = arith.constant 11 : i32
      %eq3A_476 = vector.broadcast %eq3A_475 : i32 to vector<64x1xi32>
      %eq3A_477 = arith.cmpi eq, %slice3A_191, %eq3A_476 : vector<64x1xi32>
      %jit3A_478 = arith.constant 0xFF800000 : f32
      %broadcast_in_dim3A_479 = vector.shape_cast %eq3A_477 : vector<64x1xi1> to vector<64x1xi1>
      %broadcast_in_dim3A_480 = vector.broadcast %broadcast_in_dim3A_479 : vector<64x1xi1> to vector<64x128xi1>
      %broadcast_in_dim3A_481 = vector.broadcast %jit3A_478 : f32 to vector<64x128xf32>
      %select_n3A_482 = arith.select %broadcast_in_dim3A_480, %slice3A_190, %broadcast_in_dim3A_481 : vector<64x128xi1>, vector<64x128xf32>
      %reduce_max3A_483 = arith.constant dense<0xFF800000> : vector<128xf32>
      %reduce_max3A_484 = vector.multi_reduction <maximumf>, %select_n3A_482, %reduce_max3A_483 [0] : vector<64x128xf32> to vector<128xf32>
      %broadcast_in_dim3A_485 = vector.shape_cast %reduce_max3A_484 : vector<128xf32> to vector<1x128xf32>
      %eq3A_486 = arith.constant 12 : i32
      %eq3A_487 = vector.broadcast %eq3A_486 : i32 to vector<64x1xi32>
      %eq3A_488 = arith.cmpi eq, %slice3A_191, %eq3A_487 : vector<64x1xi32>
      %jit3A_489 = arith.constant 0xFF800000 : f32
      %broadcast_in_dim3A_490 = vector.shape_cast %eq3A_488 : vector<64x1xi1> to vector<64x1xi1>
      %broadcast_in_dim3A_491 = vector.broadcast %broadcast_in_dim3A_490 : vector<64x1xi1> to vector<64x128xi1>
      %broadcast_in_dim3A_492 = vector.broadcast %jit3A_489 : f32 to vector<64x128xf32>
      %select_n3A_493 = arith.select %broadcast_in_dim3A_491, %slice3A_190, %broadcast_in_dim3A_492 : vector<64x128xi1>, vector<64x128xf32>
      %reduce_max3A_494 = arith.constant dense<0xFF800000> : vector<128xf32>
      %reduce_max3A_495 = vector.multi_reduction <maximumf>, %select_n3A_493, %reduce_max3A_494 [0] : vector<64x128xf32> to vector<128xf32>
      %broadcast_in_dim3A_496 = vector.shape_cast %reduce_max3A_495 : vector<128xf32> to vector<1x128xf32>
      %eq3A_497 = arith.constant 13 : i32
      %eq3A_498 = vector.broadcast %eq3A_497 : i32 to vector<64x1xi32>
      %eq3A_499 = arith.cmpi eq, %slice3A_191, %eq3A_498 : vector<64x1xi32>
      %jit3A_500 = arith.constant 0xFF800000 : f32
      %broadcast_in_dim3A_501 = vector.shape_cast %eq3A_499 : vector<64x1xi1> to vector<64x1xi1>
      %broadcast_in_dim3A_502 = vector.broadcast %broadcast_in_dim3A_501 : vector<64x1xi1> to vector<64x128xi1>
      %broadcast_in_dim3A_503 = vector.broadcast %jit3A_500 : f32 to vector<64x128xf32>
      %select_n3A_504 = arith.select %broadcast_in_dim3A_502, %slice3A_190, %broadcast_in_dim3A_503 : vector<64x128xi1>, vector<64x128xf32>
      %reduce_max3A_505 = arith.constant dense<0xFF800000> : vector<128xf32>
      %reduce_max3A_506 = vector.multi_reduction <maximumf>, %select_n3A_504, %reduce_max3A_505 [0] : vector<64x128xf32> to vector<128xf32>
      %broadcast_in_dim3A_507 = vector.shape_cast %reduce_max3A_506 : vector<128xf32> to vector<1x128xf32>
      %eq3A_508 = arith.constant 14 : i32
      %eq3A_509 = vector.broadcast %eq3A_508 : i32 to vector<64x1xi32>
      %eq3A_510 = arith.cmpi eq, %slice3A_191, %eq3A_509 : vector<64x1xi32>
      %jit3A_511 = arith.constant 0xFF800000 : f32
      %broadcast_in_dim3A_512 = vector.shape_cast %eq3A_510 : vector<64x1xi1> to vector<64x1xi1>
      %broadcast_in_dim3A_513 = vector.broadcast %broadcast_in_dim3A_512 : vector<64x1xi1> to vector<64x128xi1>
      %broadcast_in_dim3A_514 = vector.broadcast %jit3A_511 : f32 to vector<64x128xf32>
      %select_n3A_515 = arith.select %broadcast_in_dim3A_513, %slice3A_190, %broadcast_in_dim3A_514 : vector<64x128xi1>, vector<64x128xf32>
      %reduce_max3A_516 = arith.constant dense<0xFF800000> : vector<128xf32>
      %reduce_max3A_517 = vector.multi_reduction <maximumf>, %select_n3A_515, %reduce_max3A_516 [0] : vector<64x128xf32> to vector<128xf32>
      %broadcast_in_dim3A_518 = vector.shape_cast %reduce_max3A_517 : vector<128xf32> to vector<1x128xf32>
      %eq3A_519 = arith.constant 15 : i32
      %eq3A_520 = vector.broadcast %eq3A_519 : i32 to vector<64x1xi32>
      %eq3A_521 = arith.cmpi eq, %slice3A_191, %eq3A_520 : vector<64x1xi32>
      %jit3A_522 = arith.constant 0xFF800000 : f32
      %broadcast_in_dim3A_523 = vector.shape_cast %eq3A_521 : vector<64x1xi1> to vector<64x1xi1>
      %broadcast_in_dim3A_524 = vector.broadcast %broadcast_in_dim3A_523 : vector<64x1xi1> to vector<64x128xi1>
      %broadcast_in_dim3A_525 = vector.broadcast %jit3A_522 : f32 to vector<64x128xf32>
      %select_n3A_526 = arith.select %broadcast_in_dim3A_524, %slice3A_190, %broadcast_in_dim3A_525 : vector<64x128xi1>, vector<64x128xf32>
      %reduce_max3A_527 = arith.constant dense<0xFF800000> : vector<128xf32>
      %reduce_max3A_528 = vector.multi_reduction <maximumf>, %select_n3A_526, %reduce_max3A_527 [0] : vector<64x128xf32> to vector<128xf32>
      %broadcast_in_dim3A_529 = vector.shape_cast %reduce_max3A_528 : vector<128xf32> to vector<1x128xf32>
      %concatenate3A = tpu.concatenate %broadcast_in_dim3A_364, %broadcast_in_dim3A_375, %broadcast_in_dim3A_386, %broadcast_in_dim3A_397, %broadcast_in_dim3A_408, %broadcast_in_dim3A_419, %broadcast_in_dim3A_430, %broadcast_in_dim3A_441, %broadcast_in_dim3A_452, %broadcast_in_dim3A_463, %broadcast_in_dim3A_474, %broadcast_in_dim3A_485, %broadcast_in_dim3A_496, %broadcast_in_dim3A_507, %broadcast_in_dim3A_518, %broadcast_in_dim3A_529 in 0 : vector<1x128xf32>, vector<1x128xf32>, vector<1x128xf32>, vector<1x128xf32>, vector<1x128xf32>, vector<1x128xf32>, vector<1x128xf32>, vector<1x128xf32>, vector<1x128xf32>, vector<1x128xf32>, vector<1x128xf32>, vector<1x128xf32>, vector<1x128xf32>, vector<1x128xf32>, vector<1x128xf32>, vector<1x128xf32> -> vector<16x128xf32>
      %get3A_530 = arith.constant 0 : index
      %get3A_531 = arith.constant 0 : index
      %get3A_532 = vector.load %arg6[%get3A_530, %get3A_531] : memref<16x128xf32, #tpu.memory_space<vmem>>, vector<16x128xf32>
      %max3A = arith.maximumf %get3A_532, %concatenate3A : vector<16x128xf32>
      %swap3A = arith.constant 0 : index
      %swap3A_533 = arith.constant 0 : index
      %swap3A_534 = vector.load %arg6[%swap3A, %swap3A_533] : memref<16x128xf32, #tpu.memory_space<vmem>>, vector<16x128xf32>
      tpu.vector_store %arg6[%swap3A, %swap3A_533], %max3A {strides = array<i32>} : memref<16x128xf32, #tpu.memory_space<vmem>>, vector<16x128xf32>,
    } else {
    }
    %slice3A_211 = vector.extract_strided_slice %add3A_22 {offsets = [576, 0], sizes = [64, 128], strides = [1, 1]} : vector<1024x128xf32> to vector<64x128xf32>
    %slice3A_212 = vector.extract_strided_slice %get3A_25 {offsets = [576, 0], sizes = [64, 1], strides = [1, 1]} : vector<1024x1xi32> to vector<64x1xi32>
    %get3A_213 = arith.constant 576 : index
    %get3A_214 = arith.constant 0 : index
    %get3A_215 = vector.load %arg5[%get3A_213, %get3A_214] : memref<1024x1xi32, #tpu.memory_space<vmem>>, vector<1x1xi32>
    %get3A_216 = vector.extract %get3A_215[0, 0] : i32 from vector<1x1xi32>
    %get3A_217 = arith.constant 639 : index
    %get3A_218 = arith.constant 0 : index
    %get3A_219 = vector.load %arg5[%get3A_217, %get3A_218] : memref<1024x1xi32, #tpu.memory_space<vmem>>, vector<1x1xi32>
    %get3A_220 = vector.extract %get3A_219[0, 0] : i32 from vector<1x1xi32>
    %eq3A_221 = arith.cmpi eq, %get3A_216, %get3A_220 : i32
    %lt3A_222 = arith.constant 16 : i32
    %lt3A_223 = arith.cmpi slt, %get3A_216, %lt3A_222 : i32
    %and3A_224 = arith.andi %eq3A_221, %lt3A_223 : i1
    %convert_element_type3A_225 = arith.extui %and3A_224 : i1 to i32
    %cond3A_226 = arith.constant 0 : i32
    %cond3A_227 = arith.cmpi ne, %convert_element_type3A_225, %cond3A_226 : i32
    scf.if %cond3A_227 {
      %reduce_max3A = arith.constant dense<0xFF800000> : vector<128xf32>
      %reduce_max3A_358 = vector.multi_reduction <maximumf>, %slice3A_211, %reduce_max3A [0] : vector<64x128xf32> to vector<128xf32>
      %broadcast_in_dim3A = vector.shape_cast %reduce_max3A_358 : vector<128xf32> to vector<1x128xf32>
      %get3A_359 = arith.index_cast %get3A_216 : i32 to index
      %get3A_360 = arith.constant 0 : index
      %get3A_361 = vector.load %arg6[%get3A_359, %get3A_360] : memref<16x128xf32, #tpu.memory_space<vmem>>, vector<1x128xf32>
      %max3A = arith.maximumf %get3A_361, %broadcast_in_dim3A : vector<1x128xf32>
      %swap3A = arith.index_cast %get3A_216 : i32 to index
      %swap3A_362 = arith.constant 0 : index
      %swap3A_363 = vector.load %arg6[%swap3A, %swap3A_362] : memref<16x128xf32, #tpu.memory_space<vmem>>, vector<1x128xf32>
      tpu.vector_store %arg6[%swap3A, %swap3A_362], %max3A {strides = array<i32>} : memref<16x128xf32, #tpu.memory_space<vmem>>, vector<1x128xf32>,
    } else {
    }
    %ne3A_228 = arith.cmpi ne, %get3A_216, %get3A_220 : i32
    %convert_element_type3A_229 = arith.extui %ne3A_228 : i1 to i32
    %cond3A_230 = arith.constant 0 : i32
    %cond3A_231 = arith.cmpi ne, %convert_element_type3A_229, %cond3A_230 : i32
    scf.if %cond3A_231 {
      %eq3A_358 = arith.constant 0 : i32
      %eq3A_359 = vector.broadcast %eq3A_358 : i32 to vector<64x1xi32>
      %eq3A_360 = arith.cmpi eq, %slice3A_212, %eq3A_359 : vector<64x1xi32>
      %jit3A = arith.constant 0xFF800000 : f32
      %broadcast_in_dim3A = vector.shape_cast %eq3A_360 : vector<64x1xi1> to vector<64x1xi1>
      %broadcast_in_dim3A_361 = vector.broadcast %broadcast_in_dim3A : vector<64x1xi1> to vector<64x128xi1>
      %broadcast_in_dim3A_362 = vector.broadcast %jit3A : f32 to vector<64x128xf32>
      %select_n3A = arith.select %broadcast_in_dim3A_361, %slice3A_211, %broadcast_in_dim3A_362 : vector<64x128xi1>, vector<64x128xf32>
      %reduce_max3A = arith.constant dense<0xFF800000> : vector<128xf32>
      %reduce_max3A_363 = vector.multi_reduction <maximumf>, %select_n3A, %reduce_max3A [0] : vector<64x128xf32> to vector<128xf32>
      %broadcast_in_dim3A_364 = vector.shape_cast %reduce_max3A_363 : vector<128xf32> to vector<1x128xf32>
      %eq3A_365 = arith.constant 1 : i32
      %eq3A_366 = vector.broadcast %eq3A_365 : i32 to vector<64x1xi32>
      %eq3A_367 = arith.cmpi eq, %slice3A_212, %eq3A_366 : vector<64x1xi32>
      %jit3A_368 = arith.constant 0xFF800000 : f32
      %broadcast_in_dim3A_369 = vector.shape_cast %eq3A_367 : vector<64x1xi1> to vector<64x1xi1>
      %broadcast_in_dim3A_370 = vector.broadcast %broadcast_in_dim3A_369 : vector<64x1xi1> to vector<64x128xi1>
      %broadcast_in_dim3A_371 = vector.broadcast %jit3A_368 : f32 to vector<64x128xf32>
      %select_n3A_372 = arith.select %broadcast_in_dim3A_370, %slice3A_211, %broadcast_in_dim3A_371 : vector<64x128xi1>, vector<64x128xf32>
      %reduce_max3A_373 = arith.constant dense<0xFF800000> : vector<128xf32>
      %reduce_max3A_374 = vector.multi_reduction <maximumf>, %select_n3A_372, %reduce_max3A_373 [0] : vector<64x128xf32> to vector<128xf32>
      %broadcast_in_dim3A_375 = vector.shape_cast %reduce_max3A_374 : vector<128xf32> to vector<1x128xf32>
      %eq3A_376 = arith.constant 2 : i32
      %eq3A_377 = vector.broadcast %eq3A_376 : i32 to vector<64x1xi32>
      %eq3A_378 = arith.cmpi eq, %slice3A_212, %eq3A_377 : vector<64x1xi32>
      %jit3A_379 = arith.constant 0xFF800000 : f32
      %broadcast_in_dim3A_380 = vector.shape_cast %eq3A_378 : vector<64x1xi1> to vector<64x1xi1>
      %broadcast_in_dim3A_381 = vector.broadcast %broadcast_in_dim3A_380 : vector<64x1xi1> to vector<64x128xi1>
      %broadcast_in_dim3A_382 = vector.broadcast %jit3A_379 : f32 to vector<64x128xf32>
      %select_n3A_383 = arith.select %broadcast_in_dim3A_381, %slice3A_211, %broadcast_in_dim3A_382 : vector<64x128xi1>, vector<64x128xf32>
      %reduce_max3A_384 = arith.constant dense<0xFF800000> : vector<128xf32>
      %reduce_max3A_385 = vector.multi_reduction <maximumf>, %select_n3A_383, %reduce_max3A_384 [0] : vector<64x128xf32> to vector<128xf32>
      %broadcast_in_dim3A_386 = vector.shape_cast %reduce_max3A_385 : vector<128xf32> to vector<1x128xf32>
      %eq3A_387 = arith.constant 3 : i32
      %eq3A_388 = vector.broadcast %eq3A_387 : i32 to vector<64x1xi32>
      %eq3A_389 = arith.cmpi eq, %slice3A_212, %eq3A_388 : vector<64x1xi32>
      %jit3A_390 = arith.constant 0xFF800000 : f32
      %broadcast_in_dim3A_391 = vector.shape_cast %eq3A_389 : vector<64x1xi1> to vector<64x1xi1>
      %broadcast_in_dim3A_392 = vector.broadcast %broadcast_in_dim3A_391 : vector<64x1xi1> to vector<64x128xi1>
      %broadcast_in_dim3A_393 = vector.broadcast %jit3A_390 : f32 to vector<64x128xf32>
      %select_n3A_394 = arith.select %broadcast_in_dim3A_392, %slice3A_211, %broadcast_in_dim3A_393 : vector<64x128xi1>, vector<64x128xf32>
      %reduce_max3A_395 = arith.constant dense<0xFF800000> : vector<128xf32>
      %reduce_max3A_396 = vector.multi_reduction <maximumf>, %select_n3A_394, %reduce_max3A_395 [0] : vector<64x128xf32> to vector<128xf32>
      %broadcast_in_dim3A_397 = vector.shape_cast %reduce_max3A_396 : vector<128xf32> to vector<1x128xf32>
      %eq3A_398 = arith.constant 4 : i32
      %eq3A_399 = vector.broadcast %eq3A_398 : i32 to vector<64x1xi32>
      %eq3A_400 = arith.cmpi eq, %slice3A_212, %eq3A_399 : vector<64x1xi32>
      %jit3A_401 = arith.constant 0xFF800000 : f32
      %broadcast_in_dim3A_402 = vector.shape_cast %eq3A_400 : vector<64x1xi1> to vector<64x1xi1>
      %broadcast_in_dim3A_403 = vector.broadcast %broadcast_in_dim3A_402 : vector<64x1xi1> to vector<64x128xi1>
      %broadcast_in_dim3A_404 = vector.broadcast %jit3A_401 : f32 to vector<64x128xf32>
      %select_n3A_405 = arith.select %broadcast_in_dim3A_403, %slice3A_211, %broadcast_in_dim3A_404 : vector<64x128xi1>, vector<64x128xf32>
      %reduce_max3A_406 = arith.constant dense<0xFF800000> : vector<128xf32>
      %reduce_max3A_407 = vector.multi_reduction <maximumf>, %select_n3A_405, %reduce_max3A_406 [0] : vector<64x128xf32> to vector<128xf32>
      %broadcast_in_dim3A_408 = vector.shape_cast %reduce_max3A_407 : vector<128xf32> to vector<1x128xf32>
      %eq3A_409 = arith.constant 5 : i32
      %eq3A_410 = vector.broadcast %eq3A_409 : i32 to vector<64x1xi32>
      %eq3A_411 = arith.cmpi eq, %slice3A_212, %eq3A_410 : vector<64x1xi32>
      %jit3A_412 = arith.constant 0xFF800000 : f32
      %broadcast_in_dim3A_413 = vector.shape_cast %eq3A_411 : vector<64x1xi1> to vector<64x1xi1>
      %broadcast_in_dim3A_414 = vector.broadcast %broadcast_in_dim3A_413 : vector<64x1xi1> to vector<64x128xi1>
      %broadcast_in_dim3A_415 = vector.broadcast %jit3A_412 : f32 to vector<64x128xf32>
      %select_n3A_416 = arith.select %broadcast_in_dim3A_414, %slice3A_211, %broadcast_in_dim3A_415 : vector<64x128xi1>, vector<64x128xf32>
      %reduce_max3A_417 = arith.constant dense<0xFF800000> : vector<128xf32>
      %reduce_max3A_418 = vector.multi_reduction <maximumf>, %select_n3A_416, %reduce_max3A_417 [0] : vector<64x128xf32> to vector<128xf32>
      %broadcast_in_dim3A_419 = vector.shape_cast %reduce_max3A_418 : vector<128xf32> to vector<1x128xf32>
      %eq3A_420 = arith.constant 6 : i32
      %eq3A_421 = vector.broadcast %eq3A_420 : i32 to vector<64x1xi32>
      %eq3A_422 = arith.cmpi eq, %slice3A_212, %eq3A_421 : vector<64x1xi32>
      %jit3A_423 = arith.constant 0xFF800000 : f32
      %broadcast_in_dim3A_424 = vector.shape_cast %eq3A_422 : vector<64x1xi1> to vector<64x1xi1>
      %broadcast_in_dim3A_425 = vector.broadcast %broadcast_in_dim3A_424 : vector<64x1xi1> to vector<64x128xi1>
      %broadcast_in_dim3A_426 = vector.broadcast %jit3A_423 : f32 to vector<64x128xf32>
      %select_n3A_427 = arith.select %broadcast_in_dim3A_425, %slice3A_211, %broadcast_in_dim3A_426 : vector<64x128xi1>, vector<64x128xf32>
      %reduce_max3A_428 = arith.constant dense<0xFF800000> : vector<128xf32>
      %reduce_max3A_429 = vector.multi_reduction <maximumf>, %select_n3A_427, %reduce_max3A_428 [0] : vector<64x128xf32> to vector<128xf32>
      %broadcast_in_dim3A_430 = vector.shape_cast %reduce_max3A_429 : vector<128xf32> to vector<1x128xf32>
      %eq3A_431 = arith.constant 7 : i32
      %eq3A_432 = vector.broadcast %eq3A_431 : i32 to vector<64x1xi32>
      %eq3A_433 = arith.cmpi eq, %slice3A_212, %eq3A_432 : vector<64x1xi32>
      %jit3A_434 = arith.constant 0xFF800000 : f32
      %broadcast_in_dim3A_435 = vector.shape_cast %eq3A_433 : vector<64x1xi1> to vector<64x1xi1>
      %broadcast_in_dim3A_436 = vector.broadcast %broadcast_in_dim3A_435 : vector<64x1xi1> to vector<64x128xi1>
      %broadcast_in_dim3A_437 = vector.broadcast %jit3A_434 : f32 to vector<64x128xf32>
      %select_n3A_438 = arith.select %broadcast_in_dim3A_436, %slice3A_211, %broadcast_in_dim3A_437 : vector<64x128xi1>, vector<64x128xf32>
      %reduce_max3A_439 = arith.constant dense<0xFF800000> : vector<128xf32>
      %reduce_max3A_440 = vector.multi_reduction <maximumf>, %select_n3A_438, %reduce_max3A_439 [0] : vector<64x128xf32> to vector<128xf32>
      %broadcast_in_dim3A_441 = vector.shape_cast %reduce_max3A_440 : vector<128xf32> to vector<1x128xf32>
      %eq3A_442 = arith.constant 8 : i32
      %eq3A_443 = vector.broadcast %eq3A_442 : i32 to vector<64x1xi32>
      %eq3A_444 = arith.cmpi eq, %slice3A_212, %eq3A_443 : vector<64x1xi32>
      %jit3A_445 = arith.constant 0xFF800000 : f32
      %broadcast_in_dim3A_446 = vector.shape_cast %eq3A_444 : vector<64x1xi1> to vector<64x1xi1>
      %broadcast_in_dim3A_447 = vector.broadcast %broadcast_in_dim3A_446 : vector<64x1xi1> to vector<64x128xi1>
      %broadcast_in_dim3A_448 = vector.broadcast %jit3A_445 : f32 to vector<64x128xf32>
      %select_n3A_449 = arith.select %broadcast_in_dim3A_447, %slice3A_211, %broadcast_in_dim3A_448 : vector<64x128xi1>, vector<64x128xf32>
      %reduce_max3A_450 = arith.constant dense<0xFF800000> : vector<128xf32>
      %reduce_max3A_451 = vector.multi_reduction <maximumf>, %select_n3A_449, %reduce_max3A_450 [0] : vector<64x128xf32> to vector<128xf32>
      %broadcast_in_dim3A_452 = vector.shape_cast %reduce_max3A_451 : vector<128xf32> to vector<1x128xf32>
      %eq3A_453 = arith.constant 9 : i32
      %eq3A_454 = vector.broadcast %eq3A_453 : i32 to vector<64x1xi32>
      %eq3A_455 = arith.cmpi eq, %slice3A_212, %eq3A_454 : vector<64x1xi32>
      %jit3A_456 = arith.constant 0xFF800000 : f32
      %broadcast_in_dim3A_457 = vector.shape_cast %eq3A_455 : vector<64x1xi1> to vector<64x1xi1>
      %broadcast_in_dim3A_458 = vector.broadcast %broadcast_in_dim3A_457 : vector<64x1xi1> to vector<64x128xi1>
      %broadcast_in_dim3A_459 = vector.broadcast %jit3A_456 : f32 to vector<64x128xf32>
      %select_n3A_460 = arith.select %broadcast_in_dim3A_458, %slice3A_211, %broadcast_in_dim3A_459 : vector<64x128xi1>, vector<64x128xf32>
      %reduce_max3A_461 = arith.constant dense<0xFF800000> : vector<128xf32>
      %reduce_max3A_462 = vector.multi_reduction <maximumf>, %select_n3A_460, %reduce_max3A_461 [0] : vector<64x128xf32> to vector<128xf32>
      %broadcast_in_dim3A_463 = vector.shape_cast %reduce_max3A_462 : vector<128xf32> to vector<1x128xf32>
      %eq3A_464 = arith.constant 10 : i32
      %eq3A_465 = vector.broadcast %eq3A_464 : i32 to vector<64x1xi32>
      %eq3A_466 = arith.cmpi eq, %slice3A_212, %eq3A_465 : vector<64x1xi32>
      %jit3A_467 = arith.constant 0xFF800000 : f32
      %broadcast_in_dim3A_468 = vector.shape_cast %eq3A_466 : vector<64x1xi1> to vector<64x1xi1>
      %broadcast_in_dim3A_469 = vector.broadcast %broadcast_in_dim3A_468 : vector<64x1xi1> to vector<64x128xi1>
      %broadcast_in_dim3A_470 = vector.broadcast %jit3A_467 : f32 to vector<64x128xf32>
      %select_n3A_471 = arith.select %broadcast_in_dim3A_469, %slice3A_211, %broadcast_in_dim3A_470 : vector<64x128xi1>, vector<64x128xf32>
      %reduce_max3A_472 = arith.constant dense<0xFF800000> : vector<128xf32>
      %reduce_max3A_473 = vector.multi_reduction <maximumf>, %select_n3A_471, %reduce_max3A_472 [0] : vector<64x128xf32> to vector<128xf32>
      %broadcast_in_dim3A_474 = vector.shape_cast %reduce_max3A_473 : vector<128xf32> to vector<1x128xf32>
      %eq3A_475 = arith.constant 11 : i32
      %eq3A_476 = vector.broadcast %eq3A_475 : i32 to vector<64x1xi32>
      %eq3A_477 = arith.cmpi eq, %slice3A_212, %eq3A_476 : vector<64x1xi32>
      %jit3A_478 = arith.constant 0xFF800000 : f32
      %broadcast_in_dim3A_479 = vector.shape_cast %eq3A_477 : vector<64x1xi1> to vector<64x1xi1>
      %broadcast_in_dim3A_480 = vector.broadcast %broadcast_in_dim3A_479 : vector<64x1xi1> to vector<64x128xi1>
      %broadcast_in_dim3A_481 = vector.broadcast %jit3A_478 : f32 to vector<64x128xf32>
      %select_n3A_482 = arith.select %broadcast_in_dim3A_480, %slice3A_211, %broadcast_in_dim3A_481 : vector<64x128xi1>, vector<64x128xf32>
      %reduce_max3A_483 = arith.constant dense<0xFF800000> : vector<128xf32>
      %reduce_max3A_484 = vector.multi_reduction <maximumf>, %select_n3A_482, %reduce_max3A_483 [0] : vector<64x128xf32> to vector<128xf32>
      %broadcast_in_dim3A_485 = vector.shape_cast %reduce_max3A_484 : vector<128xf32> to vector<1x128xf32>
      %eq3A_486 = arith.constant 12 : i32
      %eq3A_487 = vector.broadcast %eq3A_486 : i32 to vector<64x1xi32>
      %eq3A_488 = arith.cmpi eq, %slice3A_212, %eq3A_487 : vector<64x1xi32>
      %jit3A_489 = arith.constant 0xFF800000 : f32
      %broadcast_in_dim3A_490 = vector.shape_cast %eq3A_488 : vector<64x1xi1> to vector<64x1xi1>
      %broadcast_in_dim3A_491 = vector.broadcast %broadcast_in_dim3A_490 : vector<64x1xi1> to vector<64x128xi1>
      %broadcast_in_dim3A_492 = vector.broadcast %jit3A_489 : f32 to vector<64x128xf32>
      %select_n3A_493 = arith.select %broadcast_in_dim3A_491, %slice3A_211, %broadcast_in_dim3A_492 : vector<64x128xi1>, vector<64x128xf32>
      %reduce_max3A_494 = arith.constant dense<0xFF800000> : vector<128xf32>
      %reduce_max3A_495 = vector.multi_reduction <maximumf>, %select_n3A_493, %reduce_max3A_494 [0] : vector<64x128xf32> to vector<128xf32>
      %broadcast_in_dim3A_496 = vector.shape_cast %reduce_max3A_495 : vector<128xf32> to vector<1x128xf32>
      %eq3A_497 = arith.constant 13 : i32
      %eq3A_498 = vector.broadcast %eq3A_497 : i32 to vector<64x1xi32>
      %eq3A_499 = arith.cmpi eq, %slice3A_212, %eq3A_498 : vector<64x1xi32>
      %jit3A_500 = arith.constant 0xFF800000 : f32
      %broadcast_in_dim3A_501 = vector.shape_cast %eq3A_499 : vector<64x1xi1> to vector<64x1xi1>
      %broadcast_in_dim3A_502 = vector.broadcast %broadcast_in_dim3A_501 : vector<64x1xi1> to vector<64x128xi1>
      %broadcast_in_dim3A_503 = vector.broadcast %jit3A_500 : f32 to vector<64x128xf32>
      %select_n3A_504 = arith.select %broadcast_in_dim3A_502, %slice3A_211, %broadcast_in_dim3A_503 : vector<64x128xi1>, vector<64x128xf32>
      %reduce_max3A_505 = arith.constant dense<0xFF800000> : vector<128xf32>
      %reduce_max3A_506 = vector.multi_reduction <maximumf>, %select_n3A_504, %reduce_max3A_505 [0] : vector<64x128xf32> to vector<128xf32>
      %broadcast_in_dim3A_507 = vector.shape_cast %reduce_max3A_506 : vector<128xf32> to vector<1x128xf32>
      %eq3A_508 = arith.constant 14 : i32
      %eq3A_509 = vector.broadcast %eq3A_508 : i32 to vector<64x1xi32>
      %eq3A_510 = arith.cmpi eq, %slice3A_212, %eq3A_509 : vector<64x1xi32>
      %jit3A_511 = arith.constant 0xFF800000 : f32
      %broadcast_in_dim3A_512 = vector.shape_cast %eq3A_510 : vector<64x1xi1> to vector<64x1xi1>
      %broadcast_in_dim3A_513 = vector.broadcast %broadcast_in_dim3A_512 : vector<64x1xi1> to vector<64x128xi1>
      %broadcast_in_dim3A_514 = vector.broadcast %jit3A_511 : f32 to vector<64x128xf32>
      %select_n3A_515 = arith.select %broadcast_in_dim3A_513, %slice3A_211, %broadcast_in_dim3A_514 : vector<64x128xi1>, vector<64x128xf32>
      %reduce_max3A_516 = arith.constant dense<0xFF800000> : vector<128xf32>
      %reduce_max3A_517 = vector.multi_reduction <maximumf>, %select_n3A_515, %reduce_max3A_516 [0] : vector<64x128xf32> to vector<128xf32>
      %broadcast_in_dim3A_518 = vector.shape_cast %reduce_max3A_517 : vector<128xf32> to vector<1x128xf32>
      %eq3A_519 = arith.constant 15 : i32
      %eq3A_520 = vector.broadcast %eq3A_519 : i32 to vector<64x1xi32>
      %eq3A_521 = arith.cmpi eq, %slice3A_212, %eq3A_520 : vector<64x1xi32>
      %jit3A_522 = arith.constant 0xFF800000 : f32
      %broadcast_in_dim3A_523 = vector.shape_cast %eq3A_521 : vector<64x1xi1> to vector<64x1xi1>
      %broadcast_in_dim3A_524 = vector.broadcast %broadcast_in_dim3A_523 : vector<64x1xi1> to vector<64x128xi1>
      %broadcast_in_dim3A_525 = vector.broadcast %jit3A_522 : f32 to vector<64x128xf32>
      %select_n3A_526 = arith.select %broadcast_in_dim3A_524, %slice3A_211, %broadcast_in_dim3A_525 : vector<64x128xi1>, vector<64x128xf32>
      %reduce_max3A_527 = arith.constant dense<0xFF800000> : vector<128xf32>
      %reduce_max3A_528 = vector.multi_reduction <maximumf>, %select_n3A_526, %reduce_max3A_527 [0] : vector<64x128xf32> to vector<128xf32>
      %broadcast_in_dim3A_529 = vector.shape_cast %reduce_max3A_528 : vector<128xf32> to vector<1x128xf32>
      %concatenate3A = tpu.concatenate %broadcast_in_dim3A_364, %broadcast_in_dim3A_375, %broadcast_in_dim3A_386, %broadcast_in_dim3A_397, %broadcast_in_dim3A_408, %broadcast_in_dim3A_419, %broadcast_in_dim3A_430, %broadcast_in_dim3A_441, %broadcast_in_dim3A_452, %broadcast_in_dim3A_463, %broadcast_in_dim3A_474, %broadcast_in_dim3A_485, %broadcast_in_dim3A_496, %broadcast_in_dim3A_507, %broadcast_in_dim3A_518, %broadcast_in_dim3A_529 in 0 : vector<1x128xf32>, vector<1x128xf32>, vector<1x128xf32>, vector<1x128xf32>, vector<1x128xf32>, vector<1x128xf32>, vector<1x128xf32>, vector<1x128xf32>, vector<1x128xf32>, vector<1x128xf32>, vector<1x128xf32>, vector<1x128xf32>, vector<1x128xf32>, vector<1x128xf32>, vector<1x128xf32>, vector<1x128xf32> -> vector<16x128xf32>
      %get3A_530 = arith.constant 0 : index
      %get3A_531 = arith.constant 0 : index
      %get3A_532 = vector.load %arg6[%get3A_530, %get3A_531] : memref<16x128xf32, #tpu.memory_space<vmem>>, vector<16x128xf32>
      %max3A = arith.maximumf %get3A_532, %concatenate3A : vector<16x128xf32>
      %swap3A = arith.constant 0 : index
      %swap3A_533 = arith.constant 0 : index
      %swap3A_534 = vector.load %arg6[%swap3A, %swap3A_533] : memref<16x128xf32, #tpu.memory_space<vmem>>, vector<16x128xf32>
      tpu.vector_store %arg6[%swap3A, %swap3A_533], %max3A {strides = array<i32>} : memref<16x128xf32, #tpu.memory_space<vmem>>, vector<16x128xf32>,
    } else {
    }
    %slice3A_232 = vector.extract_strided_slice %add3A_22 {offsets = [640, 0], sizes = [64, 128], strides = [1, 1]} : vector<1024x128xf32> to vector<64x128xf32>
    %slice3A_233 = vector.extract_strided_slice %get3A_25 {offsets = [640, 0], sizes = [64, 1], strides = [1, 1]} : vector<1024x1xi32> to vector<64x1xi32>
    %get3A_234 = arith.constant 640 : index
    %get3A_235 = arith.constant 0 : index
    %get3A_236 = vector.load %arg5[%get3A_234, %get3A_235] : memref<1024x1xi32, #tpu.memory_space<vmem>>, vector<1x1xi32>
    %get3A_237 = vector.extract %get3A_236[0, 0] : i32 from vector<1x1xi32>
    %get3A_238 = arith.constant 703 : index
    %get3A_239 = arith.constant 0 : index
    %get3A_240 = vector.load %arg5[%get3A_238, %get3A_239] : memref<1024x1xi32, #tpu.memory_space<vmem>>, vector<1x1xi32>
    %get3A_241 = vector.extract %get3A_240[0, 0] : i32 from vector<1x1xi32>
    %eq3A_242 = arith.cmpi eq, %get3A_237, %get3A_241 : i32
    %lt3A_243 = arith.constant 16 : i32
    %lt3A_244 = arith.cmpi slt, %get3A_237, %lt3A_243 : i32
    %and3A_245 = arith.andi %eq3A_242, %lt3A_244 : i1
    %convert_element_type3A_246 = arith.extui %and3A_245 : i1 to i32
    %cond3A_247 = arith.constant 0 : i32
    %cond3A_248 = arith.cmpi ne, %convert_element_type3A_246, %cond3A_247 : i32
    scf.if %cond3A_248 {
      %reduce_max3A = arith.constant dense<0xFF800000> : vector<128xf32>
      %reduce_max3A_358 = vector.multi_reduction <maximumf>, %slice3A_232, %reduce_max3A [0] : vector<64x128xf32> to vector<128xf32>
      %broadcast_in_dim3A = vector.shape_cast %reduce_max3A_358 : vector<128xf32> to vector<1x128xf32>
      %get3A_359 = arith.index_cast %get3A_237 : i32 to index
      %get3A_360 = arith.constant 0 : index
      %get3A_361 = vector.load %arg6[%get3A_359, %get3A_360] : memref<16x128xf32, #tpu.memory_space<vmem>>, vector<1x128xf32>
      %max3A = arith.maximumf %get3A_361, %broadcast_in_dim3A : vector<1x128xf32>
      %swap3A = arith.index_cast %get3A_237 : i32 to index
      %swap3A_362 = arith.constant 0 : index
      %swap3A_363 = vector.load %arg6[%swap3A, %swap3A_362] : memref<16x128xf32, #tpu.memory_space<vmem>>, vector<1x128xf32>
      tpu.vector_store %arg6[%swap3A, %swap3A_362], %max3A {strides = array<i32>} : memref<16x128xf32, #tpu.memory_space<vmem>>, vector<1x128xf32>,
    } else {
    }
    %ne3A_249 = arith.cmpi ne, %get3A_237, %get3A_241 : i32
    %convert_element_type3A_250 = arith.extui %ne3A_249 : i1 to i32
    %cond3A_251 = arith.constant 0 : i32
    %cond3A_252 = arith.cmpi ne, %convert_element_type3A_250, %cond3A_251 : i32
    scf.if %cond3A_252 {
      %eq3A_358 = arith.constant 0 : i32
      %eq3A_359 = vector.broadcast %eq3A_358 : i32 to vector<64x1xi32>
      %eq3A_360 = arith.cmpi eq, %slice3A_233, %eq3A_359 : vector<64x1xi32>
      %jit3A = arith.constant 0xFF800000 : f32
      %broadcast_in_dim3A = vector.shape_cast %eq3A_360 : vector<64x1xi1> to vector<64x1xi1>
      %broadcast_in_dim3A_361 = vector.broadcast %broadcast_in_dim3A : vector<64x1xi1> to vector<64x128xi1>
      %broadcast_in_dim3A_362 = vector.broadcast %jit3A : f32 to vector<64x128xf32>
      %select_n3A = arith.select %broadcast_in_dim3A_361, %slice3A_232, %broadcast_in_dim3A_362 : vector<64x128xi1>, vector<64x128xf32>
      %reduce_max3A = arith.constant dense<0xFF800000> : vector<128xf32>
      %reduce_max3A_363 = vector.multi_reduction <maximumf>, %select_n3A, %reduce_max3A [0] : vector<64x128xf32> to vector<128xf32>
      %broadcast_in_dim3A_364 = vector.shape_cast %reduce_max3A_363 : vector<128xf32> to vector<1x128xf32>
      %eq3A_365 = arith.constant 1 : i32
      %eq3A_366 = vector.broadcast %eq3A_365 : i32 to vector<64x1xi32>
      %eq3A_367 = arith.cmpi eq, %slice3A_233, %eq3A_366 : vector<64x1xi32>
      %jit3A_368 = arith.constant 0xFF800000 : f32
      %broadcast_in_dim3A_369 = vector.shape_cast %eq3A_367 : vector<64x1xi1> to vector<64x1xi1>
      %broadcast_in_dim3A_370 = vector.broadcast %broadcast_in_dim3A_369 : vector<64x1xi1> to vector<64x128xi1>
      %broadcast_in_dim3A_371 = vector.broadcast %jit3A_368 : f32 to vector<64x128xf32>
      %select_n3A_372 = arith.select %broadcast_in_dim3A_370, %slice3A_232, %broadcast_in_dim3A_371 : vector<64x128xi1>, vector<64x128xf32>
      %reduce_max3A_373 = arith.constant dense<0xFF800000> : vector<128xf32>
      %reduce_max3A_374 = vector.multi_reduction <maximumf>, %select_n3A_372, %reduce_max3A_373 [0] : vector<64x128xf32> to vector<128xf32>
      %broadcast_in_dim3A_375 = vector.shape_cast %reduce_max3A_374 : vector<128xf32> to vector<1x128xf32>
      %eq3A_376 = arith.constant 2 : i32
      %eq3A_377 = vector.broadcast %eq3A_376 : i32 to vector<64x1xi32>
      %eq3A_378 = arith.cmpi eq, %slice3A_233, %eq3A_377 : vector<64x1xi32>
      %jit3A_379 = arith.constant 0xFF800000 : f32
      %broadcast_in_dim3A_380 = vector.shape_cast %eq3A_378 : vector<64x1xi1> to vector<64x1xi1>
      %broadcast_in_dim3A_381 = vector.broadcast %broadcast_in_dim3A_380 : vector<64x1xi1> to vector<64x128xi1>
      %broadcast_in_dim3A_382 = vector.broadcast %jit3A_379 : f32 to vector<64x128xf32>
      %select_n3A_383 = arith.select %broadcast_in_dim3A_381, %slice3A_232, %broadcast_in_dim3A_382 : vector<64x128xi1>, vector<64x128xf32>
      %reduce_max3A_384 = arith.constant dense<0xFF800000> : vector<128xf32>
      %reduce_max3A_385 = vector.multi_reduction <maximumf>, %select_n3A_383, %reduce_max3A_384 [0] : vector<64x128xf32> to vector<128xf32>
      %broadcast_in_dim3A_386 = vector.shape_cast %reduce_max3A_385 : vector<128xf32> to vector<1x128xf32>
      %eq3A_387 = arith.constant 3 : i32
      %eq3A_388 = vector.broadcast %eq3A_387 : i32 to vector<64x1xi32>
      %eq3A_389 = arith.cmpi eq, %slice3A_233, %eq3A_388 : vector<64x1xi32>
      %jit3A_390 = arith.constant 0xFF800000 : f32
      %broadcast_in_dim3A_391 = vector.shape_cast %eq3A_389 : vector<64x1xi1> to vector<64x1xi1>
      %broadcast_in_dim3A_392 = vector.broadcast %broadcast_in_dim3A_391 : vector<64x1xi1> to vector<64x128xi1>
      %broadcast_in_dim3A_393 = vector.broadcast %jit3A_390 : f32 to vector<64x128xf32>
      %select_n3A_394 = arith.select %broadcast_in_dim3A_392, %slice3A_232, %broadcast_in_dim3A_393 : vector<64x128xi1>, vector<64x128xf32>
      %reduce_max3A_395 = arith.constant dense<0xFF800000> : vector<128xf32>
      %reduce_max3A_396 = vector.multi_reduction <maximumf>, %select_n3A_394, %reduce_max3A_395 [0] : vector<64x128xf32> to vector<128xf32>
      %broadcast_in_dim3A_397 = vector.shape_cast %reduce_max3A_396 : vector<128xf32> to vector<1x128xf32>
      %eq3A_398 = arith.constant 4 : i32
      %eq3A_399 = vector.broadcast %eq3A_398 : i32 to vector<64x1xi32>
      %eq3A_400 = arith.cmpi eq, %slice3A_233, %eq3A_399 : vector<64x1xi32>
      %jit3A_401 = arith.constant 0xFF800000 : f32
      %broadcast_in_dim3A_402 = vector.shape_cast %eq3A_400 : vector<64x1xi1> to vector<64x1xi1>
      %broadcast_in_dim3A_403 = vector.broadcast %broadcast_in_dim3A_402 : vector<64x1xi1> to vector<64x128xi1>
      %broadcast_in_dim3A_404 = vector.broadcast %jit3A_401 : f32 to vector<64x128xf32>
      %select_n3A_405 = arith.select %broadcast_in_dim3A_403, %slice3A_232, %broadcast_in_dim3A_404 : vector<64x128xi1>, vector<64x128xf32>
      %reduce_max3A_406 = arith.constant dense<0xFF800000> : vector<128xf32>
      %reduce_max3A_407 = vector.multi_reduction <maximumf>, %select_n3A_405, %reduce_max3A_406 [0] : vector<64x128xf32> to vector<128xf32>
      %broadcast_in_dim3A_408 = vector.shape_cast %reduce_max3A_407 : vector<128xf32> to vector<1x128xf32>
      %eq3A_409 = arith.constant 5 : i32
      %eq3A_410 = vector.broadcast %eq3A_409 : i32 to vector<64x1xi32>
      %eq3A_411 = arith.cmpi eq, %slice3A_233, %eq3A_410 : vector<64x1xi32>
      %jit3A_412 = arith.constant 0xFF800000 : f32
      %broadcast_in_dim3A_413 = vector.shape_cast %eq3A_411 : vector<64x1xi1> to vector<64x1xi1>
      %broadcast_in_dim3A_414 = vector.broadcast %broadcast_in_dim3A_413 : vector<64x1xi1> to vector<64x128xi1>
      %broadcast_in_dim3A_415 = vector.broadcast %jit3A_412 : f32 to vector<64x128xf32>
      %select_n3A_416 = arith.select %broadcast_in_dim3A_414, %slice3A_232, %broadcast_in_dim3A_415 : vector<64x128xi1>, vector<64x128xf32>
      %reduce_max3A_417 = arith.constant dense<0xFF800000> : vector<128xf32>
      %reduce_max3A_418 = vector.multi_reduction <maximumf>, %select_n3A_416, %reduce_max3A_417 [0] : vector<64x128xf32> to vector<128xf32>
      %broadcast_in_dim3A_419 = vector.shape_cast %reduce_max3A_418 : vector<128xf32> to vector<1x128xf32>
      %eq3A_420 = arith.constant 6 : i32
      %eq3A_421 = vector.broadcast %eq3A_420 : i32 to vector<64x1xi32>
      %eq3A_422 = arith.cmpi eq, %slice3A_233, %eq3A_421 : vector<64x1xi32>
      %jit3A_423 = arith.constant 0xFF800000 : f32
      %broadcast_in_dim3A_424 = vector.shape_cast %eq3A_422 : vector<64x1xi1> to vector<64x1xi1>
      %broadcast_in_dim3A_425 = vector.broadcast %broadcast_in_dim3A_424 : vector<64x1xi1> to vector<64x128xi1>
      %broadcast_in_dim3A_426 = vector.broadcast %jit3A_423 : f32 to vector<64x128xf32>
      %select_n3A_427 = arith.select %broadcast_in_dim3A_425, %slice3A_232, %broadcast_in_dim3A_426 : vector<64x128xi1>, vector<64x128xf32>
      %reduce_max3A_428 = arith.constant dense<0xFF800000> : vector<128xf32>
      %reduce_max3A_429 = vector.multi_reduction <maximumf>, %select_n3A_427, %reduce_max3A_428 [0] : vector<64x128xf32> to vector<128xf32>
      %broadcast_in_dim3A_430 = vector.shape_cast %reduce_max3A_429 : vector<128xf32> to vector<1x128xf32>
      %eq3A_431 = arith.constant 7 : i32
      %eq3A_432 = vector.broadcast %eq3A_431 : i32 to vector<64x1xi32>
      %eq3A_433 = arith.cmpi eq, %slice3A_233, %eq3A_432 : vector<64x1xi32>
      %jit3A_434 = arith.constant 0xFF800000 : f32
      %broadcast_in_dim3A_435 = vector.shape_cast %eq3A_433 : vector<64x1xi1> to vector<64x1xi1>
      %broadcast_in_dim3A_436 = vector.broadcast %broadcast_in_dim3A_435 : vector<64x1xi1> to vector<64x128xi1>
      %broadcast_in_dim3A_437 = vector.broadcast %jit3A_434 : f32 to vector<64x128xf32>
      %select_n3A_438 = arith.select %broadcast_in_dim3A_436, %slice3A_232, %broadcast_in_dim3A_437 : vector<64x128xi1>, vector<64x128xf32>
      %reduce_max3A_439 = arith.constant dense<0xFF800000> : vector<128xf32>
      %reduce_max3A_440 = vector.multi_reduction <maximumf>, %select_n3A_438, %reduce_max3A_439 [0] : vector<64x128xf32> to vector<128xf32>
      %broadcast_in_dim3A_441 = vector.shape_cast %reduce_max3A_440 : vector<128xf32> to vector<1x128xf32>
      %eq3A_442 = arith.constant 8 : i32
      %eq3A_443 = vector.broadcast %eq3A_442 : i32 to vector<64x1xi32>
      %eq3A_444 = arith.cmpi eq, %slice3A_233, %eq3A_443 : vector<64x1xi32>
      %jit3A_445 = arith.constant 0xFF800000 : f32
      %broadcast_in_dim3A_446 = vector.shape_cast %eq3A_444 : vector<64x1xi1> to vector<64x1xi1>
      %broadcast_in_dim3A_447 = vector.broadcast %broadcast_in_dim3A_446 : vector<64x1xi1> to vector<64x128xi1>
      %broadcast_in_dim3A_448 = vector.broadcast %jit3A_445 : f32 to vector<64x128xf32>
      %select_n3A_449 = arith.select %broadcast_in_dim3A_447, %slice3A_232, %broadcast_in_dim3A_448 : vector<64x128xi1>, vector<64x128xf32>
      %reduce_max3A_450 = arith.constant dense<0xFF800000> : vector<128xf32>
      %reduce_max3A_451 = vector.multi_reduction <maximumf>, %select_n3A_449, %reduce_max3A_450 [0] : vector<64x128xf32> to vector<128xf32>
      %broadcast_in_dim3A_452 = vector.shape_cast %reduce_max3A_451 : vector<128xf32> to vector<1x128xf32>
      %eq3A_453 = arith.constant 9 : i32
      %eq3A_454 = vector.broadcast %eq3A_453 : i32 to vector<64x1xi32>
      %eq3A_455 = arith.cmpi eq, %slice3A_233, %eq3A_454 : vector<64x1xi32>
      %jit3A_456 = arith.constant 0xFF800000 : f32
      %broadcast_in_dim3A_457 = vector.shape_cast %eq3A_455 : vector<64x1xi1> to vector<64x1xi1>
      %broadcast_in_dim3A_458 = vector.broadcast %broadcast_in_dim3A_457 : vector<64x1xi1> to vector<64x128xi1>
      %broadcast_in_dim3A_459 = vector.broadcast %jit3A_456 : f32 to vector<64x128xf32>
      %select_n3A_460 = arith.select %broadcast_in_dim3A_458, %slice3A_232, %broadcast_in_dim3A_459 : vector<64x128xi1>, vector<64x128xf32>
      %reduce_max3A_461 = arith.constant dense<0xFF800000> : vector<128xf32>
      %reduce_max3A_462 = vector.multi_reduction <maximumf>, %select_n3A_460, %reduce_max3A_461 [0] : vector<64x128xf32> to vector<128xf32>
      %broadcast_in_dim3A_463 = vector.shape_cast %reduce_max3A_462 : vector<128xf32> to vector<1x128xf32>
      %eq3A_464 = arith.constant 10 : i32
      %eq3A_465 = vector.broadcast %eq3A_464 : i32 to vector<64x1xi32>
      %eq3A_466 = arith.cmpi eq, %slice3A_233, %eq3A_465 : vector<64x1xi32>
      %jit3A_467 = arith.constant 0xFF800000 : f32
      %broadcast_in_dim3A_468 = vector.shape_cast %eq3A_466 : vector<64x1xi1> to vector<64x1xi1>
      %broadcast_in_dim3A_469 = vector.broadcast %broadcast_in_dim3A_468 : vector<64x1xi1> to vector<64x128xi1>
      %broadcast_in_dim3A_470 = vector.broadcast %jit3A_467 : f32 to vector<64x128xf32>
      %select_n3A_471 = arith.select %broadcast_in_dim3A_469, %slice3A_232, %broadcast_in_dim3A_470 : vector<64x128xi1>, vector<64x128xf32>
      %reduce_max3A_472 = arith.constant dense<0xFF800000> : vector<128xf32>
      %reduce_max3A_473 = vector.multi_reduction <maximumf>, %select_n3A_471, %reduce_max3A_472 [0] : vector<64x128xf32> to vector<128xf32>
      %broadcast_in_dim3A_474 = vector.shape_cast %reduce_max3A_473 : vector<128xf32> to vector<1x128xf32>
      %eq3A_475 = arith.constant 11 : i32
      %eq3A_476 = vector.broadcast %eq3A_475 : i32 to vector<64x1xi32>
      %eq3A_477 = arith.cmpi eq, %slice3A_233, %eq3A_476 : vector<64x1xi32>
      %jit3A_478 = arith.constant 0xFF800000 : f32
      %broadcast_in_dim3A_479 = vector.shape_cast %eq3A_477 : vector<64x1xi1> to vector<64x1xi1>
      %broadcast_in_dim3A_480 = vector.broadcast %broadcast_in_dim3A_479 : vector<64x1xi1> to vector<64x128xi1>
      %broadcast_in_dim3A_481 = vector.broadcast %jit3A_478 : f32 to vector<64x128xf32>
      %select_n3A_482 = arith.select %broadcast_in_dim3A_480, %slice3A_232, %broadcast_in_dim3A_481 : vector<64x128xi1>, vector<64x128xf32>
      %reduce_max3A_483 = arith.constant dense<0xFF800000> : vector<128xf32>
      %reduce_max3A_484 = vector.multi_reduction <maximumf>, %select_n3A_482, %reduce_max3A_483 [0] : vector<64x128xf32> to vector<128xf32>
      %broadcast_in_dim3A_485 = vector.shape_cast %reduce_max3A_484 : vector<128xf32> to vector<1x128xf32>
      %eq3A_486 = arith.constant 12 : i32
      %eq3A_487 = vector.broadcast %eq3A_486 : i32 to vector<64x1xi32>
      %eq3A_488 = arith.cmpi eq, %slice3A_233, %eq3A_487 : vector<64x1xi32>
      %jit3A_489 = arith.constant 0xFF800000 : f32
      %broadcast_in_dim3A_490 = vector.shape_cast %eq3A_488 : vector<64x1xi1> to vector<64x1xi1>
      %broadcast_in_dim3A_491 = vector.broadcast %broadcast_in_dim3A_490 : vector<64x1xi1> to vector<64x128xi1>
      %broadcast_in_dim3A_492 = vector.broadcast %jit3A_489 : f32 to vector<64x128xf32>
      %select_n3A_493 = arith.select %broadcast_in_dim3A_491, %slice3A_232, %broadcast_in_dim3A_492 : vector<64x128xi1>, vector<64x128xf32>
      %reduce_max3A_494 = arith.constant dense<0xFF800000> : vector<128xf32>
      %reduce_max3A_495 = vector.multi_reduction <maximumf>, %select_n3A_493, %reduce_max3A_494 [0] : vector<64x128xf32> to vector<128xf32>
      %broadcast_in_dim3A_496 = vector.shape_cast %reduce_max3A_495 : vector<128xf32> to vector<1x128xf32>
      %eq3A_497 = arith.constant 13 : i32
      %eq3A_498 = vector.broadcast %eq3A_497 : i32 to vector<64x1xi32>
      %eq3A_499 = arith.cmpi eq, %slice3A_233, %eq3A_498 : vector<64x1xi32>
      %jit3A_500 = arith.constant 0xFF800000 : f32
      %broadcast_in_dim3A_501 = vector.shape_cast %eq3A_499 : vector<64x1xi1> to vector<64x1xi1>
      %broadcast_in_dim3A_502 = vector.broadcast %broadcast_in_dim3A_501 : vector<64x1xi1> to vector<64x128xi1>
      %broadcast_in_dim3A_503 = vector.broadcast %jit3A_500 : f32 to vector<64x128xf32>
      %select_n3A_504 = arith.select %broadcast_in_dim3A_502, %slice3A_232, %broadcast_in_dim3A_503 : vector<64x128xi1>, vector<64x128xf32>
      %reduce_max3A_505 = arith.constant dense<0xFF800000> : vector<128xf32>
      %reduce_max3A_506 = vector.multi_reduction <maximumf>, %select_n3A_504, %reduce_max3A_505 [0] : vector<64x128xf32> to vector<128xf32>
      %broadcast_in_dim3A_507 = vector.shape_cast %reduce_max3A_506 : vector<128xf32> to vector<1x128xf32>
      %eq3A_508 = arith.constant 14 : i32
      %eq3A_509 = vector.broadcast %eq3A_508 : i32 to vector<64x1xi32>
      %eq3A_510 = arith.cmpi eq, %slice3A_233, %eq3A_509 : vector<64x1xi32>
      %jit3A_511 = arith.constant 0xFF800000 : f32
      %broadcast_in_dim3A_512 = vector.shape_cast %eq3A_510 : vector<64x1xi1> to vector<64x1xi1>
      %broadcast_in_dim3A_513 = vector.broadcast %broadcast_in_dim3A_512 : vector<64x1xi1> to vector<64x128xi1>
      %broadcast_in_dim3A_514 = vector.broadcast %jit3A_511 : f32 to vector<64x128xf32>
      %select_n3A_515 = arith.select %broadcast_in_dim3A_513, %slice3A_232, %broadcast_in_dim3A_514 : vector<64x128xi1>, vector<64x128xf32>
      %reduce_max3A_516 = arith.constant dense<0xFF800000> : vector<128xf32>
      %reduce_max3A_517 = vector.multi_reduction <maximumf>, %select_n3A_515, %reduce_max3A_516 [0] : vector<64x128xf32> to vector<128xf32>
      %broadcast_in_dim3A_518 = vector.shape_cast %reduce_max3A_517 : vector<128xf32> to vector<1x128xf32>
      %eq3A_519 = arith.constant 15 : i32
      %eq3A_520 = vector.broadcast %eq3A_519 : i32 to vector<64x1xi32>
      %eq3A_521 = arith.cmpi eq, %slice3A_233, %eq3A_520 : vector<64x1xi32>
      %jit3A_522 = arith.constant 0xFF800000 : f32
      %broadcast_in_dim3A_523 = vector.shape_cast %eq3A_521 : vector<64x1xi1> to vector<64x1xi1>
      %broadcast_in_dim3A_524 = vector.broadcast %broadcast_in_dim3A_523 : vector<64x1xi1> to vector<64x128xi1>
      %broadcast_in_dim3A_525 = vector.broadcast %jit3A_522 : f32 to vector<64x128xf32>
      %select_n3A_526 = arith.select %broadcast_in_dim3A_524, %slice3A_232, %broadcast_in_dim3A_525 : vector<64x128xi1>, vector<64x128xf32>
      %reduce_max3A_527 = arith.constant dense<0xFF800000> : vector<128xf32>
      %reduce_max3A_528 = vector.multi_reduction <maximumf>, %select_n3A_526, %reduce_max3A_527 [0] : vector<64x128xf32> to vector<128xf32>
      %broadcast_in_dim3A_529 = vector.shape_cast %reduce_max3A_528 : vector<128xf32> to vector<1x128xf32>
      %concatenate3A = tpu.concatenate %broadcast_in_dim3A_364, %broadcast_in_dim3A_375, %broadcast_in_dim3A_386, %broadcast_in_dim3A_397, %broadcast_in_dim3A_408, %broadcast_in_dim3A_419, %broadcast_in_dim3A_430, %broadcast_in_dim3A_441, %broadcast_in_dim3A_452, %broadcast_in_dim3A_463, %broadcast_in_dim3A_474, %broadcast_in_dim3A_485, %broadcast_in_dim3A_496, %broadcast_in_dim3A_507, %broadcast_in_dim3A_518, %broadcast_in_dim3A_529 in 0 : vector<1x128xf32>, vector<1x128xf32>, vector<1x128xf32>, vector<1x128xf32>, vector<1x128xf32>, vector<1x128xf32>, vector<1x128xf32>, vector<1x128xf32>, vector<1x128xf32>, vector<1x128xf32>, vector<1x128xf32>, vector<1x128xf32>, vector<1x128xf32>, vector<1x128xf32>, vector<1x128xf32>, vector<1x128xf32> -> vector<16x128xf32>
      %get3A_530 = arith.constant 0 : index
      %get3A_531 = arith.constant 0 : index
      %get3A_532 = vector.load %arg6[%get3A_530, %get3A_531] : memref<16x128xf32, #tpu.memory_space<vmem>>, vector<16x128xf32>
      %max3A = arith.maximumf %get3A_532, %concatenate3A : vector<16x128xf32>
      %swap3A = arith.constant 0 : index
      %swap3A_533 = arith.constant 0 : index
      %swap3A_534 = vector.load %arg6[%swap3A, %swap3A_533] : memref<16x128xf32, #tpu.memory_space<vmem>>, vector<16x128xf32>
      tpu.vector_store %arg6[%swap3A, %swap3A_533], %max3A {strides = array<i32>} : memref<16x128xf32, #tpu.memory_space<vmem>>, vector<16x128xf32>,
    } else {
    }
    %slice3A_253 = vector.extract_strided_slice %add3A_22 {offsets = [704, 0], sizes = [64, 128], strides = [1, 1]} : vector<1024x128xf32> to vector<64x128xf32>
    %slice3A_254 = vector.extract_strided_slice %get3A_25 {offsets = [704, 0], sizes = [64, 1], strides = [1, 1]} : vector<1024x1xi32> to vector<64x1xi32>
    %get3A_255 = arith.constant 704 : index
    %get3A_256 = arith.constant 0 : index
    %get3A_257 = vector.load %arg5[%get3A_255, %get3A_256] : memref<1024x1xi32, #tpu.memory_space<vmem>>, vector<1x1xi32>
    %get3A_258 = vector.extract %get3A_257[0, 0] : i32 from vector<1x1xi32>
    %get3A_259 = arith.constant 767 : index
    %get3A_260 = arith.constant 0 : index
    %get3A_261 = vector.load %arg5[%get3A_259, %get3A_260] : memref<1024x1xi32, #tpu.memory_space<vmem>>, vector<1x1xi32>
    %get3A_262 = vector.extract %get3A_261[0, 0] : i32 from vector<1x1xi32>
    %eq3A_263 = arith.cmpi eq, %get3A_258, %get3A_262 : i32
    %lt3A_264 = arith.constant 16 : i32
    %lt3A_265 = arith.cmpi slt, %get3A_258, %lt3A_264 : i32
    %and3A_266 = arith.andi %eq3A_263, %lt3A_265 : i1
    %convert_element_type3A_267 = arith.extui %and3A_266 : i1 to i32
    %cond3A_268 = arith.constant 0 : i32
    %cond3A_269 = arith.cmpi ne, %convert_element_type3A_267, %cond3A_268 : i32
    scf.if %cond3A_269 {
      %reduce_max3A = arith.constant dense<0xFF800000> : vector<128xf32>
      %reduce_max3A_358 = vector.multi_reduction <maximumf>, %slice3A_253, %reduce_max3A [0] : vector<64x128xf32> to vector<128xf32>
      %broadcast_in_dim3A = vector.shape_cast %reduce_max3A_358 : vector<128xf32> to vector<1x128xf32>
      %get3A_359 = arith.index_cast %get3A_258 : i32 to index
      %get3A_360 = arith.constant 0 : index
      %get3A_361 = vector.load %arg6[%get3A_359, %get3A_360] : memref<16x128xf32, #tpu.memory_space<vmem>>, vector<1x128xf32>
      %max3A = arith.maximumf %get3A_361, %broadcast_in_dim3A : vector<1x128xf32>
      %swap3A = arith.index_cast %get3A_258 : i32 to index
      %swap3A_362 = arith.constant 0 : index
      %swap3A_363 = vector.load %arg6[%swap3A, %swap3A_362] : memref<16x128xf32, #tpu.memory_space<vmem>>, vector<1x128xf32>
      tpu.vector_store %arg6[%swap3A, %swap3A_362], %max3A {strides = array<i32>} : memref<16x128xf32, #tpu.memory_space<vmem>>, vector<1x128xf32>,
    } else {
    }
    %ne3A_270 = arith.cmpi ne, %get3A_258, %get3A_262 : i32
    %convert_element_type3A_271 = arith.extui %ne3A_270 : i1 to i32
    %cond3A_272 = arith.constant 0 : i32
    %cond3A_273 = arith.cmpi ne, %convert_element_type3A_271, %cond3A_272 : i32
    scf.if %cond3A_273 {
      %eq3A_358 = arith.constant 0 : i32
      %eq3A_359 = vector.broadcast %eq3A_358 : i32 to vector<64x1xi32>
      %eq3A_360 = arith.cmpi eq, %slice3A_254, %eq3A_359 : vector<64x1xi32>
      %jit3A = arith.constant 0xFF800000 : f32
      %broadcast_in_dim3A = vector.shape_cast %eq3A_360 : vector<64x1xi1> to vector<64x1xi1>
      %broadcast_in_dim3A_361 = vector.broadcast %broadcast_in_dim3A : vector<64x1xi1> to vector<64x128xi1>
      %broadcast_in_dim3A_362 = vector.broadcast %jit3A : f32 to vector<64x128xf32>
      %select_n3A = arith.select %broadcast_in_dim3A_361, %slice3A_253, %broadcast_in_dim3A_362 : vector<64x128xi1>, vector<64x128xf32>
      %reduce_max3A = arith.constant dense<0xFF800000> : vector<128xf32>
      %reduce_max3A_363 = vector.multi_reduction <maximumf>, %select_n3A, %reduce_max3A [0] : vector<64x128xf32> to vector<128xf32>
      %broadcast_in_dim3A_364 = vector.shape_cast %reduce_max3A_363 : vector<128xf32> to vector<1x128xf32>
      %eq3A_365 = arith.constant 1 : i32
      %eq3A_366 = vector.broadcast %eq3A_365 : i32 to vector<64x1xi32>
      %eq3A_367 = arith.cmpi eq, %slice3A_254, %eq3A_366 : vector<64x1xi32>
      %jit3A_368 = arith.constant 0xFF800000 : f32
      %broadcast_in_dim3A_369 = vector.shape_cast %eq3A_367 : vector<64x1xi1> to vector<64x1xi1>
      %broadcast_in_dim3A_370 = vector.broadcast %broadcast_in_dim3A_369 : vector<64x1xi1> to vector<64x128xi1>
      %broadcast_in_dim3A_371 = vector.broadcast %jit3A_368 : f32 to vector<64x128xf32>
      %select_n3A_372 = arith.select %broadcast_in_dim3A_370, %slice3A_253, %broadcast_in_dim3A_371 : vector<64x128xi1>, vector<64x128xf32>
      %reduce_max3A_373 = arith.constant dense<0xFF800000> : vector<128xf32>
      %reduce_max3A_374 = vector.multi_reduction <maximumf>, %select_n3A_372, %reduce_max3A_373 [0] : vector<64x128xf32> to vector<128xf32>
      %broadcast_in_dim3A_375 = vector.shape_cast %reduce_max3A_374 : vector<128xf32> to vector<1x128xf32>
      %eq3A_376 = arith.constant 2 : i32
      %eq3A_377 = vector.broadcast %eq3A_376 : i32 to vector<64x1xi32>
      %eq3A_378 = arith.cmpi eq, %slice3A_254, %eq3A_377 : vector<64x1xi32>
      %jit3A_379 = arith.constant 0xFF800000 : f32
      %broadcast_in_dim3A_380 = vector.shape_cast %eq3A_378 : vector<64x1xi1> to vector<64x1xi1>
      %broadcast_in_dim3A_381 = vector.broadcast %broadcast_in_dim3A_380 : vector<64x1xi1> to vector<64x128xi1>
      %broadcast_in_dim3A_382 = vector.broadcast %jit3A_379 : f32 to vector<64x128xf32>
      %select_n3A_383 = arith.select %broadcast_in_dim3A_381, %slice3A_253, %broadcast_in_dim3A_382 : vector<64x128xi1>, vector<64x128xf32>
      %reduce_max3A_384 = arith.constant dense<0xFF800000> : vector<128xf32>
      %reduce_max3A_385 = vector.multi_reduction <maximumf>, %select_n3A_383, %reduce_max3A_384 [0] : vector<64x128xf32> to vector<128xf32>
      %broadcast_in_dim3A_386 = vector.shape_cast %reduce_max3A_385 : vector<128xf32> to vector<1x128xf32>
      %eq3A_387 = arith.constant 3 : i32
      %eq3A_388 = vector.broadcast %eq3A_387 : i32 to vector<64x1xi32>
      %eq3A_389 = arith.cmpi eq, %slice3A_254, %eq3A_388 : vector<64x1xi32>
      %jit3A_390 = arith.constant 0xFF800000 : f32
      %broadcast_in_dim3A_391 = vector.shape_cast %eq3A_389 : vector<64x1xi1> to vector<64x1xi1>
      %broadcast_in_dim3A_392 = vector.broadcast %broadcast_in_dim3A_391 : vector<64x1xi1> to vector<64x128xi1>
      %broadcast_in_dim3A_393 = vector.broadcast %jit3A_390 : f32 to vector<64x128xf32>
      %select_n3A_394 = arith.select %broadcast_in_dim3A_392, %slice3A_253, %broadcast_in_dim3A_393 : vector<64x128xi1>, vector<64x128xf32>
      %reduce_max3A_395 = arith.constant dense<0xFF800000> : vector<128xf32>
      %reduce_max3A_396 = vector.multi_reduction <maximumf>, %select_n3A_394, %reduce_max3A_395 [0] : vector<64x128xf32> to vector<128xf32>
      %broadcast_in_dim3A_397 = vector.shape_cast %reduce_max3A_396 : vector<128xf32> to vector<1x128xf32>
      %eq3A_398 = arith.constant 4 : i32
      %eq3A_399 = vector.broadcast %eq3A_398 : i32 to vector<64x1xi32>
      %eq3A_400 = arith.cmpi eq, %slice3A_254, %eq3A_399 : vector<64x1xi32>
      %jit3A_401 = arith.constant 0xFF800000 : f32
      %broadcast_in_dim3A_402 = vector.shape_cast %eq3A_400 : vector<64x1xi1> to vector<64x1xi1>
      %broadcast_in_dim3A_403 = vector.broadcast %broadcast_in_dim3A_402 : vector<64x1xi1> to vector<64x128xi1>
      %broadcast_in_dim3A_404 = vector.broadcast %jit3A_401 : f32 to vector<64x128xf32>
      %select_n3A_405 = arith.select %broadcast_in_dim3A_403, %slice3A_253, %broadcast_in_dim3A_404 : vector<64x128xi1>, vector<64x128xf32>
      %reduce_max3A_406 = arith.constant dense<0xFF800000> : vector<128xf32>
      %reduce_max3A_407 = vector.multi_reduction <maximumf>, %select_n3A_405, %reduce_max3A_406 [0] : vector<64x128xf32> to vector<128xf32>
      %broadcast_in_dim3A_408 = vector.shape_cast %reduce_max3A_407 : vector<128xf32> to vector<1x128xf32>
      %eq3A_409 = arith.constant 5 : i32
      %eq3A_410 = vector.broadcast %eq3A_409 : i32 to vector<64x1xi32>
      %eq3A_411 = arith.cmpi eq, %slice3A_254, %eq3A_410 : vector<64x1xi32>
      %jit3A_412 = arith.constant 0xFF800000 : f32
      %broadcast_in_dim3A_413 = vector.shape_cast %eq3A_411 : vector<64x1xi1> to vector<64x1xi1>
      %broadcast_in_dim3A_414 = vector.broadcast %broadcast_in_dim3A_413 : vector<64x1xi1> to vector<64x128xi1>
      %broadcast_in_dim3A_415 = vector.broadcast %jit3A_412 : f32 to vector<64x128xf32>
      %select_n3A_416 = arith.select %broadcast_in_dim3A_414, %slice3A_253, %broadcast_in_dim3A_415 : vector<64x128xi1>, vector<64x128xf32>
      %reduce_max3A_417 = arith.constant dense<0xFF800000> : vector<128xf32>
      %reduce_max3A_418 = vector.multi_reduction <maximumf>, %select_n3A_416, %reduce_max3A_417 [0] : vector<64x128xf32> to vector<128xf32>
      %broadcast_in_dim3A_419 = vector.shape_cast %reduce_max3A_418 : vector<128xf32> to vector<1x128xf32>
      %eq3A_420 = arith.constant 6 : i32
      %eq3A_421 = vector.broadcast %eq3A_420 : i32 to vector<64x1xi32>
      %eq3A_422 = arith.cmpi eq, %slice3A_254, %eq3A_421 : vector<64x1xi32>
      %jit3A_423 = arith.constant 0xFF800000 : f32
      %broadcast_in_dim3A_424 = vector.shape_cast %eq3A_422 : vector<64x1xi1> to vector<64x1xi1>
      %broadcast_in_dim3A_425 = vector.broadcast %broadcast_in_dim3A_424 : vector<64x1xi1> to vector<64x128xi1>
      %broadcast_in_dim3A_426 = vector.broadcast %jit3A_423 : f32 to vector<64x128xf32>
      %select_n3A_427 = arith.select %broadcast_in_dim3A_425, %slice3A_253, %broadcast_in_dim3A_426 : vector<64x128xi1>, vector<64x128xf32>
      %reduce_max3A_428 = arith.constant dense<0xFF800000> : vector<128xf32>
      %reduce_max3A_429 = vector.multi_reduction <maximumf>, %select_n3A_427, %reduce_max3A_428 [0] : vector<64x128xf32> to vector<128xf32>
      %broadcast_in_dim3A_430 = vector.shape_cast %reduce_max3A_429 : vector<128xf32> to vector<1x128xf32>
      %eq3A_431 = arith.constant 7 : i32
      %eq3A_432 = vector.broadcast %eq3A_431 : i32 to vector<64x1xi32>
      %eq3A_433 = arith.cmpi eq, %slice3A_254, %eq3A_432 : vector<64x1xi32>
      %jit3A_434 = arith.constant 0xFF800000 : f32
      %broadcast_in_dim3A_435 = vector.shape_cast %eq3A_433 : vector<64x1xi1> to vector<64x1xi1>
      %broadcast_in_dim3A_436 = vector.broadcast %broadcast_in_dim3A_435 : vector<64x1xi1> to vector<64x128xi1>
      %broadcast_in_dim3A_437 = vector.broadcast %jit3A_434 : f32 to vector<64x128xf32>
      %select_n3A_438 = arith.select %broadcast_in_dim3A_436, %slice3A_253, %broadcast_in_dim3A_437 : vector<64x128xi1>, vector<64x128xf32>
      %reduce_max3A_439 = arith.constant dense<0xFF800000> : vector<128xf32>
      %reduce_max3A_440 = vector.multi_reduction <maximumf>, %select_n3A_438, %reduce_max3A_439 [0] : vector<64x128xf32> to vector<128xf32>
      %broadcast_in_dim3A_441 = vector.shape_cast %reduce_max3A_440 : vector<128xf32> to vector<1x128xf32>
      %eq3A_442 = arith.constant 8 : i32
      %eq3A_443 = vector.broadcast %eq3A_442 : i32 to vector<64x1xi32>
      %eq3A_444 = arith.cmpi eq, %slice3A_254, %eq3A_443 : vector<64x1xi32>
      %jit3A_445 = arith.constant 0xFF800000 : f32
      %broadcast_in_dim3A_446 = vector.shape_cast %eq3A_444 : vector<64x1xi1> to vector<64x1xi1>
      %broadcast_in_dim3A_447 = vector.broadcast %broadcast_in_dim3A_446 : vector<64x1xi1> to vector<64x128xi1>
      %broadcast_in_dim3A_448 = vector.broadcast %jit3A_445 : f32 to vector<64x128xf32>
      %select_n3A_449 = arith.select %broadcast_in_dim3A_447, %slice3A_253, %broadcast_in_dim3A_448 : vector<64x128xi1>, vector<64x128xf32>
      %reduce_max3A_450 = arith.constant dense<0xFF800000> : vector<128xf32>
      %reduce_max3A_451 = vector.multi_reduction <maximumf>, %select_n3A_449, %reduce_max3A_450 [0] : vector<64x128xf32> to vector<128xf32>
      %broadcast_in_dim3A_452 = vector.shape_cast %reduce_max3A_451 : vector<128xf32> to vector<1x128xf32>
      %eq3A_453 = arith.constant 9 : i32
      %eq3A_454 = vector.broadcast %eq3A_453 : i32 to vector<64x1xi32>
      %eq3A_455 = arith.cmpi eq, %slice3A_254, %eq3A_454 : vector<64x1xi32>
      %jit3A_456 = arith.constant 0xFF800000 : f32
      %broadcast_in_dim3A_457 = vector.shape_cast %eq3A_455 : vector<64x1xi1> to vector<64x1xi1>
      %broadcast_in_dim3A_458 = vector.broadcast %broadcast_in_dim3A_457 : vector<64x1xi1> to vector<64x128xi1>
      %broadcast_in_dim3A_459 = vector.broadcast %jit3A_456 : f32 to vector<64x128xf32>
      %select_n3A_460 = arith.select %broadcast_in_dim3A_458, %slice3A_253, %broadcast_in_dim3A_459 : vector<64x128xi1>, vector<64x128xf32>
      %reduce_max3A_461 = arith.constant dense<0xFF800000> : vector<128xf32>
      %reduce_max3A_462 = vector.multi_reduction <maximumf>, %select_n3A_460, %reduce_max3A_461 [0] : vector<64x128xf32> to vector<128xf32>
      %broadcast_in_dim3A_463 = vector.shape_cast %reduce_max3A_462 : vector<128xf32> to vector<1x128xf32>
      %eq3A_464 = arith.constant 10 : i32
      %eq3A_465 = vector.broadcast %eq3A_464 : i32 to vector<64x1xi32>
      %eq3A_466 = arith.cmpi eq, %slice3A_254, %eq3A_465 : vector<64x1xi32>
      %jit3A_467 = arith.constant 0xFF800000 : f32
      %broadcast_in_dim3A_468 = vector.shape_cast %eq3A_466 : vector<64x1xi1> to vector<64x1xi1>
      %broadcast_in_dim3A_469 = vector.broadcast %broadcast_in_dim3A_468 : vector<64x1xi1> to vector<64x128xi1>
      %broadcast_in_dim3A_470 = vector.broadcast %jit3A_467 : f32 to vector<64x128xf32>
      %select_n3A_471 = arith.select %broadcast_in_dim3A_469, %slice3A_253, %broadcast_in_dim3A_470 : vector<64x128xi1>, vector<64x128xf32>
      %reduce_max3A_472 = arith.constant dense<0xFF800000> : vector<128xf32>
      %reduce_max3A_473 = vector.multi_reduction <maximumf>, %select_n3A_471, %reduce_max3A_472 [0] : vector<64x128xf32> to vector<128xf32>
      %broadcast_in_dim3A_474 = vector.shape_cast %reduce_max3A_473 : vector<128xf32> to vector<1x128xf32>
      %eq3A_475 = arith.constant 11 : i32
      %eq3A_476 = vector.broadcast %eq3A_475 : i32 to vector<64x1xi32>
      %eq3A_477 = arith.cmpi eq, %slice3A_254, %eq3A_476 : vector<64x1xi32>
      %jit3A_478 = arith.constant 0xFF800000 : f32
      %broadcast_in_dim3A_479 = vector.shape_cast %eq3A_477 : vector<64x1xi1> to vector<64x1xi1>
      %broadcast_in_dim3A_480 = vector.broadcast %broadcast_in_dim3A_479 : vector<64x1xi1> to vector<64x128xi1>
      %broadcast_in_dim3A_481 = vector.broadcast %jit3A_478 : f32 to vector<64x128xf32>
      %select_n3A_482 = arith.select %broadcast_in_dim3A_480, %slice3A_253, %broadcast_in_dim3A_481 : vector<64x128xi1>, vector<64x128xf32>
      %reduce_max3A_483 = arith.constant dense<0xFF800000> : vector<128xf32>
      %reduce_max3A_484 = vector.multi_reduction <maximumf>, %select_n3A_482, %reduce_max3A_483 [0] : vector<64x128xf32> to vector<128xf32>
      %broadcast_in_dim3A_485 = vector.shape_cast %reduce_max3A_484 : vector<128xf32> to vector<1x128xf32>
      %eq3A_486 = arith.constant 12 : i32
      %eq3A_487 = vector.broadcast %eq3A_486 : i32 to vector<64x1xi32>
      %eq3A_488 = arith.cmpi eq, %slice3A_254, %eq3A_487 : vector<64x1xi32>
      %jit3A_489 = arith.constant 0xFF800000 : f32
      %broadcast_in_dim3A_490 = vector.shape_cast %eq3A_488 : vector<64x1xi1> to vector<64x1xi1>
      %broadcast_in_dim3A_491 = vector.broadcast %broadcast_in_dim3A_490 : vector<64x1xi1> to vector<64x128xi1>
      %broadcast_in_dim3A_492 = vector.broadcast %jit3A_489 : f32 to vector<64x128xf32>
      %select_n3A_493 = arith.select %broadcast_in_dim3A_491, %slice3A_253, %broadcast_in_dim3A_492 : vector<64x128xi1>, vector<64x128xf32>
      %reduce_max3A_494 = arith.constant dense<0xFF800000> : vector<128xf32>
      %reduce_max3A_495 = vector.multi_reduction <maximumf>, %select_n3A_493, %reduce_max3A_494 [0] : vector<64x128xf32> to vector<128xf32>
      %broadcast_in_dim3A_496 = vector.shape_cast %reduce_max3A_495 : vector<128xf32> to vector<1x128xf32>
      %eq3A_497 = arith.constant 13 : i32
      %eq3A_498 = vector.broadcast %eq3A_497 : i32 to vector<64x1xi32>
      %eq3A_499 = arith.cmpi eq, %slice3A_254, %eq3A_498 : vector<64x1xi32>
      %jit3A_500 = arith.constant 0xFF800000 : f32
      %broadcast_in_dim3A_501 = vector.shape_cast %eq3A_499 : vector<64x1xi1> to vector<64x1xi1>
      %broadcast_in_dim3A_502 = vector.broadcast %broadcast_in_dim3A_501 : vector<64x1xi1> to vector<64x128xi1>
      %broadcast_in_dim3A_503 = vector.broadcast %jit3A_500 : f32 to vector<64x128xf32>
      %select_n3A_504 = arith.select %broadcast_in_dim3A_502, %slice3A_253, %broadcast_in_dim3A_503 : vector<64x128xi1>, vector<64x128xf32>
      %reduce_max3A_505 = arith.constant dense<0xFF800000> : vector<128xf32>
      %reduce_max3A_506 = vector.multi_reduction <maximumf>, %select_n3A_504, %reduce_max3A_505 [0] : vector<64x128xf32> to vector<128xf32>
      %broadcast_in_dim3A_507 = vector.shape_cast %reduce_max3A_506 : vector<128xf32> to vector<1x128xf32>
      %eq3A_508 = arith.constant 14 : i32
      %eq3A_509 = vector.broadcast %eq3A_508 : i32 to vector<64x1xi32>
      %eq3A_510 = arith.cmpi eq, %slice3A_254, %eq3A_509 : vector<64x1xi32>
      %jit3A_511 = arith.constant 0xFF800000 : f32
      %broadcast_in_dim3A_512 = vector.shape_cast %eq3A_510 : vector<64x1xi1> to vector<64x1xi1>
      %broadcast_in_dim3A_513 = vector.broadcast %broadcast_in_dim3A_512 : vector<64x1xi1> to vector<64x128xi1>
      %broadcast_in_dim3A_514 = vector.broadcast %jit3A_511 : f32 to vector<64x128xf32>
      %select_n3A_515 = arith.select %broadcast_in_dim3A_513, %slice3A_253, %broadcast_in_dim3A_514 : vector<64x128xi1>, vector<64x128xf32>
      %reduce_max3A_516 = arith.constant dense<0xFF800000> : vector<128xf32>
      %reduce_max3A_517 = vector.multi_reduction <maximumf>, %select_n3A_515, %reduce_max3A_516 [0] : vector<64x128xf32> to vector<128xf32>
      %broadcast_in_dim3A_518 = vector.shape_cast %reduce_max3A_517 : vector<128xf32> to vector<1x128xf32>
      %eq3A_519 = arith.constant 15 : i32
      %eq3A_520 = vector.broadcast %eq3A_519 : i32 to vector<64x1xi32>
      %eq3A_521 = arith.cmpi eq, %slice3A_254, %eq3A_520 : vector<64x1xi32>
      %jit3A_522 = arith.constant 0xFF800000 : f32
      %broadcast_in_dim3A_523 = vector.shape_cast %eq3A_521 : vector<64x1xi1> to vector<64x1xi1>
      %broadcast_in_dim3A_524 = vector.broadcast %broadcast_in_dim3A_523 : vector<64x1xi1> to vector<64x128xi1>
      %broadcast_in_dim3A_525 = vector.broadcast %jit3A_522 : f32 to vector<64x128xf32>
      %select_n3A_526 = arith.select %broadcast_in_dim3A_524, %slice3A_253, %broadcast_in_dim3A_525 : vector<64x128xi1>, vector<64x128xf32>
      %reduce_max3A_527 = arith.constant dense<0xFF800000> : vector<128xf32>
      %reduce_max3A_528 = vector.multi_reduction <maximumf>, %select_n3A_526, %reduce_max3A_527 [0] : vector<64x128xf32> to vector<128xf32>
      %broadcast_in_dim3A_529 = vector.shape_cast %reduce_max3A_528 : vector<128xf32> to vector<1x128xf32>
      %concatenate3A = tpu.concatenate %broadcast_in_dim3A_364, %broadcast_in_dim3A_375, %broadcast_in_dim3A_386, %broadcast_in_dim3A_397, %broadcast_in_dim3A_408, %broadcast_in_dim3A_419, %broadcast_in_dim3A_430, %broadcast_in_dim3A_441, %broadcast_in_dim3A_452, %broadcast_in_dim3A_463, %broadcast_in_dim3A_474, %broadcast_in_dim3A_485, %broadcast_in_dim3A_496, %broadcast_in_dim3A_507, %broadcast_in_dim3A_518, %broadcast_in_dim3A_529 in 0 : vector<1x128xf32>, vector<1x128xf32>, vector<1x128xf32>, vector<1x128xf32>, vector<1x128xf32>, vector<1x128xf32>, vector<1x128xf32>, vector<1x128xf32>, vector<1x128xf32>, vector<1x128xf32>, vector<1x128xf32>, vector<1x128xf32>, vector<1x128xf32>, vector<1x128xf32>, vector<1x128xf32>, vector<1x128xf32> -> vector<16x128xf32>
      %get3A_530 = arith.constant 0 : index
      %get3A_531 = arith.constant 0 : index
      %get3A_532 = vector.load %arg6[%get3A_530, %get3A_531] : memref<16x128xf32, #tpu.memory_space<vmem>>, vector<16x128xf32>
      %max3A = arith.maximumf %get3A_532, %concatenate3A : vector<16x128xf32>
      %swap3A = arith.constant 0 : index
      %swap3A_533 = arith.constant 0 : index
      %swap3A_534 = vector.load %arg6[%swap3A, %swap3A_533] : memref<16x128xf32, #tpu.memory_space<vmem>>, vector<16x128xf32>
      tpu.vector_store %arg6[%swap3A, %swap3A_533], %max3A {strides = array<i32>} : memref<16x128xf32, #tpu.memory_space<vmem>>, vector<16x128xf32>,
    } else {
    }
    %slice3A_274 = vector.extract_strided_slice %add3A_22 {offsets = [768, 0], sizes = [64, 128], strides = [1, 1]} : vector<1024x128xf32> to vector<64x128xf32>
    %slice3A_275 = vector.extract_strided_slice %get3A_25 {offsets = [768, 0], sizes = [64, 1], strides = [1, 1]} : vector<1024x1xi32> to vector<64x1xi32>
    %get3A_276 = arith.constant 768 : index
    %get3A_277 = arith.constant 0 : index
    %get3A_278 = vector.load %arg5[%get3A_276, %get3A_277] : memref<1024x1xi32, #tpu.memory_space<vmem>>, vector<1x1xi32>
    %get3A_279 = vector.extract %get3A_278[0, 0] : i32 from vector<1x1xi32>
    %get3A_280 = arith.constant 831 : index
    %get3A_281 = arith.constant 0 : index
    %get3A_282 = vector.load %arg5[%get3A_280, %get3A_281] : memref<1024x1xi32, #tpu.memory_space<vmem>>, vector<1x1xi32>
    %get3A_283 = vector.extract %get3A_282[0, 0] : i32 from vector<1x1xi32>
    %eq3A_284 = arith.cmpi eq, %get3A_279, %get3A_283 : i32
    %lt3A_285 = arith.constant 16 : i32
    %lt3A_286 = arith.cmpi slt, %get3A_279, %lt3A_285 : i32
    %and3A_287 = arith.andi %eq3A_284, %lt3A_286 : i1
    %convert_element_type3A_288 = arith.extui %and3A_287 : i1 to i32
    %cond3A_289 = arith.constant 0 : i32
    %cond3A_290 = arith.cmpi ne, %convert_element_type3A_288, %cond3A_289 : i32
    scf.if %cond3A_290 {
      %reduce_max3A = arith.constant dense<0xFF800000> : vector<128xf32>
      %reduce_max3A_358 = vector.multi_reduction <maximumf>, %slice3A_274, %reduce_max3A [0] : vector<64x128xf32> to vector<128xf32>
      %broadcast_in_dim3A = vector.shape_cast %reduce_max3A_358 : vector<128xf32> to vector<1x128xf32>
      %get3A_359 = arith.index_cast %get3A_279 : i32 to index
      %get3A_360 = arith.constant 0 : index
      %get3A_361 = vector.load %arg6[%get3A_359, %get3A_360] : memref<16x128xf32, #tpu.memory_space<vmem>>, vector<1x128xf32>
      %max3A = arith.maximumf %get3A_361, %broadcast_in_dim3A : vector<1x128xf32>
      %swap3A = arith.index_cast %get3A_279 : i32 to index
      %swap3A_362 = arith.constant 0 : index
      %swap3A_363 = vector.load %arg6[%swap3A, %swap3A_362] : memref<16x128xf32, #tpu.memory_space<vmem>>, vector<1x128xf32>
      tpu.vector_store %arg6[%swap3A, %swap3A_362], %max3A {strides = array<i32>} : memref<16x128xf32, #tpu.memory_space<vmem>>, vector<1x128xf32>,
    } else {
    }
    %ne3A_291 = arith.cmpi ne, %get3A_279, %get3A_283 : i32
    %convert_element_type3A_292 = arith.extui %ne3A_291 : i1 to i32
    %cond3A_293 = arith.constant 0 : i32
    %cond3A_294 = arith.cmpi ne, %convert_element_type3A_292, %cond3A_293 : i32
    scf.if %cond3A_294 {
      %eq3A_358 = arith.constant 0 : i32
      %eq3A_359 = vector.broadcast %eq3A_358 : i32 to vector<64x1xi32>
      %eq3A_360 = arith.cmpi eq, %slice3A_275, %eq3A_359 : vector<64x1xi32>
      %jit3A = arith.constant 0xFF800000 : f32
      %broadcast_in_dim3A = vector.shape_cast %eq3A_360 : vector<64x1xi1> to vector<64x1xi1>
      %broadcast_in_dim3A_361 = vector.broadcast %broadcast_in_dim3A : vector<64x1xi1> to vector<64x128xi1>
      %broadcast_in_dim3A_362 = vector.broadcast %jit3A : f32 to vector<64x128xf32>
      %select_n3A = arith.select %broadcast_in_dim3A_361, %slice3A_274, %broadcast_in_dim3A_362 : vector<64x128xi1>, vector<64x128xf32>
      %reduce_max3A = arith.constant dense<0xFF800000> : vector<128xf32>
      %reduce_max3A_363 = vector.multi_reduction <maximumf>, %select_n3A, %reduce_max3A [0] : vector<64x128xf32> to vector<128xf32>
      %broadcast_in_dim3A_364 = vector.shape_cast %reduce_max3A_363 : vector<128xf32> to vector<1x128xf32>
      %eq3A_365 = arith.constant 1 : i32
      %eq3A_366 = vector.broadcast %eq3A_365 : i32 to vector<64x1xi32>
      %eq3A_367 = arith.cmpi eq, %slice3A_275, %eq3A_366 : vector<64x1xi32>
      %jit3A_368 = arith.constant 0xFF800000 : f32
      %broadcast_in_dim3A_369 = vector.shape_cast %eq3A_367 : vector<64x1xi1> to vector<64x1xi1>
      %broadcast_in_dim3A_370 = vector.broadcast %broadcast_in_dim3A_369 : vector<64x1xi1> to vector<64x128xi1>
      %broadcast_in_dim3A_371 = vector.broadcast %jit3A_368 : f32 to vector<64x128xf32>
      %select_n3A_372 = arith.select %broadcast_in_dim3A_370, %slice3A_274, %broadcast_in_dim3A_371 : vector<64x128xi1>, vector<64x128xf32>
      %reduce_max3A_373 = arith.constant dense<0xFF800000> : vector<128xf32>
      %reduce_max3A_374 = vector.multi_reduction <maximumf>, %select_n3A_372, %reduce_max3A_373 [0] : vector<64x128xf32> to vector<128xf32>
      %broadcast_in_dim3A_375 = vector.shape_cast %reduce_max3A_374 : vector<128xf32> to vector<1x128xf32>
      %eq3A_376 = arith.constant 2 : i32
      %eq3A_377 = vector.broadcast %eq3A_376 : i32 to vector<64x1xi32>
      %eq3A_378 = arith.cmpi eq, %slice3A_275, %eq3A_377 : vector<64x1xi32>
      %jit3A_379 = arith.constant 0xFF800000 : f32
      %broadcast_in_dim3A_380 = vector.shape_cast %eq3A_378 : vector<64x1xi1> to vector<64x1xi1>
      %broadcast_in_dim3A_381 = vector.broadcast %broadcast_in_dim3A_380 : vector<64x1xi1> to vector<64x128xi1>
      %broadcast_in_dim3A_382 = vector.broadcast %jit3A_379 : f32 to vector<64x128xf32>
      %select_n3A_383 = arith.select %broadcast_in_dim3A_381, %slice3A_274, %broadcast_in_dim3A_382 : vector<64x128xi1>, vector<64x128xf32>
      %reduce_max3A_384 = arith.constant dense<0xFF800000> : vector<128xf32>
      %reduce_max3A_385 = vector.multi_reduction <maximumf>, %select_n3A_383, %reduce_max3A_384 [0] : vector<64x128xf32> to vector<128xf32>
      %broadcast_in_dim3A_386 = vector.shape_cast %reduce_max3A_385 : vector<128xf32> to vector<1x128xf32>
      %eq3A_387 = arith.constant 3 : i32
      %eq3A_388 = vector.broadcast %eq3A_387 : i32 to vector<64x1xi32>
      %eq3A_389 = arith.cmpi eq, %slice3A_275, %eq3A_388 : vector<64x1xi32>
      %jit3A_390 = arith.constant 0xFF800000 : f32
      %broadcast_in_dim3A_391 = vector.shape_cast %eq3A_389 : vector<64x1xi1> to vector<64x1xi1>
      %broadcast_in_dim3A_392 = vector.broadcast %broadcast_in_dim3A_391 : vector<64x1xi1> to vector<64x128xi1>
      %broadcast_in_dim3A_393 = vector.broadcast %jit3A_390 : f32 to vector<64x128xf32>
      %select_n3A_394 = arith.select %broadcast_in_dim3A_392, %slice3A_274, %broadcast_in_dim3A_393 : vector<64x128xi1>, vector<64x128xf32>
      %reduce_max3A_395 = arith.constant dense<0xFF800000> : vector<128xf32>
      %reduce_max3A_396 = vector.multi_reduction <maximumf>, %select_n3A_394, %reduce_max3A_395 [0] : vector<64x128xf32> to vector<128xf32>
      %broadcast_in_dim3A_397 = vector.shape_cast %reduce_max3A_396 : vector<128xf32> to vector<1x128xf32>
      %eq3A_398 = arith.constant 4 : i32
      %eq3A_399 = vector.broadcast %eq3A_398 : i32 to vector<64x1xi32>
      %eq3A_400 = arith.cmpi eq, %slice3A_275, %eq3A_399 : vector<64x1xi32>
      %jit3A_401 = arith.constant 0xFF800000 : f32
      %broadcast_in_dim3A_402 = vector.shape_cast %eq3A_400 : vector<64x1xi1> to vector<64x1xi1>
      %broadcast_in_dim3A_403 = vector.broadcast %broadcast_in_dim3A_402 : vector<64x1xi1> to vector<64x128xi1>
      %broadcast_in_dim3A_404 = vector.broadcast %jit3A_401 : f32 to vector<64x128xf32>
      %select_n3A_405 = arith.select %broadcast_in_dim3A_403, %slice3A_274, %broadcast_in_dim3A_404 : vector<64x128xi1>, vector<64x128xf32>
      %reduce_max3A_406 = arith.constant dense<0xFF800000> : vector<128xf32>
      %reduce_max3A_407 = vector.multi_reduction <maximumf>, %select_n3A_405, %reduce_max3A_406 [0] : vector<64x128xf32> to vector<128xf32>
      %broadcast_in_dim3A_408 = vector.shape_cast %reduce_max3A_407 : vector<128xf32> to vector<1x128xf32>
      %eq3A_409 = arith.constant 5 : i32
      %eq3A_410 = vector.broadcast %eq3A_409 : i32 to vector<64x1xi32>
      %eq3A_411 = arith.cmpi eq, %slice3A_275, %eq3A_410 : vector<64x1xi32>
      %jit3A_412 = arith.constant 0xFF800000 : f32
      %broadcast_in_dim3A_413 = vector.shape_cast %eq3A_411 : vector<64x1xi1> to vector<64x1xi1>
      %broadcast_in_dim3A_414 = vector.broadcast %broadcast_in_dim3A_413 : vector<64x1xi1> to vector<64x128xi1>
      %broadcast_in_dim3A_415 = vector.broadcast %jit3A_412 : f32 to vector<64x128xf32>
      %select_n3A_416 = arith.select %broadcast_in_dim3A_414, %slice3A_274, %broadcast_in_dim3A_415 : vector<64x128xi1>, vector<64x128xf32>
      %reduce_max3A_417 = arith.constant dense<0xFF800000> : vector<128xf32>
      %reduce_max3A_418 = vector.multi_reduction <maximumf>, %select_n3A_416, %reduce_max3A_417 [0] : vector<64x128xf32> to vector<128xf32>
      %broadcast_in_dim3A_419 = vector.shape_cast %reduce_max3A_418 : vector<128xf32> to vector<1x128xf32>
      %eq3A_420 = arith.constant 6 : i32
      %eq3A_421 = vector.broadcast %eq3A_420 : i32 to vector<64x1xi32>
      %eq3A_422 = arith.cmpi eq, %slice3A_275, %eq3A_421 : vector<64x1xi32>
      %jit3A_423 = arith.constant 0xFF800000 : f32
      %broadcast_in_dim3A_424 = vector.shape_cast %eq3A_422 : vector<64x1xi1> to vector<64x1xi1>
      %broadcast_in_dim3A_425 = vector.broadcast %broadcast_in_dim3A_424 : vector<64x1xi1> to vector<64x128xi1>
      %broadcast_in_dim3A_426 = vector.broadcast %jit3A_423 : f32 to vector<64x128xf32>
      %select_n3A_427 = arith.select %broadcast_in_dim3A_425, %slice3A_274, %broadcast_in_dim3A_426 : vector<64x128xi1>, vector<64x128xf32>
      %reduce_max3A_428 = arith.constant dense<0xFF800000> : vector<128xf32>
      %reduce_max3A_429 = vector.multi_reduction <maximumf>, %select_n3A_427, %reduce_max3A_428 [0] : vector<64x128xf32> to vector<128xf32>
      %broadcast_in_dim3A_430 = vector.shape_cast %reduce_max3A_429 : vector<128xf32> to vector<1x128xf32>
      %eq3A_431 = arith.constant 7 : i32
      %eq3A_432 = vector.broadcast %eq3A_431 : i32 to vector<64x1xi32>
      %eq3A_433 = arith.cmpi eq, %slice3A_275, %eq3A_432 : vector<64x1xi32>
      %jit3A_434 = arith.constant 0xFF800000 : f32
      %broadcast_in_dim3A_435 = vector.shape_cast %eq3A_433 : vector<64x1xi1> to vector<64x1xi1>
      %broadcast_in_dim3A_436 = vector.broadcast %broadcast_in_dim3A_435 : vector<64x1xi1> to vector<64x128xi1>
      %broadcast_in_dim3A_437 = vector.broadcast %jit3A_434 : f32 to vector<64x128xf32>
      %select_n3A_438 = arith.select %broadcast_in_dim3A_436, %slice3A_274, %broadcast_in_dim3A_437 : vector<64x128xi1>, vector<64x128xf32>
      %reduce_max3A_439 = arith.constant dense<0xFF800000> : vector<128xf32>
      %reduce_max3A_440 = vector.multi_reduction <maximumf>, %select_n3A_438, %reduce_max3A_439 [0] : vector<64x128xf32> to vector<128xf32>
      %broadcast_in_dim3A_441 = vector.shape_cast %reduce_max3A_440 : vector<128xf32> to vector<1x128xf32>
      %eq3A_442 = arith.constant 8 : i32
      %eq3A_443 = vector.broadcast %eq3A_442 : i32 to vector<64x1xi32>
      %eq3A_444 = arith.cmpi eq, %slice3A_275, %eq3A_443 : vector<64x1xi32>
      %jit3A_445 = arith.constant 0xFF800000 : f32
      %broadcast_in_dim3A_446 = vector.shape_cast %eq3A_444 : vector<64x1xi1> to vector<64x1xi1>
      %broadcast_in_dim3A_447 = vector.broadcast %broadcast_in_dim3A_446 : vector<64x1xi1> to vector<64x128xi1>
      %broadcast_in_dim3A_448 = vector.broadcast %jit3A_445 : f32 to vector<64x128xf32>
      %select_n3A_449 = arith.select %broadcast_in_dim3A_447, %slice3A_274, %broadcast_in_dim3A_448 : vector<64x128xi1>, vector<64x128xf32>
      %reduce_max3A_450 = arith.constant dense<0xFF800000> : vector<128xf32>
      %reduce_max3A_451 = vector.multi_reduction <maximumf>, %select_n3A_449, %reduce_max3A_450 [0] : vector<64x128xf32> to vector<128xf32>
      %broadcast_in_dim3A_452 = vector.shape_cast %reduce_max3A_451 : vector<128xf32> to vector<1x128xf32>
      %eq3A_453 = arith.constant 9 : i32
      %eq3A_454 = vector.broadcast %eq3A_453 : i32 to vector<64x1xi32>
      %eq3A_455 = arith.cmpi eq, %slice3A_275, %eq3A_454 : vector<64x1xi32>
      %jit3A_456 = arith.constant 0xFF800000 : f32
      %broadcast_in_dim3A_457 = vector.shape_cast %eq3A_455 : vector<64x1xi1> to vector<64x1xi1>
      %broadcast_in_dim3A_458 = vector.broadcast %broadcast_in_dim3A_457 : vector<64x1xi1> to vector<64x128xi1>
      %broadcast_in_dim3A_459 = vector.broadcast %jit3A_456 : f32 to vector<64x128xf32>
      %select_n3A_460 = arith.select %broadcast_in_dim3A_458, %slice3A_274, %broadcast_in_dim3A_459 : vector<64x128xi1>, vector<64x128xf32>
      %reduce_max3A_461 = arith.constant dense<0xFF800000> : vector<128xf32>
      %reduce_max3A_462 = vector.multi_reduction <maximumf>, %select_n3A_460, %reduce_max3A_461 [0] : vector<64x128xf32> to vector<128xf32>
      %broadcast_in_dim3A_463 = vector.shape_cast %reduce_max3A_462 : vector<128xf32> to vector<1x128xf32>
      %eq3A_464 = arith.constant 10 : i32
      %eq3A_465 = vector.broadcast %eq3A_464 : i32 to vector<64x1xi32>
      %eq3A_466 = arith.cmpi eq, %slice3A_275, %eq3A_465 : vector<64x1xi32>
      %jit3A_467 = arith.constant 0xFF800000 : f32
      %broadcast_in_dim3A_468 = vector.shape_cast %eq3A_466 : vector<64x1xi1> to vector<64x1xi1>
      %broadcast_in_dim3A_469 = vector.broadcast %broadcast_in_dim3A_468 : vector<64x1xi1> to vector<64x128xi1>
      %broadcast_in_dim3A_470 = vector.broadcast %jit3A_467 : f32 to vector<64x128xf32>
      %select_n3A_471 = arith.select %broadcast_in_dim3A_469, %slice3A_274, %broadcast_in_dim3A_470 : vector<64x128xi1>, vector<64x128xf32>
      %reduce_max3A_472 = arith.constant dense<0xFF800000> : vector<128xf32>
      %reduce_max3A_473 = vector.multi_reduction <maximumf>, %select_n3A_471, %reduce_max3A_472 [0] : vector<64x128xf32> to vector<128xf32>
      %broadcast_in_dim3A_474 = vector.shape_cast %reduce_max3A_473 : vector<128xf32> to vector<1x128xf32>
      %eq3A_475 = arith.constant 11 : i32
      %eq3A_476 = vector.broadcast %eq3A_475 : i32 to vector<64x1xi32>
      %eq3A_477 = arith.cmpi eq, %slice3A_275, %eq3A_476 : vector<64x1xi32>
      %jit3A_478 = arith.constant 0xFF800000 : f32
      %broadcast_in_dim3A_479 = vector.shape_cast %eq3A_477 : vector<64x1xi1> to vector<64x1xi1>
      %broadcast_in_dim3A_480 = vector.broadcast %broadcast_in_dim3A_479 : vector<64x1xi1> to vector<64x128xi1>
      %broadcast_in_dim3A_481 = vector.broadcast %jit3A_478 : f32 to vector<64x128xf32>
      %select_n3A_482 = arith.select %broadcast_in_dim3A_480, %slice3A_274, %broadcast_in_dim3A_481 : vector<64x128xi1>, vector<64x128xf32>
      %reduce_max3A_483 = arith.constant dense<0xFF800000> : vector<128xf32>
      %reduce_max3A_484 = vector.multi_reduction <maximumf>, %select_n3A_482, %reduce_max3A_483 [0] : vector<64x128xf32> to vector<128xf32>
      %broadcast_in_dim3A_485 = vector.shape_cast %reduce_max3A_484 : vector<128xf32> to vector<1x128xf32>
      %eq3A_486 = arith.constant 12 : i32
      %eq3A_487 = vector.broadcast %eq3A_486 : i32 to vector<64x1xi32>
      %eq3A_488 = arith.cmpi eq, %slice3A_275, %eq3A_487 : vector<64x1xi32>
      %jit3A_489 = arith.constant 0xFF800000 : f32
      %broadcast_in_dim3A_490 = vector.shape_cast %eq3A_488 : vector<64x1xi1> to vector<64x1xi1>
      %broadcast_in_dim3A_491 = vector.broadcast %broadcast_in_dim3A_490 : vector<64x1xi1> to vector<64x128xi1>
      %broadcast_in_dim3A_492 = vector.broadcast %jit3A_489 : f32 to vector<64x128xf32>
      %select_n3A_493 = arith.select %broadcast_in_dim3A_491, %slice3A_274, %broadcast_in_dim3A_492 : vector<64x128xi1>, vector<64x128xf32>
      %reduce_max3A_494 = arith.constant dense<0xFF800000> : vector<128xf32>
      %reduce_max3A_495 = vector.multi_reduction <maximumf>, %select_n3A_493, %reduce_max3A_494 [0] : vector<64x128xf32> to vector<128xf32>
      %broadcast_in_dim3A_496 = vector.shape_cast %reduce_max3A_495 : vector<128xf32> to vector<1x128xf32>
      %eq3A_497 = arith.constant 13 : i32
      %eq3A_498 = vector.broadcast %eq3A_497 : i32 to vector<64x1xi32>
      %eq3A_499 = arith.cmpi eq, %slice3A_275, %eq3A_498 : vector<64x1xi32>
      %jit3A_500 = arith.constant 0xFF800000 : f32
      %broadcast_in_dim3A_501 = vector.shape_cast %eq3A_499 : vector<64x1xi1> to vector<64x1xi1>
      %broadcast_in_dim3A_502 = vector.broadcast %broadcast_in_dim3A_501 : vector<64x1xi1> to vector<64x128xi1>
      %broadcast_in_dim3A_503 = vector.broadcast %jit3A_500 : f32 to vector<64x128xf32>
      %select_n3A_504 = arith.select %broadcast_in_dim3A_502, %slice3A_274, %broadcast_in_dim3A_503 : vector<64x128xi1>, vector<64x128xf32>
      %reduce_max3A_505 = arith.constant dense<0xFF800000> : vector<128xf32>
      %reduce_max3A_506 = vector.multi_reduction <maximumf>, %select_n3A_504, %reduce_max3A_505 [0] : vector<64x128xf32> to vector<128xf32>
      %broadcast_in_dim3A_507 = vector.shape_cast %reduce_max3A_506 : vector<128xf32> to vector<1x128xf32>
      %eq3A_508 = arith.constant 14 : i32
      %eq3A_509 = vector.broadcast %eq3A_508 : i32 to vector<64x1xi32>
      %eq3A_510 = arith.cmpi eq, %slice3A_275, %eq3A_509 : vector<64x1xi32>
      %jit3A_511 = arith.constant 0xFF800000 : f32
      %broadcast_in_dim3A_512 = vector.shape_cast %eq3A_510 : vector<64x1xi1> to vector<64x1xi1>
      %broadcast_in_dim3A_513 = vector.broadcast %broadcast_in_dim3A_512 : vector<64x1xi1> to vector<64x128xi1>
      %broadcast_in_dim3A_514 = vector.broadcast %jit3A_511 : f32 to vector<64x128xf32>
      %select_n3A_515 = arith.select %broadcast_in_dim3A_513, %slice3A_274, %broadcast_in_dim3A_514 : vector<64x128xi1>, vector<64x128xf32>
      %reduce_max3A_516 = arith.constant dense<0xFF800000> : vector<128xf32>
      %reduce_max3A_517 = vector.multi_reduction <maximumf>, %select_n3A_515, %reduce_max3A_516 [0] : vector<64x128xf32> to vector<128xf32>
      %broadcast_in_dim3A_518 = vector.shape_cast %reduce_max3A_517 : vector<128xf32> to vector<1x128xf32>
      %eq3A_519 = arith.constant 15 : i32
      %eq3A_520 = vector.broadcast %eq3A_519 : i32 to vector<64x1xi32>
      %eq3A_521 = arith.cmpi eq, %slice3A_275, %eq3A_520 : vector<64x1xi32>
      %jit3A_522 = arith.constant 0xFF800000 : f32
      %broadcast_in_dim3A_523 = vector.shape_cast %eq3A_521 : vector<64x1xi1> to vector<64x1xi1>
      %broadcast_in_dim3A_524 = vector.broadcast %broadcast_in_dim3A_523 : vector<64x1xi1> to vector<64x128xi1>
      %broadcast_in_dim3A_525 = vector.broadcast %jit3A_522 : f32 to vector<64x128xf32>
      %select_n3A_526 = arith.select %broadcast_in_dim3A_524, %slice3A_274, %broadcast_in_dim3A_525 : vector<64x128xi1>, vector<64x128xf32>
      %reduce_max3A_527 = arith.constant dense<0xFF800000> : vector<128xf32>
      %reduce_max3A_528 = vector.multi_reduction <maximumf>, %select_n3A_526, %reduce_max3A_527 [0] : vector<64x128xf32> to vector<128xf32>
      %broadcast_in_dim3A_529 = vector.shape_cast %reduce_max3A_528 : vector<128xf32> to vector<1x128xf32>
      %concatenate3A = tpu.concatenate %broadcast_in_dim3A_364, %broadcast_in_dim3A_375, %broadcast_in_dim3A_386, %broadcast_in_dim3A_397, %broadcast_in_dim3A_408, %broadcast_in_dim3A_419, %broadcast_in_dim3A_430, %broadcast_in_dim3A_441, %broadcast_in_dim3A_452, %broadcast_in_dim3A_463, %broadcast_in_dim3A_474, %broadcast_in_dim3A_485, %broadcast_in_dim3A_496, %broadcast_in_dim3A_507, %broadcast_in_dim3A_518, %broadcast_in_dim3A_529 in 0 : vector<1x128xf32>, vector<1x128xf32>, vector<1x128xf32>, vector<1x128xf32>, vector<1x128xf32>, vector<1x128xf32>, vector<1x128xf32>, vector<1x128xf32>, vector<1x128xf32>, vector<1x128xf32>, vector<1x128xf32>, vector<1x128xf32>, vector<1x128xf32>, vector<1x128xf32>, vector<1x128xf32>, vector<1x128xf32> -> vector<16x128xf32>
      %get3A_530 = arith.constant 0 : index
      %get3A_531 = arith.constant 0 : index
      %get3A_532 = vector.load %arg6[%get3A_530, %get3A_531] : memref<16x128xf32, #tpu.memory_space<vmem>>, vector<16x128xf32>
      %max3A = arith.maximumf %get3A_532, %concatenate3A : vector<16x128xf32>
      %swap3A = arith.constant 0 : index
      %swap3A_533 = arith.constant 0 : index
      %swap3A_534 = vector.load %arg6[%swap3A, %swap3A_533] : memref<16x128xf32, #tpu.memory_space<vmem>>, vector<16x128xf32>
      tpu.vector_store %arg6[%swap3A, %swap3A_533], %max3A {strides = array<i32>} : memref<16x128xf32, #tpu.memory_space<vmem>>, vector<16x128xf32>,
    } else {
    }
    %slice3A_295 = vector.extract_strided_slice %add3A_22 {offsets = [832, 0], sizes = [64, 128], strides = [1, 1]} : vector<1024x128xf32> to vector<64x128xf32>
    %slice3A_296 = vector.extract_strided_slice %get3A_25 {offsets = [832, 0], sizes = [64, 1], strides = [1, 1]} : vector<1024x1xi32> to vector<64x1xi32>
    %get3A_297 = arith.constant 832 : index
    %get3A_298 = arith.constant 0 : index
    %get3A_299 = vector.load %arg5[%get3A_297, %get3A_298] : memref<1024x1xi32, #tpu.memory_space<vmem>>, vector<1x1xi32>
    %get3A_300 = vector.extract %get3A_299[0, 0] : i32 from vector<1x1xi32>
    %get3A_301 = arith.constant 895 : index
    %get3A_302 = arith.constant 0 : index
    %get3A_303 = vector.load %arg5[%get3A_301, %get3A_302] : memref<1024x1xi32, #tpu.memory_space<vmem>>, vector<1x1xi32>
    %get3A_304 = vector.extract %get3A_303[0, 0] : i32 from vector<1x1xi32>
    %eq3A_305 = arith.cmpi eq, %get3A_300, %get3A_304 : i32
    %lt3A_306 = arith.constant 16 : i32
    %lt3A_307 = arith.cmpi slt, %get3A_300, %lt3A_306 : i32
    %and3A_308 = arith.andi %eq3A_305, %lt3A_307 : i1
    %convert_element_type3A_309 = arith.extui %and3A_308 : i1 to i32
    %cond3A_310 = arith.constant 0 : i32
    %cond3A_311 = arith.cmpi ne, %convert_element_type3A_309, %cond3A_310 : i32
    scf.if %cond3A_311 {
      %reduce_max3A = arith.constant dense<0xFF800000> : vector<128xf32>
      %reduce_max3A_358 = vector.multi_reduction <maximumf>, %slice3A_295, %reduce_max3A [0] : vector<64x128xf32> to vector<128xf32>
      %broadcast_in_dim3A = vector.shape_cast %reduce_max3A_358 : vector<128xf32> to vector<1x128xf32>
      %get3A_359 = arith.index_cast %get3A_300 : i32 to index
      %get3A_360 = arith.constant 0 : index
      %get3A_361 = vector.load %arg6[%get3A_359, %get3A_360] : memref<16x128xf32, #tpu.memory_space<vmem>>, vector<1x128xf32>
      %max3A = arith.maximumf %get3A_361, %broadcast_in_dim3A : vector<1x128xf32>
      %swap3A = arith.index_cast %get3A_300 : i32 to index
      %swap3A_362 = arith.constant 0 : index
      %swap3A_363 = vector.load %arg6[%swap3A, %swap3A_362] : memref<16x128xf32, #tpu.memory_space<vmem>>, vector<1x128xf32>
      tpu.vector_store %arg6[%swap3A, %swap3A_362], %max3A {strides = array<i32>} : memref<16x128xf32, #tpu.memory_space<vmem>>, vector<1x128xf32>,
    } else {
    }
    %ne3A_312 = arith.cmpi ne, %get3A_300, %get3A_304 : i32
    %convert_element_type3A_313 = arith.extui %ne3A_312 : i1 to i32
    %cond3A_314 = arith.constant 0 : i32
    %cond3A_315 = arith.cmpi ne, %convert_element_type3A_313, %cond3A_314 : i32
    scf.if %cond3A_315 {
      %eq3A_358 = arith.constant 0 : i32
      %eq3A_359 = vector.broadcast %eq3A_358 : i32 to vector<64x1xi32>
      %eq3A_360 = arith.cmpi eq, %slice3A_296, %eq3A_359 : vector<64x1xi32>
      %jit3A = arith.constant 0xFF800000 : f32
      %broadcast_in_dim3A = vector.shape_cast %eq3A_360 : vector<64x1xi1> to vector<64x1xi1>
      %broadcast_in_dim3A_361 = vector.broadcast %broadcast_in_dim3A : vector<64x1xi1> to vector<64x128xi1>
      %broadcast_in_dim3A_362 = vector.broadcast %jit3A : f32 to vector<64x128xf32>
      %select_n3A = arith.select %broadcast_in_dim3A_361, %slice3A_295, %broadcast_in_dim3A_362 : vector<64x128xi1>, vector<64x128xf32>
      %reduce_max3A = arith.constant dense<0xFF800000> : vector<128xf32>
      %reduce_max3A_363 = vector.multi_reduction <maximumf>, %select_n3A, %reduce_max3A [0] : vector<64x128xf32> to vector<128xf32>
      %broadcast_in_dim3A_364 = vector.shape_cast %reduce_max3A_363 : vector<128xf32> to vector<1x128xf32>
      %eq3A_365 = arith.constant 1 : i32
      %eq3A_366 = vector.broadcast %eq3A_365 : i32 to vector<64x1xi32>
      %eq3A_367 = arith.cmpi eq, %slice3A_296, %eq3A_366 : vector<64x1xi32>
      %jit3A_368 = arith.constant 0xFF800000 : f32
      %broadcast_in_dim3A_369 = vector.shape_cast %eq3A_367 : vector<64x1xi1> to vector<64x1xi1>
      %broadcast_in_dim3A_370 = vector.broadcast %broadcast_in_dim3A_369 : vector<64x1xi1> to vector<64x128xi1>
      %broadcast_in_dim3A_371 = vector.broadcast %jit3A_368 : f32 to vector<64x128xf32>
      %select_n3A_372 = arith.select %broadcast_in_dim3A_370, %slice3A_295, %broadcast_in_dim3A_371 : vector<64x128xi1>, vector<64x128xf32>
      %reduce_max3A_373 = arith.constant dense<0xFF800000> : vector<128xf32>
      %reduce_max3A_374 = vector.multi_reduction <maximumf>, %select_n3A_372, %reduce_max3A_373 [0] : vector<64x128xf32> to vector<128xf32>
      %broadcast_in_dim3A_375 = vector.shape_cast %reduce_max3A_374 : vector<128xf32> to vector<1x128xf32>
      %eq3A_376 = arith.constant 2 : i32
      %eq3A_377 = vector.broadcast %eq3A_376 : i32 to vector<64x1xi32>
      %eq3A_378 = arith.cmpi eq, %slice3A_296, %eq3A_377 : vector<64x1xi32>
      %jit3A_379 = arith.constant 0xFF800000 : f32
      %broadcast_in_dim3A_380 = vector.shape_cast %eq3A_378 : vector<64x1xi1> to vector<64x1xi1>
      %broadcast_in_dim3A_381 = vector.broadcast %broadcast_in_dim3A_380 : vector<64x1xi1> to vector<64x128xi1>
      %broadcast_in_dim3A_382 = vector.broadcast %jit3A_379 : f32 to vector<64x128xf32>
      %select_n3A_383 = arith.select %broadcast_in_dim3A_381, %slice3A_295, %broadcast_in_dim3A_382 : vector<64x128xi1>, vector<64x128xf32>
      %reduce_max3A_384 = arith.constant dense<0xFF800000> : vector<128xf32>
      %reduce_max3A_385 = vector.multi_reduction <maximumf>, %select_n3A_383, %reduce_max3A_384 [0] : vector<64x128xf32> to vector<128xf32>
      %broadcast_in_dim3A_386 = vector.shape_cast %reduce_max3A_385 : vector<128xf32> to vector<1x128xf32>
      %eq3A_387 = arith.constant 3 : i32
      %eq3A_388 = vector.broadcast %eq3A_387 : i32 to vector<64x1xi32>
      %eq3A_389 = arith.cmpi eq, %slice3A_296, %eq3A_388 : vector<64x1xi32>
      %jit3A_390 = arith.constant 0xFF800000 : f32
      %broadcast_in_dim3A_391 = vector.shape_cast %eq3A_389 : vector<64x1xi1> to vector<64x1xi1>
      %broadcast_in_dim3A_392 = vector.broadcast %broadcast_in_dim3A_391 : vector<64x1xi1> to vector<64x128xi1>
      %broadcast_in_dim3A_393 = vector.broadcast %jit3A_390 : f32 to vector<64x128xf32>
      %select_n3A_394 = arith.select %broadcast_in_dim3A_392, %slice3A_295, %broadcast_in_dim3A_393 : vector<64x128xi1>, vector<64x128xf32>
      %reduce_max3A_395 = arith.constant dense<0xFF800000> : vector<128xf32>
      %reduce_max3A_396 = vector.multi_reduction <maximumf>, %select_n3A_394, %reduce_max3A_395 [0] : vector<64x128xf32> to vector<128xf32>
      %broadcast_in_dim3A_397 = vector.shape_cast %reduce_max3A_396 : vector<128xf32> to vector<1x128xf32>
      %eq3A_398 = arith.constant 4 : i32
      %eq3A_399 = vector.broadcast %eq3A_398 : i32 to vector<64x1xi32>
      %eq3A_400 = arith.cmpi eq, %slice3A_296, %eq3A_399 : vector<64x1xi32>
      %jit3A_401 = arith.constant 0xFF800000 : f32
      %broadcast_in_dim3A_402 = vector.shape_cast %eq3A_400 : vector<64x1xi1> to vector<64x1xi1>
      %broadcast_in_dim3A_403 = vector.broadcast %broadcast_in_dim3A_402 : vector<64x1xi1> to vector<64x128xi1>
      %broadcast_in_dim3A_404 = vector.broadcast %jit3A_401 : f32 to vector<64x128xf32>
      %select_n3A_405 = arith.select %broadcast_in_dim3A_403, %slice3A_295, %broadcast_in_dim3A_404 : vector<64x128xi1>, vector<64x128xf32>
      %reduce_max3A_406 = arith.constant dense<0xFF800000> : vector<128xf32>
      %reduce_max3A_407 = vector.multi_reduction <maximumf>, %select_n3A_405, %reduce_max3A_406 [0] : vector<64x128xf32> to vector<128xf32>
      %broadcast_in_dim3A_408 = vector.shape_cast %reduce_max3A_407 : vector<128xf32> to vector<1x128xf32>
      %eq3A_409 = arith.constant 5 : i32
      %eq3A_410 = vector.broadcast %eq3A_409 : i32 to vector<64x1xi32>
      %eq3A_411 = arith.cmpi eq, %slice3A_296, %eq3A_410 : vector<64x1xi32>
      %jit3A_412 = arith.constant 0xFF800000 : f32
      %broadcast_in_dim3A_413 = vector.shape_cast %eq3A_411 : vector<64x1xi1> to vector<64x1xi1>
      %broadcast_in_dim3A_414 = vector.broadcast %broadcast_in_dim3A_413 : vector<64x1xi1> to vector<64x128xi1>
      %broadcast_in_dim3A_415 = vector.broadcast %jit3A_412 : f32 to vector<64x128xf32>
      %select_n3A_416 = arith.select %broadcast_in_dim3A_414, %slice3A_295, %broadcast_in_dim3A_415 : vector<64x128xi1>, vector<64x128xf32>
      %reduce_max3A_417 = arith.constant dense<0xFF800000> : vector<128xf32>
      %reduce_max3A_418 = vector.multi_reduction <maximumf>, %select_n3A_416, %reduce_max3A_417 [0] : vector<64x128xf32> to vector<128xf32>
      %broadcast_in_dim3A_419 = vector.shape_cast %reduce_max3A_418 : vector<128xf32> to vector<1x128xf32>
      %eq3A_420 = arith.constant 6 : i32
      %eq3A_421 = vector.broadcast %eq3A_420 : i32 to vector<64x1xi32>
      %eq3A_422 = arith.cmpi eq, %slice3A_296, %eq3A_421 : vector<64x1xi32>
      %jit3A_423 = arith.constant 0xFF800000 : f32
      %broadcast_in_dim3A_424 = vector.shape_cast %eq3A_422 : vector<64x1xi1> to vector<64x1xi1>
      %broadcast_in_dim3A_425 = vector.broadcast %broadcast_in_dim3A_424 : vector<64x1xi1> to vector<64x128xi1>
      %broadcast_in_dim3A_426 = vector.broadcast %jit3A_423 : f32 to vector<64x128xf32>
      %select_n3A_427 = arith.select %broadcast_in_dim3A_425, %slice3A_295, %broadcast_in_dim3A_426 : vector<64x128xi1>, vector<64x128xf32>
      %reduce_max3A_428 = arith.constant dense<0xFF800000> : vector<128xf32>
      %reduce_max3A_429 = vector.multi_reduction <maximumf>, %select_n3A_427, %reduce_max3A_428 [0] : vector<64x128xf32> to vector<128xf32>
      %broadcast_in_dim3A_430 = vector.shape_cast %reduce_max3A_429 : vector<128xf32> to vector<1x128xf32>
      %eq3A_431 = arith.constant 7 : i32
      %eq3A_432 = vector.broadcast %eq3A_431 : i32 to vector<64x1xi32>
      %eq3A_433 = arith.cmpi eq, %slice3A_296, %eq3A_432 : vector<64x1xi32>
      %jit3A_434 = arith.constant 0xFF800000 : f32
      %broadcast_in_dim3A_435 = vector.shape_cast %eq3A_433 : vector<64x1xi1> to vector<64x1xi1>
      %broadcast_in_dim3A_436 = vector.broadcast %broadcast_in_dim3A_435 : vector<64x1xi1> to vector<64x128xi1>
      %broadcast_in_dim3A_437 = vector.broadcast %jit3A_434 : f32 to vector<64x128xf32>
      %select_n3A_438 = arith.select %broadcast_in_dim3A_436, %slice3A_295, %broadcast_in_dim3A_437 : vector<64x128xi1>, vector<64x128xf32>
      %reduce_max3A_439 = arith.constant dense<0xFF800000> : vector<128xf32>
      %reduce_max3A_440 = vector.multi_reduction <maximumf>, %select_n3A_438, %reduce_max3A_439 [0] : vector<64x128xf32> to vector<128xf32>
      %broadcast_in_dim3A_441 = vector.shape_cast %reduce_max3A_440 : vector<128xf32> to vector<1x128xf32>
      %eq3A_442 = arith.constant 8 : i32
      %eq3A_443 = vector.broadcast %eq3A_442 : i32 to vector<64x1xi32>
      %eq3A_444 = arith.cmpi eq, %slice3A_296, %eq3A_443 : vector<64x1xi32>
      %jit3A_445 = arith.constant 0xFF800000 : f32
      %broadcast_in_dim3A_446 = vector.shape_cast %eq3A_444 : vector<64x1xi1> to vector<64x1xi1>
      %broadcast_in_dim3A_447 = vector.broadcast %broadcast_in_dim3A_446 : vector<64x1xi1> to vector<64x128xi1>
      %broadcast_in_dim3A_448 = vector.broadcast %jit3A_445 : f32 to vector<64x128xf32>
      %select_n3A_449 = arith.select %broadcast_in_dim3A_447, %slice3A_295, %broadcast_in_dim3A_448 : vector<64x128xi1>, vector<64x128xf32>
      %reduce_max3A_450 = arith.constant dense<0xFF800000> : vector<128xf32>
      %reduce_max3A_451 = vector.multi_reduction <maximumf>, %select_n3A_449, %reduce_max3A_450 [0] : vector<64x128xf32> to vector<128xf32>
      %broadcast_in_dim3A_452 = vector.shape_cast %reduce_max3A_451 : vector<128xf32> to vector<1x128xf32>
      %eq3A_453 = arith.constant 9 : i32
      %eq3A_454 = vector.broadcast %eq3A_453 : i32 to vector<64x1xi32>
      %eq3A_455 = arith.cmpi eq, %slice3A_296, %eq3A_454 : vector<64x1xi32>
      %jit3A_456 = arith.constant 0xFF800000 : f32
      %broadcast_in_dim3A_457 = vector.shape_cast %eq3A_455 : vector<64x1xi1> to vector<64x1xi1>
      %broadcast_in_dim3A_458 = vector.broadcast %broadcast_in_dim3A_457 : vector<64x1xi1> to vector<64x128xi1>
      %broadcast_in_dim3A_459 = vector.broadcast %jit3A_456 : f32 to vector<64x128xf32>
      %select_n3A_460 = arith.select %broadcast_in_dim3A_458, %slice3A_295, %broadcast_in_dim3A_459 : vector<64x128xi1>, vector<64x128xf32>
      %reduce_max3A_461 = arith.constant dense<0xFF800000> : vector<128xf32>
      %reduce_max3A_462 = vector.multi_reduction <maximumf>, %select_n3A_460, %reduce_max3A_461 [0] : vector<64x128xf32> to vector<128xf32>
      %broadcast_in_dim3A_463 = vector.shape_cast %reduce_max3A_462 : vector<128xf32> to vector<1x128xf32>
      %eq3A_464 = arith.constant 10 : i32
      %eq3A_465 = vector.broadcast %eq3A_464 : i32 to vector<64x1xi32>
      %eq3A_466 = arith.cmpi eq, %slice3A_296, %eq3A_465 : vector<64x1xi32>
      %jit3A_467 = arith.constant 0xFF800000 : f32
      %broadcast_in_dim3A_468 = vector.shape_cast %eq3A_466 : vector<64x1xi1> to vector<64x1xi1>
      %broadcast_in_dim3A_469 = vector.broadcast %broadcast_in_dim3A_468 : vector<64x1xi1> to vector<64x128xi1>
      %broadcast_in_dim3A_470 = vector.broadcast %jit3A_467 : f32 to vector<64x128xf32>
      %select_n3A_471 = arith.select %broadcast_in_dim3A_469, %slice3A_295, %broadcast_in_dim3A_470 : vector<64x128xi1>, vector<64x128xf32>
      %reduce_max3A_472 = arith.constant dense<0xFF800000> : vector<128xf32>
      %reduce_max3A_473 = vector.multi_reduction <maximumf>, %select_n3A_471, %reduce_max3A_472 [0] : vector<64x128xf32> to vector<128xf32>
      %broadcast_in_dim3A_474 = vector.shape_cast %reduce_max3A_473 : vector<128xf32> to vector<1x128xf32>
      %eq3A_475 = arith.constant 11 : i32
      %eq3A_476 = vector.broadcast %eq3A_475 : i32 to vector<64x1xi32>
      %eq3A_477 = arith.cmpi eq, %slice3A_296, %eq3A_476 : vector<64x1xi32>
      %jit3A_478 = arith.constant 0xFF800000 : f32
      %broadcast_in_dim3A_479 = vector.shape_cast %eq3A_477 : vector<64x1xi1> to vector<64x1xi1>
      %broadcast_in_dim3A_480 = vector.broadcast %broadcast_in_dim3A_479 : vector<64x1xi1> to vector<64x128xi1>
      %broadcast_in_dim3A_481 = vector.broadcast %jit3A_478 : f32 to vector<64x128xf32>
      %select_n3A_482 = arith.select %broadcast_in_dim3A_480, %slice3A_295, %broadcast_in_dim3A_481 : vector<64x128xi1>, vector<64x128xf32>
      %reduce_max3A_483 = arith.constant dense<0xFF800000> : vector<128xf32>
      %reduce_max3A_484 = vector.multi_reduction <maximumf>, %select_n3A_482, %reduce_max3A_483 [0] : vector<64x128xf32> to vector<128xf32>
      %broadcast_in_dim3A_485 = vector.shape_cast %reduce_max3A_484 : vector<128xf32> to vector<1x128xf32>
      %eq3A_486 = arith.constant 12 : i32
      %eq3A_487 = vector.broadcast %eq3A_486 : i32 to vector<64x1xi32>
      %eq3A_488 = arith.cmpi eq, %slice3A_296, %eq3A_487 : vector<64x1xi32>
      %jit3A_489 = arith.constant 0xFF800000 : f32
      %broadcast_in_dim3A_490 = vector.shape_cast %eq3A_488 : vector<64x1xi1> to vector<64x1xi1>
      %broadcast_in_dim3A_491 = vector.broadcast %broadcast_in_dim3A_490 : vector<64x1xi1> to vector<64x128xi1>
      %broadcast_in_dim3A_492 = vector.broadcast %jit3A_489 : f32 to vector<64x128xf32>
      %select_n3A_493 = arith.select %broadcast_in_dim3A_491, %slice3A_295, %broadcast_in_dim3A_492 : vector<64x128xi1>, vector<64x128xf32>
      %reduce_max3A_494 = arith.constant dense<0xFF800000> : vector<128xf32>
      %reduce_max3A_495 = vector.multi_reduction <maximumf>, %select_n3A_493, %reduce_max3A_494 [0] : vector<64x128xf32> to vector<128xf32>
      %broadcast_in_dim3A_496 = vector.shape_cast %reduce_max3A_495 : vector<128xf32> to vector<1x128xf32>
      %eq3A_497 = arith.constant 13 : i32
      %eq3A_498 = vector.broadcast %eq3A_497 : i32 to vector<64x1xi32>
      %eq3A_499 = arith.cmpi eq, %slice3A_296, %eq3A_498 : vector<64x1xi32>
      %jit3A_500 = arith.constant 0xFF800000 : f32
      %broadcast_in_dim3A_501 = vector.shape_cast %eq3A_499 : vector<64x1xi1> to vector<64x1xi1>
      %broadcast_in_dim3A_502 = vector.broadcast %broadcast_in_dim3A_501 : vector<64x1xi1> to vector<64x128xi1>
      %broadcast_in_dim3A_503 = vector.broadcast %jit3A_500 : f32 to vector<64x128xf32>
      %select_n3A_504 = arith.select %broadcast_in_dim3A_502, %slice3A_295, %broadcast_in_dim3A_503 : vector<64x128xi1>, vector<64x128xf32>
      %reduce_max3A_505 = arith.constant dense<0xFF800000> : vector<128xf32>
      %reduce_max3A_506 = vector.multi_reduction <maximumf>, %select_n3A_504, %reduce_max3A_505 [0] : vector<64x128xf32> to vector<128xf32>
      %broadcast_in_dim3A_507 = vector.shape_cast %reduce_max3A_506 : vector<128xf32> to vector<1x128xf32>
      %eq3A_508 = arith.constant 14 : i32
      %eq3A_509 = vector.broadcast %eq3A_508 : i32 to vector<64x1xi32>
      %eq3A_510 = arith.cmpi eq, %slice3A_296, %eq3A_509 : vector<64x1xi32>
      %jit3A_511 = arith.constant 0xFF800000 : f32
      %broadcast_in_dim3A_512 = vector.shape_cast %eq3A_510 : vector<64x1xi1> to vector<64x1xi1>
      %broadcast_in_dim3A_513 = vector.broadcast %broadcast_in_dim3A_512 : vector<64x1xi1> to vector<64x128xi1>
      %broadcast_in_dim3A_514 = vector.broadcast %jit3A_511 : f32 to vector<64x128xf32>
      %select_n3A_515 = arith.select %broadcast_in_dim3A_513, %slice3A_295, %broadcast_in_dim3A_514 : vector<64x128xi1>, vector<64x128xf32>
      %reduce_max3A_516 = arith.constant dense<0xFF800000> : vector<128xf32>
      %reduce_max3A_517 = vector.multi_reduction <maximumf>, %select_n3A_515, %reduce_max3A_516 [0] : vector<64x128xf32> to vector<128xf32>
      %broadcast_in_dim3A_518 = vector.shape_cast %reduce_max3A_517 : vector<128xf32> to vector<1x128xf32>
      %eq3A_519 = arith.constant 15 : i32
      %eq3A_520 = vector.broadcast %eq3A_519 : i32 to vector<64x1xi32>
      %eq3A_521 = arith.cmpi eq, %slice3A_296, %eq3A_520 : vector<64x1xi32>
      %jit3A_522 = arith.constant 0xFF800000 : f32
      %broadcast_in_dim3A_523 = vector.shape_cast %eq3A_521 : vector<64x1xi1> to vector<64x1xi1>
      %broadcast_in_dim3A_524 = vector.broadcast %broadcast_in_dim3A_523 : vector<64x1xi1> to vector<64x128xi1>
      %broadcast_in_dim3A_525 = vector.broadcast %jit3A_522 : f32 to vector<64x128xf32>
      %select_n3A_526 = arith.select %broadcast_in_dim3A_524, %slice3A_295, %broadcast_in_dim3A_525 : vector<64x128xi1>, vector<64x128xf32>
      %reduce_max3A_527 = arith.constant dense<0xFF800000> : vector<128xf32>
      %reduce_max3A_528 = vector.multi_reduction <maximumf>, %select_n3A_526, %reduce_max3A_527 [0] : vector<64x128xf32> to vector<128xf32>
      %broadcast_in_dim3A_529 = vector.shape_cast %reduce_max3A_528 : vector<128xf32> to vector<1x128xf32>
      %concatenate3A = tpu.concatenate %broadcast_in_dim3A_364, %broadcast_in_dim3A_375, %broadcast_in_dim3A_386, %broadcast_in_dim3A_397, %broadcast_in_dim3A_408, %broadcast_in_dim3A_419, %broadcast_in_dim3A_430, %broadcast_in_dim3A_441, %broadcast_in_dim3A_452, %broadcast_in_dim3A_463, %broadcast_in_dim3A_474, %broadcast_in_dim3A_485, %broadcast_in_dim3A_496, %broadcast_in_dim3A_507, %broadcast_in_dim3A_518, %broadcast_in_dim3A_529 in 0 : vector<1x128xf32>, vector<1x128xf32>, vector<1x128xf32>, vector<1x128xf32>, vector<1x128xf32>, vector<1x128xf32>, vector<1x128xf32>, vector<1x128xf32>, vector<1x128xf32>, vector<1x128xf32>, vector<1x128xf32>, vector<1x128xf32>, vector<1x128xf32>, vector<1x128xf32>, vector<1x128xf32>, vector<1x128xf32> -> vector<16x128xf32>
      %get3A_530 = arith.constant 0 : index
      %get3A_531 = arith.constant 0 : index
      %get3A_532 = vector.load %arg6[%get3A_530, %get3A_531] : memref<16x128xf32, #tpu.memory_space<vmem>>, vector<16x128xf32>
      %max3A = arith.maximumf %get3A_532, %concatenate3A : vector<16x128xf32>
      %swap3A = arith.constant 0 : index
      %swap3A_533 = arith.constant 0 : index
      %swap3A_534 = vector.load %arg6[%swap3A, %swap3A_533] : memref<16x128xf32, #tpu.memory_space<vmem>>, vector<16x128xf32>
      tpu.vector_store %arg6[%swap3A, %swap3A_533], %max3A {strides = array<i32>} : memref<16x128xf32, #tpu.memory_space<vmem>>, vector<16x128xf32>,
    } else {
    }
    %slice3A_316 = vector.extract_strided_slice %add3A_22 {offsets = [896, 0], sizes = [64, 128], strides = [1, 1]} : vector<1024x128xf32> to vector<64x128xf32>
    %slice3A_317 = vector.extract_strided_slice %get3A_25 {offsets = [896, 0], sizes = [64, 1], strides = [1, 1]} : vector<1024x1xi32> to vector<64x1xi32>
    %get3A_318 = arith.constant 896 : index
    %get3A_319 = arith.constant 0 : index
    %get3A_320 = vector.load %arg5[%get3A_318, %get3A_319] : memref<1024x1xi32, #tpu.memory_space<vmem>>, vector<1x1xi32>
    %get3A_321 = vector.extract %get3A_320[0, 0] : i32 from vector<1x1xi32>
    %get3A_322 = arith.constant 959 : index
    %get3A_323 = arith.constant 0 : index
    %get3A_324 = vector.load %arg5[%get3A_322, %get3A_323] : memref<1024x1xi32, #tpu.memory_space<vmem>>, vector<1x1xi32>
    %get3A_325 = vector.extract %get3A_324[0, 0] : i32 from vector<1x1xi32>
    %eq3A_326 = arith.cmpi eq, %get3A_321, %get3A_325 : i32
    %lt3A_327 = arith.constant 16 : i32
    %lt3A_328 = arith.cmpi slt, %get3A_321, %lt3A_327 : i32
    %and3A_329 = arith.andi %eq3A_326, %lt3A_328 : i1
    %convert_element_type3A_330 = arith.extui %and3A_329 : i1 to i32
    %cond3A_331 = arith.constant 0 : i32
    %cond3A_332 = arith.cmpi ne, %convert_element_type3A_330, %cond3A_331 : i32
    scf.if %cond3A_332 {
      %reduce_max3A = arith.constant dense<0xFF800000> : vector<128xf32>
      %reduce_max3A_358 = vector.multi_reduction <maximumf>, %slice3A_316, %reduce_max3A [0] : vector<64x128xf32> to vector<128xf32>
      %broadcast_in_dim3A = vector.shape_cast %reduce_max3A_358 : vector<128xf32> to vector<1x128xf32>
      %get3A_359 = arith.index_cast %get3A_321 : i32 to index
      %get3A_360 = arith.constant 0 : index
      %get3A_361 = vector.load %arg6[%get3A_359, %get3A_360] : memref<16x128xf32, #tpu.memory_space<vmem>>, vector<1x128xf32>
      %max3A = arith.maximumf %get3A_361, %broadcast_in_dim3A : vector<1x128xf32>
      %swap3A = arith.index_cast %get3A_321 : i32 to index
      %swap3A_362 = arith.constant 0 : index
      %swap3A_363 = vector.load %arg6[%swap3A, %swap3A_362] : memref<16x128xf32, #tpu.memory_space<vmem>>, vector<1x128xf32>
      tpu.vector_store %arg6[%swap3A, %swap3A_362], %max3A {strides = array<i32>} : memref<16x128xf32, #tpu.memory_space<vmem>>, vector<1x128xf32>,
    } else {
    }
    %ne3A_333 = arith.cmpi ne, %get3A_321, %get3A_325 : i32
    %convert_element_type3A_334 = arith.extui %ne3A_333 : i1 to i32
    %cond3A_335 = arith.constant 0 : i32
    %cond3A_336 = arith.cmpi ne, %convert_element_type3A_334, %cond3A_335 : i32
    scf.if %cond3A_336 {
      %eq3A_358 = arith.constant 0 : i32
      %eq3A_359 = vector.broadcast %eq3A_358 : i32 to vector<64x1xi32>
      %eq3A_360 = arith.cmpi eq, %slice3A_317, %eq3A_359 : vector<64x1xi32>
      %jit3A = arith.constant 0xFF800000 : f32
      %broadcast_in_dim3A = vector.shape_cast %eq3A_360 : vector<64x1xi1> to vector<64x1xi1>
      %broadcast_in_dim3A_361 = vector.broadcast %broadcast_in_dim3A : vector<64x1xi1> to vector<64x128xi1>
      %broadcast_in_dim3A_362 = vector.broadcast %jit3A : f32 to vector<64x128xf32>
      %select_n3A = arith.select %broadcast_in_dim3A_361, %slice3A_316, %broadcast_in_dim3A_362 : vector<64x128xi1>, vector<64x128xf32>
      %reduce_max3A = arith.constant dense<0xFF800000> : vector<128xf32>
      %reduce_max3A_363 = vector.multi_reduction <maximumf>, %select_n3A, %reduce_max3A [0] : vector<64x128xf32> to vector<128xf32>
      %broadcast_in_dim3A_364 = vector.shape_cast %reduce_max3A_363 : vector<128xf32> to vector<1x128xf32>
      %eq3A_365 = arith.constant 1 : i32
      %eq3A_366 = vector.broadcast %eq3A_365 : i32 to vector<64x1xi32>
      %eq3A_367 = arith.cmpi eq, %slice3A_317, %eq3A_366 : vector<64x1xi32>
      %jit3A_368 = arith.constant 0xFF800000 : f32
      %broadcast_in_dim3A_369 = vector.shape_cast %eq3A_367 : vector<64x1xi1> to vector<64x1xi1>
      %broadcast_in_dim3A_370 = vector.broadcast %broadcast_in_dim3A_369 : vector<64x1xi1> to vector<64x128xi1>
      %broadcast_in_dim3A_371 = vector.broadcast %jit3A_368 : f32 to vector<64x128xf32>
      %select_n3A_372 = arith.select %broadcast_in_dim3A_370, %slice3A_316, %broadcast_in_dim3A_371 : vector<64x128xi1>, vector<64x128xf32>
      %reduce_max3A_373 = arith.constant dense<0xFF800000> : vector<128xf32>
      %reduce_max3A_374 = vector.multi_reduction <maximumf>, %select_n3A_372, %reduce_max3A_373 [0] : vector<64x128xf32> to vector<128xf32>
      %broadcast_in_dim3A_375 = vector.shape_cast %reduce_max3A_374 : vector<128xf32> to vector<1x128xf32>
      %eq3A_376 = arith.constant 2 : i32
      %eq3A_377 = vector.broadcast %eq3A_376 : i32 to vector<64x1xi32>
      %eq3A_378 = arith.cmpi eq, %slice3A_317, %eq3A_377 : vector<64x1xi32>
      %jit3A_379 = arith.constant 0xFF800000 : f32
      %broadcast_in_dim3A_380 = vector.shape_cast %eq3A_378 : vector<64x1xi1> to vector<64x1xi1>
      %broadcast_in_dim3A_381 = vector.broadcast %broadcast_in_dim3A_380 : vector<64x1xi1> to vector<64x128xi1>
      %broadcast_in_dim3A_382 = vector.broadcast %jit3A_379 : f32 to vector<64x128xf32>
      %select_n3A_383 = arith.select %broadcast_in_dim3A_381, %slice3A_316, %broadcast_in_dim3A_382 : vector<64x128xi1>, vector<64x128xf32>
      %reduce_max3A_384 = arith.constant dense<0xFF800000> : vector<128xf32>
      %reduce_max3A_385 = vector.multi_reduction <maximumf>, %select_n3A_383, %reduce_max3A_384 [0] : vector<64x128xf32> to vector<128xf32>
      %broadcast_in_dim3A_386 = vector.shape_cast %reduce_max3A_385 : vector<128xf32> to vector<1x128xf32>
      %eq3A_387 = arith.constant 3 : i32
      %eq3A_388 = vector.broadcast %eq3A_387 : i32 to vector<64x1xi32>
      %eq3A_389 = arith.cmpi eq, %slice3A_317, %eq3A_388 : vector<64x1xi32>
      %jit3A_390 = arith.constant 0xFF800000 : f32
      %broadcast_in_dim3A_391 = vector.shape_cast %eq3A_389 : vector<64x1xi1> to vector<64x1xi1>
      %broadcast_in_dim3A_392 = vector.broadcast %broadcast_in_dim3A_391 : vector<64x1xi1> to vector<64x128xi1>
      %broadcast_in_dim3A_393 = vector.broadcast %jit3A_390 : f32 to vector<64x128xf32>
      %select_n3A_394 = arith.select %broadcast_in_dim3A_392, %slice3A_316, %broadcast_in_dim3A_393 : vector<64x128xi1>, vector<64x128xf32>
      %reduce_max3A_395 = arith.constant dense<0xFF800000> : vector<128xf32>
      %reduce_max3A_396 = vector.multi_reduction <maximumf>, %select_n3A_394, %reduce_max3A_395 [0] : vector<64x128xf32> to vector<128xf32>
      %broadcast_in_dim3A_397 = vector.shape_cast %reduce_max3A_396 : vector<128xf32> to vector<1x128xf32>
      %eq3A_398 = arith.constant 4 : i32
      %eq3A_399 = vector.broadcast %eq3A_398 : i32 to vector<64x1xi32>
      %eq3A_400 = arith.cmpi eq, %slice3A_317, %eq3A_399 : vector<64x1xi32>
      %jit3A_401 = arith.constant 0xFF800000 : f32
      %broadcast_in_dim3A_402 = vector.shape_cast %eq3A_400 : vector<64x1xi1> to vector<64x1xi1>
      %broadcast_in_dim3A_403 = vector.broadcast %broadcast_in_dim3A_402 : vector<64x1xi1> to vector<64x128xi1>
      %broadcast_in_dim3A_404 = vector.broadcast %jit3A_401 : f32 to vector<64x128xf32>
      %select_n3A_405 = arith.select %broadcast_in_dim3A_403, %slice3A_316, %broadcast_in_dim3A_404 : vector<64x128xi1>, vector<64x128xf32>
      %reduce_max3A_406 = arith.constant dense<0xFF800000> : vector<128xf32>
      %reduce_max3A_407 = vector.multi_reduction <maximumf>, %select_n3A_405, %reduce_max3A_406 [0] : vector<64x128xf32> to vector<128xf32>
      %broadcast_in_dim3A_408 = vector.shape_cast %reduce_max3A_407 : vector<128xf32> to vector<1x128xf32>
      %eq3A_409 = arith.constant 5 : i32
      %eq3A_410 = vector.broadcast %eq3A_409 : i32 to vector<64x1xi32>
      %eq3A_411 = arith.cmpi eq, %slice3A_317, %eq3A_410 : vector<64x1xi32>
      %jit3A_412 = arith.constant 0xFF800000 : f32
      %broadcast_in_dim3A_413 = vector.shape_cast %eq3A_411 : vector<64x1xi1> to vector<64x1xi1>
      %broadcast_in_dim3A_414 = vector.broadcast %broadcast_in_dim3A_413 : vector<64x1xi1> to vector<64x128xi1>
      %broadcast_in_dim3A_415 = vector.broadcast %jit3A_412 : f32 to vector<64x128xf32>
      %select_n3A_416 = arith.select %broadcast_in_dim3A_414, %slice3A_316, %broadcast_in_dim3A_415 : vector<64x128xi1>, vector<64x128xf32>
      %reduce_max3A_417 = arith.constant dense<0xFF800000> : vector<128xf32>
      %reduce_max3A_418 = vector.multi_reduction <maximumf>, %select_n3A_416, %reduce_max3A_417 [0] : vector<64x128xf32> to vector<128xf32>
      %broadcast_in_dim3A_419 = vector.shape_cast %reduce_max3A_418 : vector<128xf32> to vector<1x128xf32>
      %eq3A_420 = arith.constant 6 : i32
      %eq3A_421 = vector.broadcast %eq3A_420 : i32 to vector<64x1xi32>
      %eq3A_422 = arith.cmpi eq, %slice3A_317, %eq3A_421 : vector<64x1xi32>
      %jit3A_423 = arith.constant 0xFF800000 : f32
      %broadcast_in_dim3A_424 = vector.shape_cast %eq3A_422 : vector<64x1xi1> to vector<64x1xi1>
      %broadcast_in_dim3A_425 = vector.broadcast %broadcast_in_dim3A_424 : vector<64x1xi1> to vector<64x128xi1>
      %broadcast_in_dim3A_426 = vector.broadcast %jit3A_423 : f32 to vector<64x128xf32>
      %select_n3A_427 = arith.select %broadcast_in_dim3A_425, %slice3A_316, %broadcast_in_dim3A_426 : vector<64x128xi1>, vector<64x128xf32>
      %reduce_max3A_428 = arith.constant dense<0xFF800000> : vector<128xf32>
      %reduce_max3A_429 = vector.multi_reduction <maximumf>, %select_n3A_427, %reduce_max3A_428 [0] : vector<64x128xf32> to vector<128xf32>
      %broadcast_in_dim3A_430 = vector.shape_cast %reduce_max3A_429 : vector<128xf32> to vector<1x128xf32>
      %eq3A_431 = arith.constant 7 : i32
      %eq3A_432 = vector.broadcast %eq3A_431 : i32 to vector<64x1xi32>
      %eq3A_433 = arith.cmpi eq, %slice3A_317, %eq3A_432 : vector<64x1xi32>
      %jit3A_434 = arith.constant 0xFF800000 : f32
      %broadcast_in_dim3A_435 = vector.shape_cast %eq3A_433 : vector<64x1xi1> to vector<64x1xi1>
      %broadcast_in_dim3A_436 = vector.broadcast %broadcast_in_dim3A_435 : vector<64x1xi1> to vector<64x128xi1>
      %broadcast_in_dim3A_437 = vector.broadcast %jit3A_434 : f32 to vector<64x128xf32>
      %select_n3A_438 = arith.select %broadcast_in_dim3A_436, %slice3A_316, %broadcast_in_dim3A_437 : vector<64x128xi1>, vector<64x128xf32>
      %reduce_max3A_439 = arith.constant dense<0xFF800000> : vector<128xf32>
      %reduce_max3A_440 = vector.multi_reduction <maximumf>, %select_n3A_438, %reduce_max3A_439 [0] : vector<64x128xf32> to vector<128xf32>
      %broadcast_in_dim3A_441 = vector.shape_cast %reduce_max3A_440 : vector<128xf32> to vector<1x128xf32>
      %eq3A_442 = arith.constant 8 : i32
      %eq3A_443 = vector.broadcast %eq3A_442 : i32 to vector<64x1xi32>
      %eq3A_444 = arith.cmpi eq, %slice3A_317, %eq3A_443 : vector<64x1xi32>
      %jit3A_445 = arith.constant 0xFF800000 : f32
      %broadcast_in_dim3A_446 = vector.shape_cast %eq3A_444 : vector<64x1xi1> to vector<64x1xi1>
      %broadcast_in_dim3A_447 = vector.broadcast %broadcast_in_dim3A_446 : vector<64x1xi1> to vector<64x128xi1>
      %broadcast_in_dim3A_448 = vector.broadcast %jit3A_445 : f32 to vector<64x128xf32>
      %select_n3A_449 = arith.select %broadcast_in_dim3A_447, %slice3A_316, %broadcast_in_dim3A_448 : vector<64x128xi1>, vector<64x128xf32>
      %reduce_max3A_450 = arith.constant dense<0xFF800000> : vector<128xf32>
      %reduce_max3A_451 = vector.multi_reduction <maximumf>, %select_n3A_449, %reduce_max3A_450 [0] : vector<64x128xf32> to vector<128xf32>
      %broadcast_in_dim3A_452 = vector.shape_cast %reduce_max3A_451 : vector<128xf32> to vector<1x128xf32>
      %eq3A_453 = arith.constant 9 : i32
      %eq3A_454 = vector.broadcast %eq3A_453 : i32 to vector<64x1xi32>
      %eq3A_455 = arith.cmpi eq, %slice3A_317, %eq3A_454 : vector<64x1xi32>
      %jit3A_456 = arith.constant 0xFF800000 : f32
      %broadcast_in_dim3A_457 = vector.shape_cast %eq3A_455 : vector<64x1xi1> to vector<64x1xi1>
      %broadcast_in_dim3A_458 = vector.broadcast %broadcast_in_dim3A_457 : vector<64x1xi1> to vector<64x128xi1>
      %broadcast_in_dim3A_459 = vector.broadcast %jit3A_456 : f32 to vector<64x128xf32>
      %select_n3A_460 = arith.select %broadcast_in_dim3A_458, %slice3A_316, %broadcast_in_dim3A_459 : vector<64x128xi1>, vector<64x128xf32>
      %reduce_max3A_461 = arith.constant dense<0xFF800000> : vector<128xf32>
      %reduce_max3A_462 = vector.multi_reduction <maximumf>, %select_n3A_460, %reduce_max3A_461 [0] : vector<64x128xf32> to vector<128xf32>
      %broadcast_in_dim3A_463 = vector.shape_cast %reduce_max3A_462 : vector<128xf32> to vector<1x128xf32>
      %eq3A_464 = arith.constant 10 : i32
      %eq3A_465 = vector.broadcast %eq3A_464 : i32 to vector<64x1xi32>
      %eq3A_466 = arith.cmpi eq, %slice3A_317, %eq3A_465 : vector<64x1xi32>
      %jit3A_467 = arith.constant 0xFF800000 : f32
      %broadcast_in_dim3A_468 = vector.shape_cast %eq3A_466 : vector<64x1xi1> to vector<64x1xi1>
      %broadcast_in_dim3A_469 = vector.broadcast %broadcast_in_dim3A_468 : vector<64x1xi1> to vector<64x128xi1>
      %broadcast_in_dim3A_470 = vector.broadcast %jit3A_467 : f32 to vector<64x128xf32>
      %select_n3A_471 = arith.select %broadcast_in_dim3A_469, %slice3A_316, %broadcast_in_dim3A_470 : vector<64x128xi1>, vector<64x128xf32>
      %reduce_max3A_472 = arith.constant dense<0xFF800000> : vector<128xf32>
      %reduce_max3A_473 = vector.multi_reduction <maximumf>, %select_n3A_471, %reduce_max3A_472 [0] : vector<64x128xf32> to vector<128xf32>
      %broadcast_in_dim3A_474 = vector.shape_cast %reduce_max3A_473 : vector<128xf32> to vector<1x128xf32>
      %eq3A_475 = arith.constant 11 : i32
      %eq3A_476 = vector.broadcast %eq3A_475 : i32 to vector<64x1xi32>
      %eq3A_477 = arith.cmpi eq, %slice3A_317, %eq3A_476 : vector<64x1xi32>
      %jit3A_478 = arith.constant 0xFF800000 : f32
      %broadcast_in_dim3A_479 = vector.shape_cast %eq3A_477 : vector<64x1xi1> to vector<64x1xi1>
      %broadcast_in_dim3A_480 = vector.broadcast %broadcast_in_dim3A_479 : vector<64x1xi1> to vector<64x128xi1>
      %broadcast_in_dim3A_481 = vector.broadcast %jit3A_478 : f32 to vector<64x128xf32>
      %select_n3A_482 = arith.select %broadcast_in_dim3A_480, %slice3A_316, %broadcast_in_dim3A_481 : vector<64x128xi1>, vector<64x128xf32>
      %reduce_max3A_483 = arith.constant dense<0xFF800000> : vector<128xf32>
      %reduce_max3A_484 = vector.multi_reduction <maximumf>, %select_n3A_482, %reduce_max3A_483 [0] : vector<64x128xf32> to vector<128xf32>
      %broadcast_in_dim3A_485 = vector.shape_cast %reduce_max3A_484 : vector<128xf32> to vector<1x128xf32>
      %eq3A_486 = arith.constant 12 : i32
      %eq3A_487 = vector.broadcast %eq3A_486 : i32 to vector<64x1xi32>
      %eq3A_488 = arith.cmpi eq, %slice3A_317, %eq3A_487 : vector<64x1xi32>
      %jit3A_489 = arith.constant 0xFF800000 : f32
      %broadcast_in_dim3A_490 = vector.shape_cast %eq3A_488 : vector<64x1xi1> to vector<64x1xi1>
      %broadcast_in_dim3A_491 = vector.broadcast %broadcast_in_dim3A_490 : vector<64x1xi1> to vector<64x128xi1>
      %broadcast_in_dim3A_492 = vector.broadcast %jit3A_489 : f32 to vector<64x128xf32>
      %select_n3A_493 = arith.select %broadcast_in_dim3A_491, %slice3A_316, %broadcast_in_dim3A_492 : vector<64x128xi1>, vector<64x128xf32>
      %reduce_max3A_494 = arith.constant dense<0xFF800000> : vector<128xf32>
      %reduce_max3A_495 = vector.multi_reduction <maximumf>, %select_n3A_493, %reduce_max3A_494 [0] : vector<64x128xf32> to vector<128xf32>
      %broadcast_in_dim3A_496 = vector.shape_cast %reduce_max3A_495 : vector<128xf32> to vector<1x128xf32>
      %eq3A_497 = arith.constant 13 : i32
      %eq3A_498 = vector.broadcast %eq3A_497 : i32 to vector<64x1xi32>
      %eq3A_499 = arith.cmpi eq, %slice3A_317, %eq3A_498 : vector<64x1xi32>
      %jit3A_500 = arith.constant 0xFF800000 : f32
      %broadcast_in_dim3A_501 = vector.shape_cast %eq3A_499 : vector<64x1xi1> to vector<64x1xi1>
      %broadcast_in_dim3A_502 = vector.broadcast %broadcast_in_dim3A_501 : vector<64x1xi1> to vector<64x128xi1>
      %broadcast_in_dim3A_503 = vector.broadcast %jit3A_500 : f32 to vector<64x128xf32>
      %select_n3A_504 = arith.select %broadcast_in_dim3A_502, %slice3A_316, %broadcast_in_dim3A_503 : vector<64x128xi1>, vector<64x128xf32>
      %reduce_max3A_505 = arith.constant dense<0xFF800000> : vector<128xf32>
      %reduce_max3A_506 = vector.multi_reduction <maximumf>, %select_n3A_504, %reduce_max3A_505 [0] : vector<64x128xf32> to vector<128xf32>
      %broadcast_in_dim3A_507 = vector.shape_cast %reduce_max3A_506 : vector<128xf32> to vector<1x128xf32>
      %eq3A_508 = arith.constant 14 : i32
      %eq3A_509 = vector.broadcast %eq3A_508 : i32 to vector<64x1xi32>
      %eq3A_510 = arith.cmpi eq, %slice3A_317, %eq3A_509 : vector<64x1xi32>
      %jit3A_511 = arith.constant 0xFF800000 : f32
      %broadcast_in_dim3A_512 = vector.shape_cast %eq3A_510 : vector<64x1xi1> to vector<64x1xi1>
      %broadcast_in_dim3A_513 = vector.broadcast %broadcast_in_dim3A_512 : vector<64x1xi1> to vector<64x128xi1>
      %broadcast_in_dim3A_514 = vector.broadcast %jit3A_511 : f32 to vector<64x128xf32>
      %select_n3A_515 = arith.select %broadcast_in_dim3A_513, %slice3A_316, %broadcast_in_dim3A_514 : vector<64x128xi1>, vector<64x128xf32>
      %reduce_max3A_516 = arith.constant dense<0xFF800000> : vector<128xf32>
      %reduce_max3A_517 = vector.multi_reduction <maximumf>, %select_n3A_515, %reduce_max3A_516 [0] : vector<64x128xf32> to vector<128xf32>
      %broadcast_in_dim3A_518 = vector.shape_cast %reduce_max3A_517 : vector<128xf32> to vector<1x128xf32>
      %eq3A_519 = arith.constant 15 : i32
      %eq3A_520 = vector.broadcast %eq3A_519 : i32 to vector<64x1xi32>
      %eq3A_521 = arith.cmpi eq, %slice3A_317, %eq3A_520 : vector<64x1xi32>
      %jit3A_522 = arith.constant 0xFF800000 : f32
      %broadcast_in_dim3A_523 = vector.shape_cast %eq3A_521 : vector<64x1xi1> to vector<64x1xi1>
      %broadcast_in_dim3A_524 = vector.broadcast %broadcast_in_dim3A_523 : vector<64x1xi1> to vector<64x128xi1>
      %broadcast_in_dim3A_525 = vector.broadcast %jit3A_522 : f32 to vector<64x128xf32>
      %select_n3A_526 = arith.select %broadcast_in_dim3A_524, %slice3A_316, %broadcast_in_dim3A_525 : vector<64x128xi1>, vector<64x128xf32>
      %reduce_max3A_527 = arith.constant dense<0xFF800000> : vector<128xf32>
      %reduce_max3A_528 = vector.multi_reduction <maximumf>, %select_n3A_526, %reduce_max3A_527 [0] : vector<64x128xf32> to vector<128xf32>
      %broadcast_in_dim3A_529 = vector.shape_cast %reduce_max3A_528 : vector<128xf32> to vector<1x128xf32>
      %concatenate3A = tpu.concatenate %broadcast_in_dim3A_364, %broadcast_in_dim3A_375, %broadcast_in_dim3A_386, %broadcast_in_dim3A_397, %broadcast_in_dim3A_408, %broadcast_in_dim3A_419, %broadcast_in_dim3A_430, %broadcast_in_dim3A_441, %broadcast_in_dim3A_452, %broadcast_in_dim3A_463, %broadcast_in_dim3A_474, %broadcast_in_dim3A_485, %broadcast_in_dim3A_496, %broadcast_in_dim3A_507, %broadcast_in_dim3A_518, %broadcast_in_dim3A_529 in 0 : vector<1x128xf32>, vector<1x128xf32>, vector<1x128xf32>, vector<1x128xf32>, vector<1x128xf32>, vector<1x128xf32>, vector<1x128xf32>, vector<1x128xf32>, vector<1x128xf32>, vector<1x128xf32>, vector<1x128xf32>, vector<1x128xf32>, vector<1x128xf32>, vector<1x128xf32>, vector<1x128xf32>, vector<1x128xf32> -> vector<16x128xf32>
      %get3A_530 = arith.constant 0 : index
      %get3A_531 = arith.constant 0 : index
      %get3A_532 = vector.load %arg6[%get3A_530, %get3A_531] : memref<16x128xf32, #tpu.memory_space<vmem>>, vector<16x128xf32>
      %max3A = arith.maximumf %get3A_532, %concatenate3A : vector<16x128xf32>
      %swap3A = arith.constant 0 : index
      %swap3A_533 = arith.constant 0 : index
      %swap3A_534 = vector.load %arg6[%swap3A, %swap3A_533] : memref<16x128xf32, #tpu.memory_space<vmem>>, vector<16x128xf32>
      tpu.vector_store %arg6[%swap3A, %swap3A_533], %max3A {strides = array<i32>} : memref<16x128xf32, #tpu.memory_space<vmem>>, vector<16x128xf32>,
    } else {
    }
    %slice3A_337 = vector.extract_strided_slice %add3A_22 {offsets = [960, 0], sizes = [64, 128], strides = [1, 1]} : vector<1024x128xf32> to vector<64x128xf32>
    %slice3A_338 = vector.extract_strided_slice %get3A_25 {offsets = [960, 0], sizes = [64, 1], strides = [1, 1]} : vector<1024x1xi32> to vector<64x1xi32>
    %get3A_339 = arith.constant 960 : index
    %get3A_340 = arith.constant 0 : index
    %get3A_341 = vector.load %arg5[%get3A_339, %get3A_340] : memref<1024x1xi32, #tpu.memory_space<vmem>>, vector<1x1xi32>
    %get3A_342 = vector.extract %get3A_341[0, 0] : i32 from vector<1x1xi32>
    %get3A_343 = arith.constant 1023 : index
    %get3A_344 = arith.constant 0 : index
    %get3A_345 = vector.load %arg5[%get3A_343, %get3A_344] : memref<1024x1xi32, #tpu.memory_space<vmem>>, vector<1x1xi32>
    %get3A_346 = vector.extract %get3A_345[0, 0] : i32 from vector<1x1xi32>
    %eq3A_347 = arith.cmpi eq, %get3A_342, %get3A_346 : i32
    %lt3A_348 = arith.constant 16 : i32
    %lt3A_349 = arith.cmpi slt, %get3A_342, %lt3A_348 : i32
    %and3A_350 = arith.andi %eq3A_347, %lt3A_349 : i1
    %convert_element_type3A_351 = arith.extui %and3A_350 : i1 to i32
    %cond3A_352 = arith.constant 0 : i32
    %cond3A_353 = arith.cmpi ne, %convert_element_type3A_351, %cond3A_352 : i32
    scf.if %cond3A_353 {
      %reduce_max3A = arith.constant dense<0xFF800000> : vector<128xf32>
      %reduce_max3A_358 = vector.multi_reduction <maximumf>, %slice3A_337, %reduce_max3A [0] : vector<64x128xf32> to vector<128xf32>
      %broadcast_in_dim3A = vector.shape_cast %reduce_max3A_358 : vector<128xf32> to vector<1x128xf32>
      %get3A_359 = arith.index_cast %get3A_342 : i32 to index
      %get3A_360 = arith.constant 0 : index
      %get3A_361 = vector.load %arg6[%get3A_359, %get3A_360] : memref<16x128xf32, #tpu.memory_space<vmem>>, vector<1x128xf32>
      %max3A = arith.maximumf %get3A_361, %broadcast_in_dim3A : vector<1x128xf32>
      %swap3A = arith.index_cast %get3A_342 : i32 to index
      %swap3A_362 = arith.constant 0 : index
      %swap3A_363 = vector.load %arg6[%swap3A, %swap3A_362] : memref<16x128xf32, #tpu.memory_space<vmem>>, vector<1x128xf32>
      tpu.vector_store %arg6[%swap3A, %swap3A_362], %max3A {strides = array<i32>} : memref<16x128xf32, #tpu.memory_space<vmem>>, vector<1x128xf32>,
    } else {
    }
    %ne3A_354 = arith.cmpi ne, %get3A_342, %get3A_346 : i32
    %convert_element_type3A_355 = arith.extui %ne3A_354 : i1 to i32
    %cond3A_356 = arith.constant 0 : i32
    %cond3A_357 = arith.cmpi ne, %convert_element_type3A_355, %cond3A_356 : i32
    scf.if %cond3A_357 {
      %eq3A_358 = arith.constant 0 : i32
      %eq3A_359 = vector.broadcast %eq3A_358 : i32 to vector<64x1xi32>
      %eq3A_360 = arith.cmpi eq, %slice3A_338, %eq3A_359 : vector<64x1xi32>
      %jit3A = arith.constant 0xFF800000 : f32
      %broadcast_in_dim3A = vector.shape_cast %eq3A_360 : vector<64x1xi1> to vector<64x1xi1>
      %broadcast_in_dim3A_361 = vector.broadcast %broadcast_in_dim3A : vector<64x1xi1> to vector<64x128xi1>
      %broadcast_in_dim3A_362 = vector.broadcast %jit3A : f32 to vector<64x128xf32>
      %select_n3A = arith.select %broadcast_in_dim3A_361, %slice3A_337, %broadcast_in_dim3A_362 : vector<64x128xi1>, vector<64x128xf32>
      %reduce_max3A = arith.constant dense<0xFF800000> : vector<128xf32>
      %reduce_max3A_363 = vector.multi_reduction <maximumf>, %select_n3A, %reduce_max3A [0] : vector<64x128xf32> to vector<128xf32>
      %broadcast_in_dim3A_364 = vector.shape_cast %reduce_max3A_363 : vector<128xf32> to vector<1x128xf32>
      %eq3A_365 = arith.constant 1 : i32
      %eq3A_366 = vector.broadcast %eq3A_365 : i32 to vector<64x1xi32>
      %eq3A_367 = arith.cmpi eq, %slice3A_338, %eq3A_366 : vector<64x1xi32>
      %jit3A_368 = arith.constant 0xFF800000 : f32
      %broadcast_in_dim3A_369 = vector.shape_cast %eq3A_367 : vector<64x1xi1> to vector<64x1xi1>
      %broadcast_in_dim3A_370 = vector.broadcast %broadcast_in_dim3A_369 : vector<64x1xi1> to vector<64x128xi1>
      %broadcast_in_dim3A_371 = vector.broadcast %jit3A_368 : f32 to vector<64x128xf32>
      %select_n3A_372 = arith.select %broadcast_in_dim3A_370, %slice3A_337, %broadcast_in_dim3A_371 : vector<64x128xi1>, vector<64x128xf32>
      %reduce_max3A_373 = arith.constant dense<0xFF800000> : vector<128xf32>
      %reduce_max3A_374 = vector.multi_reduction <maximumf>, %select_n3A_372, %reduce_max3A_373 [0] : vector<64x128xf32> to vector<128xf32>
      %broadcast_in_dim3A_375 = vector.shape_cast %reduce_max3A_374 : vector<128xf32> to vector<1x128xf32>
      %eq3A_376 = arith.constant 2 : i32
      %eq3A_377 = vector.broadcast %eq3A_376 : i32 to vector<64x1xi32>
      %eq3A_378 = arith.cmpi eq, %slice3A_338, %eq3A_377 : vector<64x1xi32>
      %jit3A_379 = arith.constant 0xFF800000 : f32
      %broadcast_in_dim3A_380 = vector.shape_cast %eq3A_378 : vector<64x1xi1> to vector<64x1xi1>
      %broadcast_in_dim3A_381 = vector.broadcast %broadcast_in_dim3A_380 : vector<64x1xi1> to vector<64x128xi1>
      %broadcast_in_dim3A_382 = vector.broadcast %jit3A_379 : f32 to vector<64x128xf32>
      %select_n3A_383 = arith.select %broadcast_in_dim3A_381, %slice3A_337, %broadcast_in_dim3A_382 : vector<64x128xi1>, vector<64x128xf32>
      %reduce_max3A_384 = arith.constant dense<0xFF800000> : vector<128xf32>
      %reduce_max3A_385 = vector.multi_reduction <maximumf>, %select_n3A_383, %reduce_max3A_384 [0] : vector<64x128xf32> to vector<128xf32>
      %broadcast_in_dim3A_386 = vector.shape_cast %reduce_max3A_385 : vector<128xf32> to vector<1x128xf32>
      %eq3A_387 = arith.constant 3 : i32
      %eq3A_388 = vector.broadcast %eq3A_387 : i32 to vector<64x1xi32>
      %eq3A_389 = arith.cmpi eq, %slice3A_338, %eq3A_388 : vector<64x1xi32>
      %jit3A_390 = arith.constant 0xFF800000 : f32
      %broadcast_in_dim3A_391 = vector.shape_cast %eq3A_389 : vector<64x1xi1> to vector<64x1xi1>
      %broadcast_in_dim3A_392 = vector.broadcast %broadcast_in_dim3A_391 : vector<64x1xi1> to vector<64x128xi1>
      %broadcast_in_dim3A_393 = vector.broadcast %jit3A_390 : f32 to vector<64x128xf32>
      %select_n3A_394 = arith.select %broadcast_in_dim3A_392, %slice3A_337, %broadcast_in_dim3A_393 : vector<64x128xi1>, vector<64x128xf32>
      %reduce_max3A_395 = arith.constant dense<0xFF800000> : vector<128xf32>
      %reduce_max3A_396 = vector.multi_reduction <maximumf>, %select_n3A_394, %reduce_max3A_395 [0] : vector<64x128xf32> to vector<128xf32>
      %broadcast_in_dim3A_397 = vector.shape_cast %reduce_max3A_396 : vector<128xf32> to vector<1x128xf32>
      %eq3A_398 = arith.constant 4 : i32
      %eq3A_399 = vector.broadcast %eq3A_398 : i32 to vector<64x1xi32>
      %eq3A_400 = arith.cmpi eq, %slice3A_338, %eq3A_399 : vector<64x1xi32>
      %jit3A_401 = arith.constant 0xFF800000 : f32
      %broadcast_in_dim3A_402 = vector.shape_cast %eq3A_400 : vector<64x1xi1> to vector<64x1xi1>
      %broadcast_in_dim3A_403 = vector.broadcast %broadcast_in_dim3A_402 : vector<64x1xi1> to vector<64x128xi1>
      %broadcast_in_dim3A_404 = vector.broadcast %jit3A_401 : f32 to vector<64x128xf32>
      %select_n3A_405 = arith.select %broadcast_in_dim3A_403, %slice3A_337, %broadcast_in_dim3A_404 : vector<64x128xi1>, vector<64x128xf32>
      %reduce_max3A_406 = arith.constant dense<0xFF800000> : vector<128xf32>
      %reduce_max3A_407 = vector.multi_reduction <maximumf>, %select_n3A_405, %reduce_max3A_406 [0] : vector<64x128xf32> to vector<128xf32>
      %broadcast_in_dim3A_408 = vector.shape_cast %reduce_max3A_407 : vector<128xf32> to vector<1x128xf32>
      %eq3A_409 = arith.constant 5 : i32
      %eq3A_410 = vector.broadcast %eq3A_409 : i32 to vector<64x1xi32>
      %eq3A_411 = arith.cmpi eq, %slice3A_338, %eq3A_410 : vector<64x1xi32>
      %jit3A_412 = arith.constant 0xFF800000 : f32
      %broadcast_in_dim3A_413 = vector.shape_cast %eq3A_411 : vector<64x1xi1> to vector<64x1xi1>
      %broadcast_in_dim3A_414 = vector.broadcast %broadcast_in_dim3A_413 : vector<64x1xi1> to vector<64x128xi1>
      %broadcast_in_dim3A_415 = vector.broadcast %jit3A_412 : f32 to vector<64x128xf32>
      %select_n3A_416 = arith.select %broadcast_in_dim3A_414, %slice3A_337, %broadcast_in_dim3A_415 : vector<64x128xi1>, vector<64x128xf32>
      %reduce_max3A_417 = arith.constant dense<0xFF800000> : vector<128xf32>
      %reduce_max3A_418 = vector.multi_reduction <maximumf>, %select_n3A_416, %reduce_max3A_417 [0] : vector<64x128xf32> to vector<128xf32>
      %broadcast_in_dim3A_419 = vector.shape_cast %reduce_max3A_418 : vector<128xf32> to vector<1x128xf32>
      %eq3A_420 = arith.constant 6 : i32
      %eq3A_421 = vector.broadcast %eq3A_420 : i32 to vector<64x1xi32>
      %eq3A_422 = arith.cmpi eq, %slice3A_338, %eq3A_421 : vector<64x1xi32>
      %jit3A_423 = arith.constant 0xFF800000 : f32
      %broadcast_in_dim3A_424 = vector.shape_cast %eq3A_422 : vector<64x1xi1> to vector<64x1xi1>
      %broadcast_in_dim3A_425 = vector.broadcast %broadcast_in_dim3A_424 : vector<64x1xi1> to vector<64x128xi1>
      %broadcast_in_dim3A_426 = vector.broadcast %jit3A_423 : f32 to vector<64x128xf32>
      %select_n3A_427 = arith.select %broadcast_in_dim3A_425, %slice3A_337, %broadcast_in_dim3A_426 : vector<64x128xi1>, vector<64x128xf32>
      %reduce_max3A_428 = arith.constant dense<0xFF800000> : vector<128xf32>
      %reduce_max3A_429 = vector.multi_reduction <maximumf>, %select_n3A_427, %reduce_max3A_428 [0] : vector<64x128xf32> to vector<128xf32>
      %broadcast_in_dim3A_430 = vector.shape_cast %reduce_max3A_429 : vector<128xf32> to vector<1x128xf32>
      %eq3A_431 = arith.constant 7 : i32
      %eq3A_432 = vector.broadcast %eq3A_431 : i32 to vector<64x1xi32>
      %eq3A_433 = arith.cmpi eq, %slice3A_338, %eq3A_432 : vector<64x1xi32>
      %jit3A_434 = arith.constant 0xFF800000 : f32
      %broadcast_in_dim3A_435 = vector.shape_cast %eq3A_433 : vector<64x1xi1> to vector<64x1xi1>
      %broadcast_in_dim3A_436 = vector.broadcast %broadcast_in_dim3A_435 : vector<64x1xi1> to vector<64x128xi1>
      %broadcast_in_dim3A_437 = vector.broadcast %jit3A_434 : f32 to vector<64x128xf32>
      %select_n3A_438 = arith.select %broadcast_in_dim3A_436, %slice3A_337, %broadcast_in_dim3A_437 : vector<64x128xi1>, vector<64x128xf32>
      %reduce_max3A_439 = arith.constant dense<0xFF800000> : vector<128xf32>
      %reduce_max3A_440 = vector.multi_reduction <maximumf>, %select_n3A_438, %reduce_max3A_439 [0] : vector<64x128xf32> to vector<128xf32>
      %broadcast_in_dim3A_441 = vector.shape_cast %reduce_max3A_440 : vector<128xf32> to vector<1x128xf32>
      %eq3A_442 = arith.constant 8 : i32
      %eq3A_443 = vector.broadcast %eq3A_442 : i32 to vector<64x1xi32>
      %eq3A_444 = arith.cmpi eq, %slice3A_338, %eq3A_443 : vector<64x1xi32>
      %jit3A_445 = arith.constant 0xFF800000 : f32
      %broadcast_in_dim3A_446 = vector.shape_cast %eq3A_444 : vector<64x1xi1> to vector<64x1xi1>
      %broadcast_in_dim3A_447 = vector.broadcast %broadcast_in_dim3A_446 : vector<64x1xi1> to vector<64x128xi1>
      %broadcast_in_dim3A_448 = vector.broadcast %jit3A_445 : f32 to vector<64x128xf32>
      %select_n3A_449 = arith.select %broadcast_in_dim3A_447, %slice3A_337, %broadcast_in_dim3A_448 : vector<64x128xi1>, vector<64x128xf32>
      %reduce_max3A_450 = arith.constant dense<0xFF800000> : vector<128xf32>
      %reduce_max3A_451 = vector.multi_reduction <maximumf>, %select_n3A_449, %reduce_max3A_450 [0] : vector<64x128xf32> to vector<128xf32>
      %broadcast_in_dim3A_452 = vector.shape_cast %reduce_max3A_451 : vector<128xf32> to vector<1x128xf32>
      %eq3A_453 = arith.constant 9 : i32
      %eq3A_454 = vector.broadcast %eq3A_453 : i32 to vector<64x1xi32>
      %eq3A_455 = arith.cmpi eq, %slice3A_338, %eq3A_454 : vector<64x1xi32>
      %jit3A_456 = arith.constant 0xFF800000 : f32
      %broadcast_in_dim3A_457 = vector.shape_cast %eq3A_455 : vector<64x1xi1> to vector<64x1xi1>
      %broadcast_in_dim3A_458 = vector.broadcast %broadcast_in_dim3A_457 : vector<64x1xi1> to vector<64x128xi1>
      %broadcast_in_dim3A_459 = vector.broadcast %jit3A_456 : f32 to vector<64x128xf32>
      %select_n3A_460 = arith.select %broadcast_in_dim3A_458, %slice3A_337, %broadcast_in_dim3A_459 : vector<64x128xi1>, vector<64x128xf32>
      %reduce_max3A_461 = arith.constant dense<0xFF800000> : vector<128xf32>
      %reduce_max3A_462 = vector.multi_reduction <maximumf>, %select_n3A_460, %reduce_max3A_461 [0] : vector<64x128xf32> to vector<128xf32>
      %broadcast_in_dim3A_463 = vector.shape_cast %reduce_max3A_462 : vector<128xf32> to vector<1x128xf32>
      %eq3A_464 = arith.constant 10 : i32
      %eq3A_465 = vector.broadcast %eq3A_464 : i32 to vector<64x1xi32>
      %eq3A_466 = arith.cmpi eq, %slice3A_338, %eq3A_465 : vector<64x1xi32>
      %jit3A_467 = arith.constant 0xFF800000 : f32
      %broadcast_in_dim3A_468 = vector.shape_cast %eq3A_466 : vector<64x1xi1> to vector<64x1xi1>
      %broadcast_in_dim3A_469 = vector.broadcast %broadcast_in_dim3A_468 : vector<64x1xi1> to vector<64x128xi1>
      %broadcast_in_dim3A_470 = vector.broadcast %jit3A_467 : f32 to vector<64x128xf32>
      %select_n3A_471 = arith.select %broadcast_in_dim3A_469, %slice3A_337, %broadcast_in_dim3A_470 : vector<64x128xi1>, vector<64x128xf32>
      %reduce_max3A_472 = arith.constant dense<0xFF800000> : vector<128xf32>
      %reduce_max3A_473 = vector.multi_reduction <maximumf>, %select_n3A_471, %reduce_max3A_472 [0] : vector<64x128xf32> to vector<128xf32>
      %broadcast_in_dim3A_474 = vector.shape_cast %reduce_max3A_473 : vector<128xf32> to vector<1x128xf32>
      %eq3A_475 = arith.constant 11 : i32
      %eq3A_476 = vector.broadcast %eq3A_475 : i32 to vector<64x1xi32>
      %eq3A_477 = arith.cmpi eq, %slice3A_338, %eq3A_476 : vector<64x1xi32>
      %jit3A_478 = arith.constant 0xFF800000 : f32
      %broadcast_in_dim3A_479 = vector.shape_cast %eq3A_477 : vector<64x1xi1> to vector<64x1xi1>
      %broadcast_in_dim3A_480 = vector.broadcast %broadcast_in_dim3A_479 : vector<64x1xi1> to vector<64x128xi1>
      %broadcast_in_dim3A_481 = vector.broadcast %jit3A_478 : f32 to vector<64x128xf32>
      %select_n3A_482 = arith.select %broadcast_in_dim3A_480, %slice3A_337, %broadcast_in_dim3A_481 : vector<64x128xi1>, vector<64x128xf32>
      %reduce_max3A_483 = arith.constant dense<0xFF800000> : vector<128xf32>
      %reduce_max3A_484 = vector.multi_reduction <maximumf>, %select_n3A_482, %reduce_max3A_483 [0] : vector<64x128xf32> to vector<128xf32>
      %broadcast_in_dim3A_485 = vector.shape_cast %reduce_max3A_484 : vector<128xf32> to vector<1x128xf32>
      %eq3A_486 = arith.constant 12 : i32
      %eq3A_487 = vector.broadcast %eq3A_486 : i32 to vector<64x1xi32>
      %eq3A_488 = arith.cmpi eq, %slice3A_338, %eq3A_487 : vector<64x1xi32>
      %jit3A_489 = arith.constant 0xFF800000 : f32
      %broadcast_in_dim3A_490 = vector.shape_cast %eq3A_488 : vector<64x1xi1> to vector<64x1xi1>
      %broadcast_in_dim3A_491 = vector.broadcast %broadcast_in_dim3A_490 : vector<64x1xi1> to vector<64x128xi1>
      %broadcast_in_dim3A_492 = vector.broadcast %jit3A_489 : f32 to vector<64x128xf32>
      %select_n3A_493 = arith.select %broadcast_in_dim3A_491, %slice3A_337, %broadcast_in_dim3A_492 : vector<64x128xi1>, vector<64x128xf32>
      %reduce_max3A_494 = arith.constant dense<0xFF800000> : vector<128xf32>
      %reduce_max3A_495 = vector.multi_reduction <maximumf>, %select_n3A_493, %reduce_max3A_494 [0] : vector<64x128xf32> to vector<128xf32>
      %broadcast_in_dim3A_496 = vector.shape_cast %reduce_max3A_495 : vector<128xf32> to vector<1x128xf32>
      %eq3A_497 = arith.constant 13 : i32
      %eq3A_498 = vector.broadcast %eq3A_497 : i32 to vector<64x1xi32>
      %eq3A_499 = arith.cmpi eq, %slice3A_338, %eq3A_498 : vector<64x1xi32>
      %jit3A_500 = arith.constant 0xFF800000 : f32
      %broadcast_in_dim3A_501 = vector.shape_cast %eq3A_499 : vector<64x1xi1> to vector<64x1xi1>
      %broadcast_in_dim3A_502 = vector.broadcast %broadcast_in_dim3A_501 : vector<64x1xi1> to vector<64x128xi1>
      %broadcast_in_dim3A_503 = vector.broadcast %jit3A_500 : f32 to vector<64x128xf32>
      %select_n3A_504 = arith.select %broadcast_in_dim3A_502, %slice3A_337, %broadcast_in_dim3A_503 : vector<64x128xi1>, vector<64x128xf32>
      %reduce_max3A_505 = arith.constant dense<0xFF800000> : vector<128xf32>
      %reduce_max3A_506 = vector.multi_reduction <maximumf>, %select_n3A_504, %reduce_max3A_505 [0] : vector<64x128xf32> to vector<128xf32>
      %broadcast_in_dim3A_507 = vector.shape_cast %reduce_max3A_506 : vector<128xf32> to vector<1x128xf32>
      %eq3A_508 = arith.constant 14 : i32
      %eq3A_509 = vector.broadcast %eq3A_508 : i32 to vector<64x1xi32>
      %eq3A_510 = arith.cmpi eq, %slice3A_338, %eq3A_509 : vector<64x1xi32>
      %jit3A_511 = arith.constant 0xFF800000 : f32
      %broadcast_in_dim3A_512 = vector.shape_cast %eq3A_510 : vector<64x1xi1> to vector<64x1xi1>
      %broadcast_in_dim3A_513 = vector.broadcast %broadcast_in_dim3A_512 : vector<64x1xi1> to vector<64x128xi1>
      %broadcast_in_dim3A_514 = vector.broadcast %jit3A_511 : f32 to vector<64x128xf32>
      %select_n3A_515 = arith.select %broadcast_in_dim3A_513, %slice3A_337, %broadcast_in_dim3A_514 : vector<64x128xi1>, vector<64x128xf32>
      %reduce_max3A_516 = arith.constant dense<0xFF800000> : vector<128xf32>
      %reduce_max3A_517 = vector.multi_reduction <maximumf>, %select_n3A_515, %reduce_max3A_516 [0] : vector<64x128xf32> to vector<128xf32>
      %broadcast_in_dim3A_518 = vector.shape_cast %reduce_max3A_517 : vector<128xf32> to vector<1x128xf32>
      %eq3A_519 = arith.constant 15 : i32
      %eq3A_520 = vector.broadcast %eq3A_519 : i32 to vector<64x1xi32>
      %eq3A_521 = arith.cmpi eq, %slice3A_338, %eq3A_520 : vector<64x1xi32>
      %jit3A_522 = arith.constant 0xFF800000 : f32
      %broadcast_in_dim3A_523 = vector.shape_cast %eq3A_521 : vector<64x1xi1> to vector<64x1xi1>
      %broadcast_in_dim3A_524 = vector.broadcast %broadcast_in_dim3A_523 : vector<64x1xi1> to vector<64x128xi1>
      %broadcast_in_dim3A_525 = vector.broadcast %jit3A_522 : f32 to vector<64x128xf32>
      %select_n3A_526 = arith.select %broadcast_in_dim3A_524, %slice3A_337, %broadcast_in_dim3A_525 : vector<64x128xi1>, vector<64x128xf32>
      %reduce_max3A_527 = arith.constant dense<0xFF800000> : vector<128xf32>
      %reduce_max3A_528 = vector.multi_reduction <maximumf>, %select_n3A_526, %reduce_max3A_527 [0] : vector<64x128xf32> to vector<128xf32>
      %broadcast_in_dim3A_529 = vector.shape_cast %reduce_max3A_528 : vector<128xf32> to vector<1x128xf32>
      %concatenate3A = tpu.concatenate %broadcast_in_dim3A_364, %broadcast_in_dim3A_375, %broadcast_in_dim3A_386, %broadcast_in_dim3A_397, %broadcast_in_dim3A_408, %broadcast_in_dim3A_419, %broadcast_in_dim3A_430, %broadcast_in_dim3A_441, %broadcast_in_dim3A_452, %broadcast_in_dim3A_463, %broadcast_in_dim3A_474, %broadcast_in_dim3A_485, %broadcast_in_dim3A_496, %broadcast_in_dim3A_507, %broadcast_in_dim3A_518, %broadcast_in_dim3A_529 in 0 : vector<1x128xf32>, vector<1x128xf32>, vector<1x128xf32>, vector<1x128xf32>, vector<1x128xf32>, vector<1x128xf32>, vector<1x128xf32>, vector<1x128xf32>, vector<1x128xf32>, vector<1x128xf32>, vector<1x128xf32>, vector<1x128xf32>, vector<1x128xf32>, vector<1x128xf32>, vector<1x128xf32>, vector<1x128xf32> -> vector<16x128xf32>
      %get3A_530 = arith.constant 0 : index
      %get3A_531 = arith.constant 0 : index
      %get3A_532 = vector.load %arg6[%get3A_530, %get3A_531] : memref<16x128xf32, #tpu.memory_space<vmem>>, vector<16x128xf32>
      %max3A = arith.maximumf %get3A_532, %concatenate3A : vector<16x128xf32>
      %swap3A = arith.constant 0 : index
      %swap3A_533 = arith.constant 0 : index
      %swap3A_534 = vector.load %arg6[%swap3A, %swap3A_533] : memref<16x128xf32, #tpu.memory_space<vmem>>, vector<16x128xf32>
      tpu.vector_store %arg6[%swap3A, %swap3A_533], %max3A {strides = array<i32>} : memref<16x128xf32, #tpu.memory_space<vmem>>, vector<16x128xf32>,
    } else {
    }
    return
  }
  func.func @transform_0(%arg0: i32) -> (i32, i32, i32) {
    %c0_i32 = arith.constant 0 : i32
    %c0_i32_0 = arith.constant 0 : i32
    %c0_i32_1 = arith.constant 0 : i32
    return %c0_i32, %arg0, %c0_i32_0 : i32, i32, i32
  }
  func.func @transform_1(%arg0: i32) -> (i32, i32) {
    %c0_i32 = arith.constant 0 : i32
    %c0_i32_0 = arith.constant 0 : i32
    return %arg0, %c0_i32 : i32, i32
  }
  func.func @transform_2(%arg0: i32) -> (i32, i32) {
    %c0_i32 = arith.constant 0 : i32
    %c0_i32_0 = arith.constant 0 : i32
    return %arg0, %c0_i32 : i32, i32
  }
  func.func @transform_3(%arg0: i32) -> (i32, i32) {
    %c0_i32 = arith.constant 0 : i32
    %c0_i32_0 = arith.constant 0 : i32
    %c0_i32_1 = arith.constant 0 : i32
    return %c0_i32, %c0_i32_0 : i32, i32
  }
  func.func @transform_4(%arg0: i32) -> (i32, i32) {
    %c0_i32 = arith.constant 0 : i32
    %c0_i32_0 = arith.constant 0 : i32
    return %arg0, %c0_i32 : i32, i32
  }
  func.func @transform_5(%arg0: i32) -> (i32, i32) {
    %c0_i32 = arith.constant 0 : i32
    %c0_i32_0 = arith.constant 0 : i32
    %c0_i32_1 = arith.constant 0 : i32
    return %c0_i32, %c0_i32_0 : i32, i32
  }
}

</mosaic_0001>

<sc_bundles>
// kernel: kernel.11.cloned.1.call-start
scs
__scs_entry_jumppad:
0x0: {  	(pc) =	sbr.rel $0x88, $3  }
0x1: {  	(tag) =	ssettag $0x0;
	lr =	simm.s32 $0x1  }
0x2: {  	[smem:$0x3F9A] =	sst lr;
	_ =	strace $0xD0000000  }
0x3: {  	_ = 	snop  }
0x4: {  	_ = 	snop  }
0x5: {  	_ = 	snop  }
0x6: {  	_ = 	snop  }
0x7: {  	_ = 	snop  }
__scs_overlays_trampoline_lowered:
0x8: {  	[smem:$0x3FA9] =	sst s0  }
0x9: {  	[smem:$0x3FAA] =	sst s1  }
0xa: {  	[smem:$0x3FAB] =	sst s2  }
0xb: {  	[smem:$0x3FAC] =	sst s3  }
0xc: {  	[smem:$0x3FAD] =	sst s4  }
0xd: {  	[smem:$0x3FAE] =	sst s5  }
0xe: {  	[smem:$0x3FAF] =	sst s6  }
0xf: {  	[smem:$0x3FB0] =	sst s7  }
0x10: {  	[smem:$0x3FB1] =	sst s8  }
0x11: {  	[smem:$0x3FB2] =	sst s9;
	s0 =	simm.s32 @!p0 $0x0  }
0x12: {  	s1 =	sld [smem:$0x3F98];
	s0 =	simm.s32 @p0 $0x1  }
0x13: {  	[smem:$0x3FB3] =	sst s0;
	s0 =	simm.s32 @!p1 $0x0  }
0x14: {  	s2 =	sld [smem:$0x3F97];
	s0 =	simm.s32 @p1 $0x1  }
0x15: {  	[smem:$0x3FB4] =	sst s0;
	s0 =	simm.s32 @!p2 $0x0  }
0x16: {  	s3 =	sld [smem:$0x3FDB];
	s0 =	simm.s32 @p2 $0x1  }
0x17: {  	s4 =	simm.s32 $0x1BF5;
	[smem:$0x3FB6] =	sst s0  }
0x18: {  	s0 =	sld [smem:$0x3F99];
	_ =	swait.ge [sflag:s4], $0x0  }
0x19: {  	s7 =	sld [smem:$0x3F9A]  }
0x1a: {  	s8 =	sadd.s32 $0xFFFFE003, lr  }
0x1b: {  	s9 =	sadd.s32 $0xFFFFFEF7, lr;
	s5 =	simm.s32 $0xFFFFFFFF;
	p2 =	slt.u32 s8, $0xFFFFF086  }
0x1c: {  	p1 =	slt.u32 s9, $0xF7A;
	s5 =	simm.s32 @!p2 $0x0  }
0x1d: {  	s5 =	simm.s32 @p1 $0x1;
	p0 =	seq.s32 s7, s2  }
0x1e: {  	s7 =	smul.u32 @!p0 $0xF7A, s2;
	p2 =	seq.s32 @!p0 s5, $0x0  }
0x1f: {  	s9 =	smul.u32 $0xF7A, s1;
	s8 =	simm.s32 @!p0 $0x1BF5;
	p2 =	por !p2, p0  }
0x20: {  	[sflag:s8] =	ssyncset.s32 @!p0 $0xFFFFF086;
	s6 =	sadd.s32 @!p0 s3, s7;
	s7 =	simm.s32 @!p0 $0x108  }
0x21: {  	s3 =	sadd.s32 s3, s9;
	s6 =	sadd.s32 @!p0 $0x88, s6;
	s7 =	simm.s32 @p2 $0x1082  }
0x22: {  	[simem:s7], [sflag:s8] =	dma.local @!p0 [hbm:s6], $0xF7A  }
0x23: {  	s9 =	sor.u32 $0xD0000000, s2;
	s6 =	simm.s32 $0x108;
	_ =	swait.ge @!p0 [sflag:s8], $0x0  }
0x24: {  	s3 =	sadd.s32 $0x88, s3;
	s6 =	simm.s32 @!p1 $0x1082;
	[sflag:s4] =	ssyncset.s32 $0xFFFFF086  }
0x25: {  	[simem:s6], [sflag:s4] =	dma.local [hbm:s3], $0xF7A  }
0x26: {  	[smem:$0x3F9A] =	sst s1;
	(tag) =	ssettag s2;
	_ =	strace s9  }
0x27: {  	s1 =	sld [smem:$0x3FAA]  }
0x28: {  	s2 =	sld [smem:$0x3FAB]  }
0x29: {  	s4 =	sld [smem:$0x3FAD]  }
0x2a: {  	p0 =	seq.s32 s5, $0x0;
	s5 =	sld [smem:$0x3FAE]  }
0x2b: {  	s6 =	sld [smem:$0x3FAF]  }
0x2c: {  	s7 =	sld [smem:$0x3FB0]  }
0x2d: {  	s3 =	simm.s32 $0x108;
	s8 =	sld [smem:$0x3FB1]  }
0x2e: {  	s3 =	simm.s32 @!p0 $0x1082;
	s9 =	sld [smem:$0x3FB2]  }
0x2f: {  	lr =	sadd.s32 s0, s3;
	s0 =	sld [smem:$0x3FA9]  }
0x30: {  	s3 =	sld [smem:$0x3FAC]  }
0x31: {  	[smem:$0x3FB5] =	sst s10  }
0x32: {  	s10 =	sld [smem:$0x3FB3];
	_ =	sdelay $0x3  }
0x33: {  	p0 =	seq.s32 s10, $0x1;
	s10 =	sld [smem:$0x3FB5];
	_ =	sdelay $0x3  }
0x34: {  	[smem:$0x3FB5] =	sst s10  }
0x35: {  	s10 =	sld [smem:$0x3FB4];
	_ =	sdelay $0x3  }
0x36: {  	p1 =	seq.s32 s10, $0x1;
	s10 =	sld [smem:$0x3FB5];
	_ =	sdelay $0x3  }
0x37: {  	[smem:$0x3FB5] =	sst s10  }
0x38: {  	s10 =	sld [smem:$0x3FB6]  }
0x39: {  	_ = 	snop;
	(pc) =	sbr.ind lr, $3  }
0x3a: {  	_ = 	snop  }
0x3b: {  	_ = 	snop  }
0x3c: {  	p2 =	seq.s32 s10, $0x1;
	s10 =	sld [smem:$0x3FB5]  }
0x3d: {  	_ =	shalt  }
0x3e: {  	_ =	shalt  }
0x3f: {  	_ =	shalt  }
0x40: {  	_ =	shalt  }
0x41: {  	_ =	shalt  }
0x42: {  	_ =	shalt  }
0x43: {  	_ =	shalt  }
0x44: {  	_ =	shalt  }
0x45: {  	_ =	shalt  }
0x46: {  	_ =	shalt  }
0x47: {  	_ =	shalt  }
0x48: {  	_ =	shalt  }
0x49: {  	_ =	shalt  }
0x4a: {  	_ =	shalt  }
0x4b: {  	_ =	shalt  }
0x4c: {  	_ =	shalt  }
0x4d: {  	_ =	shalt  }
0x4e: {  	_ =	shalt  }
0x4f: {  	_ =	shalt  }
0x50: {  	_ =	shalt  }
0x51: {  	_ =	shalt  }
0x52: {  	_ =	shalt  }
0x53: {  	_ =	shalt  }
0x54: {  	_ =	shalt  }
0x55: {  	_ =	shalt  }
0x56: {  	_ =	shalt  }
0x57: {  	_ =	shalt  }
0x58: {  	_ =	shalt  }
0x59: {  	_ =	shalt  }
0x5a: {  	_ =	shalt  }
0x5b: {  	_ =	shalt  }
0x5c: {  	_ =	shalt  }
0x5d: {  	_ =	shalt  }
0x5e: {  	_ =	shalt  }
0x5f: {  	_ =	shalt  }
0x60: {  	_ =	shalt  }
0x61: {  	_ =	shalt  }
0x62: {  	_ =	shalt  }
0x63: {  	_ =	shalt  }
0x64: {  	_ =	shalt  }
0x65: {  	_ =	shalt  }
0x66: {  	_ =	shalt  }
0x67: {  	_ =	shalt  }
0x68: {  	_ =	shalt  }
0x69: {  	_ =	shalt  }
0x6a: {  	_ =	shalt  }
0x6b: {  	_ =	shalt  }
0x6c: {  	_ =	shalt  }
0x6d: {  	_ =	shalt  }
0x6e: {  	_ =	shalt  }
0x6f: {  	_ =	shalt  }
0x70: {  	_ =	shalt  }
0x71: {  	_ =	shalt  }
0x72: {  	_ =	shalt  }
0x73: {  	_ =	shalt  }
0x74: {  	_ =	shalt  }
0x75: {  	_ =	shalt  }
0x76: {  	_ =	shalt  }
0x77: {  	_ =	shalt  }
0x78: {  	_ =	shalt  }
0x79: {  	_ =	shalt  }
0x7a: {  	_ =	shalt  }
0x7b: {  	_ =	shalt  }
0x7c: {  	_ =	shalt  }
0x7d: {  	_ =	shalt  }
0x7e: {  	_ =	shalt  }
0x7f: {  	_ =	shalt  }
0x80: {  	_ =	shalt  }
0x81: {  	_ =	shalt  }
0x82: {  	_ =	shalt  }
0x83: {  	_ =	shalt  }
0x84: {  	_ =	shalt  }
0x85: {  	_ =	shalt  }
0x86: {  	_ =	shalt  }
0x87: {  	_ =	shalt  }
.Lfunc_end0:
.L_simem_size_0:
called_computation.1_lowered:
.L_overlay_start_0:
0x88: {  	s2 =	sld [smem:$0x3FD9]  }
0x89: {  	s3 =	sld [smem:$0x3FFE];
	_ =	sdelay $0x1  }
0x8a: {  	s1 =	srdreg.scid  }
0x8b: {  	s0 =	sand.u32 $0x1, s1  }
0x8c: {  	s16 =	sshll.u32 s0, $0xA;
	s2 =	sadd.s32 s3, s2  }
0x8d: {  	s2 =	sadd.s32 s2, s16  }
0x8e: {  	[smem:$0x3FC1] =	sst s2  }
0x8f: {  	_ = 	snop  }
0x90: {  	(tm) =	ssettm $0x1  }
0x91: {  	s17 =	sld [smem:$0x3FFB];
	_ =	sdelay $0x3  }
0x92: {  	_ =	strace s17  }
0x93: {  	s2 =	sld [smem:$0x3FFC];
	_ =	sdelay $0x3  }
0x94: {  	_ =	strace s2  }
0x95: {  	s2 =	sld [smem:$0x3FFD];
	_ =	sdelay $0x3  }
0x96: {  	_ =	strace s2  }
0x97: {  	_ =	strace $0x8FFFFFFF  }
0x98: {  	s18 =	sld [smem:$0x3FDB];
	_ =	sdelay $0x1  }
0x99: {  	s19 =	simm.s32 $_scs_section_size  }
0x9a: {  	s4 =	simm.s32 $_size__tile_overlayer_lowered;
	s5 =	simm.s32 $_tile_overlayer_lowered  }
0x9b: {  	s22 =	simm.s32 $0x1BFF;
	s21 =	sshll.u32 s5, $0x1;
	s2 =	sadd.s32 s19, s18  }
0x9c: {  	s6 =	simm.s32 $0x0;
	s20 =	sshll.u32 s4, $0x1;
	s4 =	sadd.s32 s21, s2  }
0x9d: {  	[timem:s6], [sflag:s22] =	dma.local [hbm:s4], s20  }
0x9e: {  	_ =	swait.ge [sflag:s22], s20  }
0x9f: {  	s3 =	ssub.s32 $0x0, s20;
	[sflag:s22] =	ssyncset.done $0x0  }
0xa0: {  	[sflag:s22] =	ssyncadd.s32 s3;
	_ =	sdelay $0x1  }
0xa1: {  	s23 =	simm.s32 $0x1B8B  }
0xa2: {  	_ =	swait.ge [sflag:s23], $0x1  }
0xa3: {  	[sflag:s23] =	ssyncset.done $0x0  }
0xa4: {  	s25 =	simm.s32 $0x1B8E;
	s24 =	sld [smem:$0x3FFE];
	[sflag:s23] =	ssyncadd.s32 $0xFFFFFFFF  }
0xa5: {  	s26 =	simm.s32 $execute0_lowered;
	[smem:$0x3FD2] =	sst s25  }
0xa6: {  	s4 =	sshll.u32 s26, $0x1;
	_ =	strace $0x80000049;
	[dreg:$0x1] =	wrdreg $0xFFFFFFFF  }
0xa7: {  	s28 =	simm.s32 $_size_execute0_lowered;
	s2 =	sadd.s32 s2, s4;
	[dreg:$0x0] =	wrdreg $0x0  }
0xa8: {  	s4 =	sshll.u32 s28, $0x1;
	[dreg:$0x2] =	wrdreg s2  }
0xa9: {  	[dreg:$0x3] =	wrdreg s4  }
0xaa: {  	[dreg:$0x4] =	wrdreg $0xC0  }
0xab: {  	_ =	task [dreg:s6], $0x5FFFF  }
0xac: {  	[dreg:$0x1] =	wrdreg $0xFFFFFFFF  }
0xad: {  	[dreg:$0x0] =	wrdreg $0x60  }
0xae: {  	[dreg:$0x2] =	wrdreg s24  }
0xaf: {  	[dreg:$0x3] =	wrdreg $0xA0000  }
0xb0: {  	[dreg:$0x4] =	wrdreg $0x9  }
0xb1: {  	_ =	task.clear_ibuf [dreg:s6], $0x5FFFF;
	_ =	strace $0x90000049  }
0xb2: {  	s29 =	simm.s32 $0x9;
	_ =	strace $0x8000004B  }
0xb3: {  	_ =	swait.ge [sflag:s29], $0x1  }
0xb4: {  	[sflag:s29] =	ssyncadd.s32 $0xFFFFFFFF  }
0xb5: {  	_ =	strace $0x9000004B  }
0xb6: {  	_ =	sfence  }
0xb7: {  	s30 =	sld [smem:$0x0];
	_ =	sdelay $0x2  }
0xb8: {  	s31 =	sshll.u32 s1, $0xD;
	s1 =	sshrl.u32 s1, $0x2  }
0xb9: {  	s3 =	sand.u32 $0x4000, s31;
	s1 =	sadd.s32 s1, s30  }
0xba: {  	s0 =	sor.u32 s3, s0;
	s1 =	sshll.u32 s1, $0x11  }
0xbb: {  	s0 =	sor.u32 s1, s0  }
0xbc: {  	s0 =	sadd.s32 $0x8F2B, s0  }
0xbd: {  	[sflag:s0] =	ssyncadd.remote.s32 $0x1  }
0xbe: {  	_ =	sfence.sel $0xFFFF  }
0xbf: {  	[dreg:$0x0] =	wrdreg $0xFFFFFFFF;
	(pc) =	sbr.abs _section_cstart, $3  }
0xc0: {  	[dreg:$0x1] =	wrdreg $0xFFFFFFFF  }
0xc1: {  	_ =	task.clear_ibuf [dreg:s6], $0x2FFFF;
	_ =	strace $0x9FFFFFFF  }
0xc2: {  	(tm) =	ssettm $0x7FFFFFFF  }
0xc3: {  	_ =	shalt  }
tec
execute0_lowered:
.L_overlay_start_1:
0x0: {  	(tag) =	ssettag $0x1  }
0x1: {  	s0 =	rddreg [dreg:$0x0]  }
0x2: {  	s2 =	rddreg [dreg:$0x1];
	s25 =	simm.s32 $0x0  }
0x3: {  	s11 =	stileid.u32;
	s1 =	srdreg.scid;
	s13 =	simm.s32 $0x9  }
0x4: {  	s14 =	simm.s32 $0x1000;
	s15 =	simm.s32 $0x40;
	s16 =	simm.s32 $0x2000  }
0x5: {  	s18 =	simm.s32 $0x4000;
	s29 =	simm.s32 $0x3;
	s31 =	simm.s32 $0x6  }
0x6: {  	s12 =	simm.s32 $0x1E00;
	s17 =	simm.s32 $0x1E80;
	s19 =	simm.s32 $0x1F00  }
0x7: {  	[smem:$0x7FF] =	sst s25;
	s3 =	smul.u32 $0x14000, s11;
	s1 =	sand.u32 $0x1, s1  }
0x8: {  	s4 =	sadd.s32 $0x3E800, s0;
	s5 =	sadd.s32 $0x16800, s0;
	s10 =	smul.u32 $0x50000, s11  }
0x9: {  	s6 =	sadd.s32 $0x2A800, s0;
	s23 =	sshll.u32 s11, $0x6;
	s24 =	smul.u32 $0x5000, s11  }
0xa: {  	s11 =	simm.s32 $0x8;
	_ =	strace $0x8000004A;
	s7 =	smul.u32 $0x140000, s1  }
0xb: {  	s20 =	ssub.s32 $0x2, s1;
	s1 =	smul.u32 $0x50000, s1;
	s28 =	sor.u32 $0x1C09, s23  }
0xc: {  	s23 =	simm.s32 $0x8000;
	s8 =	sshrl.u32 s3, $0x3;
	s9 =	sshrl.u32 s20, $0x1  }
0xd: {  	s22 =	sshrl.u32 s10, $0x2;
	s10 =	simm.s32 $0x7;
	[dreg:$0x5] =	wrdreg s28  }
0xe: {  	s8 =	sadd.s32 s8, s0;
	s3 =	sadd.s32 s3, s7;
	s21 =	ssub.s32 s20, s9  }
0xf: {  	s7 =	sadd.s32 s22, s2;
	s9 =	sadd.s32 s24, s1;
	s20 =	simm.s32 $0x6000  }
0x10: {  	s24 =	simm.s32 $0x2;
	s1 =	simm.s32 $0x4;
	s22 =	simm.s32 $0x1F80  }
0x11: {  	s3 =	sshrl.u32 s3, $0x3;
	s8 =	sadd.s32 $0x66800, s8;
	s26 =	smax.u32 s21, $0x1  }
0x12: {  	s30 =	sshrl.u32 s7, $0x3;
	s21 =	simm.s32 $0x1;
	[dreg:$0x4] =	wrdreg s8  }
0x13: {  	s7 =	simm.s32 $0x1180;
	s0 =	sadd.s32 s3, s0;
	[dreg:$0x7] =	wrdreg s26  }
0x14: {  	s26 =	simm.s32 $0x5;
	[dreg:$0x8] =	wrdreg s30;
	s0 =	sadd.s32 $0x8E800, s0  }
0x15: {  	s8 =	simm.s32 $0xF00;
	s3 =	simm.s32 $0xF80;
	[dreg:$0x6] =	wrdreg s0  }
.LBB2_1:
0x16: {  	[dreg:$0x3] =	wrdreg s25  }
0x17: {  	s0 =	rddreg [dreg:$0x4]  }
0x18: {  	[spmem:s30], [sflag:s28] =	dma.local [hbm:s0], $0x2800  }
0x19: {  	_ =	swait.ge [sflag:s13], $0x2800  }
0x1a: {  	[sflag:s13] =	ssyncset.done $0x0  }
0x1b: {  	[sflag:s13] =	ssyncadd.s32 $0xFFFFD800  }
0x1c: {  	s25 =	simm.s32 $0x0;
	[bflag:$0x0] =	sbarrier.arrive $0xFFFF  }
.LBB2_2:
0x1d: {  	s28 =	sshll.u32 s25, $0xC  }
0x1e: {  	s28 =	sadd.s32 s28, s9  }
0x1f: {  	s28 =	sshrl.u32 s28, $0x3  }
0x20: {  	s0 =	simm.s32 $0x0;
	s30 =	sadd.s32 s5, s28  }
0x21: {  	[tilespmem:s0], [sflag:$0x9] =	stream.linear.gather [hbm4b:s30+s0], $0x1000, $0x38;
	[tilespmem:$0x1E000] =	vst v63  }
0x22: {  	_ =	swait.ge [sflag:s13], $0x1000  }
0x23: {  	[sflag:s13] =	ssyncset.done $0x0  }
0x24: {  	s28 =	sadd.s32 s6, s28;
	[sflag:s13] =	ssyncadd.s32 $0xFFFFF000  }
0x25: {  	[tilespmem:s14], [sflag:$0x9] =	stream.linear.gather [hbm4b:s28+s0], $0x1000, $0x38;
	[tilespmem:$0x1E000] =	vst v63  }
0x26: {  	_ =	swait.ge [sflag:s13], $0x1000  }
0x27: {  	[sflag:s13] =	ssyncset.done $0x0  }
0x28: {  	[sflag:s13] =	ssyncadd.s32 $0xFFFFF000  }
0x29: {  	[tilespmem:s16], [sflag:$0x1] =	stream.indirect.gather [hbm4b:s4+s15], $0x80, s0, s15, $0xb8;
	[tilespmem:$0x1E000] =	vst v63  }
0x2a: {  	s0 =	simm.s32 $0x80  }
0x2b: {  	[tilespmem:s18], [sflag:$0x2] =	stream.indirect.gather [hbm4b:s4+s15], $0x80, s0, s15, $0xb8;
	[tilespmem:$0x1E000] =	vst v63  }
0x2c: {  	s0 =	simm.s32 $0x100  }
0x2d: {  	[tilespmem:s20], [sflag:$0x3] =	stream.indirect.gather [hbm4b:s4+s15], $0x80, s0, s15, $0xb8;
	[tilespmem:$0x1E000] =	vst v63  }
0x2e: {  	_ =	swait.ge [sflag:s21], $0x2000  }
0x2f: {  	[sflag:s21] =	ssyncset.done $0x0  }
0x30: {  	[sflag:s21] =	ssyncadd.s32 $0xFFFFE000  }
0x31: {  	[spmem:s2] =	stream.indirect.scatter.add.f32 [tilespmem:s16], [sflag:$0x5], $0x80, s14, s15, $0xb8;
	[tilespmem:$0x1E000] =	vst v63  }
0x32: {  	s0 =	simm.s32 $0x180  }
0x33: {  	[tilespmem:s23], [sflag:$0x4] =	stream.indirect.gather [hbm4b:s4+s15], $0x80, s0, s15, $0xb8;
	[tilespmem:$0x1E000] =	vst v63  }
0x34: {  	_ =	swait.ge [sflag:s24], $0x2000  }
0x35: {  	[sflag:s24] =	ssyncset.done $0x0  }
0x36: {  	s0 =	simm.s32 $0x1080;
	[sflag:s24] =	ssyncadd.s32 $0xFFFFE000  }
0x37: {  	[spmem:s2] =	stream.indirect.scatter.add.f32 [tilespmem:s18], [sflag:$0x6], $0x80, s0, s15, $0xb8;
	[tilespmem:$0x1E000] =	vst v63  }
0x38: {  	_ =	swait.ge [sflag:s26], $0x2000  }
0x39: {  	[sflag:s26] =	ssyncset.done $0x0  }
0x3a: {  	s0 =	simm.s32 $0x200;
	[sflag:s26] =	ssyncadd.s32 $0xFFFFE000  }
0x3b: {  	[tilespmem:s16], [sflag:$0x1] =	stream.indirect.gather [hbm4b:s4+s15], $0x80, s0, s15, $0xb8;
	[tilespmem:$0x1E000] =	vst v63  }
0x3c: {  	_ =	swait.ge [sflag:s29], $0x2000  }
0x3d: {  	[sflag:s29] =	ssyncset.done $0x0  }
0x3e: {  	s0 =	simm.s32 $0x1100;
	[sflag:s29] =	ssyncadd.s32 $0xFFFFE000  }
0x3f: {  	[spmem:s2] =	stream.indirect.scatter.add.f32 [tilespmem:s20], [sflag:$0x7], $0x80, s0, s15, $0xb8;
	[tilespmem:$0x1E000] =	vst v63  }
0x40: {  	_ =	swait.ge [sflag:s31], $0x2000  }
0x41: {  	[sflag:s31] =	ssyncset.done $0x0  }
0x42: {  	s0 =	simm.s32 $0x280;
	[sflag:s31] =	ssyncadd.s32 $0xFFFFE000  }
0x43: {  	[tilespmem:s18], [sflag:$0x2] =	stream.indirect.gather [hbm4b:s4+s15], $0x80, s0, s15, $0xb8;
	[tilespmem:$0x1E000] =	vst v63  }
0x44: {  	_ =	swait.ge [sflag:s1], $0x2000  }
0x45: {  	[sflag:s1] =	ssyncset.done $0x0  }
0x46: {  	[sflag:s1] =	ssyncadd.s32 $0xFFFFE000  }
0x47: {  	[spmem:s2] =	stream.indirect.scatter.add.f32 [tilespmem:s23], [sflag:$0x8], $0x80, s7, s15, $0xb8;
	[tilespmem:$0x1E000] =	vst v63  }
0x48: {  	_ =	swait.ge [sflag:s10], $0x2000  }
0x49: {  	[sflag:s10] =	ssyncset.done $0x0  }
0x4a: {  	s0 =	simm.s32 $0x300;
	[sflag:s10] =	ssyncadd.s32 $0xFFFFE000  }
0x4b: {  	[tilespmem:s20], [sflag:$0x3] =	stream.indirect.gather [hbm4b:s4+s15], $0x80, s0, s15, $0xb8;
	[tilespmem:$0x1E000] =	vst v63  }
0x4c: {  	_ =	swait.ge [sflag:s21], $0x2000  }
0x4d: {  	[sflag:s21] =	ssyncset.done $0x0  }
0x4e: {  	s0 =	simm.s32 $0x1200;
	[sflag:s21] =	ssyncadd.s32 $0xFFFFE000  }
0x4f: {  	[spmem:s2] =	stream.indirect.scatter.add.f32 [tilespmem:s16], [sflag:$0x5], $0x80, s0, s15, $0xb8;
	[tilespmem:$0x1E000] =	vst v63  }
0x50: {  	_ =	swait.ge [sflag:s11], $0x2000  }
0x51: {  	[sflag:s11] =	ssyncset.done $0x0  }
0x52: {  	s0 =	simm.s32 $0x380;
	[sflag:s11] =	ssyncadd.s32 $0xFFFFE000  }
0x53: {  	[tilespmem:s23], [sflag:$0x4] =	stream.indirect.gather [hbm4b:s4+s15], $0x80, s0, s15, $0xb8;
	[tilespmem:$0x1E000] =	vst v63  }
0x54: {  	_ =	swait.ge [sflag:s24], $0x2000  }
0x55: {  	[sflag:s24] =	ssyncset.done $0x0  }
0x56: {  	s0 =	simm.s32 $0x1280;
	[sflag:s24] =	ssyncadd.s32 $0xFFFFE000  }
0x57: {  	[spmem:s2] =	stream.indirect.scatter.add.f32 [tilespmem:s18], [sflag:$0x6], $0x80, s0, s15, $0xb8;
	[tilespmem:$0x1E000] =	vst v63  }
0x58: {  	_ =	swait.ge [sflag:s26], $0x2000  }
0x59: {  	[sflag:s26] =	ssyncset.done $0x0  }
0x5a: {  	s0 =	simm.s32 $0x400;
	[sflag:s26] =	ssyncadd.s32 $0xFFFFE000  }
0x5b: {  	[tilespmem:s16], [sflag:$0x1] =	stream.indirect.gather [hbm4b:s4+s15], $0x80, s0, s15, $0xb8;
	[tilespmem:$0x1E000] =	vst v63  }
0x5c: {  	_ =	swait.ge [sflag:s29], $0x2000  }
0x5d: {  	[sflag:s29] =	ssyncset.done $0x0  }
0x5e: {  	s0 =	simm.s32 $0x1300;
	[sflag:s29] =	ssyncadd.s32 $0xFFFFE000  }
0x5f: {  	[spmem:s2] =	stream.indirect.scatter.add.f32 [tilespmem:s20], [sflag:$0x7], $0x80, s0, s15, $0xb8;
	[tilespmem:$0x1E000] =	vst v63  }
0x60: {  	_ =	swait.ge [sflag:s31], $0x2000  }
0x61: {  	[sflag:s31] =	ssyncset.done $0x0  }
0x62: {  	s0 =	simm.s32 $0x480;
	[sflag:s31] =	ssyncadd.s32 $0xFFFFE000  }
0x63: {  	[tilespmem:s18], [sflag:$0x2] =	stream.indirect.gather [hbm4b:s4+s15], $0x80, s0, s15, $0xb8;
	[tilespmem:$0x1E000] =	vst v63  }
0x64: {  	_ =	swait.ge [sflag:s1], $0x2000  }
0x65: {  	[sflag:s1] =	ssyncset.done $0x0  }
0x66: {  	s30 =	simm.s32 $0x1380;
	s28 =	simm.s32 $0x800;
	[sflag:s1] =	ssyncadd.s32 $0xFFFFE000  }
.LBB2_3:
0x67: {  	[spmem:s2] =	stream.indirect.scatter.add.f32 [tilespmem:s23], [sflag:$0x8], $0x80, s30, s15, $0xb8;
	[tilespmem:$0x1E000] =	vst v63  }
0x68: {  	s0 =	smov.u32 s28  }
0x69: {  	p0 =	sne.s32 s28, $0x2800;
	s28 =	sadd.s32 $0x800, s28;
	_ =	swait.ge [sflag:s10], $0x2000  }
0x6a: {  	s30 =	sshra.s32 s0, $0x2;
	[sflag:s10] =	ssyncset.done $0x0  }
0x6b: {  	s0 =	sadd.s32 $0x300, s30;
	[sflag:s10] =	ssyncadd.s32 $0xFFFFE000  }
0x6c: {  	[tilespmem:s20], [sflag:$0x3] =	stream.indirect.gather [hbm4b:s4+s15], $0x80, s0, s15, $0xb8;
	[tilespmem:$0x1E000] =	vst v63  }
0x6d: {  	_ =	swait.ge [sflag:s21], $0x2000  }
0x6e: {  	[sflag:s21] =	ssyncset.done $0x0  }
0x6f: {  	s0 =	sadd.s32 $0x1200, s30;
	[sflag:s21] =	ssyncadd.s32 $0xFFFFE000  }
0x70: {  	[spmem:s2] =	stream.indirect.scatter.add.f32 [tilespmem:s16], [sflag:$0x5], $0x80, s0, s15, $0xb8;
	[tilespmem:$0x1E000] =	vst v63  }
0x71: {  	_ =	swait.ge [sflag:s11], $0x2000  }
0x72: {  	[sflag:s11] =	ssyncset.done $0x0  }
0x73: {  	s0 =	sadd.s32 $0x380, s30;
	[sflag:s11] =	ssyncadd.s32 $0xFFFFE000  }
0x74: {  	[tilespmem:s23], [sflag:$0x4] =	stream.indirect.gather [hbm4b:s4+s15], $0x80, s0, s15, $0xb8;
	[tilespmem:$0x1E000] =	vst v63  }
0x75: {  	_ =	swait.ge [sflag:s24], $0x2000  }
0x76: {  	[sflag:s24] =	ssyncset.done $0x0  }
0x77: {  	s0 =	sadd.s32 $0x1280, s30;
	[sflag:s24] =	ssyncadd.s32 $0xFFFFE000  }
0x78: {  	[spmem:s2] =	stream.indirect.scatter.add.f32 [tilespmem:s18], [sflag:$0x6], $0x80, s0, s15, $0xb8;
	[tilespmem:$0x1E000] =	vst v63  }
0x79: {  	_ =	swait.ge [sflag:s26], $0x2000  }
0x7a: {  	[sflag:s26] =	ssyncset.done $0x0  }
0x7b: {  	s0 =	sadd.s32 $0x400, s30;
	[sflag:s26] =	ssyncadd.s32 $0xFFFFE000  }
0x7c: {  	[tilespmem:s16], [sflag:$0x1] =	stream.indirect.gather [hbm4b:s4+s15], $0x80, s0, s15, $0xb8;
	[tilespmem:$0x1E000] =	vst v63  }
0x7d: {  	_ =	swait.ge [sflag:s29], $0x2000  }
0x7e: {  	[sflag:s29] =	ssyncset.done $0x0  }
0x7f: {  	s0 =	sadd.s32 $0x1300, s30;
	[sflag:s29] =	ssyncadd.s32 $0xFFFFE000  }
0x80: {  	[spmem:s2] =	stream.indirect.scatter.add.f32 [tilespmem:s20], [sflag:$0x7], $0x80, s0, s15, $0xb8;
	[tilespmem:$0x1E000] =	vst v63  }
0x81: {  	_ =	swait.ge [sflag:s31], $0x2000  }
0x82: {  	[sflag:s31] =	ssyncset.done $0x0  }
.Ltmp0:
0x83: {  	s0 =	sadd.s32 $0x480, s30;
	[sflag:s31] =	ssyncadd.s32 $0xFFFFE000;
	(pc) =	sbr.rel @p0 .LBB2_3-.Ltmp0, $4  }
0x84: {  	[tilespmem:s18], [sflag:$0x2] =	stream.indirect.gather [hbm4b:s4+s15], $0x80, s0, s15, $0xb8;
	[tilespmem:$0x1E000] =	vst v63  }
0x85: {  	_ =	swait.ge [sflag:s1], $0x2000  }
0x86: {  	[sflag:s1] =	ssyncset.done $0x0  }
0x87: {  	s30 =	sadd.s32 $0x1380, s30;
	[sflag:s1] =	ssyncadd.s32 $0xFFFFE000  }
0x88: {  	[spmem:s2] =	stream.indirect.scatter.add.f32 [tilespmem:s23], [sflag:$0x8], $0x80, s30, s15, $0xb8;
	[tilespmem:$0x1E000] =	vst v63  }
0x89: {  	_ =	swait.ge [sflag:s10], $0x2000  }
0x8a: {  	[sflag:s10] =	ssyncset.done $0x0  }
0x8b: {  	[sflag:s10] =	ssyncadd.s32 $0xFFFFE000  }
0x8c: {  	[tilespmem:s20], [sflag:$0x3] =	stream.indirect.gather [hbm4b:s4+s15], $0x80, s8, s15, $0xb8;
	[tilespmem:$0x1E000] =	vst v63  }
0x8d: {  	_ =	swait.ge [sflag:s21], $0x2000  }
0x8e: {  	[sflag:s21] =	ssyncset.done $0x0  }
0x8f: {  	[sflag:s21] =	ssyncadd.s32 $0xFFFFE000  }
0x90: {  	[spmem:s2] =	stream.indirect.scatter.add.f32 [tilespmem:s16], [sflag:$0x5], $0x80, s12, s15, $0xb8;
	[tilespmem:$0x1E000] =	vst v63  }
0x91: {  	_ =	swait.ge [sflag:s11], $0x2000  }
0x92: {  	[sflag:s11] =	ssyncset.done $0x0  }
0x93: {  	[sflag:s11] =	ssyncadd.s32 $0xFFFFE000  }
0x94: {  	[tilespmem:s23], [sflag:$0x4] =	stream.indirect.gather [hbm4b:s4+s15], $0x80, s3, s15, $0xb8;
	[tilespmem:$0x1E000] =	vst v63  }
0x95: {  	_ =	swait.ge [sflag:s24], $0x2000  }
0x96: {  	[sflag:s24] =	ssyncset.done $0x0  }
0x97: {  	[sflag:s24] =	ssyncadd.s32 $0xFFFFE000  }
0x98: {  	[spmem:s2] =	stream.indirect.scatter.add.f32 [tilespmem:s18], [sflag:$0x6], $0x80, s17, s15, $0xb8;
	[tilespmem:$0x1E000] =	vst v63  }
0x99: {  	_ =	swait.ge [sflag:s26], $0x2000  }
0x9a: {  	[sflag:s26] =	ssyncset.done $0x0  }
0x9b: {  	[sflag:s26] =	ssyncadd.s32 $0xFFFFE000  }
0x9c: {  	_ =	swait.ge [sflag:s29], $0x2000  }
0x9d: {  	[sflag:s29] =	ssyncset.done $0x0  }
0x9e: {  	[sflag:s29] =	ssyncadd.s32 $0xFFFFE000  }
0x9f: {  	[spmem:s2] =	stream.indirect.scatter.add.f32 [tilespmem:s20], [sflag:$0x7], $0x80, s19, s15, $0xb8;
	[tilespmem:$0x1E000] =	vst v63  }
0xa0: {  	_ =	swait.ge [sflag:s31], $0x2000  }
0xa1: {  	[sflag:s31] =	ssyncset.done $0x0  }
0xa2: {  	[sflag:s31] =	ssyncadd.s32 $0xFFFFE000  }
0xa3: {  	_ =	swait.ge [sflag:s1], $0x2000  }
0xa4: {  	[sflag:s1] =	ssyncset.done $0x0  }
0xa5: {  	s25 =	sadd.s32 $0x1, s25;
	[sflag:s1] =	ssyncadd.s32 $0xFFFFE000  }
0xa6: {  	[spmem:s2] =	stream.indirect.scatter.add.f32 [tilespmem:s23], [sflag:$0x8], $0x80, s22, s15, $0xb8;
	[tilespmem:$0x1E000] =	vst v63  }
0xa7: {  	p0 =	sne.s32 s25, $0x5;
	_ =	swait.ge [sflag:s10], $0x2000  }
.Ltmp1:
0xa8: {  	[sflag:s10] =	ssyncset.done $0x0;
	(pc) =	sbr.rel @p0 .LBB2_2-.Ltmp1, $4  }
0xa9: {  	[sflag:s10] =	ssyncadd.s32 $0xFFFFE000  }
0xaa: {  	_ =	swait.ge [sflag:s11], $0x2000  }
0xab: {  	[sflag:s11] =	ssyncset.done $0x0  }
0xac: {  	[sflag:s11] =	ssyncadd.s32 $0xFFFFE000  }
0xad: {  	[bflag:$0x0] =	sbarrier.arrive $0xFFFF  }
0xae: {  	s28 =	rddreg [dreg:$0x5]  }
0xaf: {  	s0 =	rddreg [dreg:$0x6]  }
0xb0: {  	s30 =	rddreg [dreg:$0x8]  }
0xb1: {  	[hbm:s0], [sflag:s28] =	dma.local [spmem:s30], $0x2800  }
0xb2: {  	_ =	swait.ge [sflag:s13], $0x2800  }
0xb3: {  	s25 =	rddreg [dreg:$0x3]  }
0xb4: {  	s0 =	rddreg [dreg:$0x7];
	s25 =	sadd.s32 $0x1, s25  }
0xb5: {  	p0 =	sne.s32 s25, s0  }
.Ltmp2:
0xb6: {  	_ = 	snop;
	(pc) =	sbr.rel @p0 .LBB2_1-.Ltmp2, $3  }
0xb7: {  	_ =	sdelay $0x1  }
0xb8: {  	[sflag:s13] =	ssyncset.done $0x0  }
0xb9: {  	[sflag:s13] =	ssyncadd.s32 $0xFFFFD800  }
0xba: {  	_ =	sfence.sel $0x180000  }
0xbb: {  	[bflag:$0x0] =	sbarrier.arrive $0xFFFF  }
0xbc: {  	_ =	strace $0x9000004A  }
0xbd: {  	s0 =	stileid.u32;
	[bflag:$0x2] =	sbarrier.arrive $0xFFFF  }
0xbe: {  	p0 =	sne.s32 s0, $0x0;
	s0 =	rddreg [dreg:$0x2]  }
0xbf: {  	s0 =	sadd.s32 @!p0 $0x100000, s0  }
0xc0: {  	[sflag:s0] =	ssyncadd.tile.s32 @!p0 $0x1;
	_ =	shalt  }
.Lfunc_end2:
_tile_overlayer_lowered:
.L_overlay_start_2:
0xc1: {  	(tag) =	ssettag $0x2  }
0xc2: {  	s0 =	rddreg [dreg:$0x0];
	s2 =	stileid.u32  }
0xc3: {  	s1 =	rddreg [dreg:$0x1];
	p0 =	sne.s32 s2, $0x0  }
0xc4: {  	s3 =	rddreg [dreg:$0x2];
	[bflag:$0x3] =	sbarrier.arrive $0xFFFF;
	s2 =	simm.s32 @!p0 $0x1C09  }
0xc5: {  	[timem:s3], [sflag:s2] =	dma.local @!p0 [hbm:s0], s1  }
0xc6: {  	s0 =	simm.s32 @!p0 $0x9  }
0xc7: {  	_ =	swait.ge @!p0 [sflag:s0], s1  }
0xc8: {  	s1 =	ssub.s32 @!p0 $0x0, s1;
	[sflag:s0] =	ssyncset.done @!p0 $0x0  }
0xc9: {  	[sflag:s0] =	ssyncadd.s32 @!p0 s1  }
0xca: {  	[bflag:$0x3] =	sbarrier.arrive $0xFFFF  }
0xcb: {  	_ =	shalt  }

// kernel: kernel.14.cloned.1.call-start
scs
__scs_entry_jumppad:
0x0: {  	(pc) =	sbr.rel $0x88, $3  }
0x1: {  	(tag) =	ssettag $0x0;
	lr =	simm.s32 $0x1  }
0x2: {  	[smem:$0x3F9A] =	sst lr;
	_ =	strace $0xD0000000  }
0x3: {  	_ = 	snop  }
0x4: {  	_ = 	snop  }
0x5: {  	_ = 	snop  }
0x6: {  	_ = 	snop  }
0x7: {  	_ = 	snop  }
__scs_overlays_trampoline_lowered:
0x8: {  	[smem:$0x3FA9] =	sst s0  }
0x9: {  	[smem:$0x3FAA] =	sst s1  }
0xa: {  	[smem:$0x3FAB] =	sst s2  }
0xb: {  	[smem:$0x3FAC] =	sst s3  }
0xc: {  	[smem:$0x3FAD] =	sst s4  }
0xd: {  	[smem:$0x3FAE] =	sst s5  }
0xe: {  	[smem:$0x3FAF] =	sst s6  }
0xf: {  	[smem:$0x3FB0] =	sst s7  }
0x10: {  	[smem:$0x3FB1] =	sst s8  }
0x11: {  	[smem:$0x3FB2] =	sst s9;
	s0 =	simm.s32 @!p0 $0x0  }
0x12: {  	s1 =	sld [smem:$0x3F98];
	s0 =	simm.s32 @p0 $0x1  }
0x13: {  	[smem:$0x3FB3] =	sst s0;
	s0 =	simm.s32 @!p1 $0x0  }
0x14: {  	s2 =	sld [smem:$0x3F97];
	s0 =	simm.s32 @p1 $0x1  }
0x15: {  	[smem:$0x3FB4] =	sst s0;
	s0 =	simm.s32 @!p2 $0x0  }
0x16: {  	s3 =	sld [smem:$0x3FDB];
	s0 =	simm.s32 @p2 $0x1  }
0x17: {  	s4 =	simm.s32 $0x1BF5;
	[smem:$0x3FB6] =	sst s0  }
0x18: {  	s0 =	sld [smem:$0x3F99];
	_ =	swait.ge [sflag:s4], $0x0  }
0x19: {  	s7 =	sld [smem:$0x3F9A]  }
0x1a: {  	s8 =	sadd.s32 $0xFFFFE003, lr  }
0x1b: {  	s9 =	sadd.s32 $0xFFFFFEF7, lr;
	s5 =	simm.s32 $0xFFFFFFFF;
	p2 =	slt.u32 s8, $0xFFFFF086  }
0x1c: {  	p1 =	slt.u32 s9, $0xF7A;
	s5 =	simm.s32 @!p2 $0x0  }
0x1d: {  	s5 =	simm.s32 @p1 $0x1;
	p0 =	seq.s32 s7, s2  }
0x1e: {  	s7 =	smul.u32 @!p0 $0xF7A, s2;
	p2 =	seq.s32 @!p0 s5, $0x0  }
0x1f: {  	s9 =	smul.u32 $0xF7A, s1;
	s8 =	simm.s32 @!p0 $0x1BF5;
	p2 =	por !p2, p0  }
0x20: {  	[sflag:s8] =	ssyncset.s32 @!p0 $0xFFFFF086;
	s6 =	sadd.s32 @!p0 s3, s7;
	s7 =	simm.s32 @!p0 $0x108  }
0x21: {  	s3 =	sadd.s32 s3, s9;
	s6 =	sadd.s32 @!p0 $0x88, s6;
	s7 =	simm.s32 @p2 $0x1082  }
0x22: {  	[simem:s7], [sflag:s8] =	dma.local @!p0 [hbm:s6], $0xF7A  }
0x23: {  	s9 =	sor.u32 $0xD0000000, s2;
	s6 =	simm.s32 $0x108;
	_ =	swait.ge @!p0 [sflag:s8], $0x0  }
0x24: {  	s3 =	sadd.s32 $0x88, s3;
	s6 =	simm.s32 @!p1 $0x1082;
	[sflag:s4] =	ssyncset.s32 $0xFFFFF086  }
0x25: {  	[simem:s6], [sflag:s4] =	dma.local [hbm:s3], $0xF7A  }
0x26: {  	[smem:$0x3F9A] =	sst s1;
	(tag) =	ssettag s2;
	_ =	strace s9  }
0x27: {  	s1 =	sld [smem:$0x3FAA]  }
0x28: {  	s2 =	sld [smem:$0x3FAB]  }
0x29: {  	s4 =	sld [smem:$0x3FAD]  }
0x2a: {  	p0 =	seq.s32 s5, $0x0;
	s5 =	sld [smem:$0x3FAE]  }
0x2b: {  	s6 =	sld [smem:$0x3FAF]  }
0x2c: {  	s7 =	sld [smem:$0x3FB0]  }
0x2d: {  	s3 =	simm.s32 $0x108;
	s8 =	sld [smem:$0x3FB1]  }
0x2e: {  	s3 =	simm.s32 @!p0 $0x1082;
	s9 =	sld [smem:$0x3FB2]  }
0x2f: {  	lr =	sadd.s32 s0, s3;
	s0 =	sld [smem:$0x3FA9]  }
0x30: {  	s3 =	sld [smem:$0x3FAC]  }
0x31: {  	[smem:$0x3FB5] =	sst s10  }
0x32: {  	s10 =	sld [smem:$0x3FB3];
	_ =	sdelay $0x3  }
0x33: {  	p0 =	seq.s32 s10, $0x1;
	s10 =	sld [smem:$0x3FB5];
	_ =	sdelay $0x3  }
0x34: {  	[smem:$0x3FB5] =	sst s10  }
0x35: {  	s10 =	sld [smem:$0x3FB4];
	_ =	sdelay $0x3  }
0x36: {  	p1 =	seq.s32 s10, $0x1;
	s10 =	sld [smem:$0x3FB5];
	_ =	sdelay $0x3  }
0x37: {  	[smem:$0x3FB5] =	sst s10  }
0x38: {  	s10 =	sld [smem:$0x3FB6]  }
0x39: {  	_ = 	snop;
	(pc) =	sbr.ind lr, $3  }
0x3a: {  	_ = 	snop  }
0x3b: {  	_ = 	snop  }
0x3c: {  	p2 =	seq.s32 s10, $0x1;
	s10 =	sld [smem:$0x3FB5]  }
0x3d: {  	_ =	shalt  }
0x3e: {  	_ =	shalt  }
0x3f: {  	_ =	shalt  }
0x40: {  	_ =	shalt  }
0x41: {  	_ =	shalt  }
0x42: {  	_ =	shalt  }
0x43: {  	_ =	shalt  }
0x44: {  	_ =	shalt  }
0x45: {  	_ =	shalt  }
0x46: {  	_ =	shalt  }
0x47: {  	_ =	shalt  }
0x48: {  	_ =	shalt  }
0x49: {  	_ =	shalt  }
0x4a: {  	_ =	shalt  }
0x4b: {  	_ =	shalt  }
0x4c: {  	_ =	shalt  }
0x4d: {  	_ =	shalt  }
0x4e: {  	_ =	shalt  }
0x4f: {  	_ =	shalt  }
0x50: {  	_ =	shalt  }
0x51: {  	_ =	shalt  }
0x52: {  	_ =	shalt  }
0x53: {  	_ =	shalt  }
0x54: {  	_ =	shalt  }
0x55: {  	_ =	shalt  }
0x56: {  	_ =	shalt  }
0x57: {  	_ =	shalt  }
0x58: {  	_ =	shalt  }
0x59: {  	_ =	shalt  }
0x5a: {  	_ =	shalt  }
0x5b: {  	_ =	shalt  }
0x5c: {  	_ =	shalt  }
0x5d: {  	_ =	shalt  }
0x5e: {  	_ =	shalt  }
0x5f: {  	_ =	shalt  }
0x60: {  	_ =	shalt  }
0x61: {  	_ =	shalt  }
0x62: {  	_ =	shalt  }
0x63: {  	_ =	shalt  }
0x64: {  	_ =	shalt  }
0x65: {  	_ =	shalt  }
0x66: {  	_ =	shalt  }
0x67: {  	_ =	shalt  }
0x68: {  	_ =	shalt  }
0x69: {  	_ =	shalt  }
0x6a: {  	_ =	shalt  }
0x6b: {  	_ =	shalt  }
0x6c: {  	_ =	shalt  }
0x6d: {  	_ =	shalt  }
0x6e: {  	_ =	shalt  }
0x6f: {  	_ =	shalt  }
0x70: {  	_ =	shalt  }
0x71: {  	_ =	shalt  }
0x72: {  	_ =	shalt  }
0x73: {  	_ =	shalt  }
0x74: {  	_ =	shalt  }
0x75: {  	_ =	shalt  }
0x76: {  	_ =	shalt  }
0x77: {  	_ =	shalt  }
0x78: {  	_ =	shalt  }
0x79: {  	_ =	shalt  }
0x7a: {  	_ =	shalt  }
0x7b: {  	_ =	shalt  }
0x7c: {  	_ =	shalt  }
0x7d: {  	_ =	shalt  }
0x7e: {  	_ =	shalt  }
0x7f: {  	_ =	shalt  }
0x80: {  	_ =	shalt  }
0x81: {  	_ =	shalt  }
0x82: {  	_ =	shalt  }
0x83: {  	_ =	shalt  }
0x84: {  	_ =	shalt  }
0x85: {  	_ =	shalt  }
0x86: {  	_ =	shalt  }
0x87: {  	_ =	shalt  }
.Lfunc_end0:
.L_simem_size_0:
called_computation.2_lowered:
.L_overlay_start_0:
0x88: {  	s2 =	sld [smem:$0x3FD9]  }
0x89: {  	s3 =	sld [smem:$0x3FFE];
	_ =	sdelay $0x1  }
0x8a: {  	s1 =	srdreg.scid  }
0x8b: {  	s0 =	sand.u32 $0x1, s1  }
0x8c: {  	s16 =	sshll.u32 s0, $0xA;
	s2 =	sadd.s32 s3, s2  }
0x8d: {  	s2 =	sadd.s32 s2, s16  }
0x8e: {  	[smem:$0x3FC1] =	sst s2  }
0x8f: {  	_ = 	snop  }
0x90: {  	(tm) =	ssettm $0x1  }
0x91: {  	s17 =	sld [smem:$0x3FFB];
	_ =	sdelay $0x3  }
0x92: {  	_ =	strace s17  }
0x93: {  	s2 =	sld [smem:$0x3FFC];
	_ =	sdelay $0x3  }
0x94: {  	_ =	strace s2  }
0x95: {  	s2 =	sld [smem:$0x3FFD];
	_ =	sdelay $0x3  }
0x96: {  	_ =	strace s2  }
0x97: {  	_ =	strace $0x8FFFFFFF  }
0x98: {  	s18 =	sld [smem:$0x3FDB];
	_ =	sdelay $0x1  }
0x99: {  	s19 =	simm.s32 $_scs_section_size  }
0x9a: {  	s4 =	simm.s32 $_size__tile_overlayer_lowered;
	s5 =	simm.s32 $_tile_overlayer_lowered  }
0x9b: {  	s22 =	simm.s32 $0x1BFF;
	s21 =	sshll.u32 s5, $0x1;
	s2 =	sadd.s32 s19, s18  }
0x9c: {  	s6 =	simm.s32 $0x0;
	s20 =	sshll.u32 s4, $0x1;
	s4 =	sadd.s32 s21, s2  }
0x9d: {  	[timem:s6], [sflag:s22] =	dma.local [hbm:s4], s20  }
0x9e: {  	_ =	swait.ge [sflag:s22], s20  }
0x9f: {  	s3 =	ssub.s32 $0x0, s20;
	[sflag:s22] =	ssyncset.done $0x0  }
0xa0: {  	[sflag:s22] =	ssyncadd.s32 s3;
	_ =	sdelay $0x1  }
0xa1: {  	s23 =	simm.s32 $0x1B8B  }
0xa2: {  	_ =	swait.ge [sflag:s23], $0x1  }
0xa3: {  	[sflag:s23] =	ssyncset.done $0x0  }
0xa4: {  	s25 =	simm.s32 $0x1B8E;
	s24 =	sld [smem:$0x3FFE];
	[sflag:s23] =	ssyncadd.s32 $0xFFFFFFFF  }
0xa5: {  	s26 =	simm.s32 $execute0_lowered;
	[smem:$0x3FD2] =	sst s25  }
0xa6: {  	s4 =	sshll.u32 s26, $0x1;
	_ =	strace $0x8000004C;
	[dreg:$0x1] =	wrdreg $0xFFFFFFFF  }
0xa7: {  	s28 =	simm.s32 $_size_execute0_lowered;
	s2 =	sadd.s32 s2, s4;
	[dreg:$0x0] =	wrdreg $0x0  }
0xa8: {  	s4 =	sshll.u32 s28, $0x1;
	[dreg:$0x2] =	wrdreg s2  }
0xa9: {  	[dreg:$0x3] =	wrdreg s4  }
0xaa: {  	[dreg:$0x4] =	wrdreg $0xC0  }
0xab: {  	_ =	task [dreg:s6], $0x5FFFF  }
0xac: {  	[dreg:$0x1] =	wrdreg $0xFFFFFFFF  }
0xad: {  	[dreg:$0x0] =	wrdreg $0x60  }
0xae: {  	[dreg:$0x2] =	wrdreg s24  }
0xaf: {  	[dreg:$0x3] =	wrdreg $0xA0000  }
0xb0: {  	[dreg:$0x4] =	wrdreg $0x9  }
0xb1: {  	_ =	task.clear_ibuf [dreg:s6], $0x5FFFF;
	_ =	strace $0x9000004C  }
0xb2: {  	s29 =	simm.s32 $0x9;
	_ =	strace $0x8000004E  }
0xb3: {  	_ =	swait.ge [sflag:s29], $0x1  }
0xb4: {  	[sflag:s29] =	ssyncadd.s32 $0xFFFFFFFF  }
0xb5: {  	_ =	strace $0x9000004E  }
0xb6: {  	_ =	sfence  }
0xb7: {  	s30 =	sld [smem:$0x0];
	_ =	sdelay $0x2  }
0xb8: {  	s31 =	sshll.u32 s1, $0xD;
	s1 =	sshrl.u32 s1, $0x2  }
0xb9: {  	s3 =	sand.u32 $0x4000, s31;
	s1 =	sadd.s32 s1, s30  }
0xba: {  	s0 =	sor.u32 s3, s0;
	s1 =	sshll.u32 s1, $0x11  }
0xbb: {  	s0 =	sor.u32 s1, s0  }
0xbc: {  	s0 =	sadd.s32 $0x8F2B, s0  }
0xbd: {  	[sflag:s0] =	ssyncadd.remote.s32 $0x1  }
0xbe: {  	_ =	sfence.sel $0xFFFF  }
0xbf: {  	[dreg:$0x0] =	wrdreg $0xFFFFFFFF;
	(pc) =	sbr.abs _section_cstart, $3  }
0xc0: {  	[dreg:$0x1] =	wrdreg $0xFFFFFFFF  }
0xc1: {  	_ =	task.clear_ibuf [dreg:s6], $0x2FFFF;
	_ =	strace $0x9FFFFFFF  }
0xc2: {  	(tm) =	ssettm $0x7FFFFFFF  }
0xc3: {  	_ =	shalt  }
tec
execute0_lowered:
.L_overlay_start_1:
0x0: {  	(tag) =	ssettag $0x1  }
0x1: {  	s0 =	rddreg [dreg:$0x0]  }
0x2: {  	s2 =	rddreg [dreg:$0x1];
	s25 =	simm.s32 $0x0  }
0x3: {  	s11 =	stileid.u32;
	s1 =	srdreg.scid;
	s13 =	simm.s32 $0x9  }
0x4: {  	s14 =	simm.s32 $0x1000;
	s15 =	simm.s32 $0x40;
	s16 =	simm.s32 $0x2000  }
0x5: {  	s18 =	simm.s32 $0x4000;
	s29 =	simm.s32 $0x3;
	s31 =	simm.s32 $0x6  }
0x6: {  	s12 =	simm.s32 $0x1E00;
	s17 =	simm.s32 $0x1E80;
	s19 =	simm.s32 $0x1F00  }
0x7: {  	[smem:$0x7FF] =	sst s25;
	s3 =	smul.u32 $0x14000, s11;
	s1 =	sand.u32 $0x1, s1  }
0x8: {  	s4 =	sadd.s32 $0x3E800, s0;
	s5 =	sadd.s32 $0x16800, s0;
	s10 =	smul.u32 $0x50000, s11  }
0x9: {  	s6 =	sadd.s32 $0x2A800, s0;
	s23 =	sshll.u32 s11, $0x6;
	s24 =	smul.u32 $0x5000, s11  }
0xa: {  	s11 =	simm.s32 $0x8;
	_ =	strace $0x8000004D;
	s7 =	smul.u32 $0x140000, s1  }
0xb: {  	s20 =	ssub.s32 $0x2, s1;
	s1 =	smul.u32 $0x50000, s1;
	s28 =	sor.u32 $0x1C09, s23  }
0xc: {  	s23 =	simm.s32 $0x8000;
	s8 =	sshrl.u32 s3, $0x3;
	s9 =	sshrl.u32 s20, $0x1  }
0xd: {  	s22 =	sshrl.u32 s10, $0x2;
	s10 =	simm.s32 $0x7;
	[dreg:$0x5] =	wrdreg s28  }
0xe: {  	s8 =	sadd.s32 s8, s0;
	s3 =	sadd.s32 s3, s7;
	s21 =	ssub.s32 s20, s9  }
0xf: {  	s7 =	sadd.s32 s22, s2;
	s9 =	sadd.s32 s24, s1;
	s20 =	simm.s32 $0x6000  }
0x10: {  	s24 =	simm.s32 $0x2;
	s1 =	simm.s32 $0x4;
	s22 =	simm.s32 $0x1F80  }
0x11: {  	s3 =	sshrl.u32 s3, $0x3;
	s8 =	sadd.s32 $0x66800, s8;
	s26 =	smax.u32 s21, $0x1  }
0x12: {  	s30 =	sshrl.u32 s7, $0x3;
	s21 =	simm.s32 $0x1;
	[dreg:$0x4] =	wrdreg s8  }
0x13: {  	s7 =	simm.s32 $0x1180;
	s0 =	sadd.s32 s3, s0;
	[dreg:$0x7] =	wrdreg s26  }
0x14: {  	s26 =	simm.s32 $0x5;
	[dreg:$0x8] =	wrdreg s30;
	s0 =	sadd.s32 $0x8E800, s0  }
0x15: {  	s8 =	simm.s32 $0xF00;
	s3 =	simm.s32 $0xF80;
	[dreg:$0x6] =	wrdreg s0  }
.LBB2_1:
0x16: {  	[dreg:$0x3] =	wrdreg s25  }
0x17: {  	s0 =	rddreg [dreg:$0x4]  }
0x18: {  	[spmem:s30], [sflag:s28] =	dma.local [hbm:s0], $0x2800  }
0x19: {  	_ =	swait.ge [sflag:s13], $0x2800  }
0x1a: {  	[sflag:s13] =	ssyncset.done $0x0  }
0x1b: {  	[sflag:s13] =	ssyncadd.s32 $0xFFFFD800  }
0x1c: {  	s25 =	simm.s32 $0x0;
	[bflag:$0x0] =	sbarrier.arrive $0xFFFF  }
.LBB2_2:
0x1d: {  	s28 =	sshll.u32 s25, $0xC  }
0x1e: {  	s28 =	sadd.s32 s28, s9  }
0x1f: {  	s28 =	sshrl.u32 s28, $0x3  }
0x20: {  	s0 =	simm.s32 $0x0;
	s30 =	sadd.s32 s5, s28  }
0x21: {  	[tilespmem:s0], [sflag:$0x9] =	stream.linear.gather [hbm4b:s30+s0], $0x1000, $0x38;
	[tilespmem:$0x1E000] =	vst v63  }
0x22: {  	_ =	swait.ge [sflag:s13], $0x1000  }
0x23: {  	[sflag:s13] =	ssyncset.done $0x0  }
0x24: {  	s28 =	sadd.s32 s6, s28;
	[sflag:s13] =	ssyncadd.s32 $0xFFFFF000  }
0x25: {  	[tilespmem:s14], [sflag:$0x9] =	stream.linear.gather [hbm4b:s28+s0], $0x1000, $0x38;
	[tilespmem:$0x1E000] =	vst v63  }
0x26: {  	_ =	swait.ge [sflag:s13], $0x1000  }
0x27: {  	[sflag:s13] =	ssyncset.done $0x0  }
0x28: {  	[sflag:s13] =	ssyncadd.s32 $0xFFFFF000  }
0x29: {  	[tilespmem:s16], [sflag:$0x1] =	stream.indirect.gather [hbm4b:s4+s15], $0x80, s0, s15, $0xb8;
	[tilespmem:$0x1E000] =	vst v63  }
0x2a: {  	s0 =	simm.s32 $0x80  }
0x2b: {  	[tilespmem:s18], [sflag:$0x2] =	stream.indirect.gather [hbm4b:s4+s15], $0x80, s0, s15, $0xb8;
	[tilespmem:$0x1E000] =	vst v63  }
0x2c: {  	s0 =	simm.s32 $0x100  }
0x2d: {  	[tilespmem:s20], [sflag:$0x3] =	stream.indirect.gather [hbm4b:s4+s15], $0x80, s0, s15, $0xb8;
	[tilespmem:$0x1E000] =	vst v63  }
0x2e: {  	_ =	swait.ge [sflag:s21], $0x2000  }
0x2f: {  	[sflag:s21] =	ssyncset.done $0x0  }
0x30: {  	[sflag:s21] =	ssyncadd.s32 $0xFFFFE000  }
0x31: {  	[spmem:s2] =	stream.indirect.scatter.add.f32 [tilespmem:s16], [sflag:$0x5], $0x80, s14, s15, $0xb8;
	[tilespmem:$0x1E000] =	vst v63  }
0x32: {  	s0 =	simm.s32 $0x180  }
0x33: {  	[tilespmem:s23], [sflag:$0x4] =	stream.indirect.gather [hbm4b:s4+s15], $0x80, s0, s15, $0xb8;
	[tilespmem:$0x1E000] =	vst v63  }
0x34: {  	_ =	swait.ge [sflag:s24], $0x2000  }
0x35: {  	[sflag:s24] =	ssyncset.done $0x0  }
0x36: {  	s0 =	simm.s32 $0x1080;
	[sflag:s24] =	ssyncadd.s32 $0xFFFFE000  }
0x37: {  	[spmem:s2] =	stream.indirect.scatter.add.f32 [tilespmem:s18], [sflag:$0x6], $0x80, s0, s15, $0xb8;
	[tilespmem:$0x1E000] =	vst v63  }
0x38: {  	_ =	swait.ge [sflag:s26], $0x2000  }
0x39: {  	[sflag:s26] =	ssyncset.done $0x0  }
0x3a: {  	s0 =	simm.s32 $0x200;
	[sflag:s26] =	ssyncadd.s32 $0xFFFFE000  }
0x3b: {  	[tilespmem:s16], [sflag:$0x1] =	stream.indirect.gather [hbm4b:s4+s15], $0x80, s0, s15, $0xb8;
	[tilespmem:$0x1E000] =	vst v63  }
0x3c: {  	_ =	swait.ge [sflag:s29], $0x2000  }
0x3d: {  	[sflag:s29] =	ssyncset.done $0x0  }
0x3e: {  	s0 =	simm.s32 $0x1100;
	[sflag:s29] =	ssyncadd.s32 $0xFFFFE000  }
0x3f: {  	[spmem:s2] =	stream.indirect.scatter.add.f32 [tilespmem:s20], [sflag:$0x7], $0x80, s0, s15, $0xb8;
	[tilespmem:$0x1E000] =	vst v63  }
0x40: {  	_ =	swait.ge [sflag:s31], $0x2000  }
0x41: {  	[sflag:s31] =	ssyncset.done $0x0  }
0x42: {  	s0 =	simm.s32 $0x280;
	[sflag:s31] =	ssyncadd.s32 $0xFFFFE000  }
0x43: {  	[tilespmem:s18], [sflag:$0x2] =	stream.indirect.gather [hbm4b:s4+s15], $0x80, s0, s15, $0xb8;
	[tilespmem:$0x1E000] =	vst v63  }
0x44: {  	_ =	swait.ge [sflag:s1], $0x2000  }
0x45: {  	[sflag:s1] =	ssyncset.done $0x0  }
0x46: {  	[sflag:s1] =	ssyncadd.s32 $0xFFFFE000  }
0x47: {  	[spmem:s2] =	stream.indirect.scatter.add.f32 [tilespmem:s23], [sflag:$0x8], $0x80, s7, s15, $0xb8;
	[tilespmem:$0x1E000] =	vst v63  }
0x48: {  	_ =	swait.ge [sflag:s10], $0x2000  }
0x49: {  	[sflag:s10] =	ssyncset.done $0x0  }
0x4a: {  	s0 =	simm.s32 $0x300;
	[sflag:s10] =	ssyncadd.s32 $0xFFFFE000  }
0x4b: {  	[tilespmem:s20], [sflag:$0x3] =	stream.indirect.gather [hbm4b:s4+s15], $0x80, s0, s15, $0xb8;
	[tilespmem:$0x1E000] =	vst v63  }
0x4c: {  	_ =	swait.ge [sflag:s21], $0x2000  }
0x4d: {  	[sflag:s21] =	ssyncset.done $0x0  }
0x4e: {  	s0 =	simm.s32 $0x1200;
	[sflag:s21] =	ssyncadd.s32 $0xFFFFE000  }
0x4f: {  	[spmem:s2] =	stream.indirect.scatter.add.f32 [tilespmem:s16], [sflag:$0x5], $0x80, s0, s15, $0xb8;
	[tilespmem:$0x1E000] =	vst v63  }
0x50: {  	_ =	swait.ge [sflag:s11], $0x2000  }
0x51: {  	[sflag:s11] =	ssyncset.done $0x0  }
0x52: {  	s0 =	simm.s32 $0x380;
	[sflag:s11] =	ssyncadd.s32 $0xFFFFE000  }
0x53: {  	[tilespmem:s23], [sflag:$0x4] =	stream.indirect.gather [hbm4b:s4+s15], $0x80, s0, s15, $0xb8;
	[tilespmem:$0x1E000] =	vst v63  }
0x54: {  	_ =	swait.ge [sflag:s24], $0x2000  }
0x55: {  	[sflag:s24] =	ssyncset.done $0x0  }
0x56: {  	s0 =	simm.s32 $0x1280;
	[sflag:s24] =	ssyncadd.s32 $0xFFFFE000  }
0x57: {  	[spmem:s2] =	stream.indirect.scatter.add.f32 [tilespmem:s18], [sflag:$0x6], $0x80, s0, s15, $0xb8;
	[tilespmem:$0x1E000] =	vst v63  }
0x58: {  	_ =	swait.ge [sflag:s26], $0x2000  }
0x59: {  	[sflag:s26] =	ssyncset.done $0x0  }
0x5a: {  	s0 =	simm.s32 $0x400;
	[sflag:s26] =	ssyncadd.s32 $0xFFFFE000  }
0x5b: {  	[tilespmem:s16], [sflag:$0x1] =	stream.indirect.gather [hbm4b:s4+s15], $0x80, s0, s15, $0xb8;
	[tilespmem:$0x1E000] =	vst v63  }
0x5c: {  	_ =	swait.ge [sflag:s29], $0x2000  }
0x5d: {  	[sflag:s29] =	ssyncset.done $0x0  }
0x5e: {  	s0 =	simm.s32 $0x1300;
	[sflag:s29] =	ssyncadd.s32 $0xFFFFE000  }
0x5f: {  	[spmem:s2] =	stream.indirect.scatter.add.f32 [tilespmem:s20], [sflag:$0x7], $0x80, s0, s15, $0xb8;
	[tilespmem:$0x1E000] =	vst v63  }
0x60: {  	_ =	swait.ge [sflag:s31], $0x2000  }
0x61: {  	[sflag:s31] =	ssyncset.done $0x0  }
0x62: {  	s0 =	simm.s32 $0x480;
	[sflag:s31] =	ssyncadd.s32 $0xFFFFE000  }
0x63: {  	[tilespmem:s18], [sflag:$0x2] =	stream.indirect.gather [hbm4b:s4+s15], $0x80, s0, s15, $0xb8;
	[tilespmem:$0x1E000] =	vst v63  }
0x64: {  	_ =	swait.ge [sflag:s1], $0x2000  }
0x65: {  	[sflag:s1] =	ssyncset.done $0x0  }
0x66: {  	s30 =	simm.s32 $0x1380;
	s28 =	simm.s32 $0x800;
	[sflag:s1] =	ssyncadd.s32 $0xFFFFE000  }
.LBB2_3:
0x67: {  	[spmem:s2] =	stream.indirect.scatter.add.f32 [tilespmem:s23], [sflag:$0x8], $0x80, s30, s15, $0xb8;
	[tilespmem:$0x1E000] =	vst v63  }
0x68: {  	s0 =	smov.u32 s28  }
0x69: {  	p0 =	sne.s32 s28, $0x2800;
	s28 =	sadd.s32 $0x800, s28;
	_ =	swait.ge [sflag:s10], $0x2000  }
0x6a: {  	s30 =	sshra.s32 s0, $0x2;
	[sflag:s10] =	ssyncset.done $0x0  }
0x6b: {  	s0 =	sadd.s32 $0x300, s30;
	[sflag:s10] =	ssyncadd.s32 $0xFFFFE000  }
0x6c: {  	[tilespmem:s20], [sflag:$0x3] =	stream.indirect.gather [hbm4b:s4+s15], $0x80, s0, s15, $0xb8;
	[tilespmem:$0x1E000] =	vst v63  }
0x6d: {  	_ =	swait.ge [sflag:s21], $0x2000  }
0x6e: {  	[sflag:s21] =	ssyncset.done $0x0  }
0x6f: {  	s0 =	sadd.s32 $0x1200, s30;
	[sflag:s21] =	ssyncadd.s32 $0xFFFFE000  }
0x70: {  	[spmem:s2] =	stream.indirect.scatter.add.f32 [tilespmem:s16], [sflag:$0x5], $0x80, s0, s15, $0xb8;
	[tilespmem:$0x1E000] =	vst v63  }
0x71: {  	_ =	swait.ge [sflag:s11], $0x2000  }
0x72: {  	[sflag:s11] =	ssyncset.done $0x0  }
0x73: {  	s0 =	sadd.s32 $0x380, s30;
	[sflag:s11] =	ssyncadd.s32 $0xFFFFE000  }
0x74: {  	[tilespmem:s23], [sflag:$0x4] =	stream.indirect.gather [hbm4b:s4+s15], $0x80, s0, s15, $0xb8;
	[tilespmem:$0x1E000] =	vst v63  }
0x75: {  	_ =	swait.ge [sflag:s24], $0x2000  }
0x76: {  	[sflag:s24] =	ssyncset.done $0x0  }
0x77: {  	s0 =	sadd.s32 $0x1280, s30;
	[sflag:s24] =	ssyncadd.s32 $0xFFFFE000  }
0x78: {  	[spmem:s2] =	stream.indirect.scatter.add.f32 [tilespmem:s18], [sflag:$0x6], $0x80, s0, s15, $0xb8;
	[tilespmem:$0x1E000] =	vst v63  }
0x79: {  	_ =	swait.ge [sflag:s26], $0x2000  }
0x7a: {  	[sflag:s26] =	ssyncset.done $0x0  }
0x7b: {  	s0 =	sadd.s32 $0x400, s30;
	[sflag:s26] =	ssyncadd.s32 $0xFFFFE000  }
0x7c: {  	[tilespmem:s16], [sflag:$0x1] =	stream.indirect.gather [hbm4b:s4+s15], $0x80, s0, s15, $0xb8;
	[tilespmem:$0x1E000] =	vst v63  }
0x7d: {  	_ =	swait.ge [sflag:s29], $0x2000  }
0x7e: {  	[sflag:s29] =	ssyncset.done $0x0  }
0x7f: {  	s0 =	sadd.s32 $0x1300, s30;
	[sflag:s29] =	ssyncadd.s32 $0xFFFFE000  }
0x80: {  	[spmem:s2] =	stream.indirect.scatter.add.f32 [tilespmem:s20], [sflag:$0x7], $0x80, s0, s15, $0xb8;
	[tilespmem:$0x1E000] =	vst v63  }
0x81: {  	_ =	swait.ge [sflag:s31], $0x2000  }
0x82: {  	[sflag:s31] =	ssyncset.done $0x0  }
.Ltmp0:
0x83: {  	s0 =	sadd.s32 $0x480, s30;
	[sflag:s31] =	ssyncadd.s32 $0xFFFFE000;
	(pc) =	sbr.rel @p0 .LBB2_3-.Ltmp0, $4  }
0x84: {  	[tilespmem:s18], [sflag:$0x2] =	stream.indirect.gather [hbm4b:s4+s15], $0x80, s0, s15, $0xb8;
	[tilespmem:$0x1E000] =	vst v63  }
0x85: {  	_ =	swait.ge [sflag:s1], $0x2000  }
0x86: {  	[sflag:s1] =	ssyncset.done $0x0  }
0x87: {  	s30 =	sadd.s32 $0x1380, s30;
	[sflag:s1] =	ssyncadd.s32 $0xFFFFE000  }
0x88: {  	[spmem:s2] =	stream.indirect.scatter.add.f32 [tilespmem:s23], [sflag:$0x8], $0x80, s30, s15, $0xb8;
	[tilespmem:$0x1E000] =	vst v63  }
0x89: {  	_ =	swait.ge [sflag:s10], $0x2000  }
0x8a: {  	[sflag:s10] =	ssyncset.done $0x0  }
0x8b: {  	[sflag:s10] =	ssyncadd.s32 $0xFFFFE000  }
0x8c: {  	[tilespmem:s20], [sflag:$0x3] =	stream.indirect.gather [hbm4b:s4+s15], $0x80, s8, s15, $0xb8;
	[tilespmem:$0x1E000] =	vst v63  }
0x8d: {  	_ =	swait.ge [sflag:s21], $0x2000  }
0x8e: {  	[sflag:s21] =	ssyncset.done $0x0  }
0x8f: {  	[sflag:s21] =	ssyncadd.s32 $0xFFFFE000  }
0x90: {  	[spmem:s2] =	stream.indirect.scatter.add.f32 [tilespmem:s16], [sflag:$0x5], $0x80, s12, s15, $0xb8;
	[tilespmem:$0x1E000] =	vst v63  }
0x91: {  	_ =	swait.ge [sflag:s11], $0x2000  }
0x92: {  	[sflag:s11] =	ssyncset.done $0x0  }
0x93: {  	[sflag:s11] =	ssyncadd.s32 $0xFFFFE000  }
0x94: {  	[tilespmem:s23], [sflag:$0x4] =	stream.indirect.gather [hbm4b:s4+s15], $0x80, s3, s15, $0xb8;
	[tilespmem:$0x1E000] =	vst v63  }
0x95: {  	_ =	swait.ge [sflag:s24], $0x2000  }
0x96: {  	[sflag:s24] =	ssyncset.done $0x0  }
0x97: {  	[sflag:s24] =	ssyncadd.s32 $0xFFFFE000  }
0x98: {  	[spmem:s2] =	stream.indirect.scatter.add.f32 [tilespmem:s18], [sflag:$0x6], $0x80, s17, s15, $0xb8;
	[tilespmem:$0x1E000] =	vst v63  }
0x99: {  	_ =	swait.ge [sflag:s26], $0x2000  }
0x9a: {  	[sflag:s26] =	ssyncset.done $0x0  }
0x9b: {  	[sflag:s26] =	ssyncadd.s32 $0xFFFFE000  }
0x9c: {  	_ =	swait.ge [sflag:s29], $0x2000  }
0x9d: {  	[sflag:s29] =	ssyncset.done $0x0  }
0x9e: {  	[sflag:s29] =	ssyncadd.s32 $0xFFFFE000  }
0x9f: {  	[spmem:s2] =	stream.indirect.scatter.add.f32 [tilespmem:s20], [sflag:$0x7], $0x80, s19, s15, $0xb8;
	[tilespmem:$0x1E000] =	vst v63  }
0xa0: {  	_ =	swait.ge [sflag:s31], $0x2000  }
0xa1: {  	[sflag:s31] =	ssyncset.done $0x0  }
0xa2: {  	[sflag:s31] =	ssyncadd.s32 $0xFFFFE000  }
0xa3: {  	_ =	swait.ge [sflag:s1], $0x2000  }
0xa4: {  	[sflag:s1] =	ssyncset.done $0x0  }
0xa5: {  	s25 =	sadd.s32 $0x1, s25;
	[sflag:s1] =	ssyncadd.s32 $0xFFFFE000  }
0xa6: {  	[spmem:s2] =	stream.indirect.scatter.add.f32 [tilespmem:s23], [sflag:$0x8], $0x80, s22, s15, $0xb8;
	[tilespmem:$0x1E000] =	vst v63  }
0xa7: {  	p0 =	sne.s32 s25, $0x5;
	_ =	swait.ge [sflag:s10], $0x2000  }
.Ltmp1:
0xa8: {  	[sflag:s10] =	ssyncset.done $0x0;
	(pc) =	sbr.rel @p0 .LBB2_2-.Ltmp1, $4  }
0xa9: {  	[sflag:s10] =	ssyncadd.s32 $0xFFFFE000  }
0xaa: {  	_ =	swait.ge [sflag:s11], $0x2000  }
0xab: {  	[sflag:s11] =	ssyncset.done $0x0  }
0xac: {  	[sflag:s11] =	ssyncadd.s32 $0xFFFFE000  }
0xad: {  	[bflag:$0x0] =	sbarrier.arrive $0xFFFF  }
0xae: {  	s28 =	rddreg [dreg:$0x5]  }
0xaf: {  	s0 =	rddreg [dreg:$0x6]  }
0xb0: {  	s30 =	rddreg [dreg:$0x8]  }
0xb1: {  	[hbm:s0], [sflag:s28] =	dma.local [spmem:s30], $0x2800  }
0xb2: {  	_ =	swait.ge [sflag:s13], $0x2800  }
0xb3: {  	s25 =	rddreg [dreg:$0x3]  }
0xb4: {  	s0 =	rddreg [dreg:$0x7];
	s25 =	sadd.s32 $0x1, s25  }
0xb5: {  	p0 =	sne.s32 s25, s0  }
.Ltmp2:
0xb6: {  	_ = 	snop;
	(pc) =	sbr.rel @p0 .LBB2_1-.Ltmp2, $3  }
0xb7: {  	_ =	sdelay $0x1  }
0xb8: {  	[sflag:s13] =	ssyncset.done $0x0  }
0xb9: {  	[sflag:s13] =	ssyncadd.s32 $0xFFFFD800  }
0xba: {  	_ =	sfence.sel $0x180000  }
0xbb: {  	[bflag:$0x0] =	sbarrier.arrive $0xFFFF  }
0xbc: {  	_ =	strace $0x9000004D  }
0xbd: {  	s0 =	stileid.u32;
	[bflag:$0x2] =	sbarrier.arrive $0xFFFF  }
0xbe: {  	p0 =	sne.s32 s0, $0x0;
	s0 =	rddreg [dreg:$0x2]  }
0xbf: {  	s0 =	sadd.s32 @!p0 $0x100000, s0  }
0xc0: {  	[sflag:s0] =	ssyncadd.tile.s32 @!p0 $0x1;
	_ =	shalt  }
.Lfunc_end2:
_tile_overlayer_lowered:
.L_overlay_start_2:
0xc1: {  	(tag) =	ssettag $0x2  }
0xc2: {  	s0 =	rddreg [dreg:$0x0];
	s2 =	stileid.u32  }
0xc3: {  	s1 =	rddreg [dreg:$0x1];
	p0 =	sne.s32 s2, $0x0  }
0xc4: {  	s3 =	rddreg [dreg:$0x2];
	[bflag:$0x3] =	sbarrier.arrive $0xFFFF;
	s2 =	simm.s32 @!p0 $0x1C09  }
0xc5: {  	[timem:s3], [sflag:s2] =	dma.local @!p0 [hbm:s0], s1  }
0xc6: {  	s0 =	simm.s32 @!p0 $0x9  }
0xc7: {  	_ =	swait.ge @!p0 [sflag:s0], s1  }
0xc8: {  	s1 =	ssub.s32 @!p0 $0x0, s1;
	[sflag:s0] =	ssyncset.done @!p0 $0x0  }
0xc9: {  	[sflag:s0] =	ssyncadd.s32 @!p0 s1  }
0xca: {  	[bflag:$0x3] =	sbarrier.arrive $0xFFFF  }
0xcb: {  	_ =	shalt  }

// kernel: kernel.8.cloned.1.call-start
scs
__scs_entry_jumppad:
0x0: {  	(pc) =	sbr.rel $0x88, $3  }
0x1: {  	(tag) =	ssettag $0x0;
	lr =	simm.s32 $0x1  }
0x2: {  	[smem:$0x3F9A] =	sst lr;
	_ =	strace $0xD0000000  }
0x3: {  	_ = 	snop  }
0x4: {  	_ = 	snop  }
0x5: {  	_ = 	snop  }
0x6: {  	_ = 	snop  }
0x7: {  	_ = 	snop  }
__scs_overlays_trampoline_lowered:
0x8: {  	[smem:$0x3FA9] =	sst s0  }
0x9: {  	[smem:$0x3FAA] =	sst s1  }
0xa: {  	[smem:$0x3FAB] =	sst s2  }
0xb: {  	[smem:$0x3FAC] =	sst s3  }
0xc: {  	[smem:$0x3FAD] =	sst s4  }
0xd: {  	[smem:$0x3FAE] =	sst s5  }
0xe: {  	[smem:$0x3FAF] =	sst s6  }
0xf: {  	[smem:$0x3FB0] =	sst s7  }
0x10: {  	[smem:$0x3FB1] =	sst s8  }
0x11: {  	[smem:$0x3FB2] =	sst s9;
	s0 =	simm.s32 @!p0 $0x0  }
0x12: {  	s1 =	sld [smem:$0x3F98];
	s0 =	simm.s32 @p0 $0x1  }
0x13: {  	[smem:$0x3FB3] =	sst s0;
	s0 =	simm.s32 @!p1 $0x0  }
0x14: {  	s2 =	sld [smem:$0x3F97];
	s0 =	simm.s32 @p1 $0x1  }
0x15: {  	[smem:$0x3FB4] =	sst s0;
	s0 =	simm.s32 @!p2 $0x0  }
0x16: {  	s3 =	sld [smem:$0x3FDB];
	s0 =	simm.s32 @p2 $0x1  }
0x17: {  	s4 =	simm.s32 $0x1BF5;
	[smem:$0x3FB6] =	sst s0  }
0x18: {  	s0 =	sld [smem:$0x3F99];
	_ =	swait.ge [sflag:s4], $0x0  }
0x19: {  	s7 =	sld [smem:$0x3F9A]  }
0x1a: {  	s8 =	sadd.s32 $0xFFFFE003, lr  }
0x1b: {  	s9 =	sadd.s32 $0xFFFFFEF7, lr;
	s5 =	simm.s32 $0xFFFFFFFF;
	p2 =	slt.u32 s8, $0xFFFFF086  }
0x1c: {  	p1 =	slt.u32 s9, $0xF7A;
	s5 =	simm.s32 @!p2 $0x0  }
0x1d: {  	s5 =	simm.s32 @p1 $0x1;
	p0 =	seq.s32 s7, s2  }
0x1e: {  	s7 =	smul.u32 @!p0 $0xF7A, s2;
	p2 =	seq.s32 @!p0 s5, $0x0  }
0x1f: {  	s9 =	smul.u32 $0xF7A, s1;
	s8 =	simm.s32 @!p0 $0x1BF5;
	p2 =	por !p2, p0  }
0x20: {  	[sflag:s8] =	ssyncset.s32 @!p0 $0xFFFFF086;
	s6 =	sadd.s32 @!p0 s3, s7;
	s7 =	simm.s32 @!p0 $0x108  }
0x21: {  	s3 =	sadd.s32 s3, s9;
	s6 =	sadd.s32 @!p0 $0x88, s6;
	s7 =	simm.s32 @p2 $0x1082  }
0x22: {  	[simem:s7], [sflag:s8] =	dma.local @!p0 [hbm:s6], $0xF7A  }
0x23: {  	s9 =	sor.u32 $0xD0000000, s2;
	s6 =	simm.s32 $0x108;
	_ =	swait.ge @!p0 [sflag:s8], $0x0  }
0x24: {  	s3 =	sadd.s32 $0x88, s3;
	s6 =	simm.s32 @!p1 $0x1082;
	[sflag:s4] =	ssyncset.s32 $0xFFFFF086  }
0x25: {  	[simem:s6], [sflag:s4] =	dma.local [hbm:s3], $0xF7A  }
0x26: {  	[smem:$0x3F9A] =	sst s1;
	(tag) =	ssettag s2;
	_ =	strace s9  }
0x27: {  	s1 =	sld [smem:$0x3FAA]  }
0x28: {  	s2 =	sld [smem:$0x3FAB]  }
0x29: {  	s4 =	sld [smem:$0x3FAD]  }
0x2a: {  	p0 =	seq.s32 s5, $0x0;
	s5 =	sld [smem:$0x3FAE]  }
0x2b: {  	s6 =	sld [smem:$0x3FAF]  }
0x2c: {  	s7 =	sld [smem:$0x3FB0]  }
0x2d: {  	s3 =	simm.s32 $0x108;
	s8 =	sld [smem:$0x3FB1]  }
0x2e: {  	s3 =	simm.s32 @!p0 $0x1082;
	s9 =	sld [smem:$0x3FB2]  }
0x2f: {  	lr =	sadd.s32 s0, s3;
	s0 =	sld [smem:$0x3FA9]  }
0x30: {  	s3 =	sld [smem:$0x3FAC]  }
0x31: {  	[smem:$0x3FB5] =	sst s10  }
0x32: {  	s10 =	sld [smem:$0x3FB3];
	_ =	sdelay $0x3  }
0x33: {  	p0 =	seq.s32 s10, $0x1;
	s10 =	sld [smem:$0x3FB5];
	_ =	sdelay $0x3  }
0x34: {  	[smem:$0x3FB5] =	sst s10  }
0x35: {  	s10 =	sld [smem:$0x3FB4];
	_ =	sdelay $0x3  }
0x36: {  	p1 =	seq.s32 s10, $0x1;
	s10 =	sld [smem:$0x3FB5];
	_ =	sdelay $0x3  }
0x37: {  	[smem:$0x3FB5] =	sst s10  }
0x38: {  	s10 =	sld [smem:$0x3FB6]  }
0x39: {  	_ = 	snop;
	(pc) =	sbr.ind lr, $3  }
0x3a: {  	_ = 	snop  }
0x3b: {  	_ = 	snop  }
0x3c: {  	p2 =	seq.s32 s10, $0x1;
	s10 =	sld [smem:$0x3FB5]  }
0x3d: {  	_ =	shalt  }
0x3e: {  	_ =	shalt  }
0x3f: {  	_ =	shalt  }
0x40: {  	_ =	shalt  }
0x41: {  	_ =	shalt  }
0x42: {  	_ =	shalt  }
0x43: {  	_ =	shalt  }
0x44: {  	_ =	shalt  }
0x45: {  	_ =	shalt  }
0x46: {  	_ =	shalt  }
0x47: {  	_ =	shalt  }
0x48: {  	_ =	shalt  }
0x49: {  	_ =	shalt  }
0x4a: {  	_ =	shalt  }
0x4b: {  	_ =	shalt  }
0x4c: {  	_ =	shalt  }
0x4d: {  	_ =	shalt  }
0x4e: {  	_ =	shalt  }
0x4f: {  	_ =	shalt  }
0x50: {  	_ =	shalt  }
0x51: {  	_ =	shalt  }
0x52: {  	_ =	shalt  }
0x53: {  	_ =	shalt  }
0x54: {  	_ =	shalt  }
0x55: {  	_ =	shalt  }
0x56: {  	_ =	shalt  }
0x57: {  	_ =	shalt  }
0x58: {  	_ =	shalt  }
0x59: {  	_ =	shalt  }
0x5a: {  	_ =	shalt  }
0x5b: {  	_ =	shalt  }
0x5c: {  	_ =	shalt  }
0x5d: {  	_ =	shalt  }
0x5e: {  	_ =	shalt  }
0x5f: {  	_ =	shalt  }
0x60: {  	_ =	shalt  }
0x61: {  	_ =	shalt  }
0x62: {  	_ =	shalt  }
0x63: {  	_ =	shalt  }
0x64: {  	_ =	shalt  }
0x65: {  	_ =	shalt  }
0x66: {  	_ =	shalt  }
0x67: {  	_ =	shalt  }
0x68: {  	_ =	shalt  }
0x69: {  	_ =	shalt  }
0x6a: {  	_ =	shalt  }
0x6b: {  	_ =	shalt  }
0x6c: {  	_ =	shalt  }
0x6d: {  	_ =	shalt  }
0x6e: {  	_ =	shalt  }
0x6f: {  	_ =	shalt  }
0x70: {  	_ =	shalt  }
0x71: {  	_ =	shalt  }
0x72: {  	_ =	shalt  }
0x73: {  	_ =	shalt  }
0x74: {  	_ =	shalt  }
0x75: {  	_ =	shalt  }
0x76: {  	_ =	shalt  }
0x77: {  	_ =	shalt  }
0x78: {  	_ =	shalt  }
0x79: {  	_ =	shalt  }
0x7a: {  	_ =	shalt  }
0x7b: {  	_ =	shalt  }
0x7c: {  	_ =	shalt  }
0x7d: {  	_ =	shalt  }
0x7e: {  	_ =	shalt  }
0x7f: {  	_ =	shalt  }
0x80: {  	_ =	shalt  }
0x81: {  	_ =	shalt  }
0x82: {  	_ =	shalt  }
0x83: {  	_ =	shalt  }
0x84: {  	_ =	shalt  }
0x85: {  	_ =	shalt  }
0x86: {  	_ =	shalt  }
0x87: {  	_ =	shalt  }
.Lfunc_end0:
.L_simem_size_0:
called_computation_lowered:
.L_overlay_start_0:
0x88: {  	s2 =	sld [smem:$0x3FD9]  }
0x89: {  	s3 =	sld [smem:$0x3FFE];
	_ =	sdelay $0x1  }
0x8a: {  	s1 =	srdreg.scid  }
0x8b: {  	s0 =	sand.u32 $0x1, s1  }
0x8c: {  	s16 =	sshll.u32 s0, $0xA;
	s2 =	sadd.s32 s3, s2  }
0x8d: {  	s2 =	sadd.s32 s2, s16  }
0x8e: {  	[smem:$0x3FC1] =	sst s2  }
0x8f: {  	_ = 	snop  }
0x90: {  	(tm) =	ssettm $0x1  }
0x91: {  	s17 =	sld [smem:$0x3FFB];
	_ =	sdelay $0x3  }
0x92: {  	_ =	strace s17  }
0x93: {  	s2 =	sld [smem:$0x3FFC];
	_ =	sdelay $0x3  }
0x94: {  	_ =	strace s2  }
0x95: {  	s2 =	sld [smem:$0x3FFD];
	_ =	sdelay $0x3  }
0x96: {  	_ =	strace s2  }
0x97: {  	_ =	strace $0x8FFFFFFF  }
0x98: {  	s18 =	sld [smem:$0x3FDB];
	_ =	sdelay $0x1  }
0x99: {  	s19 =	simm.s32 $_scs_section_size  }
0x9a: {  	s4 =	simm.s32 $_size__tile_overlayer_lowered;
	s5 =	simm.s32 $_tile_overlayer_lowered  }
0x9b: {  	s22 =	simm.s32 $0x1BFF;
	s21 =	sshll.u32 s5, $0x1;
	s2 =	sadd.s32 s19, s18  }
0x9c: {  	s6 =	simm.s32 $0x0;
	s20 =	sshll.u32 s4, $0x1;
	s4 =	sadd.s32 s21, s2  }
0x9d: {  	[timem:s6], [sflag:s22] =	dma.local [hbm:s4], s20  }
0x9e: {  	_ =	swait.ge [sflag:s22], s20  }
0x9f: {  	s3 =	ssub.s32 $0x0, s20;
	[sflag:s22] =	ssyncset.done $0x0  }
0xa0: {  	[sflag:s22] =	ssyncadd.s32 s3;
	_ =	sdelay $0x1  }
0xa1: {  	s23 =	simm.s32 $0x1B8B  }
0xa2: {  	_ =	swait.ge [sflag:s23], $0x1  }
0xa3: {  	[sflag:s23] =	ssyncset.done $0x0  }
0xa4: {  	s25 =	simm.s32 $0x1B8E;
	s24 =	sld [smem:$0x3FFE];
	[sflag:s23] =	ssyncadd.s32 $0xFFFFFFFF  }
0xa5: {  	s26 =	simm.s32 $execute0_lowered;
	[smem:$0x3FD2] =	sst s25  }
0xa6: {  	s4 =	sshll.u32 s26, $0x1;
	_ =	strace $0x80000046;
	[dreg:$0x1] =	wrdreg $0xFFFFFFFF  }
0xa7: {  	s28 =	simm.s32 $_size_execute0_lowered;
	s2 =	sadd.s32 s2, s4;
	[dreg:$0x0] =	wrdreg $0x0  }
0xa8: {  	s4 =	sshll.u32 s28, $0x1;
	[dreg:$0x2] =	wrdreg s2  }
0xa9: {  	[dreg:$0x3] =	wrdreg s4  }
0xaa: {  	[dreg:$0x4] =	wrdreg $0xC0  }
0xab: {  	_ =	task [dreg:s6], $0x5FFFF  }
0xac: {  	[dreg:$0x1] =	wrdreg $0xFFFFFFFF  }
0xad: {  	[dreg:$0x0] =	wrdreg $0x60  }
0xae: {  	[dreg:$0x2] =	wrdreg s24  }
0xaf: {  	[dreg:$0x3] =	wrdreg $0x9  }
0xb0: {  	_ =	task.clear_ibuf [dreg:s6], $0x4FFFF;
	_ =	strace $0x90000046  }
0xb1: {  	s29 =	simm.s32 $0x9;
	_ =	strace $0x80000048  }
0xb2: {  	_ =	swait.ge [sflag:s29], $0x1  }
0xb3: {  	[sflag:s29] =	ssyncadd.s32 $0xFFFFFFFF  }
0xb4: {  	_ =	strace $0x90000048  }
0xb5: {  	_ =	sfence  }
0xb6: {  	s30 =	sld [smem:$0x0];
	_ =	sdelay $0x2  }
0xb7: {  	s31 =	sshll.u32 s1, $0xD;
	s1 =	sshrl.u32 s1, $0x2  }
0xb8: {  	s3 =	sand.u32 $0x4000, s31;
	s1 =	sadd.s32 s1, s30  }
0xb9: {  	s0 =	sor.u32 s3, s0;
	s1 =	sshll.u32 s1, $0x11  }
0xba: {  	s0 =	sor.u32 s1, s0  }
0xbb: {  	s0 =	sadd.s32 $0x8F2B, s0  }
0xbc: {  	[sflag:s0] =	ssyncadd.remote.s32 $0x1  }
0xbd: {  	_ =	sfence.sel $0xFFFF  }
0xbe: {  	[dreg:$0x0] =	wrdreg $0xFFFFFFFF;
	(pc) =	sbr.abs _section_cstart, $3  }
0xbf: {  	[dreg:$0x1] =	wrdreg $0xFFFFFFFF  }
0xc0: {  	_ =	task.clear_ibuf [dreg:s6], $0x2FFFF;
	_ =	strace $0x9FFFFFFF  }
0xc1: {  	(tm) =	ssettm $0x7FFFFFFF  }
tec
execute0_lowered:
.L_overlay_start_1:
0x0: {  	(tag) =	ssettag $0x1  }
0x1: {  	s1 =	srdreg.scid  }
0x2: {  	s4 =	rddreg [dreg:$0x0];
	s0 =	stileid.u32  }
0x3: {  	s9 =	simm.s32 $0x1;
	s10 =	simm.s32 $0x2780;
	s11 =	simm.s32 $0x0  }
0x4: {  	s3 =	sand.u32 $0x1, s1;
	s2 =	sshrl.u32 s0, $0x3;
	s1 =	rddreg [dreg:$0x1]  }
0x5: {  	s8 =	sshll.u32 s0, $0x7;
	s5 =	smul.u32 $0x27800, s3;
	s6 =	sshll.u32 s3, $0x4  }
0x6: {  	s7 =	smul.u32 $0x13C00, s2;
	s2 =	simm.s32 $0x0;
	s6 =	sor.u32 s0, s6  }
0x7: {  	s29 =	sand.u32 $0x380, s8;
	s30 =	ssub.s32 $0x2, s3;
	s6 =	sshrl.u32 s6, $0x3  }
0x8: {  	s3 =	sadd.s32 $0xC200, s4;
	s5 =	sadd.s32 s5, s7;
	s6 =	smul.u32 $0x14000, s6  }
0x9: {  	s8 =	simm.s32 $0x400;
	[smem:$0x7FF] =	sst s2;
	s5 =	sor.u32 s29, s5  }
0xa: {  	s31 =	sshrl.u32 s30, $0x1;
	s5 =	sshrl.u32 s5, $0x3;
	s6 =	sor.u32 s29, s6  }
0xb: {  	_ =	strace $0x80000047;
	s5 =	sadd.s32 s5, s4;
	s6 =	sshrl.u32 s6, $0x3  }
0xc: {  	s7 =	ssub.s32 s30, s31;
	s6 =	sadd.s32 s6, s4;
	s4 =	sadd.s32 $0x2400, s5  }
0xd: {  	v0 =	vimm.f32 $1.000000000e+00;
	s5 =	sadd.s32 $0xC800, s6;
	s6 =	smax.u32 s7, $0x1;
	s7 =	simm.s32 $0x80  }
.LBB2_1:
0xe: {  	[tilespmem:s2], [sflag:$0x1] =	stream.strided.gather [hbm4b:s4+s7], $0x2780, s8, s7, $0x38;
	[tilespmem:$0x4F80] =	vst v63  }
0xf: {  	_ =	swait.ge [sflag:s9], $0x2780  }
0x10: {  	[sflag:s9] =	ssyncset.done $0x0  }
0x11: {  	[sflag:s9] =	ssyncadd.s32 $0xFFFFD880  }
0x12: {  	[tilespmem:s10], [sflag:$0x1] =	stream.linear.gather [hbm4b:s3+s2], $0x2800, $0x38;
	[tilespmem:$0x4F80] =	vst v63  }
0x13: {  	_ =	swait.ge [sflag:s9], $0x2800  }
0x14: {  	[sflag:s9] =	ssyncset.done $0x0  }
0x15: {  	s12 =	simm.s32 $0x0;
	[sflag:s9] =	ssyncadd.s32 $0xFFFFD800  }
.LBB2_2:
0x16: {  	s13 =	sshra.s32 s12, $0x2  }
0x17: {  	v1 =	vld [tilespmem:s13+$0x0];
	_ =	sdelay $0x7  }
0x18: {  	[tilespmem:v1+s10+$0x0] =	vst.idx.add.f32.msk $0xffff, v0  }
0x19: {  	v1 =	vld [tilespmem:s13+$0x10];
	_ =	sdelay $0x7  }
0x1a: {  	[tilespmem:v1+s10+$0x0] =	vst.idx.add.f32.msk $0xffff, v0  }
0x1b: {  	v1 =	vld [tilespmem:s13+$0x20];
	_ =	sdelay $0x7  }
0x1c: {  	[tilespmem:v1+s10+$0x0] =	vst.idx.add.f32.msk $0xffff, v0  }
0x1d: {  	v1 =	vld [tilespmem:s13+$0x30];
	_ =	sdelay $0x7  }
0x1e: {  	[tilespmem:v1+s10+$0x0] =	vst.idx.add.f32.msk $0xffff, v0  }
0x1f: {  	v1 =	vld [tilespmem:s13+$0x40];
	_ =	sdelay $0x2  }
0x20: {  	p0 =	sne.s32 s12, $0x9B00  }
.Ltmp0:
0x21: {  	_ = 	snop;
	(pc) =	sbr.rel @p0 .LBB2_2-.Ltmp0, $2  }
0x22: {  	_ =	sdelay $0x2  }
0x23: {  	s12 =	sadd.s32 $0x140, s12;
	[tilespmem:v1+s10+$0x0] =	vst.idx.add.f32.msk $0xffff, v0  }
0x24: {  	s11 =	sadd.s32 $0x1, s11  }
0x25: {  	p0 =	sne.s32 s11, s6  }
.Ltmp1:
0x26: {  	_ = 	snop;
	(pc) =	sbr.rel @p0 .LBB2_1-.Ltmp1, $4  }
0x27: {  	[hbm4b:s5+s7] =	stream.strided.scatter [tilespmem:s10], [sflag:$0x1], $0x2800, s8, s7, $0x38;
	[tilespmem:$0x4F80] =	vst v63  }
0x28: {  	_ =	swait.ge [sflag:s9], $0x2800  }
0x29: {  	[sflag:s9] =	ssyncset.done $0x0  }
0x2a: {  	[sflag:s9] =	ssyncadd.s32 $0xFFFFD800  }
0x2b: {  	_ =	sfence.sel $0x180000  }
0x2c: {  	[bflag:$0x0] =	sbarrier.arrive $0xFFFF  }
0x2d: {  	p0 =	sne.s32 s0, $0x0;
	_ =	strace $0x90000047  }
0x2e: {  	s0 =	sadd.s32 @!p0 $0x100000, s1;
	[bflag:$0x2] =	sbarrier.arrive $0xFFFF  }
0x2f: {  	[sflag:s0] =	ssyncadd.tile.s32 @!p0 $0x1;
	_ =	shalt  }
.Lfunc_end2:
_tile_overlayer_lowered:
.L_overlay_start_2:
0x30: {  	(tag) =	ssettag $0x2  }
0x31: {  	s0 =	rddreg [dreg:$0x0];
	s2 =	stileid.u32  }
0x32: {  	s1 =	rddreg [dreg:$0x1];
	p0 =	sne.s32 s2, $0x0  }
0x33: {  	s3 =	rddreg [dreg:$0x2];
	[bflag:$0x3] =	sbarrier.arrive $0xFFFF;
	s2 =	simm.s32 @!p0 $0x1C01  }
0x34: {  	[timem:s3], [sflag:s2] =	dma.local @!p0 [hbm:s0], s1  }
0x35: {  	s0 =	simm.s32 @!p0 $0x1  }
0x36: {  	_ =	swait.ge @!p0 [sflag:s0], s1  }
0x37: {  	s1 =	ssub.s32 @!p0 $0x0, s1;
	[sflag:s0] =	ssyncset.done @!p0 $0x0  }
0x38: {  	[sflag:s0] =	ssyncadd.s32 @!p0 s1  }
0x39: {  	[bflag:$0x3] =	sbarrier.arrive $0xFFFF  }
0x3a: {  	_ =	shalt  }

</sc_bundles>
